<compile_context>
chip_gen: v7x
topology: tpu7x:2x2x1
jax: 0.10.2.dev20260603
libtpu: 0.0.44.dev20260713+nightly
codegen_flags: <defaults>
</compile_context>

<pallas_src>
import functools

import jax
import jax.numpy as jnp
from jax import lax
from jax.experimental import pallas as pl
from jax.experimental.pallas import tpu as pltpu
from jax.experimental.pallas import tpu_sc as plsc

_B = 16384
_L = 20
_D = 32

_info = plsc.get_sparse_core_info()
_NC = _info.num_cores
_NS = _info.num_subcores
_NW = _NC * _NS
_RW = _B // _NW
_NBUF = 6

_mesh = plsc.VectorSubcoreMesh(core_axis_name="c", subcore_axis_name="s")


@functools.partial(
    pl.kernel,
    mesh=_mesh,
    out_type=jax.ShapeDtypeStruct((_L, _B, _D), jnp.float32),
    scratch_types=[
        pltpu.VMEM((_L, _RW), jnp.int32),
        pltpu.VMEM((_NBUF, _RW, _D), jnp.float32),
        pltpu.SemaphoreType.DMA((_NBUF,)),
        pltpu.SemaphoreType.DMA((_NBUF,)),
        pltpu.SemaphoreType.DMA,
    ],
    compiler_params=pltpu.CompilerParams(
        use_tc_tiling_on_sc=False, needs_layout_passes=False),
)
def _gather(idx_hbm, table_hbm, out_hbm, idx_v, bufs, gsems, ssems, isem):
    wid = lax.axis_index("s") * _NC + lax.axis_index("c")
    row0 = wid * _RW

    icopies = [
        pltpu.async_copy(idx_hbm.at[l, pl.ds(row0, _RW)], idx_v.at[l], isem)
        for l in range(_L)
    ]
    for c in icopies:
        c.wait()

    def start_gather(g):
        b = g % _NBUF
        return pltpu.async_copy(
            table_hbm.at[idx_v.at[g]], bufs.at[b], gsems.at[b])

    def start_store(g):
        b = g % _NBUF
        return pltpu.async_copy(
            bufs.at[b], out_hbm.at[g, pl.ds(row0, _RW)], ssems.at[b])

    gcopies = [None] * _L
    scopies = [None] * _L
    for g in range(min(_NBUF, _L)):
        gcopies[g] = start_gather(g)
    for g in range(_L):
        ng = g - 1 + _NBUF
        if g >= 1 and ng < _L:
            scopies[g - 1].wait()
            gcopies[ng] = start_gather(ng)
        gcopies[g].wait()
        scopies[g] = start_store(g)
    for g in range(max(_L - _NBUF, 0), _L):
        if scopies[g] is not None:
            scopies[g].wait()


def kernel(token_id, weight):
    out_lbd = _gather(token_id.T, weight)
    return jnp.transpose(out_lbd, (1, 0, 2))

# --- scband reference (transcript-rebuilt; emitter-appended) ---
"""Pipeline reference for scband-custom-embedding-37297495998498 (READ-ONLY COPY).

The authoritative reference and input builder live on the scoring server;
editing this copy changes nothing except your own understanding.
"""

import jax, jax.numpy as jnp
import numpy as np

VOCAB = 1000000
DIM = 32
B = 16384
L = 20

def setup_inputs(seed: int = 0) -> dict:
    key = jax.random.key(seed)
    k_idx, k_w = jax.random.split(key)
    token_id = jax.random.randint(k_idx, (B, L), 0, VOCAB, dtype=jnp.int64 if jax.config.jax_enable_x64 else jnp.int32)
    # truncated normal init, mean=0, std=1, a=-3, b=3 (matches trunc_normal_)
    weight = jax.random.truncated_normal(k_w, -3.0, 3.0, (VOCAB, DIM), dtype=jnp.float32)
    return {"token_id": token_id, "weight": weight}

def reference(token_id, weight):
    # weight[token_id] -> gather rows of the embedding table
    return jnp.take(weight, token_id, axis=0)

if __name__ == "__main__":
    import jax
    _d = setup_inputs()
    print(jax.jit(kernel)(*tuple(_d.values())))

</pallas_src>

<mosaic_0001>
#map = affine_map<(d0, d1) -> (0, 0)>
#map1 = affine_map<(d0, d1) -> (0, 0, 0)>
module attributes {stable_mosaic.version = 14 : i64} {
  func.func @_gather(%arg0: i32, %arg1: i32, %arg2: memref<20x16384xi32, #tpu.memory_space<hbm>>, %arg3: memref<1000000x32xf32, #tpu.memory_space<hbm>>, %arg4: memref<20x16384x32xf32, #tpu.memory_space<hbm>>, %arg5: memref<20x512xi32, #tpu.memory_space<vmem>>, %arg6: memref<6x512x32xf32, #tpu.memory_space<vmem>>, %arg7: memref<6x!tpu.dma_semaphore, #tpu.memory_space<semaphore_mem>>, %arg8: memref<6x!tpu.dma_semaphore, #tpu.memory_space<semaphore_mem>>, %arg9: memref<!tpu.dma_semaphore, #tpu.memory_space<semaphore_mem>>) attributes {dimension_semantics = [#tpu.dimension_semantics<core_parallel>, #tpu.dimension_semantics<subcore_parallel>], iteration_bounds = array<i64: 2, 16>, scalar_prefetch = 0 : i64, scratch_operands = 5 : i64, tpu.core_type = #tpu.core_type<sc_vector_subcore>, window_params = [{transform_indices = #map}, {transform_indices = #map}, {transform_indices = #map1}]} {
    %mul3A = arith.constant 2 : i32
    %mul3A_0 = arith.muli %arg1, %mul3A : i32
    %add3A = arith.addi %mul3A_0, %arg0 : i32
    %mul3A_1 = arith.constant 512 : i32
    %mul3A_2 = arith.muli %add3A, %mul3A_1 : i32
    %dma_start3A = arith.constant 0 : i32
    %dma_start3A_3 = arith.constant 0 : i32
    %dma_start3A_4 = arith.constant 0 : i32
    %dma_start3A_5 = tpu.memref_slice %arg5[%dma_start3A_3, %dma_start3A_4] : memref<20x512xi32, #tpu.memory_space<vmem>> -> memref<1x512xi32, #tpu.memory_space<vmem>>
    %dma_start3A_6 = tpu.memref_squeeze %dma_start3A_5 : memref<1x512xi32, #tpu.memory_space<vmem>> -> memref<512xi32, #tpu.memory_space<vmem>>
    %dma_start3A_7 = tpu.memref_slice %arg2[%dma_start3A, %mul3A_2] : memref<20x16384xi32, #tpu.memory_space<hbm>> -> memref<1x512xi32, #tpu.memory_space<hbm>>
    %dma_start3A_8 = tpu.memref_squeeze %dma_start3A_7 : memref<1x512xi32, #tpu.memory_space<hbm>> -> memref<512xi32, #tpu.memory_space<hbm>>
    %dma_start3A_9 = arith.constant 0 : i32
    %dma_start3A_10 = tpu.memref_slice %arg5[%dma_start3A_3, %dma_start3A_9] : memref<20x512xi32, #tpu.memory_space<vmem>> -> memref<1x512xi32, #tpu.memory_space<vmem>>
    %dma_start3A_11 = tpu.memref_squeeze %dma_start3A_10 : memref<1x512xi32, #tpu.memory_space<vmem>> -> memref<512xi32, #tpu.memory_space<vmem>>
    %dma_start3A_12 = tpu.memref_slice %arg2[%dma_start3A, %mul3A_2] : memref<20x16384xi32, #tpu.memory_space<hbm>> -> memref<1x512xi32, #tpu.memory_space<hbm>>
    %dma_start3A_13 = tpu.memref_squeeze %dma_start3A_12 : memref<1x512xi32, #tpu.memory_space<hbm>> -> memref<512xi32, #tpu.memory_space<hbm>>
    tpu.enqueue_dma source(%dma_start3A_13 : memref<512xi32, #tpu.memory_space<hbm>>) target(%dma_start3A_11 : memref<512xi32, #tpu.memory_space<vmem>>) target_semaphore(%arg9 : memref<!tpu.dma_semaphore, #tpu.memory_space<semaphore_mem>>)
    %dma_start3A_14 = arith.constant 1 : i32
    %dma_start3A_15 = arith.constant 1 : i32
    %dma_start3A_16 = arith.constant 0 : i32
    %dma_start3A_17 = tpu.memref_slice %arg5[%dma_start3A_15, %dma_start3A_16] : memref<20x512xi32, #tpu.memory_space<vmem>> -> memref<1x512xi32, #tpu.memory_space<vmem>>
    %dma_start3A_18 = tpu.memref_squeeze %dma_start3A_17 : memref<1x512xi32, #tpu.memory_space<vmem>> -> memref<512xi32, #tpu.memory_space<vmem>>
    %dma_start3A_19 = tpu.memref_slice %arg2[%dma_start3A_14, %mul3A_2] : memref<20x16384xi32, #tpu.memory_space<hbm>> -> memref<1x512xi32, #tpu.memory_space<hbm>>
    %dma_start3A_20 = tpu.memref_squeeze %dma_start3A_19 : memref<1x512xi32, #tpu.memory_space<hbm>> -> memref<512xi32, #tpu.memory_space<hbm>>
    %dma_start3A_21 = arith.constant 0 : i32
    %dma_start3A_22 = tpu.memref_slice %arg5[%dma_start3A_15, %dma_start3A_21] : memref<20x512xi32, #tpu.memory_space<vmem>> -> memref<1x512xi32, #tpu.memory_space<vmem>>
    %dma_start3A_23 = tpu.memref_squeeze %dma_start3A_22 : memref<1x512xi32, #tpu.memory_space<vmem>> -> memref<512xi32, #tpu.memory_space<vmem>>
    %dma_start3A_24 = tpu.memref_slice %arg2[%dma_start3A_14, %mul3A_2] : memref<20x16384xi32, #tpu.memory_space<hbm>> -> memref<1x512xi32, #tpu.memory_space<hbm>>
    %dma_start3A_25 = tpu.memref_squeeze %dma_start3A_24 : memref<1x512xi32, #tpu.memory_space<hbm>> -> memref<512xi32, #tpu.memory_space<hbm>>
    tpu.enqueue_dma source(%dma_start3A_25 : memref<512xi32, #tpu.memory_space<hbm>>) target(%dma_start3A_23 : memref<512xi32, #tpu.memory_space<vmem>>) target_semaphore(%arg9 : memref<!tpu.dma_semaphore, #tpu.memory_space<semaphore_mem>>)
    %dma_start3A_26 = arith.constant 2 : i32
    %dma_start3A_27 = arith.constant 2 : i32
    %dma_start3A_28 = arith.constant 0 : i32
    %dma_start3A_29 = tpu.memref_slice %arg5[%dma_start3A_27, %dma_start3A_28] : memref<20x512xi32, #tpu.memory_space<vmem>> -> memref<1x512xi32, #tpu.memory_space<vmem>>
    %dma_start3A_30 = tpu.memref_squeeze %dma_start3A_29 : memref<1x512xi32, #tpu.memory_space<vmem>> -> memref<512xi32, #tpu.memory_space<vmem>>
    %dma_start3A_31 = tpu.memref_slice %arg2[%dma_start3A_26, %mul3A_2] : memref<20x16384xi32, #tpu.memory_space<hbm>> -> memref<1x512xi32, #tpu.memory_space<hbm>>
    %dma_start3A_32 = tpu.memref_squeeze %dma_start3A_31 : memref<1x512xi32, #tpu.memory_space<hbm>> -> memref<512xi32, #tpu.memory_space<hbm>>
    %dma_start3A_33 = arith.constant 0 : i32
    %dma_start3A_34 = tpu.memref_slice %arg5[%dma_start3A_27, %dma_start3A_33] : memref<20x512xi32, #tpu.memory_space<vmem>> -> memref<1x512xi32, #tpu.memory_space<vmem>>
    %dma_start3A_35 = tpu.memref_squeeze %dma_start3A_34 : memref<1x512xi32, #tpu.memory_space<vmem>> -> memref<512xi32, #tpu.memory_space<vmem>>
    %dma_start3A_36 = tpu.memref_slice %arg2[%dma_start3A_26, %mul3A_2] : memref<20x16384xi32, #tpu.memory_space<hbm>> -> memref<1x512xi32, #tpu.memory_space<hbm>>
    %dma_start3A_37 = tpu.memref_squeeze %dma_start3A_36 : memref<1x512xi32, #tpu.memory_space<hbm>> -> memref<512xi32, #tpu.memory_space<hbm>>
    tpu.enqueue_dma source(%dma_start3A_37 : memref<512xi32, #tpu.memory_space<hbm>>) target(%dma_start3A_35 : memref<512xi32, #tpu.memory_space<vmem>>) target_semaphore(%arg9 : memref<!tpu.dma_semaphore, #tpu.memory_space<semaphore_mem>>)
    %dma_start3A_38 = arith.constant 3 : i32
    %dma_start3A_39 = arith.constant 3 : i32
    %dma_start3A_40 = arith.constant 0 : i32
    %dma_start3A_41 = tpu.memref_slice %arg5[%dma_start3A_39, %dma_start3A_40] : memref<20x512xi32, #tpu.memory_space<vmem>> -> memref<1x512xi32, #tpu.memory_space<vmem>>
    %dma_start3A_42 = tpu.memref_squeeze %dma_start3A_41 : memref<1x512xi32, #tpu.memory_space<vmem>> -> memref<512xi32, #tpu.memory_space<vmem>>
    %dma_start3A_43 = tpu.memref_slice %arg2[%dma_start3A_38, %mul3A_2] : memref<20x16384xi32, #tpu.memory_space<hbm>> -> memref<1x512xi32, #tpu.memory_space<hbm>>
    %dma_start3A_44 = tpu.memref_squeeze %dma_start3A_43 : memref<1x512xi32, #tpu.memory_space<hbm>> -> memref<512xi32, #tpu.memory_space<hbm>>
    %dma_start3A_45 = arith.constant 0 : i32
    %dma_start3A_46 = tpu.memref_slice %arg5[%dma_start3A_39, %dma_start3A_45] : memref<20x512xi32, #tpu.memory_space<vmem>> -> memref<1x512xi32, #tpu.memory_space<vmem>>
    %dma_start3A_47 = tpu.memref_squeeze %dma_start3A_46 : memref<1x512xi32, #tpu.memory_space<vmem>> -> memref<512xi32, #tpu.memory_space<vmem>>
    %dma_start3A_48 = tpu.memref_slice %arg2[%dma_start3A_38, %mul3A_2] : memref<20x16384xi32, #tpu.memory_space<hbm>> -> memref<1x512xi32, #tpu.memory_space<hbm>>
    %dma_start3A_49 = tpu.memref_squeeze %dma_start3A_48 : memref<1x512xi32, #tpu.memory_space<hbm>> -> memref<512xi32, #tpu.memory_space<hbm>>
    tpu.enqueue_dma source(%dma_start3A_49 : memref<512xi32, #tpu.memory_space<hbm>>) target(%dma_start3A_47 : memref<512xi32, #tpu.memory_space<vmem>>) target_semaphore(%arg9 : memref<!tpu.dma_semaphore, #tpu.memory_space<semaphore_mem>>)
    %dma_start3A_50 = arith.constant 4 : i32
    %dma_start3A_51 = arith.constant 4 : i32
    %dma_start3A_52 = arith.constant 0 : i32
    %dma_start3A_53 = tpu.memref_slice %arg5[%dma_start3A_51, %dma_start3A_52] : memref<20x512xi32, #tpu.memory_space<vmem>> -> memref<1x512xi32, #tpu.memory_space<vmem>>
    %dma_start3A_54 = tpu.memref_squeeze %dma_start3A_53 : memref<1x512xi32, #tpu.memory_space<vmem>> -> memref<512xi32, #tpu.memory_space<vmem>>
    %dma_start3A_55 = tpu.memref_slice %arg2[%dma_start3A_50, %mul3A_2] : memref<20x16384xi32, #tpu.memory_space<hbm>> -> memref<1x512xi32, #tpu.memory_space<hbm>>
    %dma_start3A_56 = tpu.memref_squeeze %dma_start3A_55 : memref<1x512xi32, #tpu.memory_space<hbm>> -> memref<512xi32, #tpu.memory_space<hbm>>
    %dma_start3A_57 = arith.constant 0 : i32
    %dma_start3A_58 = tpu.memref_slice %arg5[%dma_start3A_51, %dma_start3A_57] : memref<20x512xi32, #tpu.memory_space<vmem>> -> memref<1x512xi32, #tpu.memory_space<vmem>>
    %dma_start3A_59 = tpu.memref_squeeze %dma_start3A_58 : memref<1x512xi32, #tpu.memory_space<vmem>> -> memref<512xi32, #tpu.memory_space<vmem>>
    %dma_start3A_60 = tpu.memref_slice %arg2[%dma_start3A_50, %mul3A_2] : memref<20x16384xi32, #tpu.memory_space<hbm>> -> memref<1x512xi32, #tpu.memory_space<hbm>>
    %dma_start3A_61 = tpu.memref_squeeze %dma_start3A_60 : memref<1x512xi32, #tpu.memory_space<hbm>> -> memref<512xi32, #tpu.memory_space<hbm>>
    tpu.enqueue_dma source(%dma_start3A_61 : memref<512xi32, #tpu.memory_space<hbm>>) target(%dma_start3A_59 : memref<512xi32, #tpu.memory_space<vmem>>) target_semaphore(%arg9 : memref<!tpu.dma_semaphore, #tpu.memory_space<semaphore_mem>>)
    %dma_start3A_62 = arith.constant 5 : i32
    %dma_start3A_63 = arith.constant 5 : i32
    %dma_start3A_64 = arith.constant 0 : i32
    %dma_start3A_65 = tpu.memref_slice %arg5[%dma_start3A_63, %dma_start3A_64] : memref<20x512xi32, #tpu.memory_space<vmem>> -> memref<1x512xi32, #tpu.memory_space<vmem>>
    %dma_start3A_66 = tpu.memref_squeeze %dma_start3A_65 : memref<1x512xi32, #tpu.memory_space<vmem>> -> memref<512xi32, #tpu.memory_space<vmem>>
    %dma_start3A_67 = tpu.memref_slice %arg2[%dma_start3A_62, %mul3A_2] : memref<20x16384xi32, #tpu.memory_space<hbm>> -> memref<1x512xi32, #tpu.memory_space<hbm>>
    %dma_start3A_68 = tpu.memref_squeeze %dma_start3A_67 : memref<1x512xi32, #tpu.memory_space<hbm>> -> memref<512xi32, #tpu.memory_space<hbm>>
    %dma_start3A_69 = arith.constant 0 : i32
    %dma_start3A_70 = tpu.memref_slice %arg5[%dma_start3A_63, %dma_start3A_69] : memref<20x512xi32, #tpu.memory_space<vmem>> -> memref<1x512xi32, #tpu.memory_space<vmem>>
    %dma_start3A_71 = tpu.memref_squeeze %dma_start3A_70 : memref<1x512xi32, #tpu.memory_space<vmem>> -> memref<512xi32, #tpu.memory_space<vmem>>
    %dma_start3A_72 = tpu.memref_slice %arg2[%dma_start3A_62, %mul3A_2] : memref<20x16384xi32, #tpu.memory_space<hbm>> -> memref<1x512xi32, #tpu.memory_space<hbm>>
    %dma_start3A_73 = tpu.memref_squeeze %dma_start3A_72 : memref<1x512xi32, #tpu.memory_space<hbm>> -> memref<512xi32, #tpu.memory_space<hbm>>
    tpu.enqueue_dma source(%dma_start3A_73 : memref<512xi32, #tpu.memory_space<hbm>>) target(%dma_start3A_71 : memref<512xi32, #tpu.memory_space<vmem>>) target_semaphore(%arg9 : memref<!tpu.dma_semaphore, #tpu.memory_space<semaphore_mem>>)
    %dma_start3A_74 = arith.constant 6 : i32
    %dma_start3A_75 = arith.constant 6 : i32
    %dma_start3A_76 = arith.constant 0 : i32
    %dma_start3A_77 = tpu.memref_slice %arg5[%dma_start3A_75, %dma_start3A_76] : memref<20x512xi32, #tpu.memory_space<vmem>> -> memref<1x512xi32, #tpu.memory_space<vmem>>
    %dma_start3A_78 = tpu.memref_squeeze %dma_start3A_77 : memref<1x512xi32, #tpu.memory_space<vmem>> -> memref<512xi32, #tpu.memory_space<vmem>>
    %dma_start3A_79 = tpu.memref_slice %arg2[%dma_start3A_74, %mul3A_2] : memref<20x16384xi32, #tpu.memory_space<hbm>> -> memref<1x512xi32, #tpu.memory_space<hbm>>
    %dma_start3A_80 = tpu.memref_squeeze %dma_start3A_79 : memref<1x512xi32, #tpu.memory_space<hbm>> -> memref<512xi32, #tpu.memory_space<hbm>>
    %dma_start3A_81 = arith.constant 0 : i32
    %dma_start3A_82 = tpu.memref_slice %arg5[%dma_start3A_75, %dma_start3A_81] : memref<20x512xi32, #tpu.memory_space<vmem>> -> memref<1x512xi32, #tpu.memory_space<vmem>>
    %dma_start3A_83 = tpu.memref_squeeze %dma_start3A_82 : memref<1x512xi32, #tpu.memory_space<vmem>> -> memref<512xi32, #tpu.memory_space<vmem>>
    %dma_start3A_84 = tpu.memref_slice %arg2[%dma_start3A_74, %mul3A_2] : memref<20x16384xi32, #tpu.memory_space<hbm>> -> memref<1x512xi32, #tpu.memory_space<hbm>>
    %dma_start3A_85 = tpu.memref_squeeze %dma_start3A_84 : memref<1x512xi32, #tpu.memory_space<hbm>> -> memref<512xi32, #tpu.memory_space<hbm>>
    tpu.enqueue_dma source(%dma_start3A_85 : memref<512xi32, #tpu.memory_space<hbm>>) target(%dma_start3A_83 : memref<512xi32, #tpu.memory_space<vmem>>) target_semaphore(%arg9 : memref<!tpu.dma_semaphore, #tpu.memory_space<semaphore_mem>>)
    %dma_start3A_86 = arith.constant 7 : i32
    %dma_start3A_87 = arith.constant 7 : i32
    %dma_start3A_88 = arith.constant 0 : i32
    %dma_start3A_89 = tpu.memref_slice %arg5[%dma_start3A_87, %dma_start3A_88] : memref<20x512xi32, #tpu.memory_space<vmem>> -> memref<1x512xi32, #tpu.memory_space<vmem>>
    %dma_start3A_90 = tpu.memref_squeeze %dma_start3A_89 : memref<1x512xi32, #tpu.memory_space<vmem>> -> memref<512xi32, #tpu.memory_space<vmem>>
    %dma_start3A_91 = tpu.memref_slice %arg2[%dma_start3A_86, %mul3A_2] : memref<20x16384xi32, #tpu.memory_space<hbm>> -> memref<1x512xi32, #tpu.memory_space<hbm>>
    %dma_start3A_92 = tpu.memref_squeeze %dma_start3A_91 : memref<1x512xi32, #tpu.memory_space<hbm>> -> memref<512xi32, #tpu.memory_space<hbm>>
    %dma_start3A_93 = arith.constant 0 : i32
    %dma_start3A_94 = tpu.memref_slice %arg5[%dma_start3A_87, %dma_start3A_93] : memref<20x512xi32, #tpu.memory_space<vmem>> -> memref<1x512xi32, #tpu.memory_space<vmem>>
    %dma_start3A_95 = tpu.memref_squeeze %dma_start3A_94 : memref<1x512xi32, #tpu.memory_space<vmem>> -> memref<512xi32, #tpu.memory_space<vmem>>
    %dma_start3A_96 = tpu.memref_slice %arg2[%dma_start3A_86, %mul3A_2] : memref<20x16384xi32, #tpu.memory_space<hbm>> -> memref<1x512xi32, #tpu.memory_space<hbm>>
    %dma_start3A_97 = tpu.memref_squeeze %dma_start3A_96 : memref<1x512xi32, #tpu.memory_space<hbm>> -> memref<512xi32, #tpu.memory_space<hbm>>
    tpu.enqueue_dma source(%dma_start3A_97 : memref<512xi32, #tpu.memory_space<hbm>>) target(%dma_start3A_95 : memref<512xi32, #tpu.memory_space<vmem>>) target_semaphore(%arg9 : memref<!tpu.dma_semaphore, #tpu.memory_space<semaphore_mem>>)
    %dma_start3A_98 = arith.constant 8 : i32
    %dma_start3A_99 = arith.constant 8 : i32
    %dma_start3A_100 = arith.constant 0 : i32
    %dma_start3A_101 = tpu.memref_slice %arg5[%dma_start3A_99, %dma_start3A_100] : memref<20x512xi32, #tpu.memory_space<vmem>> -> memref<1x512xi32, #tpu.memory_space<vmem>>
    %dma_start3A_102 = tpu.memref_squeeze %dma_start3A_101 : memref<1x512xi32, #tpu.memory_space<vmem>> -> memref<512xi32, #tpu.memory_space<vmem>>
    %dma_start3A_103 = tpu.memref_slice %arg2[%dma_start3A_98, %mul3A_2] : memref<20x16384xi32, #tpu.memory_space<hbm>> -> memref<1x512xi32, #tpu.memory_space<hbm>>
    %dma_start3A_104 = tpu.memref_squeeze %dma_start3A_103 : memref<1x512xi32, #tpu.memory_space<hbm>> -> memref<512xi32, #tpu.memory_space<hbm>>
    %dma_start3A_105 = arith.constant 0 : i32
    %dma_start3A_106 = tpu.memref_slice %arg5[%dma_start3A_99, %dma_start3A_105] : memref<20x512xi32, #tpu.memory_space<vmem>> -> memref<1x512xi32, #tpu.memory_space<vmem>>
    %dma_start3A_107 = tpu.memref_squeeze %dma_start3A_106 : memref<1x512xi32, #tpu.memory_space<vmem>> -> memref<512xi32, #tpu.memory_space<vmem>>
    %dma_start3A_108 = tpu.memref_slice %arg2[%dma_start3A_98, %mul3A_2] : memref<20x16384xi32, #tpu.memory_space<hbm>> -> memref<1x512xi32, #tpu.memory_space<hbm>>
    %dma_start3A_109 = tpu.memref_squeeze %dma_start3A_108 : memref<1x512xi32, #tpu.memory_space<hbm>> -> memref<512xi32, #tpu.memory_space<hbm>>
    tpu.enqueue_dma source(%dma_start3A_109 : memref<512xi32, #tpu.memory_space<hbm>>) target(%dma_start3A_107 : memref<512xi32, #tpu.memory_space<vmem>>) target_semaphore(%arg9 : memref<!tpu.dma_semaphore, #tpu.memory_space<semaphore_mem>>)
    %dma_start3A_110 = arith.constant 9 : i32
    %dma_start3A_111 = arith.constant 9 : i32
    %dma_start3A_112 = arith.constant 0 : i32
    %dma_start3A_113 = tpu.memref_slice %arg5[%dma_start3A_111, %dma_start3A_112] : memref<20x512xi32, #tpu.memory_space<vmem>> -> memref<1x512xi32, #tpu.memory_space<vmem>>
    %dma_start3A_114 = tpu.memref_squeeze %dma_start3A_113 : memref<1x512xi32, #tpu.memory_space<vmem>> -> memref<512xi32, #tpu.memory_space<vmem>>
    %dma_start3A_115 = tpu.memref_slice %arg2[%dma_start3A_110, %mul3A_2] : memref<20x16384xi32, #tpu.memory_space<hbm>> -> memref<1x512xi32, #tpu.memory_space<hbm>>
    %dma_start3A_116 = tpu.memref_squeeze %dma_start3A_115 : memref<1x512xi32, #tpu.memory_space<hbm>> -> memref<512xi32, #tpu.memory_space<hbm>>
    %dma_start3A_117 = arith.constant 0 : i32
    %dma_start3A_118 = tpu.memref_slice %arg5[%dma_start3A_111, %dma_start3A_117] : memref<20x512xi32, #tpu.memory_space<vmem>> -> memref<1x512xi32, #tpu.memory_space<vmem>>
    %dma_start3A_119 = tpu.memref_squeeze %dma_start3A_118 : memref<1x512xi32, #tpu.memory_space<vmem>> -> memref<512xi32, #tpu.memory_space<vmem>>
    %dma_start3A_120 = tpu.memref_slice %arg2[%dma_start3A_110, %mul3A_2] : memref<20x16384xi32, #tpu.memory_space<hbm>> -> memref<1x512xi32, #tpu.memory_space<hbm>>
    %dma_start3A_121 = tpu.memref_squeeze %dma_start3A_120 : memref<1x512xi32, #tpu.memory_space<hbm>> -> memref<512xi32, #tpu.memory_space<hbm>>
    tpu.enqueue_dma source(%dma_start3A_121 : memref<512xi32, #tpu.memory_space<hbm>>) target(%dma_start3A_119 : memref<512xi32, #tpu.memory_space<vmem>>) target_semaphore(%arg9 : memref<!tpu.dma_semaphore, #tpu.memory_space<semaphore_mem>>)
    %dma_start3A_122 = arith.constant 10 : i32
    %dma_start3A_123 = arith.constant 10 : i32
    %dma_start3A_124 = arith.constant 0 : i32
    %dma_start3A_125 = tpu.memref_slice %arg5[%dma_start3A_123, %dma_start3A_124] : memref<20x512xi32, #tpu.memory_space<vmem>> -> memref<1x512xi32, #tpu.memory_space<vmem>>
    %dma_start3A_126 = tpu.memref_squeeze %dma_start3A_125 : memref<1x512xi32, #tpu.memory_space<vmem>> -> memref<512xi32, #tpu.memory_space<vmem>>
    %dma_start3A_127 = tpu.memref_slice %arg2[%dma_start3A_122, %mul3A_2] : memref<20x16384xi32, #tpu.memory_space<hbm>> -> memref<1x512xi32, #tpu.memory_space<hbm>>
    %dma_start3A_128 = tpu.memref_squeeze %dma_start3A_127 : memref<1x512xi32, #tpu.memory_space<hbm>> -> memref<512xi32, #tpu.memory_space<hbm>>
    %dma_start3A_129 = arith.constant 0 : i32
    %dma_start3A_130 = tpu.memref_slice %arg5[%dma_start3A_123, %dma_start3A_129] : memref<20x512xi32, #tpu.memory_space<vmem>> -> memref<1x512xi32, #tpu.memory_space<vmem>>
    %dma_start3A_131 = tpu.memref_squeeze %dma_start3A_130 : memref<1x512xi32, #tpu.memory_space<vmem>> -> memref<512xi32, #tpu.memory_space<vmem>>
    %dma_start3A_132 = tpu.memref_slice %arg2[%dma_start3A_122, %mul3A_2] : memref<20x16384xi32, #tpu.memory_space<hbm>> -> memref<1x512xi32, #tpu.memory_space<hbm>>
    %dma_start3A_133 = tpu.memref_squeeze %dma_start3A_132 : memref<1x512xi32, #tpu.memory_space<hbm>> -> memref<512xi32, #tpu.memory_space<hbm>>
    tpu.enqueue_dma source(%dma_start3A_133 : memref<512xi32, #tpu.memory_space<hbm>>) target(%dma_start3A_131 : memref<512xi32, #tpu.memory_space<vmem>>) target_semaphore(%arg9 : memref<!tpu.dma_semaphore, #tpu.memory_space<semaphore_mem>>)
    %dma_start3A_134 = arith.constant 11 : i32
    %dma_start3A_135 = arith.constant 11 : i32
    %dma_start3A_136 = arith.constant 0 : i32
    %dma_start3A_137 = tpu.memref_slice %arg5[%dma_start3A_135, %dma_start3A_136] : memref<20x512xi32, #tpu.memory_space<vmem>> -> memref<1x512xi32, #tpu.memory_space<vmem>>
    %dma_start3A_138 = tpu.memref_squeeze %dma_start3A_137 : memref<1x512xi32, #tpu.memory_space<vmem>> -> memref<512xi32, #tpu.memory_space<vmem>>
    %dma_start3A_139 = tpu.memref_slice %arg2[%dma_start3A_134, %mul3A_2] : memref<20x16384xi32, #tpu.memory_space<hbm>> -> memref<1x512xi32, #tpu.memory_space<hbm>>
    %dma_start3A_140 = tpu.memref_squeeze %dma_start3A_139 : memref<1x512xi32, #tpu.memory_space<hbm>> -> memref<512xi32, #tpu.memory_space<hbm>>
    %dma_start3A_141 = arith.constant 0 : i32
    %dma_start3A_142 = tpu.memref_slice %arg5[%dma_start3A_135, %dma_start3A_141] : memref<20x512xi32, #tpu.memory_space<vmem>> -> memref<1x512xi32, #tpu.memory_space<vmem>>
    %dma_start3A_143 = tpu.memref_squeeze %dma_start3A_142 : memref<1x512xi32, #tpu.memory_space<vmem>> -> memref<512xi32, #tpu.memory_space<vmem>>
    %dma_start3A_144 = tpu.memref_slice %arg2[%dma_start3A_134, %mul3A_2] : memref<20x16384xi32, #tpu.memory_space<hbm>> -> memref<1x512xi32, #tpu.memory_space<hbm>>
    %dma_start3A_145 = tpu.memref_squeeze %dma_start3A_144 : memref<1x512xi32, #tpu.memory_space<hbm>> -> memref<512xi32, #tpu.memory_space<hbm>>
    tpu.enqueue_dma source(%dma_start3A_145 : memref<512xi32, #tpu.memory_space<hbm>>) target(%dma_start3A_143 : memref<512xi32, #tpu.memory_space<vmem>>) target_semaphore(%arg9 : memref<!tpu.dma_semaphore, #tpu.memory_space<semaphore_mem>>)
    %dma_start3A_146 = arith.constant 12 : i32
    %dma_start3A_147 = arith.constant 12 : i32
    %dma_start3A_148 = arith.constant 0 : i32
    %dma_start3A_149 = tpu.memref_slice %arg5[%dma_start3A_147, %dma_start3A_148] : memref<20x512xi32, #tpu.memory_space<vmem>> -> memref<1x512xi32, #tpu.memory_space<vmem>>
    %dma_start3A_150 = tpu.memref_squeeze %dma_start3A_149 : memref<1x512xi32, #tpu.memory_space<vmem>> -> memref<512xi32, #tpu.memory_space<vmem>>
    %dma_start3A_151 = tpu.memref_slice %arg2[%dma_start3A_146, %mul3A_2] : memref<20x16384xi32, #tpu.memory_space<hbm>> -> memref<1x512xi32, #tpu.memory_space<hbm>>
    %dma_start3A_152 = tpu.memref_squeeze %dma_start3A_151 : memref<1x512xi32, #tpu.memory_space<hbm>> -> memref<512xi32, #tpu.memory_space<hbm>>
    %dma_start3A_153 = arith.constant 0 : i32
    %dma_start3A_154 = tpu.memref_slice %arg5[%dma_start3A_147, %dma_start3A_153] : memref<20x512xi32, #tpu.memory_space<vmem>> -> memref<1x512xi32, #tpu.memory_space<vmem>>
    %dma_start3A_155 = tpu.memref_squeeze %dma_start3A_154 : memref<1x512xi32, #tpu.memory_space<vmem>> -> memref<512xi32, #tpu.memory_space<vmem>>
    %dma_start3A_156 = tpu.memref_slice %arg2[%dma_start3A_146, %mul3A_2] : memref<20x16384xi32, #tpu.memory_space<hbm>> -> memref<1x512xi32, #tpu.memory_space<hbm>>
    %dma_start3A_157 = tpu.memref_squeeze %dma_start3A_156 : memref<1x512xi32, #tpu.memory_space<hbm>> -> memref<512xi32, #tpu.memory_space<hbm>>
    tpu.enqueue_dma source(%dma_start3A_157 : memref<512xi32, #tpu.memory_space<hbm>>) target(%dma_start3A_155 : memref<512xi32, #tpu.memory_space<vmem>>) target_semaphore(%arg9 : memref<!tpu.dma_semaphore, #tpu.memory_space<semaphore_mem>>)
    %dma_start3A_158 = arith.constant 13 : i32
    %dma_start3A_159 = arith.constant 13 : i32
    %dma_start3A_160 = arith.constant 0 : i32
    %dma_start3A_161 = tpu.memref_slice %arg5[%dma_start3A_159, %dma_start3A_160] : memref<20x512xi32, #tpu.memory_space<vmem>> -> memref<1x512xi32, #tpu.memory_space<vmem>>
    %dma_start3A_162 = tpu.memref_squeeze %dma_start3A_161 : memref<1x512xi32, #tpu.memory_space<vmem>> -> memref<512xi32, #tpu.memory_space<vmem>>
    %dma_start3A_163 = tpu.memref_slice %arg2[%dma_start3A_158, %mul3A_2] : memref<20x16384xi32, #tpu.memory_space<hbm>> -> memref<1x512xi32, #tpu.memory_space<hbm>>
    %dma_start3A_164 = tpu.memref_squeeze %dma_start3A_163 : memref<1x512xi32, #tpu.memory_space<hbm>> -> memref<512xi32, #tpu.memory_space<hbm>>
    %dma_start3A_165 = arith.constant 0 : i32
    %dma_start3A_166 = tpu.memref_slice %arg5[%dma_start3A_159, %dma_start3A_165] : memref<20x512xi32, #tpu.memory_space<vmem>> -> memref<1x512xi32, #tpu.memory_space<vmem>>
    %dma_start3A_167 = tpu.memref_squeeze %dma_start3A_166 : memref<1x512xi32, #tpu.memory_space<vmem>> -> memref<512xi32, #tpu.memory_space<vmem>>
    %dma_start3A_168 = tpu.memref_slice %arg2[%dma_start3A_158, %mul3A_2] : memref<20x16384xi32, #tpu.memory_space<hbm>> -> memref<1x512xi32, #tpu.memory_space<hbm>>
    %dma_start3A_169 = tpu.memref_squeeze %dma_start3A_168 : memref<1x512xi32, #tpu.memory_space<hbm>> -> memref<512xi32, #tpu.memory_space<hbm>>
    tpu.enqueue_dma source(%dma_start3A_169 : memref<512xi32, #tpu.memory_space<hbm>>) target(%dma_start3A_167 : memref<512xi32, #tpu.memory_space<vmem>>) target_semaphore(%arg9 : memref<!tpu.dma_semaphore, #tpu.memory_space<semaphore_mem>>)
    %dma_start3A_170 = arith.constant 14 : i32
    %dma_start3A_171 = arith.constant 14 : i32
    %dma_start3A_172 = arith.constant 0 : i32
    %dma_start3A_173 = tpu.memref_slice %arg5[%dma_start3A_171, %dma_start3A_172] : memref<20x512xi32, #tpu.memory_space<vmem>> -> memref<1x512xi32, #tpu.memory_space<vmem>>
    %dma_start3A_174 = tpu.memref_squeeze %dma_start3A_173 : memref<1x512xi32, #tpu.memory_space<vmem>> -> memref<512xi32, #tpu.memory_space<vmem>>
    %dma_start3A_175 = tpu.memref_slice %arg2[%dma_start3A_170, %mul3A_2] : memref<20x16384xi32, #tpu.memory_space<hbm>> -> memref<1x512xi32, #tpu.memory_space<hbm>>
    %dma_start3A_176 = tpu.memref_squeeze %dma_start3A_175 : memref<1x512xi32, #tpu.memory_space<hbm>> -> memref<512xi32, #tpu.memory_space<hbm>>
    %dma_start3A_177 = arith.constant 0 : i32
    %dma_start3A_178 = tpu.memref_slice %arg5[%dma_start3A_171, %dma_start3A_177] : memref<20x512xi32, #tpu.memory_space<vmem>> -> memref<1x512xi32, #tpu.memory_space<vmem>>
    %dma_start3A_179 = tpu.memref_squeeze %dma_start3A_178 : memref<1x512xi32, #tpu.memory_space<vmem>> -> memref<512xi32, #tpu.memory_space<vmem>>
    %dma_start3A_180 = tpu.memref_slice %arg2[%dma_start3A_170, %mul3A_2] : memref<20x16384xi32, #tpu.memory_space<hbm>> -> memref<1x512xi32, #tpu.memory_space<hbm>>
    %dma_start3A_181 = tpu.memref_squeeze %dma_start3A_180 : memref<1x512xi32, #tpu.memory_space<hbm>> -> memref<512xi32, #tpu.memory_space<hbm>>
    tpu.enqueue_dma source(%dma_start3A_181 : memref<512xi32, #tpu.memory_space<hbm>>) target(%dma_start3A_179 : memref<512xi32, #tpu.memory_space<vmem>>) target_semaphore(%arg9 : memref<!tpu.dma_semaphore, #tpu.memory_space<semaphore_mem>>)
    %dma_start3A_182 = arith.constant 15 : i32
    %dma_start3A_183 = arith.constant 15 : i32
    %dma_start3A_184 = arith.constant 0 : i32
    %dma_start3A_185 = tpu.memref_slice %arg5[%dma_start3A_183, %dma_start3A_184] : memref<20x512xi32, #tpu.memory_space<vmem>> -> memref<1x512xi32, #tpu.memory_space<vmem>>
    %dma_start3A_186 = tpu.memref_squeeze %dma_start3A_185 : memref<1x512xi32, #tpu.memory_space<vmem>> -> memref<512xi32, #tpu.memory_space<vmem>>
    %dma_start3A_187 = tpu.memref_slice %arg2[%dma_start3A_182, %mul3A_2] : memref<20x16384xi32, #tpu.memory_space<hbm>> -> memref<1x512xi32, #tpu.memory_space<hbm>>
    %dma_start3A_188 = tpu.memref_squeeze %dma_start3A_187 : memref<1x512xi32, #tpu.memory_space<hbm>> -> memref<512xi32, #tpu.memory_space<hbm>>
    %dma_start3A_189 = arith.constant 0 : i32
    %dma_start3A_190 = tpu.memref_slice %arg5[%dma_start3A_183, %dma_start3A_189] : memref<20x512xi32, #tpu.memory_space<vmem>> -> memref<1x512xi32, #tpu.memory_space<vmem>>
    %dma_start3A_191 = tpu.memref_squeeze %dma_start3A_190 : memref<1x512xi32, #tpu.memory_space<vmem>> -> memref<512xi32, #tpu.memory_space<vmem>>
    %dma_start3A_192 = tpu.memref_slice %arg2[%dma_start3A_182, %mul3A_2] : memref<20x16384xi32, #tpu.memory_space<hbm>> -> memref<1x512xi32, #tpu.memory_space<hbm>>
    %dma_start3A_193 = tpu.memref_squeeze %dma_start3A_192 : memref<1x512xi32, #tpu.memory_space<hbm>> -> memref<512xi32, #tpu.memory_space<hbm>>
    tpu.enqueue_dma source(%dma_start3A_193 : memref<512xi32, #tpu.memory_space<hbm>>) target(%dma_start3A_191 : memref<512xi32, #tpu.memory_space<vmem>>) target_semaphore(%arg9 : memref<!tpu.dma_semaphore, #tpu.memory_space<semaphore_mem>>)
    %dma_start3A_194 = arith.constant 16 : i32
    %dma_start3A_195 = arith.constant 16 : i32
    %dma_start3A_196 = arith.constant 0 : i32
    %dma_start3A_197 = tpu.memref_slice %arg5[%dma_start3A_195, %dma_start3A_196] : memref<20x512xi32, #tpu.memory_space<vmem>> -> memref<1x512xi32, #tpu.memory_space<vmem>>
    %dma_start3A_198 = tpu.memref_squeeze %dma_start3A_197 : memref<1x512xi32, #tpu.memory_space<vmem>> -> memref<512xi32, #tpu.memory_space<vmem>>
    %dma_start3A_199 = tpu.memref_slice %arg2[%dma_start3A_194, %mul3A_2] : memref<20x16384xi32, #tpu.memory_space<hbm>> -> memref<1x512xi32, #tpu.memory_space<hbm>>
    %dma_start3A_200 = tpu.memref_squeeze %dma_start3A_199 : memref<1x512xi32, #tpu.memory_space<hbm>> -> memref<512xi32, #tpu.memory_space<hbm>>
    %dma_start3A_201 = arith.constant 0 : i32
    %dma_start3A_202 = tpu.memref_slice %arg5[%dma_start3A_195, %dma_start3A_201] : memref<20x512xi32, #tpu.memory_space<vmem>> -> memref<1x512xi32, #tpu.memory_space<vmem>>
    %dma_start3A_203 = tpu.memref_squeeze %dma_start3A_202 : memref<1x512xi32, #tpu.memory_space<vmem>> -> memref<512xi32, #tpu.memory_space<vmem>>
    %dma_start3A_204 = tpu.memref_slice %arg2[%dma_start3A_194, %mul3A_2] : memref<20x16384xi32, #tpu.memory_space<hbm>> -> memref<1x512xi32, #tpu.memory_space<hbm>>
    %dma_start3A_205 = tpu.memref_squeeze %dma_start3A_204 : memref<1x512xi32, #tpu.memory_space<hbm>> -> memref<512xi32, #tpu.memory_space<hbm>>
    tpu.enqueue_dma source(%dma_start3A_205 : memref<512xi32, #tpu.memory_space<hbm>>) target(%dma_start3A_203 : memref<512xi32, #tpu.memory_space<vmem>>) target_semaphore(%arg9 : memref<!tpu.dma_semaphore, #tpu.memory_space<semaphore_mem>>)
    %dma_start3A_206 = arith.constant 17 : i32
    %dma_start3A_207 = arith.constant 17 : i32
    %dma_start3A_208 = arith.constant 0 : i32
    %dma_start3A_209 = tpu.memref_slice %arg5[%dma_start3A_207, %dma_start3A_208] : memref<20x512xi32, #tpu.memory_space<vmem>> -> memref<1x512xi32, #tpu.memory_space<vmem>>
    %dma_start3A_210 = tpu.memref_squeeze %dma_start3A_209 : memref<1x512xi32, #tpu.memory_space<vmem>> -> memref<512xi32, #tpu.memory_space<vmem>>
    %dma_start3A_211 = tpu.memref_slice %arg2[%dma_start3A_206, %mul3A_2] : memref<20x16384xi32, #tpu.memory_space<hbm>> -> memref<1x512xi32, #tpu.memory_space<hbm>>
    %dma_start3A_212 = tpu.memref_squeeze %dma_start3A_211 : memref<1x512xi32, #tpu.memory_space<hbm>> -> memref<512xi32, #tpu.memory_space<hbm>>
    %dma_start3A_213 = arith.constant 0 : i32
    %dma_start3A_214 = tpu.memref_slice %arg5[%dma_start3A_207, %dma_start3A_213] : memref<20x512xi32, #tpu.memory_space<vmem>> -> memref<1x512xi32, #tpu.memory_space<vmem>>
    %dma_start3A_215 = tpu.memref_squeeze %dma_start3A_214 : memref<1x512xi32, #tpu.memory_space<vmem>> -> memref<512xi32, #tpu.memory_space<vmem>>
    %dma_start3A_216 = tpu.memref_slice %arg2[%dma_start3A_206, %mul3A_2] : memref<20x16384xi32, #tpu.memory_space<hbm>> -> memref<1x512xi32, #tpu.memory_space<hbm>>
    %dma_start3A_217 = tpu.memref_squeeze %dma_start3A_216 : memref<1x512xi32, #tpu.memory_space<hbm>> -> memref<512xi32, #tpu.memory_space<hbm>>
    tpu.enqueue_dma source(%dma_start3A_217 : memref<512xi32, #tpu.memory_space<hbm>>) target(%dma_start3A_215 : memref<512xi32, #tpu.memory_space<vmem>>) target_semaphore(%arg9 : memref<!tpu.dma_semaphore, #tpu.memory_space<semaphore_mem>>)
    %dma_start3A_218 = arith.constant 18 : i32
    %dma_start3A_219 = arith.constant 18 : i32
    %dma_start3A_220 = arith.constant 0 : i32
    %dma_start3A_221 = tpu.memref_slice %arg5[%dma_start3A_219, %dma_start3A_220] : memref<20x512xi32, #tpu.memory_space<vmem>> -> memref<1x512xi32, #tpu.memory_space<vmem>>
    %dma_start3A_222 = tpu.memref_squeeze %dma_start3A_221 : memref<1x512xi32, #tpu.memory_space<vmem>> -> memref<512xi32, #tpu.memory_space<vmem>>
    %dma_start3A_223 = tpu.memref_slice %arg2[%dma_start3A_218, %mul3A_2] : memref<20x16384xi32, #tpu.memory_space<hbm>> -> memref<1x512xi32, #tpu.memory_space<hbm>>
    %dma_start3A_224 = tpu.memref_squeeze %dma_start3A_223 : memref<1x512xi32, #tpu.memory_space<hbm>> -> memref<512xi32, #tpu.memory_space<hbm>>
    %dma_start3A_225 = arith.constant 0 : i32
    %dma_start3A_226 = tpu.memref_slice %arg5[%dma_start3A_219, %dma_start3A_225] : memref<20x512xi32, #tpu.memory_space<vmem>> -> memref<1x512xi32, #tpu.memory_space<vmem>>
    %dma_start3A_227 = tpu.memref_squeeze %dma_start3A_226 : memref<1x512xi32, #tpu.memory_space<vmem>> -> memref<512xi32, #tpu.memory_space<vmem>>
    %dma_start3A_228 = tpu.memref_slice %arg2[%dma_start3A_218, %mul3A_2] : memref<20x16384xi32, #tpu.memory_space<hbm>> -> memref<1x512xi32, #tpu.memory_space<hbm>>
    %dma_start3A_229 = tpu.memref_squeeze %dma_start3A_228 : memref<1x512xi32, #tpu.memory_space<hbm>> -> memref<512xi32, #tpu.memory_space<hbm>>
    tpu.enqueue_dma source(%dma_start3A_229 : memref<512xi32, #tpu.memory_space<hbm>>) target(%dma_start3A_227 : memref<512xi32, #tpu.memory_space<vmem>>) target_semaphore(%arg9 : memref<!tpu.dma_semaphore, #tpu.memory_space<semaphore_mem>>)
    %dma_start3A_230 = arith.constant 19 : i32
    %dma_start3A_231 = arith.constant 19 : i32
    %dma_start3A_232 = arith.constant 0 : i32
    %dma_start3A_233 = tpu.memref_slice %arg5[%dma_start3A_231, %dma_start3A_232] : memref<20x512xi32, #tpu.memory_space<vmem>> -> memref<1x512xi32, #tpu.memory_space<vmem>>
    %dma_start3A_234 = tpu.memref_squeeze %dma_start3A_233 : memref<1x512xi32, #tpu.memory_space<vmem>> -> memref<512xi32, #tpu.memory_space<vmem>>
    %dma_start3A_235 = tpu.memref_slice %arg2[%dma_start3A_230, %mul3A_2] : memref<20x16384xi32, #tpu.memory_space<hbm>> -> memref<1x512xi32, #tpu.memory_space<hbm>>
    %dma_start3A_236 = tpu.memref_squeeze %dma_start3A_235 : memref<1x512xi32, #tpu.memory_space<hbm>> -> memref<512xi32, #tpu.memory_space<hbm>>
    %dma_start3A_237 = arith.constant 0 : i32
    %dma_start3A_238 = tpu.memref_slice %arg5[%dma_start3A_231, %dma_start3A_237] : memref<20x512xi32, #tpu.memory_space<vmem>> -> memref<1x512xi32, #tpu.memory_space<vmem>>
    %dma_start3A_239 = tpu.memref_squeeze %dma_start3A_238 : memref<1x512xi32, #tpu.memory_space<vmem>> -> memref<512xi32, #tpu.memory_space<vmem>>
    %dma_start3A_240 = tpu.memref_slice %arg2[%dma_start3A_230, %mul3A_2] : memref<20x16384xi32, #tpu.memory_space<hbm>> -> memref<1x512xi32, #tpu.memory_space<hbm>>
    %dma_start3A_241 = tpu.memref_squeeze %dma_start3A_240 : memref<1x512xi32, #tpu.memory_space<hbm>> -> memref<512xi32, #tpu.memory_space<hbm>>
    tpu.enqueue_dma source(%dma_start3A_241 : memref<512xi32, #tpu.memory_space<hbm>>) target(%dma_start3A_239 : memref<512xi32, #tpu.memory_space<vmem>>) target_semaphore(%arg9 : memref<!tpu.dma_semaphore, #tpu.memory_space<semaphore_mem>>)
    %dma_wait3A = arith.constant 0 : i32
    %dma_wait3A_242 = arith.constant 0 : i32
    %dma_wait3A_243 = arith.constant 0 : i32
    %dma_wait3A_244 = tpu.memref_slice %arg5[%dma_wait3A_242, %dma_wait3A_243] : memref<20x512xi32, #tpu.memory_space<vmem>> -> memref<1x512xi32, #tpu.memory_space<vmem>>
    %dma_wait3A_245 = tpu.memref_squeeze %dma_wait3A_244 : memref<1x512xi32, #tpu.memory_space<vmem>> -> memref<512xi32, #tpu.memory_space<vmem>>
    %dma_wait3A_246 = tpu.memref_slice %arg2[%dma_wait3A, %mul3A_2] : memref<20x16384xi32, #tpu.memory_space<hbm>> -> memref<1x512xi32, #tpu.memory_space<hbm>>
    %dma_wait3A_247 = tpu.memref_squeeze %dma_wait3A_246 : memref<1x512xi32, #tpu.memory_space<hbm>> -> memref<512xi32, #tpu.memory_space<hbm>>
    %dma_wait3A_248 = arith.constant 0 : i32
    %dma_wait3A_249 = tpu.memref_slice %arg5[%dma_wait3A_242, %dma_wait3A_248] : memref<20x512xi32, #tpu.memory_space<vmem>> -> memref<1x512xi32, #tpu.memory_space<vmem>>
    %dma_wait3A_250 = tpu.memref_squeeze %dma_wait3A_249 : memref<1x512xi32, #tpu.memory_space<vmem>> -> memref<512xi32, #tpu.memory_space<vmem>>
    %dma_wait3A_251 = tpu.memref_slice %arg2[%dma_wait3A, %mul3A_2] : memref<20x16384xi32, #tpu.memory_space<hbm>> -> memref<1x512xi32, #tpu.memory_space<hbm>>
    %dma_wait3A_252 = tpu.memref_squeeze %dma_wait3A_251 : memref<1x512xi32, #tpu.memory_space<hbm>> -> memref<512xi32, #tpu.memory_space<hbm>>
    tpu.wait_dma2 semaphore(%arg9 : memref<!tpu.dma_semaphore, #tpu.memory_space<semaphore_mem>>) src(%dma_wait3A_252 : memref<512xi32, #tpu.memory_space<hbm>>) dst(%dma_wait3A_250 : memref<512xi32, #tpu.memory_space<vmem>>)
    %dma_wait3A_253 = arith.constant 1 : i32
    %dma_wait3A_254 = arith.constant 1 : i32
    %dma_wait3A_255 = arith.constant 0 : i32
    %dma_wait3A_256 = tpu.memref_slice %arg5[%dma_wait3A_254, %dma_wait3A_255] : memref<20x512xi32, #tpu.memory_space<vmem>> -> memref<1x512xi32, #tpu.memory_space<vmem>>
    %dma_wait3A_257 = tpu.memref_squeeze %dma_wait3A_256 : memref<1x512xi32, #tpu.memory_space<vmem>> -> memref<512xi32, #tpu.memory_space<vmem>>
    %dma_wait3A_258 = tpu.memref_slice %arg2[%dma_wait3A_253, %mul3A_2] : memref<20x16384xi32, #tpu.memory_space<hbm>> -> memref<1x512xi32, #tpu.memory_space<hbm>>
    %dma_wait3A_259 = tpu.memref_squeeze %dma_wait3A_258 : memref<1x512xi32, #tpu.memory_space<hbm>> -> memref<512xi32, #tpu.memory_space<hbm>>
    %dma_wait3A_260 = arith.constant 0 : i32
    %dma_wait3A_261 = tpu.memref_slice %arg5[%dma_wait3A_254, %dma_wait3A_260] : memref<20x512xi32, #tpu.memory_space<vmem>> -> memref<1x512xi32, #tpu.memory_space<vmem>>
    %dma_wait3A_262 = tpu.memref_squeeze %dma_wait3A_261 : memref<1x512xi32, #tpu.memory_space<vmem>> -> memref<512xi32, #tpu.memory_space<vmem>>
    %dma_wait3A_263 = tpu.memref_slice %arg2[%dma_wait3A_253, %mul3A_2] : memref<20x16384xi32, #tpu.memory_space<hbm>> -> memref<1x512xi32, #tpu.memory_space<hbm>>
    %dma_wait3A_264 = tpu.memref_squeeze %dma_wait3A_263 : memref<1x512xi32, #tpu.memory_space<hbm>> -> memref<512xi32, #tpu.memory_space<hbm>>
    tpu.wait_dma2 semaphore(%arg9 : memref<!tpu.dma_semaphore, #tpu.memory_space<semaphore_mem>>) src(%dma_wait3A_264 : memref<512xi32, #tpu.memory_space<hbm>>) dst(%dma_wait3A_262 : memref<512xi32, #tpu.memory_space<vmem>>)
    %dma_wait3A_265 = arith.constant 2 : i32
    %dma_wait3A_266 = arith.constant 2 : i32
    %dma_wait3A_267 = arith.constant 0 : i32
    %dma_wait3A_268 = tpu.memref_slice %arg5[%dma_wait3A_266, %dma_wait3A_267] : memref<20x512xi32, #tpu.memory_space<vmem>> -> memref<1x512xi32, #tpu.memory_space<vmem>>
    %dma_wait3A_269 = tpu.memref_squeeze %dma_wait3A_268 : memref<1x512xi32, #tpu.memory_space<vmem>> -> memref<512xi32, #tpu.memory_space<vmem>>
    %dma_wait3A_270 = tpu.memref_slice %arg2[%dma_wait3A_265, %mul3A_2] : memref<20x16384xi32, #tpu.memory_space<hbm>> -> memref<1x512xi32, #tpu.memory_space<hbm>>
    %dma_wait3A_271 = tpu.memref_squeeze %dma_wait3A_270 : memref<1x512xi32, #tpu.memory_space<hbm>> -> memref<512xi32, #tpu.memory_space<hbm>>
    %dma_wait3A_272 = arith.constant 0 : i32
    %dma_wait3A_273 = tpu.memref_slice %arg5[%dma_wait3A_266, %dma_wait3A_272] : memref<20x512xi32, #tpu.memory_space<vmem>> -> memref<1x512xi32, #tpu.memory_space<vmem>>
    %dma_wait3A_274 = tpu.memref_squeeze %dma_wait3A_273 : memref<1x512xi32, #tpu.memory_space<vmem>> -> memref<512xi32, #tpu.memory_space<vmem>>
    %dma_wait3A_275 = tpu.memref_slice %arg2[%dma_wait3A_265, %mul3A_2] : memref<20x16384xi32, #tpu.memory_space<hbm>> -> memref<1x512xi32, #tpu.memory_space<hbm>>
    %dma_wait3A_276 = tpu.memref_squeeze %dma_wait3A_275 : memref<1x512xi32, #tpu.memory_space<hbm>> -> memref<512xi32, #tpu.memory_space<hbm>>
    tpu.wait_dma2 semaphore(%arg9 : memref<!tpu.dma_semaphore, #tpu.memory_space<semaphore_mem>>) src(%dma_wait3A_276 : memref<512xi32, #tpu.memory_space<hbm>>) dst(%dma_wait3A_274 : memref<512xi32, #tpu.memory_space<vmem>>)
    %dma_wait3A_277 = arith.constant 3 : i32
    %dma_wait3A_278 = arith.constant 3 : i32
    %dma_wait3A_279 = arith.constant 0 : i32
    %dma_wait3A_280 = tpu.memref_slice %arg5[%dma_wait3A_278, %dma_wait3A_279] : memref<20x512xi32, #tpu.memory_space<vmem>> -> memref<1x512xi32, #tpu.memory_space<vmem>>
    %dma_wait3A_281 = tpu.memref_squeeze %dma_wait3A_280 : memref<1x512xi32, #tpu.memory_space<vmem>> -> memref<512xi32, #tpu.memory_space<vmem>>
    %dma_wait3A_282 = tpu.memref_slice %arg2[%dma_wait3A_277, %mul3A_2] : memref<20x16384xi32, #tpu.memory_space<hbm>> -> memref<1x512xi32, #tpu.memory_space<hbm>>
    %dma_wait3A_283 = tpu.memref_squeeze %dma_wait3A_282 : memref<1x512xi32, #tpu.memory_space<hbm>> -> memref<512xi32, #tpu.memory_space<hbm>>
    %dma_wait3A_284 = arith.constant 0 : i32
    %dma_wait3A_285 = tpu.memref_slice %arg5[%dma_wait3A_278, %dma_wait3A_284] : memref<20x512xi32, #tpu.memory_space<vmem>> -> memref<1x512xi32, #tpu.memory_space<vmem>>
    %dma_wait3A_286 = tpu.memref_squeeze %dma_wait3A_285 : memref<1x512xi32, #tpu.memory_space<vmem>> -> memref<512xi32, #tpu.memory_space<vmem>>
    %dma_wait3A_287 = tpu.memref_slice %arg2[%dma_wait3A_277, %mul3A_2] : memref<20x16384xi32, #tpu.memory_space<hbm>> -> memref<1x512xi32, #tpu.memory_space<hbm>>
    %dma_wait3A_288 = tpu.memref_squeeze %dma_wait3A_287 : memref<1x512xi32, #tpu.memory_space<hbm>> -> memref<512xi32, #tpu.memory_space<hbm>>
    tpu.wait_dma2 semaphore(%arg9 : memref<!tpu.dma_semaphore, #tpu.memory_space<semaphore_mem>>) src(%dma_wait3A_288 : memref<512xi32, #tpu.memory_space<hbm>>) dst(%dma_wait3A_286 : memref<512xi32, #tpu.memory_space<vmem>>)
    %dma_wait3A_289 = arith.constant 4 : i32
    %dma_wait3A_290 = arith.constant 4 : i32
    %dma_wait3A_291 = arith.constant 0 : i32
    %dma_wait3A_292 = tpu.memref_slice %arg5[%dma_wait3A_290, %dma_wait3A_291] : memref<20x512xi32, #tpu.memory_space<vmem>> -> memref<1x512xi32, #tpu.memory_space<vmem>>
    %dma_wait3A_293 = tpu.memref_squeeze %dma_wait3A_292 : memref<1x512xi32, #tpu.memory_space<vmem>> -> memref<512xi32, #tpu.memory_space<vmem>>
    %dma_wait3A_294 = tpu.memref_slice %arg2[%dma_wait3A_289, %mul3A_2] : memref<20x16384xi32, #tpu.memory_space<hbm>> -> memref<1x512xi32, #tpu.memory_space<hbm>>
    %dma_wait3A_295 = tpu.memref_squeeze %dma_wait3A_294 : memref<1x512xi32, #tpu.memory_space<hbm>> -> memref<512xi32, #tpu.memory_space<hbm>>
    %dma_wait3A_296 = arith.constant 0 : i32
    %dma_wait3A_297 = tpu.memref_slice %arg5[%dma_wait3A_290, %dma_wait3A_296] : memref<20x512xi32, #tpu.memory_space<vmem>> -> memref<1x512xi32, #tpu.memory_space<vmem>>
    %dma_wait3A_298 = tpu.memref_squeeze %dma_wait3A_297 : memref<1x512xi32, #tpu.memory_space<vmem>> -> memref<512xi32, #tpu.memory_space<vmem>>
    %dma_wait3A_299 = tpu.memref_slice %arg2[%dma_wait3A_289, %mul3A_2] : memref<20x16384xi32, #tpu.memory_space<hbm>> -> memref<1x512xi32, #tpu.memory_space<hbm>>
    %dma_wait3A_300 = tpu.memref_squeeze %dma_wait3A_299 : memref<1x512xi32, #tpu.memory_space<hbm>> -> memref<512xi32, #tpu.memory_space<hbm>>
    tpu.wait_dma2 semaphore(%arg9 : memref<!tpu.dma_semaphore, #tpu.memory_space<semaphore_mem>>) src(%dma_wait3A_300 : memref<512xi32, #tpu.memory_space<hbm>>) dst(%dma_wait3A_298 : memref<512xi32, #tpu.memory_space<vmem>>)
    %dma_wait3A_301 = arith.constant 5 : i32
    %dma_wait3A_302 = arith.constant 5 : i32
    %dma_wait3A_303 = arith.constant 0 : i32
    %dma_wait3A_304 = tpu.memref_slice %arg5[%dma_wait3A_302, %dma_wait3A_303] : memref<20x512xi32, #tpu.memory_space<vmem>> -> memref<1x512xi32, #tpu.memory_space<vmem>>
    %dma_wait3A_305 = tpu.memref_squeeze %dma_wait3A_304 : memref<1x512xi32, #tpu.memory_space<vmem>> -> memref<512xi32, #tpu.memory_space<vmem>>
    %dma_wait3A_306 = tpu.memref_slice %arg2[%dma_wait3A_301, %mul3A_2] : memref<20x16384xi32, #tpu.memory_space<hbm>> -> memref<1x512xi32, #tpu.memory_space<hbm>>
    %dma_wait3A_307 = tpu.memref_squeeze %dma_wait3A_306 : memref<1x512xi32, #tpu.memory_space<hbm>> -> memref<512xi32, #tpu.memory_space<hbm>>
    %dma_wait3A_308 = arith.constant 0 : i32
    %dma_wait3A_309 = tpu.memref_slice %arg5[%dma_wait3A_302, %dma_wait3A_308] : memref<20x512xi32, #tpu.memory_space<vmem>> -> memref<1x512xi32, #tpu.memory_space<vmem>>
    %dma_wait3A_310 = tpu.memref_squeeze %dma_wait3A_309 : memref<1x512xi32, #tpu.memory_space<vmem>> -> memref<512xi32, #tpu.memory_space<vmem>>
    %dma_wait3A_311 = tpu.memref_slice %arg2[%dma_wait3A_301, %mul3A_2] : memref<20x16384xi32, #tpu.memory_space<hbm>> -> memref<1x512xi32, #tpu.memory_space<hbm>>
    %dma_wait3A_312 = tpu.memref_squeeze %dma_wait3A_311 : memref<1x512xi32, #tpu.memory_space<hbm>> -> memref<512xi32, #tpu.memory_space<hbm>>
    tpu.wait_dma2 semaphore(%arg9 : memref<!tpu.dma_semaphore, #tpu.memory_space<semaphore_mem>>) src(%dma_wait3A_312 : memref<512xi32, #tpu.memory_space<hbm>>) dst(%dma_wait3A_310 : memref<512xi32, #tpu.memory_space<vmem>>)
    %dma_wait3A_313 = arith.constant 6 : i32
    %dma_wait3A_314 = arith.constant 6 : i32
    %dma_wait3A_315 = arith.constant 0 : i32
    %dma_wait3A_316 = tpu.memref_slice %arg5[%dma_wait3A_314, %dma_wait3A_315] : memref<20x512xi32, #tpu.memory_space<vmem>> -> memref<1x512xi32, #tpu.memory_space<vmem>>
    %dma_wait3A_317 = tpu.memref_squeeze %dma_wait3A_316 : memref<1x512xi32, #tpu.memory_space<vmem>> -> memref<512xi32, #tpu.memory_space<vmem>>
    %dma_wait3A_318 = tpu.memref_slice %arg2[%dma_wait3A_313, %mul3A_2] : memref<20x16384xi32, #tpu.memory_space<hbm>> -> memref<1x512xi32, #tpu.memory_space<hbm>>
    %dma_wait3A_319 = tpu.memref_squeeze %dma_wait3A_318 : memref<1x512xi32, #tpu.memory_space<hbm>> -> memref<512xi32, #tpu.memory_space<hbm>>
    %dma_wait3A_320 = arith.constant 0 : i32
    %dma_wait3A_321 = tpu.memref_slice %arg5[%dma_wait3A_314, %dma_wait3A_320] : memref<20x512xi32, #tpu.memory_space<vmem>> -> memref<1x512xi32, #tpu.memory_space<vmem>>
    %dma_wait3A_322 = tpu.memref_squeeze %dma_wait3A_321 : memref<1x512xi32, #tpu.memory_space<vmem>> -> memref<512xi32, #tpu.memory_space<vmem>>
    %dma_wait3A_323 = tpu.memref_slice %arg2[%dma_wait3A_313, %mul3A_2] : memref<20x16384xi32, #tpu.memory_space<hbm>> -> memref<1x512xi32, #tpu.memory_space<hbm>>
    %dma_wait3A_324 = tpu.memref_squeeze %dma_wait3A_323 : memref<1x512xi32, #tpu.memory_space<hbm>> -> memref<512xi32, #tpu.memory_space<hbm>>
    tpu.wait_dma2 semaphore(%arg9 : memref<!tpu.dma_semaphore, #tpu.memory_space<semaphore_mem>>) src(%dma_wait3A_324 : memref<512xi32, #tpu.memory_space<hbm>>) dst(%dma_wait3A_322 : memref<512xi32, #tpu.memory_space<vmem>>)
    %dma_wait3A_325 = arith.constant 7 : i32
    %dma_wait3A_326 = arith.constant 7 : i32
    %dma_wait3A_327 = arith.constant 0 : i32
    %dma_wait3A_328 = tpu.memref_slice %arg5[%dma_wait3A_326, %dma_wait3A_327] : memref<20x512xi32, #tpu.memory_space<vmem>> -> memref<1x512xi32, #tpu.memory_space<vmem>>
    %dma_wait3A_329 = tpu.memref_squeeze %dma_wait3A_328 : memref<1x512xi32, #tpu.memory_space<vmem>> -> memref<512xi32, #tpu.memory_space<vmem>>
    %dma_wait3A_330 = tpu.memref_slice %arg2[%dma_wait3A_325, %mul3A_2] : memref<20x16384xi32, #tpu.memory_space<hbm>> -> memref<1x512xi32, #tpu.memory_space<hbm>>
    %dma_wait3A_331 = tpu.memref_squeeze %dma_wait3A_330 : memref<1x512xi32, #tpu.memory_space<hbm>> -> memref<512xi32, #tpu.memory_space<hbm>>
    %dma_wait3A_332 = arith.constant 0 : i32
    %dma_wait3A_333 = tpu.memref_slice %arg5[%dma_wait3A_326, %dma_wait3A_332] : memref<20x512xi32, #tpu.memory_space<vmem>> -> memref<1x512xi32, #tpu.memory_space<vmem>>
    %dma_wait3A_334 = tpu.memref_squeeze %dma_wait3A_333 : memref<1x512xi32, #tpu.memory_space<vmem>> -> memref<512xi32, #tpu.memory_space<vmem>>
    %dma_wait3A_335 = tpu.memref_slice %arg2[%dma_wait3A_325, %mul3A_2] : memref<20x16384xi32, #tpu.memory_space<hbm>> -> memref<1x512xi32, #tpu.memory_space<hbm>>
    %dma_wait3A_336 = tpu.memref_squeeze %dma_wait3A_335 : memref<1x512xi32, #tpu.memory_space<hbm>> -> memref<512xi32, #tpu.memory_space<hbm>>
    tpu.wait_dma2 semaphore(%arg9 : memref<!tpu.dma_semaphore, #tpu.memory_space<semaphore_mem>>) src(%dma_wait3A_336 : memref<512xi32, #tpu.memory_space<hbm>>) dst(%dma_wait3A_334 : memref<512xi32, #tpu.memory_space<vmem>>)
    %dma_wait3A_337 = arith.constant 8 : i32
    %dma_wait3A_338 = arith.constant 8 : i32
    %dma_wait3A_339 = arith.constant 0 : i32
    %dma_wait3A_340 = tpu.memref_slice %arg5[%dma_wait3A_338, %dma_wait3A_339] : memref<20x512xi32, #tpu.memory_space<vmem>> -> memref<1x512xi32, #tpu.memory_space<vmem>>
    %dma_wait3A_341 = tpu.memref_squeeze %dma_wait3A_340 : memref<1x512xi32, #tpu.memory_space<vmem>> -> memref<512xi32, #tpu.memory_space<vmem>>
    %dma_wait3A_342 = tpu.memref_slice %arg2[%dma_wait3A_337, %mul3A_2] : memref<20x16384xi32, #tpu.memory_space<hbm>> -> memref<1x512xi32, #tpu.memory_space<hbm>>
    %dma_wait3A_343 = tpu.memref_squeeze %dma_wait3A_342 : memref<1x512xi32, #tpu.memory_space<hbm>> -> memref<512xi32, #tpu.memory_space<hbm>>
    %dma_wait3A_344 = arith.constant 0 : i32
    %dma_wait3A_345 = tpu.memref_slice %arg5[%dma_wait3A_338, %dma_wait3A_344] : memref<20x512xi32, #tpu.memory_space<vmem>> -> memref<1x512xi32, #tpu.memory_space<vmem>>
    %dma_wait3A_346 = tpu.memref_squeeze %dma_wait3A_345 : memref<1x512xi32, #tpu.memory_space<vmem>> -> memref<512xi32, #tpu.memory_space<vmem>>
    %dma_wait3A_347 = tpu.memref_slice %arg2[%dma_wait3A_337, %mul3A_2] : memref<20x16384xi32, #tpu.memory_space<hbm>> -> memref<1x512xi32, #tpu.memory_space<hbm>>
    %dma_wait3A_348 = tpu.memref_squeeze %dma_wait3A_347 : memref<1x512xi32, #tpu.memory_space<hbm>> -> memref<512xi32, #tpu.memory_space<hbm>>
    tpu.wait_dma2 semaphore(%arg9 : memref<!tpu.dma_semaphore, #tpu.memory_space<semaphore_mem>>) src(%dma_wait3A_348 : memref<512xi32, #tpu.memory_space<hbm>>) dst(%dma_wait3A_346 : memref<512xi32, #tpu.memory_space<vmem>>)
    %dma_wait3A_349 = arith.constant 9 : i32
    %dma_wait3A_350 = arith.constant 9 : i32
    %dma_wait3A_351 = arith.constant 0 : i32
    %dma_wait3A_352 = tpu.memref_slice %arg5[%dma_wait3A_350, %dma_wait3A_351] : memref<20x512xi32, #tpu.memory_space<vmem>> -> memref<1x512xi32, #tpu.memory_space<vmem>>
    %dma_wait3A_353 = tpu.memref_squeeze %dma_wait3A_352 : memref<1x512xi32, #tpu.memory_space<vmem>> -> memref<512xi32, #tpu.memory_space<vmem>>
    %dma_wait3A_354 = tpu.memref_slice %arg2[%dma_wait3A_349, %mul3A_2] : memref<20x16384xi32, #tpu.memory_space<hbm>> -> memref<1x512xi32, #tpu.memory_space<hbm>>
    %dma_wait3A_355 = tpu.memref_squeeze %dma_wait3A_354 : memref<1x512xi32, #tpu.memory_space<hbm>> -> memref<512xi32, #tpu.memory_space<hbm>>
    %dma_wait3A_356 = arith.constant 0 : i32
    %dma_wait3A_357 = tpu.memref_slice %arg5[%dma_wait3A_350, %dma_wait3A_356] : memref<20x512xi32, #tpu.memory_space<vmem>> -> memref<1x512xi32, #tpu.memory_space<vmem>>
    %dma_wait3A_358 = tpu.memref_squeeze %dma_wait3A_357 : memref<1x512xi32, #tpu.memory_space<vmem>> -> memref<512xi32, #tpu.memory_space<vmem>>
    %dma_wait3A_359 = tpu.memref_slice %arg2[%dma_wait3A_349, %mul3A_2] : memref<20x16384xi32, #tpu.memory_space<hbm>> -> memref<1x512xi32, #tpu.memory_space<hbm>>
    %dma_wait3A_360 = tpu.memref_squeeze %dma_wait3A_359 : memref<1x512xi32, #tpu.memory_space<hbm>> -> memref<512xi32, #tpu.memory_space<hbm>>
    tpu.wait_dma2 semaphore(%arg9 : memref<!tpu.dma_semaphore, #tpu.memory_space<semaphore_mem>>) src(%dma_wait3A_360 : memref<512xi32, #tpu.memory_space<hbm>>) dst(%dma_wait3A_358 : memref<512xi32, #tpu.memory_space<vmem>>)
    %dma_wait3A_361 = arith.constant 10 : i32
    %dma_wait3A_362 = arith.constant 10 : i32
    %dma_wait3A_363 = arith.constant 0 : i32
    %dma_wait3A_364 = tpu.memref_slice %arg5[%dma_wait3A_362, %dma_wait3A_363] : memref<20x512xi32, #tpu.memory_space<vmem>> -> memref<1x512xi32, #tpu.memory_space<vmem>>
    %dma_wait3A_365 = tpu.memref_squeeze %dma_wait3A_364 : memref<1x512xi32, #tpu.memory_space<vmem>> -> memref<512xi32, #tpu.memory_space<vmem>>
    %dma_wait3A_366 = tpu.memref_slice %arg2[%dma_wait3A_361, %mul3A_2] : memref<20x16384xi32, #tpu.memory_space<hbm>> -> memref<1x512xi32, #tpu.memory_space<hbm>>
    %dma_wait3A_367 = tpu.memref_squeeze %dma_wait3A_366 : memref<1x512xi32, #tpu.memory_space<hbm>> -> memref<512xi32, #tpu.memory_space<hbm>>
    %dma_wait3A_368 = arith.constant 0 : i32
    %dma_wait3A_369 = tpu.memref_slice %arg5[%dma_wait3A_362, %dma_wait3A_368] : memref<20x512xi32, #tpu.memory_space<vmem>> -> memref<1x512xi32, #tpu.memory_space<vmem>>
    %dma_wait3A_370 = tpu.memref_squeeze %dma_wait3A_369 : memref<1x512xi32, #tpu.memory_space<vmem>> -> memref<512xi32, #tpu.memory_space<vmem>>
    %dma_wait3A_371 = tpu.memref_slice %arg2[%dma_wait3A_361, %mul3A_2] : memref<20x16384xi32, #tpu.memory_space<hbm>> -> memref<1x512xi32, #tpu.memory_space<hbm>>
    %dma_wait3A_372 = tpu.memref_squeeze %dma_wait3A_371 : memref<1x512xi32, #tpu.memory_space<hbm>> -> memref<512xi32, #tpu.memory_space<hbm>>
    tpu.wait_dma2 semaphore(%arg9 : memref<!tpu.dma_semaphore, #tpu.memory_space<semaphore_mem>>) src(%dma_wait3A_372 : memref<512xi32, #tpu.memory_space<hbm>>) dst(%dma_wait3A_370 : memref<512xi32, #tpu.memory_space<vmem>>)
    %dma_wait3A_373 = arith.constant 11 : i32
    %dma_wait3A_374 = arith.constant 11 : i32
    %dma_wait3A_375 = arith.constant 0 : i32
    %dma_wait3A_376 = tpu.memref_slice %arg5[%dma_wait3A_374, %dma_wait3A_375] : memref<20x512xi32, #tpu.memory_space<vmem>> -> memref<1x512xi32, #tpu.memory_space<vmem>>
    %dma_wait3A_377 = tpu.memref_squeeze %dma_wait3A_376 : memref<1x512xi32, #tpu.memory_space<vmem>> -> memref<512xi32, #tpu.memory_space<vmem>>
    %dma_wait3A_378 = tpu.memref_slice %arg2[%dma_wait3A_373, %mul3A_2] : memref<20x16384xi32, #tpu.memory_space<hbm>> -> memref<1x512xi32, #tpu.memory_space<hbm>>
    %dma_wait3A_379 = tpu.memref_squeeze %dma_wait3A_378 : memref<1x512xi32, #tpu.memory_space<hbm>> -> memref<512xi32, #tpu.memory_space<hbm>>
    %dma_wait3A_380 = arith.constant 0 : i32
    %dma_wait3A_381 = tpu.memref_slice %arg5[%dma_wait3A_374, %dma_wait3A_380] : memref<20x512xi32, #tpu.memory_space<vmem>> -> memref<1x512xi32, #tpu.memory_space<vmem>>
    %dma_wait3A_382 = tpu.memref_squeeze %dma_wait3A_381 : memref<1x512xi32, #tpu.memory_space<vmem>> -> memref<512xi32, #tpu.memory_space<vmem>>
    %dma_wait3A_383 = tpu.memref_slice %arg2[%dma_wait3A_373, %mul3A_2] : memref<20x16384xi32, #tpu.memory_space<hbm>> -> memref<1x512xi32, #tpu.memory_space<hbm>>
    %dma_wait3A_384 = tpu.memref_squeeze %dma_wait3A_383 : memref<1x512xi32, #tpu.memory_space<hbm>> -> memref<512xi32, #tpu.memory_space<hbm>>
    tpu.wait_dma2 semaphore(%arg9 : memref<!tpu.dma_semaphore, #tpu.memory_space<semaphore_mem>>) src(%dma_wait3A_384 : memref<512xi32, #tpu.memory_space<hbm>>) dst(%dma_wait3A_382 : memref<512xi32, #tpu.memory_space<vmem>>)
    %dma_wait3A_385 = arith.constant 12 : i32
    %dma_wait3A_386 = arith.constant 12 : i32
    %dma_wait3A_387 = arith.constant 0 : i32
    %dma_wait3A_388 = tpu.memref_slice %arg5[%dma_wait3A_386, %dma_wait3A_387] : memref<20x512xi32, #tpu.memory_space<vmem>> -> memref<1x512xi32, #tpu.memory_space<vmem>>
    %dma_wait3A_389 = tpu.memref_squeeze %dma_wait3A_388 : memref<1x512xi32, #tpu.memory_space<vmem>> -> memref<512xi32, #tpu.memory_space<vmem>>
    %dma_wait3A_390 = tpu.memref_slice %arg2[%dma_wait3A_385, %mul3A_2] : memref<20x16384xi32, #tpu.memory_space<hbm>> -> memref<1x512xi32, #tpu.memory_space<hbm>>
    %dma_wait3A_391 = tpu.memref_squeeze %dma_wait3A_390 : memref<1x512xi32, #tpu.memory_space<hbm>> -> memref<512xi32, #tpu.memory_space<hbm>>
    %dma_wait3A_392 = arith.constant 0 : i32
    %dma_wait3A_393 = tpu.memref_slice %arg5[%dma_wait3A_386, %dma_wait3A_392] : memref<20x512xi32, #tpu.memory_space<vmem>> -> memref<1x512xi32, #tpu.memory_space<vmem>>
    %dma_wait3A_394 = tpu.memref_squeeze %dma_wait3A_393 : memref<1x512xi32, #tpu.memory_space<vmem>> -> memref<512xi32, #tpu.memory_space<vmem>>
    %dma_wait3A_395 = tpu.memref_slice %arg2[%dma_wait3A_385, %mul3A_2] : memref<20x16384xi32, #tpu.memory_space<hbm>> -> memref<1x512xi32, #tpu.memory_space<hbm>>
    %dma_wait3A_396 = tpu.memref_squeeze %dma_wait3A_395 : memref<1x512xi32, #tpu.memory_space<hbm>> -> memref<512xi32, #tpu.memory_space<hbm>>
    tpu.wait_dma2 semaphore(%arg9 : memref<!tpu.dma_semaphore, #tpu.memory_space<semaphore_mem>>) src(%dma_wait3A_396 : memref<512xi32, #tpu.memory_space<hbm>>) dst(%dma_wait3A_394 : memref<512xi32, #tpu.memory_space<vmem>>)
    %dma_wait3A_397 = arith.constant 13 : i32
    %dma_wait3A_398 = arith.constant 13 : i32
    %dma_wait3A_399 = arith.constant 0 : i32
    %dma_wait3A_400 = tpu.memref_slice %arg5[%dma_wait3A_398, %dma_wait3A_399] : memref<20x512xi32, #tpu.memory_space<vmem>> -> memref<1x512xi32, #tpu.memory_space<vmem>>
    %dma_wait3A_401 = tpu.memref_squeeze %dma_wait3A_400 : memref<1x512xi32, #tpu.memory_space<vmem>> -> memref<512xi32, #tpu.memory_space<vmem>>
    %dma_wait3A_402 = tpu.memref_slice %arg2[%dma_wait3A_397, %mul3A_2] : memref<20x16384xi32, #tpu.memory_space<hbm>> -> memref<1x512xi32, #tpu.memory_space<hbm>>
    %dma_wait3A_403 = tpu.memref_squeeze %dma_wait3A_402 : memref<1x512xi32, #tpu.memory_space<hbm>> -> memref<512xi32, #tpu.memory_space<hbm>>
    %dma_wait3A_404 = arith.constant 0 : i32
    %dma_wait3A_405 = tpu.memref_slice %arg5[%dma_wait3A_398, %dma_wait3A_404] : memref<20x512xi32, #tpu.memory_space<vmem>> -> memref<1x512xi32, #tpu.memory_space<vmem>>
    %dma_wait3A_406 = tpu.memref_squeeze %dma_wait3A_405 : memref<1x512xi32, #tpu.memory_space<vmem>> -> memref<512xi32, #tpu.memory_space<vmem>>
    %dma_wait3A_407 = tpu.memref_slice %arg2[%dma_wait3A_397, %mul3A_2] : memref<20x16384xi32, #tpu.memory_space<hbm>> -> memref<1x512xi32, #tpu.memory_space<hbm>>
    %dma_wait3A_408 = tpu.memref_squeeze %dma_wait3A_407 : memref<1x512xi32, #tpu.memory_space<hbm>> -> memref<512xi32, #tpu.memory_space<hbm>>
    tpu.wait_dma2 semaphore(%arg9 : memref<!tpu.dma_semaphore, #tpu.memory_space<semaphore_mem>>) src(%dma_wait3A_408 : memref<512xi32, #tpu.memory_space<hbm>>) dst(%dma_wait3A_406 : memref<512xi32, #tpu.memory_space<vmem>>)
    %dma_wait3A_409 = arith.constant 14 : i32
    %dma_wait3A_410 = arith.constant 14 : i32
    %dma_wait3A_411 = arith.constant 0 : i32
    %dma_wait3A_412 = tpu.memref_slice %arg5[%dma_wait3A_410, %dma_wait3A_411] : memref<20x512xi32, #tpu.memory_space<vmem>> -> memref<1x512xi32, #tpu.memory_space<vmem>>
    %dma_wait3A_413 = tpu.memref_squeeze %dma_wait3A_412 : memref<1x512xi32, #tpu.memory_space<vmem>> -> memref<512xi32, #tpu.memory_space<vmem>>
    %dma_wait3A_414 = tpu.memref_slice %arg2[%dma_wait3A_409, %mul3A_2] : memref<20x16384xi32, #tpu.memory_space<hbm>> -> memref<1x512xi32, #tpu.memory_space<hbm>>
    %dma_wait3A_415 = tpu.memref_squeeze %dma_wait3A_414 : memref<1x512xi32, #tpu.memory_space<hbm>> -> memref<512xi32, #tpu.memory_space<hbm>>
    %dma_wait3A_416 = arith.constant 0 : i32
    %dma_wait3A_417 = tpu.memref_slice %arg5[%dma_wait3A_410, %dma_wait3A_416] : memref<20x512xi32, #tpu.memory_space<vmem>> -> memref<1x512xi32, #tpu.memory_space<vmem>>
    %dma_wait3A_418 = tpu.memref_squeeze %dma_wait3A_417 : memref<1x512xi32, #tpu.memory_space<vmem>> -> memref<512xi32, #tpu.memory_space<vmem>>
    %dma_wait3A_419 = tpu.memref_slice %arg2[%dma_wait3A_409, %mul3A_2] : memref<20x16384xi32, #tpu.memory_space<hbm>> -> memref<1x512xi32, #tpu.memory_space<hbm>>
    %dma_wait3A_420 = tpu.memref_squeeze %dma_wait3A_419 : memref<1x512xi32, #tpu.memory_space<hbm>> -> memref<512xi32, #tpu.memory_space<hbm>>
    tpu.wait_dma2 semaphore(%arg9 : memref<!tpu.dma_semaphore, #tpu.memory_space<semaphore_mem>>) src(%dma_wait3A_420 : memref<512xi32, #tpu.memory_space<hbm>>) dst(%dma_wait3A_418 : memref<512xi32, #tpu.memory_space<vmem>>)
    %dma_wait3A_421 = arith.constant 15 : i32
    %dma_wait3A_422 = arith.constant 15 : i32
    %dma_wait3A_423 = arith.constant 0 : i32
    %dma_wait3A_424 = tpu.memref_slice %arg5[%dma_wait3A_422, %dma_wait3A_423] : memref<20x512xi32, #tpu.memory_space<vmem>> -> memref<1x512xi32, #tpu.memory_space<vmem>>
    %dma_wait3A_425 = tpu.memref_squeeze %dma_wait3A_424 : memref<1x512xi32, #tpu.memory_space<vmem>> -> memref<512xi32, #tpu.memory_space<vmem>>
    %dma_wait3A_426 = tpu.memref_slice %arg2[%dma_wait3A_421, %mul3A_2] : memref<20x16384xi32, #tpu.memory_space<hbm>> -> memref<1x512xi32, #tpu.memory_space<hbm>>
    %dma_wait3A_427 = tpu.memref_squeeze %dma_wait3A_426 : memref<1x512xi32, #tpu.memory_space<hbm>> -> memref<512xi32, #tpu.memory_space<hbm>>
    %dma_wait3A_428 = arith.constant 0 : i32
    %dma_wait3A_429 = tpu.memref_slice %arg5[%dma_wait3A_422, %dma_wait3A_428] : memref<20x512xi32, #tpu.memory_space<vmem>> -> memref<1x512xi32, #tpu.memory_space<vmem>>
    %dma_wait3A_430 = tpu.memref_squeeze %dma_wait3A_429 : memref<1x512xi32, #tpu.memory_space<vmem>> -> memref<512xi32, #tpu.memory_space<vmem>>
    %dma_wait3A_431 = tpu.memref_slice %arg2[%dma_wait3A_421, %mul3A_2] : memref<20x16384xi32, #tpu.memory_space<hbm>> -> memref<1x512xi32, #tpu.memory_space<hbm>>
    %dma_wait3A_432 = tpu.memref_squeeze %dma_wait3A_431 : memref<1x512xi32, #tpu.memory_space<hbm>> -> memref<512xi32, #tpu.memory_space<hbm>>
    tpu.wait_dma2 semaphore(%arg9 : memref<!tpu.dma_semaphore, #tpu.memory_space<semaphore_mem>>) src(%dma_wait3A_432 : memref<512xi32, #tpu.memory_space<hbm>>) dst(%dma_wait3A_430 : memref<512xi32, #tpu.memory_space<vmem>>)
    %dma_wait3A_433 = arith.constant 16 : i32
    %dma_wait3A_434 = arith.constant 16 : i32
    %dma_wait3A_435 = arith.constant 0 : i32
    %dma_wait3A_436 = tpu.memref_slice %arg5[%dma_wait3A_434, %dma_wait3A_435] : memref<20x512xi32, #tpu.memory_space<vmem>> -> memref<1x512xi32, #tpu.memory_space<vmem>>
    %dma_wait3A_437 = tpu.memref_squeeze %dma_wait3A_436 : memref<1x512xi32, #tpu.memory_space<vmem>> -> memref<512xi32, #tpu.memory_space<vmem>>
    %dma_wait3A_438 = tpu.memref_slice %arg2[%dma_wait3A_433, %mul3A_2] : memref<20x16384xi32, #tpu.memory_space<hbm>> -> memref<1x512xi32, #tpu.memory_space<hbm>>
    %dma_wait3A_439 = tpu.memref_squeeze %dma_wait3A_438 : memref<1x512xi32, #tpu.memory_space<hbm>> -> memref<512xi32, #tpu.memory_space<hbm>>
    %dma_wait3A_440 = arith.constant 0 : i32
    %dma_wait3A_441 = tpu.memref_slice %arg5[%dma_wait3A_434, %dma_wait3A_440] : memref<20x512xi32, #tpu.memory_space<vmem>> -> memref<1x512xi32, #tpu.memory_space<vmem>>
    %dma_wait3A_442 = tpu.memref_squeeze %dma_wait3A_441 : memref<1x512xi32, #tpu.memory_space<vmem>> -> memref<512xi32, #tpu.memory_space<vmem>>
    %dma_wait3A_443 = tpu.memref_slice %arg2[%dma_wait3A_433, %mul3A_2] : memref<20x16384xi32, #tpu.memory_space<hbm>> -> memref<1x512xi32, #tpu.memory_space<hbm>>
    %dma_wait3A_444 = tpu.memref_squeeze %dma_wait3A_443 : memref<1x512xi32, #tpu.memory_space<hbm>> -> memref<512xi32, #tpu.memory_space<hbm>>
    tpu.wait_dma2 semaphore(%arg9 : memref<!tpu.dma_semaphore, #tpu.memory_space<semaphore_mem>>) src(%dma_wait3A_444 : memref<512xi32, #tpu.memory_space<hbm>>) dst(%dma_wait3A_442 : memref<512xi32, #tpu.memory_space<vmem>>)
    %dma_wait3A_445 = arith.constant 17 : i32
    %dma_wait3A_446 = arith.constant 17 : i32
    %dma_wait3A_447 = arith.constant 0 : i32
    %dma_wait3A_448 = tpu.memref_slice %arg5[%dma_wait3A_446, %dma_wait3A_447] : memref<20x512xi32, #tpu.memory_space<vmem>> -> memref<1x512xi32, #tpu.memory_space<vmem>>
    %dma_wait3A_449 = tpu.memref_squeeze %dma_wait3A_448 : memref<1x512xi32, #tpu.memory_space<vmem>> -> memref<512xi32, #tpu.memory_space<vmem>>
    %dma_wait3A_450 = tpu.memref_slice %arg2[%dma_wait3A_445, %mul3A_2] : memref<20x16384xi32, #tpu.memory_space<hbm>> -> memref<1x512xi32, #tpu.memory_space<hbm>>
    %dma_wait3A_451 = tpu.memref_squeeze %dma_wait3A_450 : memref<1x512xi32, #tpu.memory_space<hbm>> -> memref<512xi32, #tpu.memory_space<hbm>>
    %dma_wait3A_452 = arith.constant 0 : i32
    %dma_wait3A_453 = tpu.memref_slice %arg5[%dma_wait3A_446, %dma_wait3A_452] : memref<20x512xi32, #tpu.memory_space<vmem>> -> memref<1x512xi32, #tpu.memory_space<vmem>>
    %dma_wait3A_454 = tpu.memref_squeeze %dma_wait3A_453 : memref<1x512xi32, #tpu.memory_space<vmem>> -> memref<512xi32, #tpu.memory_space<vmem>>
    %dma_wait3A_455 = tpu.memref_slice %arg2[%dma_wait3A_445, %mul3A_2] : memref<20x16384xi32, #tpu.memory_space<hbm>> -> memref<1x512xi32, #tpu.memory_space<hbm>>
    %dma_wait3A_456 = tpu.memref_squeeze %dma_wait3A_455 : memref<1x512xi32, #tpu.memory_space<hbm>> -> memref<512xi32, #tpu.memory_space<hbm>>
    tpu.wait_dma2 semaphore(%arg9 : memref<!tpu.dma_semaphore, #tpu.memory_space<semaphore_mem>>) src(%dma_wait3A_456 : memref<512xi32, #tpu.memory_space<hbm>>) dst(%dma_wait3A_454 : memref<512xi32, #tpu.memory_space<vmem>>)
    %dma_wait3A_457 = arith.constant 18 : i32
    %dma_wait3A_458 = arith.constant 18 : i32
    %dma_wait3A_459 = arith.constant 0 : i32
    %dma_wait3A_460 = tpu.memref_slice %arg5[%dma_wait3A_458, %dma_wait3A_459] : memref<20x512xi32, #tpu.memory_space<vmem>> -> memref<1x512xi32, #tpu.memory_space<vmem>>
    %dma_wait3A_461 = tpu.memref_squeeze %dma_wait3A_460 : memref<1x512xi32, #tpu.memory_space<vmem>> -> memref<512xi32, #tpu.memory_space<vmem>>
    %dma_wait3A_462 = tpu.memref_slice %arg2[%dma_wait3A_457, %mul3A_2] : memref<20x16384xi32, #tpu.memory_space<hbm>> -> memref<1x512xi32, #tpu.memory_space<hbm>>
    %dma_wait3A_463 = tpu.memref_squeeze %dma_wait3A_462 : memref<1x512xi32, #tpu.memory_space<hbm>> -> memref<512xi32, #tpu.memory_space<hbm>>
    %dma_wait3A_464 = arith.constant 0 : i32
    %dma_wait3A_465 = tpu.memref_slice %arg5[%dma_wait3A_458, %dma_wait3A_464] : memref<20x512xi32, #tpu.memory_space<vmem>> -> memref<1x512xi32, #tpu.memory_space<vmem>>
    %dma_wait3A_466 = tpu.memref_squeeze %dma_wait3A_465 : memref<1x512xi32, #tpu.memory_space<vmem>> -> memref<512xi32, #tpu.memory_space<vmem>>
    %dma_wait3A_467 = tpu.memref_slice %arg2[%dma_wait3A_457, %mul3A_2] : memref<20x16384xi32, #tpu.memory_space<hbm>> -> memref<1x512xi32, #tpu.memory_space<hbm>>
    %dma_wait3A_468 = tpu.memref_squeeze %dma_wait3A_467 : memref<1x512xi32, #tpu.memory_space<hbm>> -> memref<512xi32, #tpu.memory_space<hbm>>
    tpu.wait_dma2 semaphore(%arg9 : memref<!tpu.dma_semaphore, #tpu.memory_space<semaphore_mem>>) src(%dma_wait3A_468 : memref<512xi32, #tpu.memory_space<hbm>>) dst(%dma_wait3A_466 : memref<512xi32, #tpu.memory_space<vmem>>)
    %dma_wait3A_469 = arith.constant 19 : i32
    %dma_wait3A_470 = arith.constant 19 : i32
    %dma_wait3A_471 = arith.constant 0 : i32
    %dma_wait3A_472 = tpu.memref_slice %arg5[%dma_wait3A_470, %dma_wait3A_471] : memref<20x512xi32, #tpu.memory_space<vmem>> -> memref<1x512xi32, #tpu.memory_space<vmem>>
    %dma_wait3A_473 = tpu.memref_squeeze %dma_wait3A_472 : memref<1x512xi32, #tpu.memory_space<vmem>> -> memref<512xi32, #tpu.memory_space<vmem>>
    %dma_wait3A_474 = tpu.memref_slice %arg2[%dma_wait3A_469, %mul3A_2] : memref<20x16384xi32, #tpu.memory_space<hbm>> -> memref<1x512xi32, #tpu.memory_space<hbm>>
    %dma_wait3A_475 = tpu.memref_squeeze %dma_wait3A_474 : memref<1x512xi32, #tpu.memory_space<hbm>> -> memref<512xi32, #tpu.memory_space<hbm>>
    %dma_wait3A_476 = arith.constant 0 : i32
    %dma_wait3A_477 = tpu.memref_slice %arg5[%dma_wait3A_470, %dma_wait3A_476] : memref<20x512xi32, #tpu.memory_space<vmem>> -> memref<1x512xi32, #tpu.memory_space<vmem>>
    %dma_wait3A_478 = tpu.memref_squeeze %dma_wait3A_477 : memref<1x512xi32, #tpu.memory_space<vmem>> -> memref<512xi32, #tpu.memory_space<vmem>>
    %dma_wait3A_479 = tpu.memref_slice %arg2[%dma_wait3A_469, %mul3A_2] : memref<20x16384xi32, #tpu.memory_space<hbm>> -> memref<1x512xi32, #tpu.memory_space<hbm>>
    %dma_wait3A_480 = tpu.memref_squeeze %dma_wait3A_479 : memref<1x512xi32, #tpu.memory_space<hbm>> -> memref<512xi32, #tpu.memory_space<hbm>>
    tpu.wait_dma2 semaphore(%arg9 : memref<!tpu.dma_semaphore, #tpu.memory_space<semaphore_mem>>) src(%dma_wait3A_480 : memref<512xi32, #tpu.memory_space<hbm>>) dst(%dma_wait3A_478 : memref<512xi32, #tpu.memory_space<vmem>>)
    %dma_start3A_481 = arith.constant 0 : i32
    %dma_start3A_482 = arith.constant 0 : i32
    %dma_start3A_483 = arith.constant 0 : i32
    %dma_start3A_484 = arith.constant 0 : i32
    %dma_start3A_485 = arith.constant 0 : i32
    %dma_start3A_486 = tpu.memref_slice %arg6[%dma_start3A_482, %dma_start3A_484, %dma_start3A_485] : memref<6x512x32xf32, #tpu.memory_space<vmem>> -> memref<1x512x32xf32, #tpu.memory_space<vmem>>
    %dma_start3A_487 = tpu.memref_squeeze %dma_start3A_486 : memref<1x512x32xf32, #tpu.memory_space<vmem>> -> memref<512x32xf32, #tpu.memory_space<vmem>>
    %dma_start3A_488 = arith.constant 0 : i32
    %dma_start3A_489 = tpu.memref_slice %arg5[%dma_start3A_481, %dma_start3A_488] : memref<20x512xi32, #tpu.memory_space<vmem>> -> memref<1x512xi32, #tpu.memory_space<vmem>>
    %dma_start3A_490 = tpu.memref_squeeze %dma_start3A_489 : memref<1x512xi32, #tpu.memory_space<vmem>> -> memref<512xi32, #tpu.memory_space<vmem>>
    %dma_start3A_491 = arith.constant 0 : i32
    %dma_start3A_492 = arith.constant 0 : i32
    %dma_start3A_493 = tpu.memref_slice %arg3[%dma_start3A_491, %dma_start3A_492] : memref<1000000x32xf32, #tpu.memory_space<hbm>> -> memref<1000000x32xf32, #tpu.memory_space<hbm>>
    %dma_start3A_494 = tpu.memref_slice %arg7[%dma_start3A_483] : memref<6x!tpu.dma_semaphore, #tpu.memory_space<semaphore_mem>> -> memref<1x!tpu.dma_semaphore, #tpu.memory_space<semaphore_mem>>
    %dma_start3A_495 = tpu.memref_squeeze %dma_start3A_494 : memref<1x!tpu.dma_semaphore, #tpu.memory_space<semaphore_mem>> -> memref<!tpu.dma_semaphore, #tpu.memory_space<semaphore_mem>>
    tpu.enqueue_indirect_dma source(%dma_start3A_493 : memref<1000000x32xf32, #tpu.memory_space<hbm>>) target(%dma_start3A_487 : memref<512x32xf32, #tpu.memory_space<vmem>>) offsets(%dma_start3A_490 : memref<512xi32, #tpu.memory_space<vmem>>) semaphore(%dma_start3A_495 : memref<!tpu.dma_semaphore, #tpu.memory_space<semaphore_mem>>)
    %dma_start3A_496 = arith.constant 1 : i32
    %dma_start3A_497 = arith.constant 1 : i32
    %dma_start3A_498 = arith.constant 1 : i32
    %dma_start3A_499 = arith.constant 0 : i32
    %dma_start3A_500 = arith.constant 0 : i32
    %dma_start3A_501 = tpu.memref_slice %arg6[%dma_start3A_497, %dma_start3A_499, %dma_start3A_500] : memref<6x512x32xf32, #tpu.memory_space<vmem>> -> memref<1x512x32xf32, #tpu.memory_space<vmem>>
    %dma_start3A_502 = tpu.memref_squeeze %dma_start3A_501 : memref<1x512x32xf32, #tpu.memory_space<vmem>> -> memref<512x32xf32, #tpu.memory_space<vmem>>
    %dma_start3A_503 = arith.constant 0 : i32
    %dma_start3A_504 = tpu.memref_slice %arg5[%dma_start3A_496, %dma_start3A_503] : memref<20x512xi32, #tpu.memory_space<vmem>> -> memref<1x512xi32, #tpu.memory_space<vmem>>
    %dma_start3A_505 = tpu.memref_squeeze %dma_start3A_504 : memref<1x512xi32, #tpu.memory_space<vmem>> -> memref<512xi32, #tpu.memory_space<vmem>>
    %dma_start3A_506 = arith.constant 0 : i32
    %dma_start3A_507 = arith.constant 0 : i32
    %dma_start3A_508 = tpu.memref_slice %arg3[%dma_start3A_506, %dma_start3A_507] : memref<1000000x32xf32, #tpu.memory_space<hbm>> -> memref<1000000x32xf32, #tpu.memory_space<hbm>>
    %dma_start3A_509 = tpu.memref_slice %arg7[%dma_start3A_498] : memref<6x!tpu.dma_semaphore, #tpu.memory_space<semaphore_mem>> -> memref<1x!tpu.dma_semaphore, #tpu.memory_space<semaphore_mem>>
    %dma_start3A_510 = tpu.memref_squeeze %dma_start3A_509 : memref<1x!tpu.dma_semaphore, #tpu.memory_space<semaphore_mem>> -> memref<!tpu.dma_semaphore, #tpu.memory_space<semaphore_mem>>
    tpu.enqueue_indirect_dma source(%dma_start3A_508 : memref<1000000x32xf32, #tpu.memory_space<hbm>>) target(%dma_start3A_502 : memref<512x32xf32, #tpu.memory_space<vmem>>) offsets(%dma_start3A_505 : memref<512xi32, #tpu.memory_space<vmem>>) semaphore(%dma_start3A_510 : memref<!tpu.dma_semaphore, #tpu.memory_space<semaphore_mem>>)
    %dma_start3A_511 = arith.constant 2 : i32
    %dma_start3A_512 = arith.constant 2 : i32
    %dma_start3A_513 = arith.constant 2 : i32
    %dma_start3A_514 = arith.constant 0 : i32
    %dma_start3A_515 = arith.constant 0 : i32
    %dma_start3A_516 = tpu.memref_slice %arg6[%dma_start3A_512, %dma_start3A_514, %dma_start3A_515] : memref<6x512x32xf32, #tpu.memory_space<vmem>> -> memref<1x512x32xf32, #tpu.memory_space<vmem>>
    %dma_start3A_517 = tpu.memref_squeeze %dma_start3A_516 : memref<1x512x32xf32, #tpu.memory_space<vmem>> -> memref<512x32xf32, #tpu.memory_space<vmem>>
    %dma_start3A_518 = arith.constant 0 : i32
    %dma_start3A_519 = tpu.memref_slice %arg5[%dma_start3A_511, %dma_start3A_518] : memref<20x512xi32, #tpu.memory_space<vmem>> -> memref<1x512xi32, #tpu.memory_space<vmem>>
    %dma_start3A_520 = tpu.memref_squeeze %dma_start3A_519 : memref<1x512xi32, #tpu.memory_space<vmem>> -> memref<512xi32, #tpu.memory_space<vmem>>
    %dma_start3A_521 = arith.constant 0 : i32
    %dma_start3A_522 = arith.constant 0 : i32
    %dma_start3A_523 = tpu.memref_slice %arg3[%dma_start3A_521, %dma_start3A_522] : memref<1000000x32xf32, #tpu.memory_space<hbm>> -> memref<1000000x32xf32, #tpu.memory_space<hbm>>
    %dma_start3A_524 = tpu.memref_slice %arg7[%dma_start3A_513] : memref<6x!tpu.dma_semaphore, #tpu.memory_space<semaphore_mem>> -> memref<1x!tpu.dma_semaphore, #tpu.memory_space<semaphore_mem>>
    %dma_start3A_525 = tpu.memref_squeeze %dma_start3A_524 : memref<1x!tpu.dma_semaphore, #tpu.memory_space<semaphore_mem>> -> memref<!tpu.dma_semaphore, #tpu.memory_space<semaphore_mem>>
    tpu.enqueue_indirect_dma source(%dma_start3A_523 : memref<1000000x32xf32, #tpu.memory_space<hbm>>) target(%dma_start3A_517 : memref<512x32xf32, #tpu.memory_space<vmem>>) offsets(%dma_start3A_520 : memref<512xi32, #tpu.memory_space<vmem>>) semaphore(%dma_start3A_525 : memref<!tpu.dma_semaphore, #tpu.memory_space<semaphore_mem>>)
    %dma_start3A_526 = arith.constant 3 : i32
    %dma_start3A_527 = arith.constant 3 : i32
    %dma_start3A_528 = arith.constant 3 : i32
    %dma_start3A_529 = arith.constant 0 : i32
    %dma_start3A_530 = arith.constant 0 : i32
    %dma_start3A_531 = tpu.memref_slice %arg6[%dma_start3A_527, %dma_start3A_529, %dma_start3A_530] : memref<6x512x32xf32, #tpu.memory_space<vmem>> -> memref<1x512x32xf32, #tpu.memory_space<vmem>>
    %dma_start3A_532 = tpu.memref_squeeze %dma_start3A_531 : memref<1x512x32xf32, #tpu.memory_space<vmem>> -> memref<512x32xf32, #tpu.memory_space<vmem>>
    %dma_start3A_533 = arith.constant 0 : i32
    %dma_start3A_534 = tpu.memref_slice %arg5[%dma_start3A_526, %dma_start3A_533] : memref<20x512xi32, #tpu.memory_space<vmem>> -> memref<1x512xi32, #tpu.memory_space<vmem>>
    %dma_start3A_535 = tpu.memref_squeeze %dma_start3A_534 : memref<1x512xi32, #tpu.memory_space<vmem>> -> memref<512xi32, #tpu.memory_space<vmem>>
    %dma_start3A_536 = arith.constant 0 : i32
    %dma_start3A_537 = arith.constant 0 : i32
    %dma_start3A_538 = tpu.memref_slice %arg3[%dma_start3A_536, %dma_start3A_537] : memref<1000000x32xf32, #tpu.memory_space<hbm>> -> memref<1000000x32xf32, #tpu.memory_space<hbm>>
    %dma_start3A_539 = tpu.memref_slice %arg7[%dma_start3A_528] : memref<6x!tpu.dma_semaphore, #tpu.memory_space<semaphore_mem>> -> memref<1x!tpu.dma_semaphore, #tpu.memory_space<semaphore_mem>>
    %dma_start3A_540 = tpu.memref_squeeze %dma_start3A_539 : memref<1x!tpu.dma_semaphore, #tpu.memory_space<semaphore_mem>> -> memref<!tpu.dma_semaphore, #tpu.memory_space<semaphore_mem>>
    tpu.enqueue_indirect_dma source(%dma_start3A_538 : memref<1000000x32xf32, #tpu.memory_space<hbm>>) target(%dma_start3A_532 : memref<512x32xf32, #tpu.memory_space<vmem>>) offsets(%dma_start3A_535 : memref<512xi32, #tpu.memory_space<vmem>>) semaphore(%dma_start3A_540 : memref<!tpu.dma_semaphore, #tpu.memory_space<semaphore_mem>>)
    %dma_start3A_541 = arith.constant 4 : i32
    %dma_start3A_542 = arith.constant 4 : i32
    %dma_start3A_543 = arith.constant 4 : i32
    %dma_start3A_544 = arith.constant 0 : i32
    %dma_start3A_545 = arith.constant 0 : i32
    %dma_start3A_546 = tpu.memref_slice %arg6[%dma_start3A_542, %dma_start3A_544, %dma_start3A_545] : memref<6x512x32xf32, #tpu.memory_space<vmem>> -> memref<1x512x32xf32, #tpu.memory_space<vmem>>
    %dma_start3A_547 = tpu.memref_squeeze %dma_start3A_546 : memref<1x512x32xf32, #tpu.memory_space<vmem>> -> memref<512x32xf32, #tpu.memory_space<vmem>>
    %dma_start3A_548 = arith.constant 0 : i32
    %dma_start3A_549 = tpu.memref_slice %arg5[%dma_start3A_541, %dma_start3A_548] : memref<20x512xi32, #tpu.memory_space<vmem>> -> memref<1x512xi32, #tpu.memory_space<vmem>>
    %dma_start3A_550 = tpu.memref_squeeze %dma_start3A_549 : memref<1x512xi32, #tpu.memory_space<vmem>> -> memref<512xi32, #tpu.memory_space<vmem>>
    %dma_start3A_551 = arith.constant 0 : i32
    %dma_start3A_552 = arith.constant 0 : i32
    %dma_start3A_553 = tpu.memref_slice %arg3[%dma_start3A_551, %dma_start3A_552] : memref<1000000x32xf32, #tpu.memory_space<hbm>> -> memref<1000000x32xf32, #tpu.memory_space<hbm>>
    %dma_start3A_554 = tpu.memref_slice %arg7[%dma_start3A_543] : memref<6x!tpu.dma_semaphore, #tpu.memory_space<semaphore_mem>> -> memref<1x!tpu.dma_semaphore, #tpu.memory_space<semaphore_mem>>
    %dma_start3A_555 = tpu.memref_squeeze %dma_start3A_554 : memref<1x!tpu.dma_semaphore, #tpu.memory_space<semaphore_mem>> -> memref<!tpu.dma_semaphore, #tpu.memory_space<semaphore_mem>>
    tpu.enqueue_indirect_dma source(%dma_start3A_553 : memref<1000000x32xf32, #tpu.memory_space<hbm>>) target(%dma_start3A_547 : memref<512x32xf32, #tpu.memory_space<vmem>>) offsets(%dma_start3A_550 : memref<512xi32, #tpu.memory_space<vmem>>) semaphore(%dma_start3A_555 : memref<!tpu.dma_semaphore, #tpu.memory_space<semaphore_mem>>)
    %dma_start3A_556 = arith.constant 5 : i32
    %dma_start3A_557 = arith.constant 5 : i32
    %dma_start3A_558 = arith.constant 5 : i32
    %dma_start3A_559 = arith.constant 0 : i32
    %dma_start3A_560 = arith.constant 0 : i32
    %dma_start3A_561 = tpu.memref_slice %arg6[%dma_start3A_557, %dma_start3A_559, %dma_start3A_560] : memref<6x512x32xf32, #tpu.memory_space<vmem>> -> memref<1x512x32xf32, #tpu.memory_space<vmem>>
    %dma_start3A_562 = tpu.memref_squeeze %dma_start3A_561 : memref<1x512x32xf32, #tpu.memory_space<vmem>> -> memref<512x32xf32, #tpu.memory_space<vmem>>
    %dma_start3A_563 = arith.constant 0 : i32
    %dma_start3A_564 = tpu.memref_slice %arg5[%dma_start3A_556, %dma_start3A_563] : memref<20x512xi32, #tpu.memory_space<vmem>> -> memref<1x512xi32, #tpu.memory_space<vmem>>
    %dma_start3A_565 = tpu.memref_squeeze %dma_start3A_564 : memref<1x512xi32, #tpu.memory_space<vmem>> -> memref<512xi32, #tpu.memory_space<vmem>>
    %dma_start3A_566 = arith.constant 0 : i32
    %dma_start3A_567 = arith.constant 0 : i32
    %dma_start3A_568 = tpu.memref_slice %arg3[%dma_start3A_566, %dma_start3A_567] : memref<1000000x32xf32, #tpu.memory_space<hbm>> -> memref<1000000x32xf32, #tpu.memory_space<hbm>>
    %dma_start3A_569 = tpu.memref_slice %arg7[%dma_start3A_558] : memref<6x!tpu.dma_semaphore, #tpu.memory_space<semaphore_mem>> -> memref<1x!tpu.dma_semaphore, #tpu.memory_space<semaphore_mem>>
    %dma_start3A_570 = tpu.memref_squeeze %dma_start3A_569 : memref<1x!tpu.dma_semaphore, #tpu.memory_space<semaphore_mem>> -> memref<!tpu.dma_semaphore, #tpu.memory_space<semaphore_mem>>
    tpu.enqueue_indirect_dma source(%dma_start3A_568 : memref<1000000x32xf32, #tpu.memory_space<hbm>>) target(%dma_start3A_562 : memref<512x32xf32, #tpu.memory_space<vmem>>) offsets(%dma_start3A_565 : memref<512xi32, #tpu.memory_space<vmem>>) semaphore(%dma_start3A_570 : memref<!tpu.dma_semaphore, #tpu.memory_space<semaphore_mem>>)
    %dma_wait3A_571 = arith.constant 0 : i32
    %dma_wait3A_572 = arith.constant 0 : i32
    %dma_wait3A_573 = arith.constant 0 : i32
    %dma_wait3A_574 = arith.constant 0 : i32
    %dma_wait3A_575 = arith.constant 0 : i32
    %dma_wait3A_576 = tpu.memref_slice %arg6[%dma_wait3A_572, %dma_wait3A_574, %dma_wait3A_575] : memref<6x512x32xf32, #tpu.memory_space<vmem>> -> memref<1x512x32xf32, #tpu.memory_space<vmem>>
    %dma_wait3A_577 = tpu.memref_squeeze %dma_wait3A_576 : memref<1x512x32xf32, #tpu.memory_space<vmem>> -> memref<512x32xf32, #tpu.memory_space<vmem>>
    %dma_wait3A_578 = arith.constant 0 : i32
    %dma_wait3A_579 = tpu.memref_slice %arg5[%dma_wait3A_571, %dma_wait3A_578] : memref<20x512xi32, #tpu.memory_space<vmem>> -> memref<1x512xi32, #tpu.memory_space<vmem>>
    %dma_wait3A_580 = tpu.memref_squeeze %dma_wait3A_579 : memref<1x512xi32, #tpu.memory_space<vmem>> -> memref<512xi32, #tpu.memory_space<vmem>>
    %dma_wait3A_581 = arith.constant 0 : i32
    %dma_wait3A_582 = arith.constant 0 : i32
    %dma_wait3A_583 = tpu.memref_slice %arg3[%dma_wait3A_581, %dma_wait3A_582] : memref<1000000x32xf32, #tpu.memory_space<hbm>> -> memref<1000000x32xf32, #tpu.memory_space<hbm>>
    %dma_wait3A_584 = tpu.memref_slice %arg7[%dma_wait3A_573] : memref<6x!tpu.dma_semaphore, #tpu.memory_space<semaphore_mem>> -> memref<1x!tpu.dma_semaphore, #tpu.memory_space<semaphore_mem>>
    %dma_wait3A_585 = tpu.memref_squeeze %dma_wait3A_584 : memref<1x!tpu.dma_semaphore, #tpu.memory_space<semaphore_mem>> -> memref<!tpu.dma_semaphore, #tpu.memory_space<semaphore_mem>>
    tpu.wait_indirect_dma semaphore(%dma_wait3A_585 : memref<!tpu.dma_semaphore, #tpu.memory_space<semaphore_mem>>) src(%dma_wait3A_583 : memref<1000000x32xf32, #tpu.memory_space<hbm>>) dst(%dma_wait3A_577 : memref<512x32xf32, #tpu.memory_space<vmem>>)
    %dma_start3A_586 = arith.constant 0 : i32
    %dma_start3A_587 = arith.constant 0 : i32
    %dma_start3A_588 = arith.constant 0 : i32
    %dma_start3A_589 = arith.constant 0 : i32
    %dma_start3A_590 = arith.constant 0 : i32
    %dma_start3A_591 = tpu.memref_slice %arg6[%dma_start3A_586, %dma_start3A_589, %dma_start3A_590] : memref<6x512x32xf32, #tpu.memory_space<vmem>> -> memref<1x512x32xf32, #tpu.memory_space<vmem>>
    %dma_start3A_592 = tpu.memref_squeeze %dma_start3A_591 : memref<1x512x32xf32, #tpu.memory_space<vmem>> -> memref<512x32xf32, #tpu.memory_space<vmem>>
    %dma_start3A_593 = arith.constant 0 : i32
    %dma_start3A_594 = tpu.memref_slice %arg4[%dma_start3A_587, %mul3A_2, %dma_start3A_593] : memref<20x16384x32xf32, #tpu.memory_space<hbm>> -> memref<1x512x32xf32, #tpu.memory_space<hbm>>
    %dma_start3A_595 = tpu.memref_squeeze %dma_start3A_594 : memref<1x512x32xf32, #tpu.memory_space<hbm>> -> memref<512x32xf32, #tpu.memory_space<hbm>>
    %dma_start3A_596 = tpu.memref_slice %arg8[%dma_start3A_588] : memref<6x!tpu.dma_semaphore, #tpu.memory_space<semaphore_mem>> -> memref<1x!tpu.dma_semaphore, #tpu.memory_space<semaphore_mem>>
    %dma_start3A_597 = tpu.memref_squeeze %dma_start3A_596 : memref<1x!tpu.dma_semaphore, #tpu.memory_space<semaphore_mem>> -> memref<!tpu.dma_semaphore, #tpu.memory_space<semaphore_mem>>
    %dma_start3A_598 = arith.constant 0 : i32
    %dma_start3A_599 = tpu.memref_slice %arg4[%dma_start3A_587, %mul3A_2, %dma_start3A_598] : memref<20x16384x32xf32, #tpu.memory_space<hbm>> -> memref<1x512x32xf32, #tpu.memory_space<hbm>>
    %dma_start3A_600 = tpu.memref_squeeze %dma_start3A_599 : memref<1x512x32xf32, #tpu.memory_space<hbm>> -> memref<512x32xf32, #tpu.memory_space<hbm>>
    %dma_start3A_601 = arith.constant 0 : i32
    %dma_start3A_602 = arith.constant 0 : i32
    %dma_start3A_603 = tpu.memref_slice %arg6[%dma_start3A_586, %dma_start3A_601, %dma_start3A_602] : memref<6x512x32xf32, #tpu.memory_space<vmem>> -> memref<1x512x32xf32, #tpu.memory_space<vmem>>
    %dma_start3A_604 = tpu.memref_squeeze %dma_start3A_603 : memref<1x512x32xf32, #tpu.memory_space<vmem>> -> memref<512x32xf32, #tpu.memory_space<vmem>>
    tpu.enqueue_dma source(%dma_start3A_604 : memref<512x32xf32, #tpu.memory_space<vmem>>) target(%dma_start3A_600 : memref<512x32xf32, #tpu.memory_space<hbm>>) target_semaphore(%dma_start3A_597 : memref<!tpu.dma_semaphore, #tpu.memory_space<semaphore_mem>>)
    %dma_wait3A_605 = arith.constant 0 : i32
    %dma_wait3A_606 = arith.constant 0 : i32
    %dma_wait3A_607 = arith.constant 0 : i32
    %dma_wait3A_608 = arith.constant 0 : i32
    %dma_wait3A_609 = arith.constant 0 : i32
    %dma_wait3A_610 = tpu.memref_slice %arg6[%dma_wait3A_605, %dma_wait3A_608, %dma_wait3A_609] : memref<6x512x32xf32, #tpu.memory_space<vmem>> -> memref<1x512x32xf32, #tpu.memory_space<vmem>>
    %dma_wait3A_611 = tpu.memref_squeeze %dma_wait3A_610 : memref<1x512x32xf32, #tpu.memory_space<vmem>> -> memref<512x32xf32, #tpu.memory_space<vmem>>
    %dma_wait3A_612 = arith.constant 0 : i32
    %dma_wait3A_613 = tpu.memref_slice %arg4[%dma_wait3A_606, %mul3A_2, %dma_wait3A_612] : memref<20x16384x32xf32, #tpu.memory_space<hbm>> -> memref<1x512x32xf32, #tpu.memory_space<hbm>>
    %dma_wait3A_614 = tpu.memref_squeeze %dma_wait3A_613 : memref<1x512x32xf32, #tpu.memory_space<hbm>> -> memref<512x32xf32, #tpu.memory_space<hbm>>
    %dma_wait3A_615 = tpu.memref_slice %arg8[%dma_wait3A_607] : memref<6x!tpu.dma_semaphore, #tpu.memory_space<semaphore_mem>> -> memref<1x!tpu.dma_semaphore, #tpu.memory_space<semaphore_mem>>
    %dma_wait3A_616 = tpu.memref_squeeze %dma_wait3A_615 : memref<1x!tpu.dma_semaphore, #tpu.memory_space<semaphore_mem>> -> memref<!tpu.dma_semaphore, #tpu.memory_space<semaphore_mem>>
    %dma_wait3A_617 = arith.constant 0 : i32
    %dma_wait3A_618 = tpu.memref_slice %arg4[%dma_wait3A_606, %mul3A_2, %dma_wait3A_617] : memref<20x16384x32xf32, #tpu.memory_space<hbm>> -> memref<1x512x32xf32, #tpu.memory_space<hbm>>
    %dma_wait3A_619 = tpu.memref_squeeze %dma_wait3A_618 : memref<1x512x32xf32, #tpu.memory_space<hbm>> -> memref<512x32xf32, #tpu.memory_space<hbm>>
    %dma_wait3A_620 = arith.constant 0 : i32
    %dma_wait3A_621 = arith.constant 0 : i32
    %dma_wait3A_622 = tpu.memref_slice %arg6[%dma_wait3A_605, %dma_wait3A_620, %dma_wait3A_621] : memref<6x512x32xf32, #tpu.memory_space<vmem>> -> memref<1x512x32xf32, #tpu.memory_space<vmem>>
    %dma_wait3A_623 = tpu.memref_squeeze %dma_wait3A_622 : memref<1x512x32xf32, #tpu.memory_space<vmem>> -> memref<512x32xf32, #tpu.memory_space<vmem>>
    tpu.wait_dma2 semaphore(%dma_wait3A_616 : memref<!tpu.dma_semaphore, #tpu.memory_space<semaphore_mem>>) src(%dma_wait3A_623 : memref<512x32xf32, #tpu.memory_space<vmem>>) dst(%dma_wait3A_619 : memref<512x32xf32, #tpu.memory_space<hbm>>)
    %dma_start3A_624 = arith.constant 6 : i32
    %dma_start3A_625 = arith.constant 0 : i32
    %dma_start3A_626 = arith.constant 0 : i32
    %dma_start3A_627 = arith.constant 0 : i32
    %dma_start3A_628 = arith.constant 0 : i32
    %dma_start3A_629 = tpu.memref_slice %arg6[%dma_start3A_625, %dma_start3A_627, %dma_start3A_628] : memref<6x512x32xf32, #tpu.memory_space<vmem>> -> memref<1x512x32xf32, #tpu.memory_space<vmem>>
    %dma_start3A_630 = tpu.memref_squeeze %dma_start3A_629 : memref<1x512x32xf32, #tpu.memory_space<vmem>> -> memref<512x32xf32, #tpu.memory_space<vmem>>
    %dma_start3A_631 = arith.constant 0 : i32
    %dma_start3A_632 = tpu.memref_slice %arg5[%dma_start3A_624, %dma_start3A_631] : memref<20x512xi32, #tpu.memory_space<vmem>> -> memref<1x512xi32, #tpu.memory_space<vmem>>
    %dma_start3A_633 = tpu.memref_squeeze %dma_start3A_632 : memref<1x512xi32, #tpu.memory_space<vmem>> -> memref<512xi32, #tpu.memory_space<vmem>>
    %dma_start3A_634 = arith.constant 0 : i32
    %dma_start3A_635 = arith.constant 0 : i32
    %dma_start3A_636 = tpu.memref_slice %arg3[%dma_start3A_634, %dma_start3A_635] : memref<1000000x32xf32, #tpu.memory_space<hbm>> -> memref<1000000x32xf32, #tpu.memory_space<hbm>>
    %dma_start3A_637 = tpu.memref_slice %arg7[%dma_start3A_626] : memref<6x!tpu.dma_semaphore, #tpu.memory_space<semaphore_mem>> -> memref<1x!tpu.dma_semaphore, #tpu.memory_space<semaphore_mem>>
    %dma_start3A_638 = tpu.memref_squeeze %dma_start3A_637 : memref<1x!tpu.dma_semaphore, #tpu.memory_space<semaphore_mem>> -> memref<!tpu.dma_semaphore, #tpu.memory_space<semaphore_mem>>
    tpu.enqueue_indirect_dma source(%dma_start3A_636 : memref<1000000x32xf32, #tpu.memory_space<hbm>>) target(%dma_start3A_630 : memref<512x32xf32, #tpu.memory_space<vmem>>) offsets(%dma_start3A_633 : memref<512xi32, #tpu.memory_space<vmem>>) semaphore(%dma_start3A_638 : memref<!tpu.dma_semaphore, #tpu.memory_space<semaphore_mem>>)
    %dma_wait3A_639 = arith.constant 1 : i32
    %dma_wait3A_640 = arith.constant 1 : i32
    %dma_wait3A_641 = arith.constant 1 : i32
    %dma_wait3A_642 = arith.constant 0 : i32
    %dma_wait3A_643 = arith.constant 0 : i32
    %dma_wait3A_644 = tpu.memref_slice %arg6[%dma_wait3A_640, %dma_wait3A_642, %dma_wait3A_643] : memref<6x512x32xf32, #tpu.memory_space<vmem>> -> memref<1x512x32xf32, #tpu.memory_space<vmem>>
    %dma_wait3A_645 = tpu.memref_squeeze %dma_wait3A_644 : memref<1x512x32xf32, #tpu.memory_space<vmem>> -> memref<512x32xf32, #tpu.memory_space<vmem>>
    %dma_wait3A_646 = arith.constant 0 : i32
    %dma_wait3A_647 = tpu.memref_slice %arg5[%dma_wait3A_639, %dma_wait3A_646] : memref<20x512xi32, #tpu.memory_space<vmem>> -> memref<1x512xi32, #tpu.memory_space<vmem>>
    %dma_wait3A_648 = tpu.memref_squeeze %dma_wait3A_647 : memref<1x512xi32, #tpu.memory_space<vmem>> -> memref<512xi32, #tpu.memory_space<vmem>>
    %dma_wait3A_649 = arith.constant 0 : i32
    %dma_wait3A_650 = arith.constant 0 : i32
    %dma_wait3A_651 = tpu.memref_slice %arg3[%dma_wait3A_649, %dma_wait3A_650] : memref<1000000x32xf32, #tpu.memory_space<hbm>> -> memref<1000000x32xf32, #tpu.memory_space<hbm>>
    %dma_wait3A_652 = tpu.memref_slice %arg7[%dma_wait3A_641] : memref<6x!tpu.dma_semaphore, #tpu.memory_space<semaphore_mem>> -> memref<1x!tpu.dma_semaphore, #tpu.memory_space<semaphore_mem>>
    %dma_wait3A_653 = tpu.memref_squeeze %dma_wait3A_652 : memref<1x!tpu.dma_semaphore, #tpu.memory_space<semaphore_mem>> -> memref<!tpu.dma_semaphore, #tpu.memory_space<semaphore_mem>>
    tpu.wait_indirect_dma semaphore(%dma_wait3A_653 : memref<!tpu.dma_semaphore, #tpu.memory_space<semaphore_mem>>) src(%dma_wait3A_651 : memref<1000000x32xf32, #tpu.memory_space<hbm>>) dst(%dma_wait3A_645 : memref<512x32xf32, #tpu.memory_space<vmem>>)
    %dma_start3A_654 = arith.constant 1 : i32
    %dma_start3A_655 = arith.constant 1 : i32
    %dma_start3A_656 = arith.constant 1 : i32
    %dma_start3A_657 = arith.constant 0 : i32
    %dma_start3A_658 = arith.constant 0 : i32
    %dma_start3A_659 = tpu.memref_slice %arg6[%dma_start3A_654, %dma_start3A_657, %dma_start3A_658] : memref<6x512x32xf32, #tpu.memory_space<vmem>> -> memref<1x512x32xf32, #tpu.memory_space<vmem>>
    %dma_start3A_660 = tpu.memref_squeeze %dma_start3A_659 : memref<1x512x32xf32, #tpu.memory_space<vmem>> -> memref<512x32xf32, #tpu.memory_space<vmem>>
    %dma_start3A_661 = arith.constant 0 : i32
    %dma_start3A_662 = tpu.memref_slice %arg4[%dma_start3A_655, %mul3A_2, %dma_start3A_661] : memref<20x16384x32xf32, #tpu.memory_space<hbm>> -> memref<1x512x32xf32, #tpu.memory_space<hbm>>
    %dma_start3A_663 = tpu.memref_squeeze %dma_start3A_662 : memref<1x512x32xf32, #tpu.memory_space<hbm>> -> memref<512x32xf32, #tpu.memory_space<hbm>>
    %dma_start3A_664 = tpu.memref_slice %arg8[%dma_start3A_656] : memref<6x!tpu.dma_semaphore, #tpu.memory_space<semaphore_mem>> -> memref<1x!tpu.dma_semaphore, #tpu.memory_space<semaphore_mem>>
    %dma_start3A_665 = tpu.memref_squeeze %dma_start3A_664 : memref<1x!tpu.dma_semaphore, #tpu.memory_space<semaphore_mem>> -> memref<!tpu.dma_semaphore, #tpu.memory_space<semaphore_mem>>
    %dma_start3A_666 = arith.constant 0 : i32
    %dma_start3A_667 = tpu.memref_slice %arg4[%dma_start3A_655, %mul3A_2, %dma_start3A_666] : memref<20x16384x32xf32, #tpu.memory_space<hbm>> -> memref<1x512x32xf32, #tpu.memory_space<hbm>>
    %dma_start3A_668 = tpu.memref_squeeze %dma_start3A_667 : memref<1x512x32xf32, #tpu.memory_space<hbm>> -> memref<512x32xf32, #tpu.memory_space<hbm>>
    %dma_start3A_669 = arith.constant 0 : i32
    %dma_start3A_670 = arith.constant 0 : i32
    %dma_start3A_671 = tpu.memref_slice %arg6[%dma_start3A_654, %dma_start3A_669, %dma_start3A_670] : memref<6x512x32xf32, #tpu.memory_space<vmem>> -> memref<1x512x32xf32, #tpu.memory_space<vmem>>
    %dma_start3A_672 = tpu.memref_squeeze %dma_start3A_671 : memref<1x512x32xf32, #tpu.memory_space<vmem>> -> memref<512x32xf32, #tpu.memory_space<vmem>>
    tpu.enqueue_dma source(%dma_start3A_672 : memref<512x32xf32, #tpu.memory_space<vmem>>) target(%dma_start3A_668 : memref<512x32xf32, #tpu.memory_space<hbm>>) target_semaphore(%dma_start3A_665 : memref<!tpu.dma_semaphore, #tpu.memory_space<semaphore_mem>>)
    %dma_wait3A_673 = arith.constant 1 : i32
    %dma_wait3A_674 = arith.constant 1 : i32
    %dma_wait3A_675 = arith.constant 1 : i32
    %dma_wait3A_676 = arith.constant 0 : i32
    %dma_wait3A_677 = arith.constant 0 : i32
    %dma_wait3A_678 = tpu.memref_slice %arg6[%dma_wait3A_673, %dma_wait3A_676, %dma_wait3A_677] : memref<6x512x32xf32, #tpu.memory_space<vmem>> -> memref<1x512x32xf32, #tpu.memory_space<vmem>>
    %dma_wait3A_679 = tpu.memref_squeeze %dma_wait3A_678 : memref<1x512x32xf32, #tpu.memory_space<vmem>> -> memref<512x32xf32, #tpu.memory_space<vmem>>
    %dma_wait3A_680 = arith.constant 0 : i32
    %dma_wait3A_681 = tpu.memref_slice %arg4[%dma_wait3A_674, %mul3A_2, %dma_wait3A_680] : memref<20x16384x32xf32, #tpu.memory_space<hbm>> -> memref<1x512x32xf32, #tpu.memory_space<hbm>>
    %dma_wait3A_682 = tpu.memref_squeeze %dma_wait3A_681 : memref<1x512x32xf32, #tpu.memory_space<hbm>> -> memref<512x32xf32, #tpu.memory_space<hbm>>
    %dma_wait3A_683 = tpu.memref_slice %arg8[%dma_wait3A_675] : memref<6x!tpu.dma_semaphore, #tpu.memory_space<semaphore_mem>> -> memref<1x!tpu.dma_semaphore, #tpu.memory_space<semaphore_mem>>
    %dma_wait3A_684 = tpu.memref_squeeze %dma_wait3A_683 : memref<1x!tpu.dma_semaphore, #tpu.memory_space<semaphore_mem>> -> memref<!tpu.dma_semaphore, #tpu.memory_space<semaphore_mem>>
    %dma_wait3A_685 = arith.constant 0 : i32
    %dma_wait3A_686 = tpu.memref_slice %arg4[%dma_wait3A_674, %mul3A_2, %dma_wait3A_685] : memref<20x16384x32xf32, #tpu.memory_space<hbm>> -> memref<1x512x32xf32, #tpu.memory_space<hbm>>
    %dma_wait3A_687 = tpu.memref_squeeze %dma_wait3A_686 : memref<1x512x32xf32, #tpu.memory_space<hbm>> -> memref<512x32xf32, #tpu.memory_space<hbm>>
    %dma_wait3A_688 = arith.constant 0 : i32
    %dma_wait3A_689 = arith.constant 0 : i32
    %dma_wait3A_690 = tpu.memref_slice %arg6[%dma_wait3A_673, %dma_wait3A_688, %dma_wait3A_689] : memref<6x512x32xf32, #tpu.memory_space<vmem>> -> memref<1x512x32xf32, #tpu.memory_space<vmem>>
    %dma_wait3A_691 = tpu.memref_squeeze %dma_wait3A_690 : memref<1x512x32xf32, #tpu.memory_space<vmem>> -> memref<512x32xf32, #tpu.memory_space<vmem>>
    tpu.wait_dma2 semaphore(%dma_wait3A_684 : memref<!tpu.dma_semaphore, #tpu.memory_space<semaphore_mem>>) src(%dma_wait3A_691 : memref<512x32xf32, #tpu.memory_space<vmem>>) dst(%dma_wait3A_687 : memref<512x32xf32, #tpu.memory_space<hbm>>)
    %dma_start3A_692 = arith.constant 7 : i32
    %dma_start3A_693 = arith.constant 1 : i32
    %dma_start3A_694 = arith.constant 1 : i32
    %dma_start3A_695 = arith.constant 0 : i32
    %dma_start3A_696 = arith.constant 0 : i32
    %dma_start3A_697 = tpu.memref_slice %arg6[%dma_start3A_693, %dma_start3A_695, %dma_start3A_696] : memref<6x512x32xf32, #tpu.memory_space<vmem>> -> memref<1x512x32xf32, #tpu.memory_space<vmem>>
    %dma_start3A_698 = tpu.memref_squeeze %dma_start3A_697 : memref<1x512x32xf32, #tpu.memory_space<vmem>> -> memref<512x32xf32, #tpu.memory_space<vmem>>
    %dma_start3A_699 = arith.constant 0 : i32
    %dma_start3A_700 = tpu.memref_slice %arg5[%dma_start3A_692, %dma_start3A_699] : memref<20x512xi32, #tpu.memory_space<vmem>> -> memref<1x512xi32, #tpu.memory_space<vmem>>
    %dma_start3A_701 = tpu.memref_squeeze %dma_start3A_700 : memref<1x512xi32, #tpu.memory_space<vmem>> -> memref<512xi32, #tpu.memory_space<vmem>>
    %dma_start3A_702 = arith.constant 0 : i32
    %dma_start3A_703 = arith.constant 0 : i32
    %dma_start3A_704 = tpu.memref_slice %arg3[%dma_start3A_702, %dma_start3A_703] : memref<1000000x32xf32, #tpu.memory_space<hbm>> -> memref<1000000x32xf32, #tpu.memory_space<hbm>>
    %dma_start3A_705 = tpu.memref_slice %arg7[%dma_start3A_694] : memref<6x!tpu.dma_semaphore, #tpu.memory_space<semaphore_mem>> -> memref<1x!tpu.dma_semaphore, #tpu.memory_space<semaphore_mem>>
    %dma_start3A_706 = tpu.memref_squeeze %dma_start3A_705 : memref<1x!tpu.dma_semaphore, #tpu.memory_space<semaphore_mem>> -> memref<!tpu.dma_semaphore, #tpu.memory_space<semaphore_mem>>
    tpu.enqueue_indirect_dma source(%dma_start3A_704 : memref<1000000x32xf32, #tpu.memory_space<hbm>>) target(%dma_start3A_698 : memref<512x32xf32, #tpu.memory_space<vmem>>) offsets(%dma_start3A_701 : memref<512xi32, #tpu.memory_space<vmem>>) semaphore(%dma_start3A_706 : memref<!tpu.dma_semaphore, #tpu.memory_space<semaphore_mem>>)
    %dma_wait3A_707 = arith.constant 2 : i32
    %dma_wait3A_708 = arith.constant 2 : i32
    %dma_wait3A_709 = arith.constant 2 : i32
    %dma_wait3A_710 = arith.constant 0 : i32
    %dma_wait3A_711 = arith.constant 0 : i32
    %dma_wait3A_712 = tpu.memref_slice %arg6[%dma_wait3A_708, %dma_wait3A_710, %dma_wait3A_711] : memref<6x512x32xf32, #tpu.memory_space<vmem>> -> memref<1x512x32xf32, #tpu.memory_space<vmem>>
    %dma_wait3A_713 = tpu.memref_squeeze %dma_wait3A_712 : memref<1x512x32xf32, #tpu.memory_space<vmem>> -> memref<512x32xf32, #tpu.memory_space<vmem>>
    %dma_wait3A_714 = arith.constant 0 : i32
    %dma_wait3A_715 = tpu.memref_slice %arg5[%dma_wait3A_707, %dma_wait3A_714] : memref<20x512xi32, #tpu.memory_space<vmem>> -> memref<1x512xi32, #tpu.memory_space<vmem>>
    %dma_wait3A_716 = tpu.memref_squeeze %dma_wait3A_715 : memref<1x512xi32, #tpu.memory_space<vmem>> -> memref<512xi32, #tpu.memory_space<vmem>>
    %dma_wait3A_717 = arith.constant 0 : i32
    %dma_wait3A_718 = arith.constant 0 : i32
    %dma_wait3A_719 = tpu.memref_slice %arg3[%dma_wait3A_717, %dma_wait3A_718] : memref<1000000x32xf32, #tpu.memory_space<hbm>> -> memref<1000000x32xf32, #tpu.memory_space<hbm>>
    %dma_wait3A_720 = tpu.memref_slice %arg7[%dma_wait3A_709] : memref<6x!tpu.dma_semaphore, #tpu.memory_space<semaphore_mem>> -> memref<1x!tpu.dma_semaphore, #tpu.memory_space<semaphore_mem>>
    %dma_wait3A_721 = tpu.memref_squeeze %dma_wait3A_720 : memref<1x!tpu.dma_semaphore, #tpu.memory_space<semaphore_mem>> -> memref<!tpu.dma_semaphore, #tpu.memory_space<semaphore_mem>>
    tpu.wait_indirect_dma semaphore(%dma_wait3A_721 : memref<!tpu.dma_semaphore, #tpu.memory_space<semaphore_mem>>) src(%dma_wait3A_719 : memref<1000000x32xf32, #tpu.memory_space<hbm>>) dst(%dma_wait3A_713 : memref<512x32xf32, #tpu.memory_space<vmem>>)
    %dma_start3A_722 = arith.constant 2 : i32
    %dma_start3A_723 = arith.constant 2 : i32
    %dma_start3A_724 = arith.constant 2 : i32
    %dma_start3A_725 = arith.constant 0 : i32
    %dma_start3A_726 = arith.constant 0 : i32
    %dma_start3A_727 = tpu.memref_slice %arg6[%dma_start3A_722, %dma_start3A_725, %dma_start3A_726] : memref<6x512x32xf32, #tpu.memory_space<vmem>> -> memref<1x512x32xf32, #tpu.memory_space<vmem>>
    %dma_start3A_728 = tpu.memref_squeeze %dma_start3A_727 : memref<1x512x32xf32, #tpu.memory_space<vmem>> -> memref<512x32xf32, #tpu.memory_space<vmem>>
    %dma_start3A_729 = arith.constant 0 : i32
    %dma_start3A_730 = tpu.memref_slice %arg4[%dma_start3A_723, %mul3A_2, %dma_start3A_729] : memref<20x16384x32xf32, #tpu.memory_space<hbm>> -> memref<1x512x32xf32, #tpu.memory_space<hbm>>
    %dma_start3A_731 = tpu.memref_squeeze %dma_start3A_730 : memref<1x512x32xf32, #tpu.memory_space<hbm>> -> memref<512x32xf32, #tpu.memory_space<hbm>>
    %dma_start3A_732 = tpu.memref_slice %arg8[%dma_start3A_724] : memref<6x!tpu.dma_semaphore, #tpu.memory_space<semaphore_mem>> -> memref<1x!tpu.dma_semaphore, #tpu.memory_space<semaphore_mem>>
    %dma_start3A_733 = tpu.memref_squeeze %dma_start3A_732 : memref<1x!tpu.dma_semaphore, #tpu.memory_space<semaphore_mem>> -> memref<!tpu.dma_semaphore, #tpu.memory_space<semaphore_mem>>
    %dma_start3A_734 = arith.constant 0 : i32
    %dma_start3A_735 = tpu.memref_slice %arg4[%dma_start3A_723, %mul3A_2, %dma_start3A_734] : memref<20x16384x32xf32, #tpu.memory_space<hbm>> -> memref<1x512x32xf32, #tpu.memory_space<hbm>>
    %dma_start3A_736 = tpu.memref_squeeze %dma_start3A_735 : memref<1x512x32xf32, #tpu.memory_space<hbm>> -> memref<512x32xf32, #tpu.memory_space<hbm>>
    %dma_start3A_737 = arith.constant 0 : i32
    %dma_start3A_738 = arith.constant 0 : i32
    %dma_start3A_739 = tpu.memref_slice %arg6[%dma_start3A_722, %dma_start3A_737, %dma_start3A_738] : memref<6x512x32xf32, #tpu.memory_space<vmem>> -> memref<1x512x32xf32, #tpu.memory_space<vmem>>
    %dma_start3A_740 = tpu.memref_squeeze %dma_start3A_739 : memref<1x512x32xf32, #tpu.memory_space<vmem>> -> memref<512x32xf32, #tpu.memory_space<vmem>>
    tpu.enqueue_dma source(%dma_start3A_740 : memref<512x32xf32, #tpu.memory_space<vmem>>) target(%dma_start3A_736 : memref<512x32xf32, #tpu.memory_space<hbm>>) target_semaphore(%dma_start3A_733 : memref<!tpu.dma_semaphore, #tpu.memory_space<semaphore_mem>>)
    %dma_wait3A_741 = arith.constant 2 : i32
    %dma_wait3A_742 = arith.constant 2 : i32
    %dma_wait3A_743 = arith.constant 2 : i32
    %dma_wait3A_744 = arith.constant 0 : i32
    %dma_wait3A_745 = arith.constant 0 : i32
    %dma_wait3A_746 = tpu.memref_slice %arg6[%dma_wait3A_741, %dma_wait3A_744, %dma_wait3A_745] : memref<6x512x32xf32, #tpu.memory_space<vmem>> -> memref<1x512x32xf32, #tpu.memory_space<vmem>>
    %dma_wait3A_747 = tpu.memref_squeeze %dma_wait3A_746 : memref<1x512x32xf32, #tpu.memory_space<vmem>> -> memref<512x32xf32, #tpu.memory_space<vmem>>
    %dma_wait3A_748 = arith.constant 0 : i32
    %dma_wait3A_749 = tpu.memref_slice %arg4[%dma_wait3A_742, %mul3A_2, %dma_wait3A_748] : memref<20x16384x32xf32, #tpu.memory_space<hbm>> -> memref<1x512x32xf32, #tpu.memory_space<hbm>>
    %dma_wait3A_750 = tpu.memref_squeeze %dma_wait3A_749 : memref<1x512x32xf32, #tpu.memory_space<hbm>> -> memref<512x32xf32, #tpu.memory_space<hbm>>
    %dma_wait3A_751 = tpu.memref_slice %arg8[%dma_wait3A_743] : memref<6x!tpu.dma_semaphore, #tpu.memory_space<semaphore_mem>> -> memref<1x!tpu.dma_semaphore, #tpu.memory_space<semaphore_mem>>
    %dma_wait3A_752 = tpu.memref_squeeze %dma_wait3A_751 : memref<1x!tpu.dma_semaphore, #tpu.memory_space<semaphore_mem>> -> memref<!tpu.dma_semaphore, #tpu.memory_space<semaphore_mem>>
    %dma_wait3A_753 = arith.constant 0 : i32
    %dma_wait3A_754 = tpu.memref_slice %arg4[%dma_wait3A_742, %mul3A_2, %dma_wait3A_753] : memref<20x16384x32xf32, #tpu.memory_space<hbm>> -> memref<1x512x32xf32, #tpu.memory_space<hbm>>
    %dma_wait3A_755 = tpu.memref_squeeze %dma_wait3A_754 : memref<1x512x32xf32, #tpu.memory_space<hbm>> -> memref<512x32xf32, #tpu.memory_space<hbm>>
    %dma_wait3A_756 = arith.constant 0 : i32
    %dma_wait3A_757 = arith.constant 0 : i32
    %dma_wait3A_758 = tpu.memref_slice %arg6[%dma_wait3A_741, %dma_wait3A_756, %dma_wait3A_757] : memref<6x512x32xf32, #tpu.memory_space<vmem>> -> memref<1x512x32xf32, #tpu.memory_space<vmem>>
    %dma_wait3A_759 = tpu.memref_squeeze %dma_wait3A_758 : memref<1x512x32xf32, #tpu.memory_space<vmem>> -> memref<512x32xf32, #tpu.memory_space<vmem>>
    tpu.wait_dma2 semaphore(%dma_wait3A_752 : memref<!tpu.dma_semaphore, #tpu.memory_space<semaphore_mem>>) src(%dma_wait3A_759 : memref<512x32xf32, #tpu.memory_space<vmem>>) dst(%dma_wait3A_755 : memref<512x32xf32, #tpu.memory_space<hbm>>)
    %dma_start3A_760 = arith.constant 8 : i32
    %dma_start3A_761 = arith.constant 2 : i32
    %dma_start3A_762 = arith.constant 2 : i32
    %dma_start3A_763 = arith.constant 0 : i32
    %dma_start3A_764 = arith.constant 0 : i32
    %dma_start3A_765 = tpu.memref_slice %arg6[%dma_start3A_761, %dma_start3A_763, %dma_start3A_764] : memref<6x512x32xf32, #tpu.memory_space<vmem>> -> memref<1x512x32xf32, #tpu.memory_space<vmem>>
    %dma_start3A_766 = tpu.memref_squeeze %dma_start3A_765 : memref<1x512x32xf32, #tpu.memory_space<vmem>> -> memref<512x32xf32, #tpu.memory_space<vmem>>
    %dma_start3A_767 = arith.constant 0 : i32
    %dma_start3A_768 = tpu.memref_slice %arg5[%dma_start3A_760, %dma_start3A_767] : memref<20x512xi32, #tpu.memory_space<vmem>> -> memref<1x512xi32, #tpu.memory_space<vmem>>
    %dma_start3A_769 = tpu.memref_squeeze %dma_start3A_768 : memref<1x512xi32, #tpu.memory_space<vmem>> -> memref<512xi32, #tpu.memory_space<vmem>>
    %dma_start3A_770 = arith.constant 0 : i32
    %dma_start3A_771 = arith.constant 0 : i32
    %dma_start3A_772 = tpu.memref_slice %arg3[%dma_start3A_770, %dma_start3A_771] : memref<1000000x32xf32, #tpu.memory_space<hbm>> -> memref<1000000x32xf32, #tpu.memory_space<hbm>>
    %dma_start3A_773 = tpu.memref_slice %arg7[%dma_start3A_762] : memref<6x!tpu.dma_semaphore, #tpu.memory_space<semaphore_mem>> -> memref<1x!tpu.dma_semaphore, #tpu.memory_space<semaphore_mem>>
    %dma_start3A_774 = tpu.memref_squeeze %dma_start3A_773 : memref<1x!tpu.dma_semaphore, #tpu.memory_space<semaphore_mem>> -> memref<!tpu.dma_semaphore, #tpu.memory_space<semaphore_mem>>
    tpu.enqueue_indirect_dma source(%dma_start3A_772 : memref<1000000x32xf32, #tpu.memory_space<hbm>>) target(%dma_start3A_766 : memref<512x32xf32, #tpu.memory_space<vmem>>) offsets(%dma_start3A_769 : memref<512xi32, #tpu.memory_space<vmem>>) semaphore(%dma_start3A_774 : memref<!tpu.dma_semaphore, #tpu.memory_space<semaphore_mem>>)
    %dma_wait3A_775 = arith.constant 3 : i32
    %dma_wait3A_776 = arith.constant 3 : i32
    %dma_wait3A_777 = arith.constant 3 : i32
    %dma_wait3A_778 = arith.constant 0 : i32
    %dma_wait3A_779 = arith.constant 0 : i32
    %dma_wait3A_780 = tpu.memref_slice %arg6[%dma_wait3A_776, %dma_wait3A_778, %dma_wait3A_779] : memref<6x512x32xf32, #tpu.memory_space<vmem>> -> memref<1x512x32xf32, #tpu.memory_space<vmem>>
    %dma_wait3A_781 = tpu.memref_squeeze %dma_wait3A_780 : memref<1x512x32xf32, #tpu.memory_space<vmem>> -> memref<512x32xf32, #tpu.memory_space<vmem>>
    %dma_wait3A_782 = arith.constant 0 : i32
    %dma_wait3A_783 = tpu.memref_slice %arg5[%dma_wait3A_775, %dma_wait3A_782] : memref<20x512xi32, #tpu.memory_space<vmem>> -> memref<1x512xi32, #tpu.memory_space<vmem>>
    %dma_wait3A_784 = tpu.memref_squeeze %dma_wait3A_783 : memref<1x512xi32, #tpu.memory_space<vmem>> -> memref<512xi32, #tpu.memory_space<vmem>>
    %dma_wait3A_785 = arith.constant 0 : i32
    %dma_wait3A_786 = arith.constant 0 : i32
    %dma_wait3A_787 = tpu.memref_slice %arg3[%dma_wait3A_785, %dma_wait3A_786] : memref<1000000x32xf32, #tpu.memory_space<hbm>> -> memref<1000000x32xf32, #tpu.memory_space<hbm>>
    %dma_wait3A_788 = tpu.memref_slice %arg7[%dma_wait3A_777] : memref<6x!tpu.dma_semaphore, #tpu.memory_space<semaphore_mem>> -> memref<1x!tpu.dma_semaphore, #tpu.memory_space<semaphore_mem>>
    %dma_wait3A_789 = tpu.memref_squeeze %dma_wait3A_788 : memref<1x!tpu.dma_semaphore, #tpu.memory_space<semaphore_mem>> -> memref<!tpu.dma_semaphore, #tpu.memory_space<semaphore_mem>>
    tpu.wait_indirect_dma semaphore(%dma_wait3A_789 : memref<!tpu.dma_semaphore, #tpu.memory_space<semaphore_mem>>) src(%dma_wait3A_787 : memref<1000000x32xf32, #tpu.memory_space<hbm>>) dst(%dma_wait3A_781 : memref<512x32xf32, #tpu.memory_space<vmem>>)
    %dma_start3A_790 = arith.constant 3 : i32
    %dma_start3A_791 = arith.constant 3 : i32
    %dma_start3A_792 = arith.constant 3 : i32
    %dma_start3A_793 = arith.constant 0 : i32
    %dma_start3A_794 = arith.constant 0 : i32
    %dma_start3A_795 = tpu.memref_slice %arg6[%dma_start3A_790, %dma_start3A_793, %dma_start3A_794] : memref<6x512x32xf32, #tpu.memory_space<vmem>> -> memref<1x512x32xf32, #tpu.memory_space<vmem>>
    %dma_start3A_796 = tpu.memref_squeeze %dma_start3A_795 : memref<1x512x32xf32, #tpu.memory_space<vmem>> -> memref<512x32xf32, #tpu.memory_space<vmem>>
    %dma_start3A_797 = arith.constant 0 : i32
    %dma_start3A_798 = tpu.memref_slice %arg4[%dma_start3A_791, %mul3A_2, %dma_start3A_797] : memref<20x16384x32xf32, #tpu.memory_space<hbm>> -> memref<1x512x32xf32, #tpu.memory_space<hbm>>
    %dma_start3A_799 = tpu.memref_squeeze %dma_start3A_798 : memref<1x512x32xf32, #tpu.memory_space<hbm>> -> memref<512x32xf32, #tpu.memory_space<hbm>>
    %dma_start3A_800 = tpu.memref_slice %arg8[%dma_start3A_792] : memref<6x!tpu.dma_semaphore, #tpu.memory_space<semaphore_mem>> -> memref<1x!tpu.dma_semaphore, #tpu.memory_space<semaphore_mem>>
    %dma_start3A_801 = tpu.memref_squeeze %dma_start3A_800 : memref<1x!tpu.dma_semaphore, #tpu.memory_space<semaphore_mem>> -> memref<!tpu.dma_semaphore, #tpu.memory_space<semaphore_mem>>
    %dma_start3A_802 = arith.constant 0 : i32
    %dma_start3A_803 = tpu.memref_slice %arg4[%dma_start3A_791, %mul3A_2, %dma_start3A_802] : memref<20x16384x32xf32, #tpu.memory_space<hbm>> -> memref<1x512x32xf32, #tpu.memory_space<hbm>>
    %dma_start3A_804 = tpu.memref_squeeze %dma_start3A_803 : memref<1x512x32xf32, #tpu.memory_space<hbm>> -> memref<512x32xf32, #tpu.memory_space<hbm>>
    %dma_start3A_805 = arith.constant 0 : i32
    %dma_start3A_806 = arith.constant 0 : i32
    %dma_start3A_807 = tpu.memref_slice %arg6[%dma_start3A_790, %dma_start3A_805, %dma_start3A_806] : memref<6x512x32xf32, #tpu.memory_space<vmem>> -> memref<1x512x32xf32, #tpu.memory_space<vmem>>
    %dma_start3A_808 = tpu.memref_squeeze %dma_start3A_807 : memref<1x512x32xf32, #tpu.memory_space<vmem>> -> memref<512x32xf32, #tpu.memory_space<vmem>>
    tpu.enqueue_dma source(%dma_start3A_808 : memref<512x32xf32, #tpu.memory_space<vmem>>) target(%dma_start3A_804 : memref<512x32xf32, #tpu.memory_space<hbm>>) target_semaphore(%dma_start3A_801 : memref<!tpu.dma_semaphore, #tpu.memory_space<semaphore_mem>>)
    %dma_wait3A_809 = arith.constant 3 : i32
    %dma_wait3A_810 = arith.constant 3 : i32
    %dma_wait3A_811 = arith.constant 3 : i32
    %dma_wait3A_812 = arith.constant 0 : i32
    %dma_wait3A_813 = arith.constant 0 : i32
    %dma_wait3A_814 = tpu.memref_slice %arg6[%dma_wait3A_809, %dma_wait3A_812, %dma_wait3A_813] : memref<6x512x32xf32, #tpu.memory_space<vmem>> -> memref<1x512x32xf32, #tpu.memory_space<vmem>>
    %dma_wait3A_815 = tpu.memref_squeeze %dma_wait3A_814 : memref<1x512x32xf32, #tpu.memory_space<vmem>> -> memref<512x32xf32, #tpu.memory_space<vmem>>
    %dma_wait3A_816 = arith.constant 0 : i32
    %dma_wait3A_817 = tpu.memref_slice %arg4[%dma_wait3A_810, %mul3A_2, %dma_wait3A_816] : memref<20x16384x32xf32, #tpu.memory_space<hbm>> -> memref<1x512x32xf32, #tpu.memory_space<hbm>>
    %dma_wait3A_818 = tpu.memref_squeeze %dma_wait3A_817 : memref<1x512x32xf32, #tpu.memory_space<hbm>> -> memref<512x32xf32, #tpu.memory_space<hbm>>
    %dma_wait3A_819 = tpu.memref_slice %arg8[%dma_wait3A_811] : memref<6x!tpu.dma_semaphore, #tpu.memory_space<semaphore_mem>> -> memref<1x!tpu.dma_semaphore, #tpu.memory_space<semaphore_mem>>
    %dma_wait3A_820 = tpu.memref_squeeze %dma_wait3A_819 : memref<1x!tpu.dma_semaphore, #tpu.memory_space<semaphore_mem>> -> memref<!tpu.dma_semaphore, #tpu.memory_space<semaphore_mem>>
    %dma_wait3A_821 = arith.constant 0 : i32
    %dma_wait3A_822 = tpu.memref_slice %arg4[%dma_wait3A_810, %mul3A_2, %dma_wait3A_821] : memref<20x16384x32xf32, #tpu.memory_space<hbm>> -> memref<1x512x32xf32, #tpu.memory_space<hbm>>
    %dma_wait3A_823 = tpu.memref_squeeze %dma_wait3A_822 : memref<1x512x32xf32, #tpu.memory_space<hbm>> -> memref<512x32xf32, #tpu.memory_space<hbm>>
    %dma_wait3A_824 = arith.constant 0 : i32
    %dma_wait3A_825 = arith.constant 0 : i32
    %dma_wait3A_826 = tpu.memref_slice %arg6[%dma_wait3A_809, %dma_wait3A_824, %dma_wait3A_825] : memref<6x512x32xf32, #tpu.memory_space<vmem>> -> memref<1x512x32xf32, #tpu.memory_space<vmem>>
    %dma_wait3A_827 = tpu.memref_squeeze %dma_wait3A_826 : memref<1x512x32xf32, #tpu.memory_space<vmem>> -> memref<512x32xf32, #tpu.memory_space<vmem>>
    tpu.wait_dma2 semaphore(%dma_wait3A_820 : memref<!tpu.dma_semaphore, #tpu.memory_space<semaphore_mem>>) src(%dma_wait3A_827 : memref<512x32xf32, #tpu.memory_space<vmem>>) dst(%dma_wait3A_823 : memref<512x32xf32, #tpu.memory_space<hbm>>)
    %dma_start3A_828 = arith.constant 9 : i32
    %dma_start3A_829 = arith.constant 3 : i32
    %dma_start3A_830 = arith.constant 3 : i32
    %dma_start3A_831 = arith.constant 0 : i32
    %dma_start3A_832 = arith.constant 0 : i32
    %dma_start3A_833 = tpu.memref_slice %arg6[%dma_start3A_829, %dma_start3A_831, %dma_start3A_832] : memref<6x512x32xf32, #tpu.memory_space<vmem>> -> memref<1x512x32xf32, #tpu.memory_space<vmem>>
    %dma_start3A_834 = tpu.memref_squeeze %dma_start3A_833 : memref<1x512x32xf32, #tpu.memory_space<vmem>> -> memref<512x32xf32, #tpu.memory_space<vmem>>
    %dma_start3A_835 = arith.constant 0 : i32
    %dma_start3A_836 = tpu.memref_slice %arg5[%dma_start3A_828, %dma_start3A_835] : memref<20x512xi32, #tpu.memory_space<vmem>> -> memref<1x512xi32, #tpu.memory_space<vmem>>
    %dma_start3A_837 = tpu.memref_squeeze %dma_start3A_836 : memref<1x512xi32, #tpu.memory_space<vmem>> -> memref<512xi32, #tpu.memory_space<vmem>>
    %dma_start3A_838 = arith.constant 0 : i32
    %dma_start3A_839 = arith.constant 0 : i32
    %dma_start3A_840 = tpu.memref_slice %arg3[%dma_start3A_838, %dma_start3A_839] : memref<1000000x32xf32, #tpu.memory_space<hbm>> -> memref<1000000x32xf32, #tpu.memory_space<hbm>>
    %dma_start3A_841 = tpu.memref_slice %arg7[%dma_start3A_830] : memref<6x!tpu.dma_semaphore, #tpu.memory_space<semaphore_mem>> -> memref<1x!tpu.dma_semaphore, #tpu.memory_space<semaphore_mem>>
    %dma_start3A_842 = tpu.memref_squeeze %dma_start3A_841 : memref<1x!tpu.dma_semaphore, #tpu.memory_space<semaphore_mem>> -> memref<!tpu.dma_semaphore, #tpu.memory_space<semaphore_mem>>
    tpu.enqueue_indirect_dma source(%dma_start3A_840 : memref<1000000x32xf32, #tpu.memory_space<hbm>>) target(%dma_start3A_834 : memref<512x32xf32, #tpu.memory_space<vmem>>) offsets(%dma_start3A_837 : memref<512xi32, #tpu.memory_space<vmem>>) semaphore(%dma_start3A_842 : memref<!tpu.dma_semaphore, #tpu.memory_space<semaphore_mem>>)
    %dma_wait3A_843 = arith.constant 4 : i32
    %dma_wait3A_844 = arith.constant 4 : i32
    %dma_wait3A_845 = arith.constant 4 : i32
    %dma_wait3A_846 = arith.constant 0 : i32
    %dma_wait3A_847 = arith.constant 0 : i32
    %dma_wait3A_848 = tpu.memref_slice %arg6[%dma_wait3A_844, %dma_wait3A_846, %dma_wait3A_847] : memref<6x512x32xf32, #tpu.memory_space<vmem>> -> memref<1x512x32xf32, #tpu.memory_space<vmem>>
    %dma_wait3A_849 = tpu.memref_squeeze %dma_wait3A_848 : memref<1x512x32xf32, #tpu.memory_space<vmem>> -> memref<512x32xf32, #tpu.memory_space<vmem>>
    %dma_wait3A_850 = arith.constant 0 : i32
    %dma_wait3A_851 = tpu.memref_slice %arg5[%dma_wait3A_843, %dma_wait3A_850] : memref<20x512xi32, #tpu.memory_space<vmem>> -> memref<1x512xi32, #tpu.memory_space<vmem>>
    %dma_wait3A_852 = tpu.memref_squeeze %dma_wait3A_851 : memref<1x512xi32, #tpu.memory_space<vmem>> -> memref<512xi32, #tpu.memory_space<vmem>>
    %dma_wait3A_853 = arith.constant 0 : i32
    %dma_wait3A_854 = arith.constant 0 : i32
    %dma_wait3A_855 = tpu.memref_slice %arg3[%dma_wait3A_853, %dma_wait3A_854] : memref<1000000x32xf32, #tpu.memory_space<hbm>> -> memref<1000000x32xf32, #tpu.memory_space<hbm>>
    %dma_wait3A_856 = tpu.memref_slice %arg7[%dma_wait3A_845] : memref<6x!tpu.dma_semaphore, #tpu.memory_space<semaphore_mem>> -> memref<1x!tpu.dma_semaphore, #tpu.memory_space<semaphore_mem>>
    %dma_wait3A_857 = tpu.memref_squeeze %dma_wait3A_856 : memref<1x!tpu.dma_semaphore, #tpu.memory_space<semaphore_mem>> -> memref<!tpu.dma_semaphore, #tpu.memory_space<semaphore_mem>>
    tpu.wait_indirect_dma semaphore(%dma_wait3A_857 : memref<!tpu.dma_semaphore, #tpu.memory_space<semaphore_mem>>) src(%dma_wait3A_855 : memref<1000000x32xf32, #tpu.memory_space<hbm>>) dst(%dma_wait3A_849 : memref<512x32xf32, #tpu.memory_space<vmem>>)
    %dma_start3A_858 = arith.constant 4 : i32
    %dma_start3A_859 = arith.constant 4 : i32
    %dma_start3A_860 = arith.constant 4 : i32
    %dma_start3A_861 = arith.constant 0 : i32
    %dma_start3A_862 = arith.constant 0 : i32
    %dma_start3A_863 = tpu.memref_slice %arg6[%dma_start3A_858, %dma_start3A_861, %dma_start3A_862] : memref<6x512x32xf32, #tpu.memory_space<vmem>> -> memref<1x512x32xf32, #tpu.memory_space<vmem>>
    %dma_start3A_864 = tpu.memref_squeeze %dma_start3A_863 : memref<1x512x32xf32, #tpu.memory_space<vmem>> -> memref<512x32xf32, #tpu.memory_space<vmem>>
    %dma_start3A_865 = arith.constant 0 : i32
    %dma_start3A_866 = tpu.memref_slice %arg4[%dma_start3A_859, %mul3A_2, %dma_start3A_865] : memref<20x16384x32xf32, #tpu.memory_space<hbm>> -> memref<1x512x32xf32, #tpu.memory_space<hbm>>
    %dma_start3A_867 = tpu.memref_squeeze %dma_start3A_866 : memref<1x512x32xf32, #tpu.memory_space<hbm>> -> memref<512x32xf32, #tpu.memory_space<hbm>>
    %dma_start3A_868 = tpu.memref_slice %arg8[%dma_start3A_860] : memref<6x!tpu.dma_semaphore, #tpu.memory_space<semaphore_mem>> -> memref<1x!tpu.dma_semaphore, #tpu.memory_space<semaphore_mem>>
    %dma_start3A_869 = tpu.memref_squeeze %dma_start3A_868 : memref<1x!tpu.dma_semaphore, #tpu.memory_space<semaphore_mem>> -> memref<!tpu.dma_semaphore, #tpu.memory_space<semaphore_mem>>
    %dma_start3A_870 = arith.constant 0 : i32
    %dma_start3A_871 = tpu.memref_slice %arg4[%dma_start3A_859, %mul3A_2, %dma_start3A_870] : memref<20x16384x32xf32, #tpu.memory_space<hbm>> -> memref<1x512x32xf32, #tpu.memory_space<hbm>>
    %dma_start3A_872 = tpu.memref_squeeze %dma_start3A_871 : memref<1x512x32xf32, #tpu.memory_space<hbm>> -> memref<512x32xf32, #tpu.memory_space<hbm>>
    %dma_start3A_873 = arith.constant 0 : i32
    %dma_start3A_874 = arith.constant 0 : i32
    %dma_start3A_875 = tpu.memref_slice %arg6[%dma_start3A_858, %dma_start3A_873, %dma_start3A_874] : memref<6x512x32xf32, #tpu.memory_space<vmem>> -> memref<1x512x32xf32, #tpu.memory_space<vmem>>
    %dma_start3A_876 = tpu.memref_squeeze %dma_start3A_875 : memref<1x512x32xf32, #tpu.memory_space<vmem>> -> memref<512x32xf32, #tpu.memory_space<vmem>>
    tpu.enqueue_dma source(%dma_start3A_876 : memref<512x32xf32, #tpu.memory_space<vmem>>) target(%dma_start3A_872 : memref<512x32xf32, #tpu.memory_space<hbm>>) target_semaphore(%dma_start3A_869 : memref<!tpu.dma_semaphore, #tpu.memory_space<semaphore_mem>>)
    %dma_wait3A_877 = arith.constant 4 : i32
    %dma_wait3A_878 = arith.constant 4 : i32
    %dma_wait3A_879 = arith.constant 4 : i32
    %dma_wait3A_880 = arith.constant 0 : i32
    %dma_wait3A_881 = arith.constant 0 : i32
    %dma_wait3A_882 = tpu.memref_slice %arg6[%dma_wait3A_877, %dma_wait3A_880, %dma_wait3A_881] : memref<6x512x32xf32, #tpu.memory_space<vmem>> -> memref<1x512x32xf32, #tpu.memory_space<vmem>>
    %dma_wait3A_883 = tpu.memref_squeeze %dma_wait3A_882 : memref<1x512x32xf32, #tpu.memory_space<vmem>> -> memref<512x32xf32, #tpu.memory_space<vmem>>
    %dma_wait3A_884 = arith.constant 0 : i32
    %dma_wait3A_885 = tpu.memref_slice %arg4[%dma_wait3A_878, %mul3A_2, %dma_wait3A_884] : memref<20x16384x32xf32, #tpu.memory_space<hbm>> -> memref<1x512x32xf32, #tpu.memory_space<hbm>>
    %dma_wait3A_886 = tpu.memref_squeeze %dma_wait3A_885 : memref<1x512x32xf32, #tpu.memory_space<hbm>> -> memref<512x32xf32, #tpu.memory_space<hbm>>
    %dma_wait3A_887 = tpu.memref_slice %arg8[%dma_wait3A_879] : memref<6x!tpu.dma_semaphore, #tpu.memory_space<semaphore_mem>> -> memref<1x!tpu.dma_semaphore, #tpu.memory_space<semaphore_mem>>
    %dma_wait3A_888 = tpu.memref_squeeze %dma_wait3A_887 : memref<1x!tpu.dma_semaphore, #tpu.memory_space<semaphore_mem>> -> memref<!tpu.dma_semaphore, #tpu.memory_space<semaphore_mem>>
    %dma_wait3A_889 = arith.constant 0 : i32
    %dma_wait3A_890 = tpu.memref_slice %arg4[%dma_wait3A_878, %mul3A_2, %dma_wait3A_889] : memref<20x16384x32xf32, #tpu.memory_space<hbm>> -> memref<1x512x32xf32, #tpu.memory_space<hbm>>
    %dma_wait3A_891 = tpu.memref_squeeze %dma_wait3A_890 : memref<1x512x32xf32, #tpu.memory_space<hbm>> -> memref<512x32xf32, #tpu.memory_space<hbm>>
    %dma_wait3A_892 = arith.constant 0 : i32
    %dma_wait3A_893 = arith.constant 0 : i32
    %dma_wait3A_894 = tpu.memref_slice %arg6[%dma_wait3A_877, %dma_wait3A_892, %dma_wait3A_893] : memref<6x512x32xf32, #tpu.memory_space<vmem>> -> memref<1x512x32xf32, #tpu.memory_space<vmem>>
    %dma_wait3A_895 = tpu.memref_squeeze %dma_wait3A_894 : memref<1x512x32xf32, #tpu.memory_space<vmem>> -> memref<512x32xf32, #tpu.memory_space<vmem>>
    tpu.wait_dma2 semaphore(%dma_wait3A_888 : memref<!tpu.dma_semaphore, #tpu.memory_space<semaphore_mem>>) src(%dma_wait3A_895 : memref<512x32xf32, #tpu.memory_space<vmem>>) dst(%dma_wait3A_891 : memref<512x32xf32, #tpu.memory_space<hbm>>)
    %dma_start3A_896 = arith.constant 10 : i32
    %dma_start3A_897 = arith.constant 4 : i32
    %dma_start3A_898 = arith.constant 4 : i32
    %dma_start3A_899 = arith.constant 0 : i32
    %dma_start3A_900 = arith.constant 0 : i32
    %dma_start3A_901 = tpu.memref_slice %arg6[%dma_start3A_897, %dma_start3A_899, %dma_start3A_900] : memref<6x512x32xf32, #tpu.memory_space<vmem>> -> memref<1x512x32xf32, #tpu.memory_space<vmem>>
    %dma_start3A_902 = tpu.memref_squeeze %dma_start3A_901 : memref<1x512x32xf32, #tpu.memory_space<vmem>> -> memref<512x32xf32, #tpu.memory_space<vmem>>
    %dma_start3A_903 = arith.constant 0 : i32
    %dma_start3A_904 = tpu.memref_slice %arg5[%dma_start3A_896, %dma_start3A_903] : memref<20x512xi32, #tpu.memory_space<vmem>> -> memref<1x512xi32, #tpu.memory_space<vmem>>
    %dma_start3A_905 = tpu.memref_squeeze %dma_start3A_904 : memref<1x512xi32, #tpu.memory_space<vmem>> -> memref<512xi32, #tpu.memory_space<vmem>>
    %dma_start3A_906 = arith.constant 0 : i32
    %dma_start3A_907 = arith.constant 0 : i32
    %dma_start3A_908 = tpu.memref_slice %arg3[%dma_start3A_906, %dma_start3A_907] : memref<1000000x32xf32, #tpu.memory_space<hbm>> -> memref<1000000x32xf32, #tpu.memory_space<hbm>>
    %dma_start3A_909 = tpu.memref_slice %arg7[%dma_start3A_898] : memref<6x!tpu.dma_semaphore, #tpu.memory_space<semaphore_mem>> -> memref<1x!tpu.dma_semaphore, #tpu.memory_space<semaphore_mem>>
    %dma_start3A_910 = tpu.memref_squeeze %dma_start3A_909 : memref<1x!tpu.dma_semaphore, #tpu.memory_space<semaphore_mem>> -> memref<!tpu.dma_semaphore, #tpu.memory_space<semaphore_mem>>
    tpu.enqueue_indirect_dma source(%dma_start3A_908 : memref<1000000x32xf32, #tpu.memory_space<hbm>>) target(%dma_start3A_902 : memref<512x32xf32, #tpu.memory_space<vmem>>) offsets(%dma_start3A_905 : memref<512xi32, #tpu.memory_space<vmem>>) semaphore(%dma_start3A_910 : memref<!tpu.dma_semaphore, #tpu.memory_space<semaphore_mem>>)
    %dma_wait3A_911 = arith.constant 5 : i32
    %dma_wait3A_912 = arith.constant 5 : i32
    %dma_wait3A_913 = arith.constant 5 : i32
    %dma_wait3A_914 = arith.constant 0 : i32
    %dma_wait3A_915 = arith.constant 0 : i32
    %dma_wait3A_916 = tpu.memref_slice %arg6[%dma_wait3A_912, %dma_wait3A_914, %dma_wait3A_915] : memref<6x512x32xf32, #tpu.memory_space<vmem>> -> memref<1x512x32xf32, #tpu.memory_space<vmem>>
    %dma_wait3A_917 = tpu.memref_squeeze %dma_wait3A_916 : memref<1x512x32xf32, #tpu.memory_space<vmem>> -> memref<512x32xf32, #tpu.memory_space<vmem>>
    %dma_wait3A_918 = arith.constant 0 : i32
    %dma_wait3A_919 = tpu.memref_slice %arg5[%dma_wait3A_911, %dma_wait3A_918] : memref<20x512xi32, #tpu.memory_space<vmem>> -> memref<1x512xi32, #tpu.memory_space<vmem>>
    %dma_wait3A_920 = tpu.memref_squeeze %dma_wait3A_919 : memref<1x512xi32, #tpu.memory_space<vmem>> -> memref<512xi32, #tpu.memory_space<vmem>>
    %dma_wait3A_921 = arith.constant 0 : i32
    %dma_wait3A_922 = arith.constant 0 : i32
    %dma_wait3A_923 = tpu.memref_slice %arg3[%dma_wait3A_921, %dma_wait3A_922] : memref<1000000x32xf32, #tpu.memory_space<hbm>> -> memref<1000000x32xf32, #tpu.memory_space<hbm>>
    %dma_wait3A_924 = tpu.memref_slice %arg7[%dma_wait3A_913] : memref<6x!tpu.dma_semaphore, #tpu.memory_space<semaphore_mem>> -> memref<1x!tpu.dma_semaphore, #tpu.memory_space<semaphore_mem>>
    %dma_wait3A_925 = tpu.memref_squeeze %dma_wait3A_924 : memref<1x!tpu.dma_semaphore, #tpu.memory_space<semaphore_mem>> -> memref<!tpu.dma_semaphore, #tpu.memory_space<semaphore_mem>>
    tpu.wait_indirect_dma semaphore(%dma_wait3A_925 : memref<!tpu.dma_semaphore, #tpu.memory_space<semaphore_mem>>) src(%dma_wait3A_923 : memref<1000000x32xf32, #tpu.memory_space<hbm>>) dst(%dma_wait3A_917 : memref<512x32xf32, #tpu.memory_space<vmem>>)
    %dma_start3A_926 = arith.constant 5 : i32
    %dma_start3A_927 = arith.constant 5 : i32
    %dma_start3A_928 = arith.constant 5 : i32
    %dma_start3A_929 = arith.constant 0 : i32
    %dma_start3A_930 = arith.constant 0 : i32
    %dma_start3A_931 = tpu.memref_slice %arg6[%dma_start3A_926, %dma_start3A_929, %dma_start3A_930] : memref<6x512x32xf32, #tpu.memory_space<vmem>> -> memref<1x512x32xf32, #tpu.memory_space<vmem>>
    %dma_start3A_932 = tpu.memref_squeeze %dma_start3A_931 : memref<1x512x32xf32, #tpu.memory_space<vmem>> -> memref<512x32xf32, #tpu.memory_space<vmem>>
    %dma_start3A_933 = arith.constant 0 : i32
    %dma_start3A_934 = tpu.memref_slice %arg4[%dma_start3A_927, %mul3A_2, %dma_start3A_933] : memref<20x16384x32xf32, #tpu.memory_space<hbm>> -> memref<1x512x32xf32, #tpu.memory_space<hbm>>
    %dma_start3A_935 = tpu.memref_squeeze %dma_start3A_934 : memref<1x512x32xf32, #tpu.memory_space<hbm>> -> memref<512x32xf32, #tpu.memory_space<hbm>>
    %dma_start3A_936 = tpu.memref_slice %arg8[%dma_start3A_928] : memref<6x!tpu.dma_semaphore, #tpu.memory_space<semaphore_mem>> -> memref<1x!tpu.dma_semaphore, #tpu.memory_space<semaphore_mem>>
    %dma_start3A_937 = tpu.memref_squeeze %dma_start3A_936 : memref<1x!tpu.dma_semaphore, #tpu.memory_space<semaphore_mem>> -> memref<!tpu.dma_semaphore, #tpu.memory_space<semaphore_mem>>
    %dma_start3A_938 = arith.constant 0 : i32
    %dma_start3A_939 = tpu.memref_slice %arg4[%dma_start3A_927, %mul3A_2, %dma_start3A_938] : memref<20x16384x32xf32, #tpu.memory_space<hbm>> -> memref<1x512x32xf32, #tpu.memory_space<hbm>>
    %dma_start3A_940 = tpu.memref_squeeze %dma_start3A_939 : memref<1x512x32xf32, #tpu.memory_space<hbm>> -> memref<512x32xf32, #tpu.memory_space<hbm>>
    %dma_start3A_941 = arith.constant 0 : i32
    %dma_start3A_942 = arith.constant 0 : i32
    %dma_start3A_943 = tpu.memref_slice %arg6[%dma_start3A_926, %dma_start3A_941, %dma_start3A_942] : memref<6x512x32xf32, #tpu.memory_space<vmem>> -> memref<1x512x32xf32, #tpu.memory_space<vmem>>
    %dma_start3A_944 = tpu.memref_squeeze %dma_start3A_943 : memref<1x512x32xf32, #tpu.memory_space<vmem>> -> memref<512x32xf32, #tpu.memory_space<vmem>>
    tpu.enqueue_dma source(%dma_start3A_944 : memref<512x32xf32, #tpu.memory_space<vmem>>) target(%dma_start3A_940 : memref<512x32xf32, #tpu.memory_space<hbm>>) target_semaphore(%dma_start3A_937 : memref<!tpu.dma_semaphore, #tpu.memory_space<semaphore_mem>>)
    %dma_wait3A_945 = arith.constant 5 : i32
    %dma_wait3A_946 = arith.constant 5 : i32
    %dma_wait3A_947 = arith.constant 5 : i32
    %dma_wait3A_948 = arith.constant 0 : i32
    %dma_wait3A_949 = arith.constant 0 : i32
    %dma_wait3A_950 = tpu.memref_slice %arg6[%dma_wait3A_945, %dma_wait3A_948, %dma_wait3A_949] : memref<6x512x32xf32, #tpu.memory_space<vmem>> -> memref<1x512x32xf32, #tpu.memory_space<vmem>>
    %dma_wait3A_951 = tpu.memref_squeeze %dma_wait3A_950 : memref<1x512x32xf32, #tpu.memory_space<vmem>> -> memref<512x32xf32, #tpu.memory_space<vmem>>
    %dma_wait3A_952 = arith.constant 0 : i32
    %dma_wait3A_953 = tpu.memref_slice %arg4[%dma_wait3A_946, %mul3A_2, %dma_wait3A_952] : memref<20x16384x32xf32, #tpu.memory_space<hbm>> -> memref<1x512x32xf32, #tpu.memory_space<hbm>>
    %dma_wait3A_954 = tpu.memref_squeeze %dma_wait3A_953 : memref<1x512x32xf32, #tpu.memory_space<hbm>> -> memref<512x32xf32, #tpu.memory_space<hbm>>
    %dma_wait3A_955 = tpu.memref_slice %arg8[%dma_wait3A_947] : memref<6x!tpu.dma_semaphore, #tpu.memory_space<semaphore_mem>> -> memref<1x!tpu.dma_semaphore, #tpu.memory_space<semaphore_mem>>
    %dma_wait3A_956 = tpu.memref_squeeze %dma_wait3A_955 : memref<1x!tpu.dma_semaphore, #tpu.memory_space<semaphore_mem>> -> memref<!tpu.dma_semaphore, #tpu.memory_space<semaphore_mem>>
    %dma_wait3A_957 = arith.constant 0 : i32
    %dma_wait3A_958 = tpu.memref_slice %arg4[%dma_wait3A_946, %mul3A_2, %dma_wait3A_957] : memref<20x16384x32xf32, #tpu.memory_space<hbm>> -> memref<1x512x32xf32, #tpu.memory_space<hbm>>
    %dma_wait3A_959 = tpu.memref_squeeze %dma_wait3A_958 : memref<1x512x32xf32, #tpu.memory_space<hbm>> -> memref<512x32xf32, #tpu.memory_space<hbm>>
    %dma_wait3A_960 = arith.constant 0 : i32
    %dma_wait3A_961 = arith.constant 0 : i32
    %dma_wait3A_962 = tpu.memref_slice %arg6[%dma_wait3A_945, %dma_wait3A_960, %dma_wait3A_961] : memref<6x512x32xf32, #tpu.memory_space<vmem>> -> memref<1x512x32xf32, #tpu.memory_space<vmem>>
    %dma_wait3A_963 = tpu.memref_squeeze %dma_wait3A_962 : memref<1x512x32xf32, #tpu.memory_space<vmem>> -> memref<512x32xf32, #tpu.memory_space<vmem>>
    tpu.wait_dma2 semaphore(%dma_wait3A_956 : memref<!tpu.dma_semaphore, #tpu.memory_space<semaphore_mem>>) src(%dma_wait3A_963 : memref<512x32xf32, #tpu.memory_space<vmem>>) dst(%dma_wait3A_959 : memref<512x32xf32, #tpu.memory_space<hbm>>)
    %dma_start3A_964 = arith.constant 11 : i32
    %dma_start3A_965 = arith.constant 5 : i32
    %dma_start3A_966 = arith.constant 5 : i32
    %dma_start3A_967 = arith.constant 0 : i32
    %dma_start3A_968 = arith.constant 0 : i32
    %dma_start3A_969 = tpu.memref_slice %arg6[%dma_start3A_965, %dma_start3A_967, %dma_start3A_968] : memref<6x512x32xf32, #tpu.memory_space<vmem>> -> memref<1x512x32xf32, #tpu.memory_space<vmem>>
    %dma_start3A_970 = tpu.memref_squeeze %dma_start3A_969 : memref<1x512x32xf32, #tpu.memory_space<vmem>> -> memref<512x32xf32, #tpu.memory_space<vmem>>
    %dma_start3A_971 = arith.constant 0 : i32
    %dma_start3A_972 = tpu.memref_slice %arg5[%dma_start3A_964, %dma_start3A_971] : memref<20x512xi32, #tpu.memory_space<vmem>> -> memref<1x512xi32, #tpu.memory_space<vmem>>
    %dma_start3A_973 = tpu.memref_squeeze %dma_start3A_972 : memref<1x512xi32, #tpu.memory_space<vmem>> -> memref<512xi32, #tpu.memory_space<vmem>>
    %dma_start3A_974 = arith.constant 0 : i32
    %dma_start3A_975 = arith.constant 0 : i32
    %dma_start3A_976 = tpu.memref_slice %arg3[%dma_start3A_974, %dma_start3A_975] : memref<1000000x32xf32, #tpu.memory_space<hbm>> -> memref<1000000x32xf32, #tpu.memory_space<hbm>>
    %dma_start3A_977 = tpu.memref_slice %arg7[%dma_start3A_966] : memref<6x!tpu.dma_semaphore, #tpu.memory_space<semaphore_mem>> -> memref<1x!tpu.dma_semaphore, #tpu.memory_space<semaphore_mem>>
    %dma_start3A_978 = tpu.memref_squeeze %dma_start3A_977 : memref<1x!tpu.dma_semaphore, #tpu.memory_space<semaphore_mem>> -> memref<!tpu.dma_semaphore, #tpu.memory_space<semaphore_mem>>
    tpu.enqueue_indirect_dma source(%dma_start3A_976 : memref<1000000x32xf32, #tpu.memory_space<hbm>>) target(%dma_start3A_970 : memref<512x32xf32, #tpu.memory_space<vmem>>) offsets(%dma_start3A_973 : memref<512xi32, #tpu.memory_space<vmem>>) semaphore(%dma_start3A_978 : memref<!tpu.dma_semaphore, #tpu.memory_space<semaphore_mem>>)
    %dma_wait3A_979 = arith.constant 6 : i32
    %dma_wait3A_980 = arith.constant 0 : i32
    %dma_wait3A_981 = arith.constant 0 : i32
    %dma_wait3A_982 = arith.constant 0 : i32
    %dma_wait3A_983 = arith.constant 0 : i32
    %dma_wait3A_984 = tpu.memref_slice %arg6[%dma_wait3A_980, %dma_wait3A_982, %dma_wait3A_983] : memref<6x512x32xf32, #tpu.memory_space<vmem>> -> memref<1x512x32xf32, #tpu.memory_space<vmem>>
    %dma_wait3A_985 = tpu.memref_squeeze %dma_wait3A_984 : memref<1x512x32xf32, #tpu.memory_space<vmem>> -> memref<512x32xf32, #tpu.memory_space<vmem>>
    %dma_wait3A_986 = arith.constant 0 : i32
    %dma_wait3A_987 = tpu.memref_slice %arg5[%dma_wait3A_979, %dma_wait3A_986] : memref<20x512xi32, #tpu.memory_space<vmem>> -> memref<1x512xi32, #tpu.memory_space<vmem>>
    %dma_wait3A_988 = tpu.memref_squeeze %dma_wait3A_987 : memref<1x512xi32, #tpu.memory_space<vmem>> -> memref<512xi32, #tpu.memory_space<vmem>>
    %dma_wait3A_989 = arith.constant 0 : i32
    %dma_wait3A_990 = arith.constant 0 : i32
    %dma_wait3A_991 = tpu.memref_slice %arg3[%dma_wait3A_989, %dma_wait3A_990] : memref<1000000x32xf32, #tpu.memory_space<hbm>> -> memref<1000000x32xf32, #tpu.memory_space<hbm>>
    %dma_wait3A_992 = tpu.memref_slice %arg7[%dma_wait3A_981] : memref<6x!tpu.dma_semaphore, #tpu.memory_space<semaphore_mem>> -> memref<1x!tpu.dma_semaphore, #tpu.memory_space<semaphore_mem>>
    %dma_wait3A_993 = tpu.memref_squeeze %dma_wait3A_992 : memref<1x!tpu.dma_semaphore, #tpu.memory_space<semaphore_mem>> -> memref<!tpu.dma_semaphore, #tpu.memory_space<semaphore_mem>>
    tpu.wait_indirect_dma semaphore(%dma_wait3A_993 : memref<!tpu.dma_semaphore, #tpu.memory_space<semaphore_mem>>) src(%dma_wait3A_991 : memref<1000000x32xf32, #tpu.memory_space<hbm>>) dst(%dma_wait3A_985 : memref<512x32xf32, #tpu.memory_space<vmem>>)
    %dma_start3A_994 = arith.constant 0 : i32
    %dma_start3A_995 = arith.constant 6 : i32
    %dma_start3A_996 = arith.constant 0 : i32
    %dma_start3A_997 = arith.constant 0 : i32
    %dma_start3A_998 = arith.constant 0 : i32
    %dma_start3A_999 = tpu.memref_slice %arg6[%dma_start3A_994, %dma_start3A_997, %dma_start3A_998] : memref<6x512x32xf32, #tpu.memory_space<vmem>> -> memref<1x512x32xf32, #tpu.memory_space<vmem>>
    %dma_start3A_1000 = tpu.memref_squeeze %dma_start3A_999 : memref<1x512x32xf32, #tpu.memory_space<vmem>> -> memref<512x32xf32, #tpu.memory_space<vmem>>
    %dma_start3A_1001 = arith.constant 0 : i32
    %dma_start3A_1002 = tpu.memref_slice %arg4[%dma_start3A_995, %mul3A_2, %dma_start3A_1001] : memref<20x16384x32xf32, #tpu.memory_space<hbm>> -> memref<1x512x32xf32, #tpu.memory_space<hbm>>
    %dma_start3A_1003 = tpu.memref_squeeze %dma_start3A_1002 : memref<1x512x32xf32, #tpu.memory_space<hbm>> -> memref<512x32xf32, #tpu.memory_space<hbm>>
    %dma_start3A_1004 = tpu.memref_slice %arg8[%dma_start3A_996] : memref<6x!tpu.dma_semaphore, #tpu.memory_space<semaphore_mem>> -> memref<1x!tpu.dma_semaphore, #tpu.memory_space<semaphore_mem>>
    %dma_start3A_1005 = tpu.memref_squeeze %dma_start3A_1004 : memref<1x!tpu.dma_semaphore, #tpu.memory_space<semaphore_mem>> -> memref<!tpu.dma_semaphore, #tpu.memory_space<semaphore_mem>>
    %dma_start3A_1006 = arith.constant 0 : i32
    %dma_start3A_1007 = tpu.memref_slice %arg4[%dma_start3A_995, %mul3A_2, %dma_start3A_1006] : memref<20x16384x32xf32, #tpu.memory_space<hbm>> -> memref<1x512x32xf32, #tpu.memory_space<hbm>>
    %dma_start3A_1008 = tpu.memref_squeeze %dma_start3A_1007 : memref<1x512x32xf32, #tpu.memory_space<hbm>> -> memref<512x32xf32, #tpu.memory_space<hbm>>
    %dma_start3A_1009 = arith.constant 0 : i32
    %dma_start3A_1010 = arith.constant 0 : i32
    %dma_start3A_1011 = tpu.memref_slice %arg6[%dma_start3A_994, %dma_start3A_1009, %dma_start3A_1010] : memref<6x512x32xf32, #tpu.memory_space<vmem>> -> memref<1x512x32xf32, #tpu.memory_space<vmem>>
    %dma_start3A_1012 = tpu.memref_squeeze %dma_start3A_1011 : memref<1x512x32xf32, #tpu.memory_space<vmem>> -> memref<512x32xf32, #tpu.memory_space<vmem>>
    tpu.enqueue_dma source(%dma_start3A_1012 : memref<512x32xf32, #tpu.memory_space<vmem>>) target(%dma_start3A_1008 : memref<512x32xf32, #tpu.memory_space<hbm>>) target_semaphore(%dma_start3A_1005 : memref<!tpu.dma_semaphore, #tpu.memory_space<semaphore_mem>>)
    %dma_wait3A_1013 = arith.constant 0 : i32
    %dma_wait3A_1014 = arith.constant 6 : i32
    %dma_wait3A_1015 = arith.constant 0 : i32
    %dma_wait3A_1016 = arith.constant 0 : i32
    %dma_wait3A_1017 = arith.constant 0 : i32
    %dma_wait3A_1018 = tpu.memref_slice %arg6[%dma_wait3A_1013, %dma_wait3A_1016, %dma_wait3A_1017] : memref<6x512x32xf32, #tpu.memory_space<vmem>> -> memref<1x512x32xf32, #tpu.memory_space<vmem>>
    %dma_wait3A_1019 = tpu.memref_squeeze %dma_wait3A_1018 : memref<1x512x32xf32, #tpu.memory_space<vmem>> -> memref<512x32xf32, #tpu.memory_space<vmem>>
    %dma_wait3A_1020 = arith.constant 0 : i32
    %dma_wait3A_1021 = tpu.memref_slice %arg4[%dma_wait3A_1014, %mul3A_2, %dma_wait3A_1020] : memref<20x16384x32xf32, #tpu.memory_space<hbm>> -> memref<1x512x32xf32, #tpu.memory_space<hbm>>
    %dma_wait3A_1022 = tpu.memref_squeeze %dma_wait3A_1021 : memref<1x512x32xf32, #tpu.memory_space<hbm>> -> memref<512x32xf32, #tpu.memory_space<hbm>>
    %dma_wait3A_1023 = tpu.memref_slice %arg8[%dma_wait3A_1015] : memref<6x!tpu.dma_semaphore, #tpu.memory_space<semaphore_mem>> -> memref<1x!tpu.dma_semaphore, #tpu.memory_space<semaphore_mem>>
    %dma_wait3A_1024 = tpu.memref_squeeze %dma_wait3A_1023 : memref<1x!tpu.dma_semaphore, #tpu.memory_space<semaphore_mem>> -> memref<!tpu.dma_semaphore, #tpu.memory_space<semaphore_mem>>
    %dma_wait3A_1025 = arith.constant 0 : i32
    %dma_wait3A_1026 = tpu.memref_slice %arg4[%dma_wait3A_1014, %mul3A_2, %dma_wait3A_1025] : memref<20x16384x32xf32, #tpu.memory_space<hbm>> -> memref<1x512x32xf32, #tpu.memory_space<hbm>>
    %dma_wait3A_1027 = tpu.memref_squeeze %dma_wait3A_1026 : memref<1x512x32xf32, #tpu.memory_space<hbm>> -> memref<512x32xf32, #tpu.memory_space<hbm>>
    %dma_wait3A_1028 = arith.constant 0 : i32
    %dma_wait3A_1029 = arith.constant 0 : i32
    %dma_wait3A_1030 = tpu.memref_slice %arg6[%dma_wait3A_1013, %dma_wait3A_1028, %dma_wait3A_1029] : memref<6x512x32xf32, #tpu.memory_space<vmem>> -> memref<1x512x32xf32, #tpu.memory_space<vmem>>
    %dma_wait3A_1031 = tpu.memref_squeeze %dma_wait3A_1030 : memref<1x512x32xf32, #tpu.memory_space<vmem>> -> memref<512x32xf32, #tpu.memory_space<vmem>>
    tpu.wait_dma2 semaphore(%dma_wait3A_1024 : memref<!tpu.dma_semaphore, #tpu.memory_space<semaphore_mem>>) src(%dma_wait3A_1031 : memref<512x32xf32, #tpu.memory_space<vmem>>) dst(%dma_wait3A_1027 : memref<512x32xf32, #tpu.memory_space<hbm>>)
    %dma_start3A_1032 = arith.constant 12 : i32
    %dma_start3A_1033 = arith.constant 0 : i32
    %dma_start3A_1034 = arith.constant 0 : i32
    %dma_start3A_1035 = arith.constant 0 : i32
    %dma_start3A_1036 = arith.constant 0 : i32
    %dma_start3A_1037 = tpu.memref_slice %arg6[%dma_start3A_1033, %dma_start3A_1035, %dma_start3A_1036] : memref<6x512x32xf32, #tpu.memory_space<vmem>> -> memref<1x512x32xf32, #tpu.memory_space<vmem>>
    %dma_start3A_1038 = tpu.memref_squeeze %dma_start3A_1037 : memref<1x512x32xf32, #tpu.memory_space<vmem>> -> memref<512x32xf32, #tpu.memory_space<vmem>>
    %dma_start3A_1039 = arith.constant 0 : i32
    %dma_start3A_1040 = tpu.memref_slice %arg5[%dma_start3A_1032, %dma_start3A_1039] : memref<20x512xi32, #tpu.memory_space<vmem>> -> memref<1x512xi32, #tpu.memory_space<vmem>>
    %dma_start3A_1041 = tpu.memref_squeeze %dma_start3A_1040 : memref<1x512xi32, #tpu.memory_space<vmem>> -> memref<512xi32, #tpu.memory_space<vmem>>
    %dma_start3A_1042 = arith.constant 0 : i32
    %dma_start3A_1043 = arith.constant 0 : i32
    %dma_start3A_1044 = tpu.memref_slice %arg3[%dma_start3A_1042, %dma_start3A_1043] : memref<1000000x32xf32, #tpu.memory_space<hbm>> -> memref<1000000x32xf32, #tpu.memory_space<hbm>>
    %dma_start3A_1045 = tpu.memref_slice %arg7[%dma_start3A_1034] : memref<6x!tpu.dma_semaphore, #tpu.memory_space<semaphore_mem>> -> memref<1x!tpu.dma_semaphore, #tpu.memory_space<semaphore_mem>>
    %dma_start3A_1046 = tpu.memref_squeeze %dma_start3A_1045 : memref<1x!tpu.dma_semaphore, #tpu.memory_space<semaphore_mem>> -> memref<!tpu.dma_semaphore, #tpu.memory_space<semaphore_mem>>
    tpu.enqueue_indirect_dma source(%dma_start3A_1044 : memref<1000000x32xf32, #tpu.memory_space<hbm>>) target(%dma_start3A_1038 : memref<512x32xf32, #tpu.memory_space<vmem>>) offsets(%dma_start3A_1041 : memref<512xi32, #tpu.memory_space<vmem>>) semaphore(%dma_start3A_1046 : memref<!tpu.dma_semaphore, #tpu.memory_space<semaphore_mem>>)
    %dma_wait3A_1047 = arith.constant 7 : i32
    %dma_wait3A_1048 = arith.constant 1 : i32
    %dma_wait3A_1049 = arith.constant 1 : i32
    %dma_wait3A_1050 = arith.constant 0 : i32
    %dma_wait3A_1051 = arith.constant 0 : i32
    %dma_wait3A_1052 = tpu.memref_slice %arg6[%dma_wait3A_1048, %dma_wait3A_1050, %dma_wait3A_1051] : memref<6x512x32xf32, #tpu.memory_space<vmem>> -> memref<1x512x32xf32, #tpu.memory_space<vmem>>
    %dma_wait3A_1053 = tpu.memref_squeeze %dma_wait3A_1052 : memref<1x512x32xf32, #tpu.memory_space<vmem>> -> memref<512x32xf32, #tpu.memory_space<vmem>>
    %dma_wait3A_1054 = arith.constant 0 : i32
    %dma_wait3A_1055 = tpu.memref_slice %arg5[%dma_wait3A_1047, %dma_wait3A_1054] : memref<20x512xi32, #tpu.memory_space<vmem>> -> memref<1x512xi32, #tpu.memory_space<vmem>>
    %dma_wait3A_1056 = tpu.memref_squeeze %dma_wait3A_1055 : memref<1x512xi32, #tpu.memory_space<vmem>> -> memref<512xi32, #tpu.memory_space<vmem>>
    %dma_wait3A_1057 = arith.constant 0 : i32
    %dma_wait3A_1058 = arith.constant 0 : i32
    %dma_wait3A_1059 = tpu.memref_slice %arg3[%dma_wait3A_1057, %dma_wait3A_1058] : memref<1000000x32xf32, #tpu.memory_space<hbm>> -> memref<1000000x32xf32, #tpu.memory_space<hbm>>
    %dma_wait3A_1060 = tpu.memref_slice %arg7[%dma_wait3A_1049] : memref<6x!tpu.dma_semaphore, #tpu.memory_space<semaphore_mem>> -> memref<1x!tpu.dma_semaphore, #tpu.memory_space<semaphore_mem>>
    %dma_wait3A_1061 = tpu.memref_squeeze %dma_wait3A_1060 : memref<1x!tpu.dma_semaphore, #tpu.memory_space<semaphore_mem>> -> memref<!tpu.dma_semaphore, #tpu.memory_space<semaphore_mem>>
    tpu.wait_indirect_dma semaphore(%dma_wait3A_1061 : memref<!tpu.dma_semaphore, #tpu.memory_space<semaphore_mem>>) src(%dma_wait3A_1059 : memref<1000000x32xf32, #tpu.memory_space<hbm>>) dst(%dma_wait3A_1053 : memref<512x32xf32, #tpu.memory_space<vmem>>)
    %dma_start3A_1062 = arith.constant 1 : i32
    %dma_start3A_1063 = arith.constant 7 : i32
    %dma_start3A_1064 = arith.constant 1 : i32
    %dma_start3A_1065 = arith.constant 0 : i32
    %dma_start3A_1066 = arith.constant 0 : i32
    %dma_start3A_1067 = tpu.memref_slice %arg6[%dma_start3A_1062, %dma_start3A_1065, %dma_start3A_1066] : memref<6x512x32xf32, #tpu.memory_space<vmem>> -> memref<1x512x32xf32, #tpu.memory_space<vmem>>
    %dma_start3A_1068 = tpu.memref_squeeze %dma_start3A_1067 : memref<1x512x32xf32, #tpu.memory_space<vmem>> -> memref<512x32xf32, #tpu.memory_space<vmem>>
    %dma_start3A_1069 = arith.constant 0 : i32
    %dma_start3A_1070 = tpu.memref_slice %arg4[%dma_start3A_1063, %mul3A_2, %dma_start3A_1069] : memref<20x16384x32xf32, #tpu.memory_space<hbm>> -> memref<1x512x32xf32, #tpu.memory_space<hbm>>
    %dma_start3A_1071 = tpu.memref_squeeze %dma_start3A_1070 : memref<1x512x32xf32, #tpu.memory_space<hbm>> -> memref<512x32xf32, #tpu.memory_space<hbm>>
    %dma_start3A_1072 = tpu.memref_slice %arg8[%dma_start3A_1064] : memref<6x!tpu.dma_semaphore, #tpu.memory_space<semaphore_mem>> -> memref<1x!tpu.dma_semaphore, #tpu.memory_space<semaphore_mem>>
    %dma_start3A_1073 = tpu.memref_squeeze %dma_start3A_1072 : memref<1x!tpu.dma_semaphore, #tpu.memory_space<semaphore_mem>> -> memref<!tpu.dma_semaphore, #tpu.memory_space<semaphore_mem>>
    %dma_start3A_1074 = arith.constant 0 : i32
    %dma_start3A_1075 = tpu.memref_slice %arg4[%dma_start3A_1063, %mul3A_2, %dma_start3A_1074] : memref<20x16384x32xf32, #tpu.memory_space<hbm>> -> memref<1x512x32xf32, #tpu.memory_space<hbm>>
    %dma_start3A_1076 = tpu.memref_squeeze %dma_start3A_1075 : memref<1x512x32xf32, #tpu.memory_space<hbm>> -> memref<512x32xf32, #tpu.memory_space<hbm>>
    %dma_start3A_1077 = arith.constant 0 : i32
    %dma_start3A_1078 = arith.constant 0 : i32
    %dma_start3A_1079 = tpu.memref_slice %arg6[%dma_start3A_1062, %dma_start3A_1077, %dma_start3A_1078] : memref<6x512x32xf32, #tpu.memory_space<vmem>> -> memref<1x512x32xf32, #tpu.memory_space<vmem>>
    %dma_start3A_1080 = tpu.memref_squeeze %dma_start3A_1079 : memref<1x512x32xf32, #tpu.memory_space<vmem>> -> memref<512x32xf32, #tpu.memory_space<vmem>>
    tpu.enqueue_dma source(%dma_start3A_1080 : memref<512x32xf32, #tpu.memory_space<vmem>>) target(%dma_start3A_1076 : memref<512x32xf32, #tpu.memory_space<hbm>>) target_semaphore(%dma_start3A_1073 : memref<!tpu.dma_semaphore, #tpu.memory_space<semaphore_mem>>)
    %dma_wait3A_1081 = arith.constant 1 : i32
    %dma_wait3A_1082 = arith.constant 7 : i32
    %dma_wait3A_1083 = arith.constant 1 : i32
    %dma_wait3A_1084 = arith.constant 0 : i32
    %dma_wait3A_1085 = arith.constant 0 : i32
    %dma_wait3A_1086 = tpu.memref_slice %arg6[%dma_wait3A_1081, %dma_wait3A_1084, %dma_wait3A_1085] : memref<6x512x32xf32, #tpu.memory_space<vmem>> -> memref<1x512x32xf32, #tpu.memory_space<vmem>>
    %dma_wait3A_1087 = tpu.memref_squeeze %dma_wait3A_1086 : memref<1x512x32xf32, #tpu.memory_space<vmem>> -> memref<512x32xf32, #tpu.memory_space<vmem>>
    %dma_wait3A_1088 = arith.constant 0 : i32
    %dma_wait3A_1089 = tpu.memref_slice %arg4[%dma_wait3A_1082, %mul3A_2, %dma_wait3A_1088] : memref<20x16384x32xf32, #tpu.memory_space<hbm>> -> memref<1x512x32xf32, #tpu.memory_space<hbm>>
    %dma_wait3A_1090 = tpu.memref_squeeze %dma_wait3A_1089 : memref<1x512x32xf32, #tpu.memory_space<hbm>> -> memref<512x32xf32, #tpu.memory_space<hbm>>
    %dma_wait3A_1091 = tpu.memref_slice %arg8[%dma_wait3A_1083] : memref<6x!tpu.dma_semaphore, #tpu.memory_space<semaphore_mem>> -> memref<1x!tpu.dma_semaphore, #tpu.memory_space<semaphore_mem>>
    %dma_wait3A_1092 = tpu.memref_squeeze %dma_wait3A_1091 : memref<1x!tpu.dma_semaphore, #tpu.memory_space<semaphore_mem>> -> memref<!tpu.dma_semaphore, #tpu.memory_space<semaphore_mem>>
    %dma_wait3A_1093 = arith.constant 0 : i32
    %dma_wait3A_1094 = tpu.memref_slice %arg4[%dma_wait3A_1082, %mul3A_2, %dma_wait3A_1093] : memref<20x16384x32xf32, #tpu.memory_space<hbm>> -> memref<1x512x32xf32, #tpu.memory_space<hbm>>
    %dma_wait3A_1095 = tpu.memref_squeeze %dma_wait3A_1094 : memref<1x512x32xf32, #tpu.memory_space<hbm>> -> memref<512x32xf32, #tpu.memory_space<hbm>>
    %dma_wait3A_1096 = arith.constant 0 : i32
    %dma_wait3A_1097 = arith.constant 0 : i32
    %dma_wait3A_1098 = tpu.memref_slice %arg6[%dma_wait3A_1081, %dma_wait3A_1096, %dma_wait3A_1097] : memref<6x512x32xf32, #tpu.memory_space<vmem>> -> memref<1x512x32xf32, #tpu.memory_space<vmem>>
    %dma_wait3A_1099 = tpu.memref_squeeze %dma_wait3A_1098 : memref<1x512x32xf32, #tpu.memory_space<vmem>> -> memref<512x32xf32, #tpu.memory_space<vmem>>
    tpu.wait_dma2 semaphore(%dma_wait3A_1092 : memref<!tpu.dma_semaphore, #tpu.memory_space<semaphore_mem>>) src(%dma_wait3A_1099 : memref<512x32xf32, #tpu.memory_space<vmem>>) dst(%dma_wait3A_1095 : memref<512x32xf32, #tpu.memory_space<hbm>>)
    %dma_start3A_1100 = arith.constant 13 : i32
    %dma_start3A_1101 = arith.constant 1 : i32
    %dma_start3A_1102 = arith.constant 1 : i32
    %dma_start3A_1103 = arith.constant 0 : i32
    %dma_start3A_1104 = arith.constant 0 : i32
    %dma_start3A_1105 = tpu.memref_slice %arg6[%dma_start3A_1101, %dma_start3A_1103, %dma_start3A_1104] : memref<6x512x32xf32, #tpu.memory_space<vmem>> -> memref<1x512x32xf32, #tpu.memory_space<vmem>>
    %dma_start3A_1106 = tpu.memref_squeeze %dma_start3A_1105 : memref<1x512x32xf32, #tpu.memory_space<vmem>> -> memref<512x32xf32, #tpu.memory_space<vmem>>
    %dma_start3A_1107 = arith.constant 0 : i32
    %dma_start3A_1108 = tpu.memref_slice %arg5[%dma_start3A_1100, %dma_start3A_1107] : memref<20x512xi32, #tpu.memory_space<vmem>> -> memref<1x512xi32, #tpu.memory_space<vmem>>
    %dma_start3A_1109 = tpu.memref_squeeze %dma_start3A_1108 : memref<1x512xi32, #tpu.memory_space<vmem>> -> memref<512xi32, #tpu.memory_space<vmem>>
    %dma_start3A_1110 = arith.constant 0 : i32
    %dma_start3A_1111 = arith.constant 0 : i32
    %dma_start3A_1112 = tpu.memref_slice %arg3[%dma_start3A_1110, %dma_start3A_1111] : memref<1000000x32xf32, #tpu.memory_space<hbm>> -> memref<1000000x32xf32, #tpu.memory_space<hbm>>
    %dma_start3A_1113 = tpu.memref_slice %arg7[%dma_start3A_1102] : memref<6x!tpu.dma_semaphore, #tpu.memory_space<semaphore_mem>> -> memref<1x!tpu.dma_semaphore, #tpu.memory_space<semaphore_mem>>
    %dma_start3A_1114 = tpu.memref_squeeze %dma_start3A_1113 : memref<1x!tpu.dma_semaphore, #tpu.memory_space<semaphore_mem>> -> memref<!tpu.dma_semaphore, #tpu.memory_space<semaphore_mem>>
    tpu.enqueue_indirect_dma source(%dma_start3A_1112 : memref<1000000x32xf32, #tpu.memory_space<hbm>>) target(%dma_start3A_1106 : memref<512x32xf32, #tpu.memory_space<vmem>>) offsets(%dma_start3A_1109 : memref<512xi32, #tpu.memory_space<vmem>>) semaphore(%dma_start3A_1114 : memref<!tpu.dma_semaphore, #tpu.memory_space<semaphore_mem>>)
    %dma_wait3A_1115 = arith.constant 8 : i32
    %dma_wait3A_1116 = arith.constant 2 : i32
    %dma_wait3A_1117 = arith.constant 2 : i32
    %dma_wait3A_1118 = arith.constant 0 : i32
    %dma_wait3A_1119 = arith.constant 0 : i32
    %dma_wait3A_1120 = tpu.memref_slice %arg6[%dma_wait3A_1116, %dma_wait3A_1118, %dma_wait3A_1119] : memref<6x512x32xf32, #tpu.memory_space<vmem>> -> memref<1x512x32xf32, #tpu.memory_space<vmem>>
    %dma_wait3A_1121 = tpu.memref_squeeze %dma_wait3A_1120 : memref<1x512x32xf32, #tpu.memory_space<vmem>> -> memref<512x32xf32, #tpu.memory_space<vmem>>
    %dma_wait3A_1122 = arith.constant 0 : i32
    %dma_wait3A_1123 = tpu.memref_slice %arg5[%dma_wait3A_1115, %dma_wait3A_1122] : memref<20x512xi32, #tpu.memory_space<vmem>> -> memref<1x512xi32, #tpu.memory_space<vmem>>
    %dma_wait3A_1124 = tpu.memref_squeeze %dma_wait3A_1123 : memref<1x512xi32, #tpu.memory_space<vmem>> -> memref<512xi32, #tpu.memory_space<vmem>>
    %dma_wait3A_1125 = arith.constant 0 : i32
    %dma_wait3A_1126 = arith.constant 0 : i32
    %dma_wait3A_1127 = tpu.memref_slice %arg3[%dma_wait3A_1125, %dma_wait3A_1126] : memref<1000000x32xf32, #tpu.memory_space<hbm>> -> memref<1000000x32xf32, #tpu.memory_space<hbm>>
    %dma_wait3A_1128 = tpu.memref_slice %arg7[%dma_wait3A_1117] : memref<6x!tpu.dma_semaphore, #tpu.memory_space<semaphore_mem>> -> memref<1x!tpu.dma_semaphore, #tpu.memory_space<semaphore_mem>>
    %dma_wait3A_1129 = tpu.memref_squeeze %dma_wait3A_1128 : memref<1x!tpu.dma_semaphore, #tpu.memory_space<semaphore_mem>> -> memref<!tpu.dma_semaphore, #tpu.memory_space<semaphore_mem>>
    tpu.wait_indirect_dma semaphore(%dma_wait3A_1129 : memref<!tpu.dma_semaphore, #tpu.memory_space<semaphore_mem>>) src(%dma_wait3A_1127 : memref<1000000x32xf32, #tpu.memory_space<hbm>>) dst(%dma_wait3A_1121 : memref<512x32xf32, #tpu.memory_space<vmem>>)
    %dma_start3A_1130 = arith.constant 2 : i32
    %dma_start3A_1131 = arith.constant 8 : i32
    %dma_start3A_1132 = arith.constant 2 : i32
    %dma_start3A_1133 = arith.constant 0 : i32
    %dma_start3A_1134 = arith.constant 0 : i32
    %dma_start3A_1135 = tpu.memref_slice %arg6[%dma_start3A_1130, %dma_start3A_1133, %dma_start3A_1134] : memref<6x512x32xf32, #tpu.memory_space<vmem>> -> memref<1x512x32xf32, #tpu.memory_space<vmem>>
    %dma_start3A_1136 = tpu.memref_squeeze %dma_start3A_1135 : memref<1x512x32xf32, #tpu.memory_space<vmem>> -> memref<512x32xf32, #tpu.memory_space<vmem>>
    %dma_start3A_1137 = arith.constant 0 : i32
    %dma_start3A_1138 = tpu.memref_slice %arg4[%dma_start3A_1131, %mul3A_2, %dma_start3A_1137] : memref<20x16384x32xf32, #tpu.memory_space<hbm>> -> memref<1x512x32xf32, #tpu.memory_space<hbm>>
    %dma_start3A_1139 = tpu.memref_squeeze %dma_start3A_1138 : memref<1x512x32xf32, #tpu.memory_space<hbm>> -> memref<512x32xf32, #tpu.memory_space<hbm>>
    %dma_start3A_1140 = tpu.memref_slice %arg8[%dma_start3A_1132] : memref<6x!tpu.dma_semaphore, #tpu.memory_space<semaphore_mem>> -> memref<1x!tpu.dma_semaphore, #tpu.memory_space<semaphore_mem>>
    %dma_start3A_1141 = tpu.memref_squeeze %dma_start3A_1140 : memref<1x!tpu.dma_semaphore, #tpu.memory_space<semaphore_mem>> -> memref<!tpu.dma_semaphore, #tpu.memory_space<semaphore_mem>>
    %dma_start3A_1142 = arith.constant 0 : i32
    %dma_start3A_1143 = tpu.memref_slice %arg4[%dma_start3A_1131, %mul3A_2, %dma_start3A_1142] : memref<20x16384x32xf32, #tpu.memory_space<hbm>> -> memref<1x512x32xf32, #tpu.memory_space<hbm>>
    %dma_start3A_1144 = tpu.memref_squeeze %dma_start3A_1143 : memref<1x512x32xf32, #tpu.memory_space<hbm>> -> memref<512x32xf32, #tpu.memory_space<hbm>>
    %dma_start3A_1145 = arith.constant 0 : i32
    %dma_start3A_1146 = arith.constant 0 : i32
    %dma_start3A_1147 = tpu.memref_slice %arg6[%dma_start3A_1130, %dma_start3A_1145, %dma_start3A_1146] : memref<6x512x32xf32, #tpu.memory_space<vmem>> -> memref<1x512x32xf32, #tpu.memory_space<vmem>>
    %dma_start3A_1148 = tpu.memref_squeeze %dma_start3A_1147 : memref<1x512x32xf32, #tpu.memory_space<vmem>> -> memref<512x32xf32, #tpu.memory_space<vmem>>
    tpu.enqueue_dma source(%dma_start3A_1148 : memref<512x32xf32, #tpu.memory_space<vmem>>) target(%dma_start3A_1144 : memref<512x32xf32, #tpu.memory_space<hbm>>) target_semaphore(%dma_start3A_1141 : memref<!tpu.dma_semaphore, #tpu.memory_space<semaphore_mem>>)
    %dma_wait3A_1149 = arith.constant 2 : i32
    %dma_wait3A_1150 = arith.constant 8 : i32
    %dma_wait3A_1151 = arith.constant 2 : i32
    %dma_wait3A_1152 = arith.constant 0 : i32
    %dma_wait3A_1153 = arith.constant 0 : i32
    %dma_wait3A_1154 = tpu.memref_slice %arg6[%dma_wait3A_1149, %dma_wait3A_1152, %dma_wait3A_1153] : memref<6x512x32xf32, #tpu.memory_space<vmem>> -> memref<1x512x32xf32, #tpu.memory_space<vmem>>
    %dma_wait3A_1155 = tpu.memref_squeeze %dma_wait3A_1154 : memref<1x512x32xf32, #tpu.memory_space<vmem>> -> memref<512x32xf32, #tpu.memory_space<vmem>>
    %dma_wait3A_1156 = arith.constant 0 : i32
    %dma_wait3A_1157 = tpu.memref_slice %arg4[%dma_wait3A_1150, %mul3A_2, %dma_wait3A_1156] : memref<20x16384x32xf32, #tpu.memory_space<hbm>> -> memref<1x512x32xf32, #tpu.memory_space<hbm>>
    %dma_wait3A_1158 = tpu.memref_squeeze %dma_wait3A_1157 : memref<1x512x32xf32, #tpu.memory_space<hbm>> -> memref<512x32xf32, #tpu.memory_space<hbm>>
    %dma_wait3A_1159 = tpu.memref_slice %arg8[%dma_wait3A_1151] : memref<6x!tpu.dma_semaphore, #tpu.memory_space<semaphore_mem>> -> memref<1x!tpu.dma_semaphore, #tpu.memory_space<semaphore_mem>>
    %dma_wait3A_1160 = tpu.memref_squeeze %dma_wait3A_1159 : memref<1x!tpu.dma_semaphore, #tpu.memory_space<semaphore_mem>> -> memref<!tpu.dma_semaphore, #tpu.memory_space<semaphore_mem>>
    %dma_wait3A_1161 = arith.constant 0 : i32
    %dma_wait3A_1162 = tpu.memref_slice %arg4[%dma_wait3A_1150, %mul3A_2, %dma_wait3A_1161] : memref<20x16384x32xf32, #tpu.memory_space<hbm>> -> memref<1x512x32xf32, #tpu.memory_space<hbm>>
    %dma_wait3A_1163 = tpu.memref_squeeze %dma_wait3A_1162 : memref<1x512x32xf32, #tpu.memory_space<hbm>> -> memref<512x32xf32, #tpu.memory_space<hbm>>
    %dma_wait3A_1164 = arith.constant 0 : i32
    %dma_wait3A_1165 = arith.constant 0 : i32
    %dma_wait3A_1166 = tpu.memref_slice %arg6[%dma_wait3A_1149, %dma_wait3A_1164, %dma_wait3A_1165] : memref<6x512x32xf32, #tpu.memory_space<vmem>> -> memref<1x512x32xf32, #tpu.memory_space<vmem>>
    %dma_wait3A_1167 = tpu.memref_squeeze %dma_wait3A_1166 : memref<1x512x32xf32, #tpu.memory_space<vmem>> -> memref<512x32xf32, #tpu.memory_space<vmem>>
    tpu.wait_dma2 semaphore(%dma_wait3A_1160 : memref<!tpu.dma_semaphore, #tpu.memory_space<semaphore_mem>>) src(%dma_wait3A_1167 : memref<512x32xf32, #tpu.memory_space<vmem>>) dst(%dma_wait3A_1163 : memref<512x32xf32, #tpu.memory_space<hbm>>)
    %dma_start3A_1168 = arith.constant 14 : i32
    %dma_start3A_1169 = arith.constant 2 : i32
    %dma_start3A_1170 = arith.constant 2 : i32
    %dma_start3A_1171 = arith.constant 0 : i32
    %dma_start3A_1172 = arith.constant 0 : i32
    %dma_start3A_1173 = tpu.memref_slice %arg6[%dma_start3A_1169, %dma_start3A_1171, %dma_start3A_1172] : memref<6x512x32xf32, #tpu.memory_space<vmem>> -> memref<1x512x32xf32, #tpu.memory_space<vmem>>
    %dma_start3A_1174 = tpu.memref_squeeze %dma_start3A_1173 : memref<1x512x32xf32, #tpu.memory_space<vmem>> -> memref<512x32xf32, #tpu.memory_space<vmem>>
    %dma_start3A_1175 = arith.constant 0 : i32
    %dma_start3A_1176 = tpu.memref_slice %arg5[%dma_start3A_1168, %dma_start3A_1175] : memref<20x512xi32, #tpu.memory_space<vmem>> -> memref<1x512xi32, #tpu.memory_space<vmem>>
    %dma_start3A_1177 = tpu.memref_squeeze %dma_start3A_1176 : memref<1x512xi32, #tpu.memory_space<vmem>> -> memref<512xi32, #tpu.memory_space<vmem>>
    %dma_start3A_1178 = arith.constant 0 : i32
    %dma_start3A_1179 = arith.constant 0 : i32
    %dma_start3A_1180 = tpu.memref_slice %arg3[%dma_start3A_1178, %dma_start3A_1179] : memref<1000000x32xf32, #tpu.memory_space<hbm>> -> memref<1000000x32xf32, #tpu.memory_space<hbm>>
    %dma_start3A_1181 = tpu.memref_slice %arg7[%dma_start3A_1170] : memref<6x!tpu.dma_semaphore, #tpu.memory_space<semaphore_mem>> -> memref<1x!tpu.dma_semaphore, #tpu.memory_space<semaphore_mem>>
    %dma_start3A_1182 = tpu.memref_squeeze %dma_start3A_1181 : memref<1x!tpu.dma_semaphore, #tpu.memory_space<semaphore_mem>> -> memref<!tpu.dma_semaphore, #tpu.memory_space<semaphore_mem>>
    tpu.enqueue_indirect_dma source(%dma_start3A_1180 : memref<1000000x32xf32, #tpu.memory_space<hbm>>) target(%dma_start3A_1174 : memref<512x32xf32, #tpu.memory_space<vmem>>) offsets(%dma_start3A_1177 : memref<512xi32, #tpu.memory_space<vmem>>) semaphore(%dma_start3A_1182 : memref<!tpu.dma_semaphore, #tpu.memory_space<semaphore_mem>>)
    %dma_wait3A_1183 = arith.constant 9 : i32
    %dma_wait3A_1184 = arith.constant 3 : i32
    %dma_wait3A_1185 = arith.constant 3 : i32
    %dma_wait3A_1186 = arith.constant 0 : i32
    %dma_wait3A_1187 = arith.constant 0 : i32
    %dma_wait3A_1188 = tpu.memref_slice %arg6[%dma_wait3A_1184, %dma_wait3A_1186, %dma_wait3A_1187] : memref<6x512x32xf32, #tpu.memory_space<vmem>> -> memref<1x512x32xf32, #tpu.memory_space<vmem>>
    %dma_wait3A_1189 = tpu.memref_squeeze %dma_wait3A_1188 : memref<1x512x32xf32, #tpu.memory_space<vmem>> -> memref<512x32xf32, #tpu.memory_space<vmem>>
    %dma_wait3A_1190 = arith.constant 0 : i32
    %dma_wait3A_1191 = tpu.memref_slice %arg5[%dma_wait3A_1183, %dma_wait3A_1190] : memref<20x512xi32, #tpu.memory_space<vmem>> -> memref<1x512xi32, #tpu.memory_space<vmem>>
    %dma_wait3A_1192 = tpu.memref_squeeze %dma_wait3A_1191 : memref<1x512xi32, #tpu.memory_space<vmem>> -> memref<512xi32, #tpu.memory_space<vmem>>
    %dma_wait3A_1193 = arith.constant 0 : i32
    %dma_wait3A_1194 = arith.constant 0 : i32
    %dma_wait3A_1195 = tpu.memref_slice %arg3[%dma_wait3A_1193, %dma_wait3A_1194] : memref<1000000x32xf32, #tpu.memory_space<hbm>> -> memref<1000000x32xf32, #tpu.memory_space<hbm>>
    %dma_wait3A_1196 = tpu.memref_slice %arg7[%dma_wait3A_1185] : memref<6x!tpu.dma_semaphore, #tpu.memory_space<semaphore_mem>> -> memref<1x!tpu.dma_semaphore, #tpu.memory_space<semaphore_mem>>
    %dma_wait3A_1197 = tpu.memref_squeeze %dma_wait3A_1196 : memref<1x!tpu.dma_semaphore, #tpu.memory_space<semaphore_mem>> -> memref<!tpu.dma_semaphore, #tpu.memory_space<semaphore_mem>>
    tpu.wait_indirect_dma semaphore(%dma_wait3A_1197 : memref<!tpu.dma_semaphore, #tpu.memory_space<semaphore_mem>>) src(%dma_wait3A_1195 : memref<1000000x32xf32, #tpu.memory_space<hbm>>) dst(%dma_wait3A_1189 : memref<512x32xf32, #tpu.memory_space<vmem>>)
    %dma_start3A_1198 = arith.constant 3 : i32
    %dma_start3A_1199 = arith.constant 9 : i32
    %dma_start3A_1200 = arith.constant 3 : i32
    %dma_start3A_1201 = arith.constant 0 : i32
    %dma_start3A_1202 = arith.constant 0 : i32
    %dma_start3A_1203 = tpu.memref_slice %arg6[%dma_start3A_1198, %dma_start3A_1201, %dma_start3A_1202] : memref<6x512x32xf32, #tpu.memory_space<vmem>> -> memref<1x512x32xf32, #tpu.memory_space<vmem>>
    %dma_start3A_1204 = tpu.memref_squeeze %dma_start3A_1203 : memref<1x512x32xf32, #tpu.memory_space<vmem>> -> memref<512x32xf32, #tpu.memory_space<vmem>>
    %dma_start3A_1205 = arith.constant 0 : i32
    %dma_start3A_1206 = tpu.memref_slice %arg4[%dma_start3A_1199, %mul3A_2, %dma_start3A_1205] : memref<20x16384x32xf32, #tpu.memory_space<hbm>> -> memref<1x512x32xf32, #tpu.memory_space<hbm>>
    %dma_start3A_1207 = tpu.memref_squeeze %dma_start3A_1206 : memref<1x512x32xf32, #tpu.memory_space<hbm>> -> memref<512x32xf32, #tpu.memory_space<hbm>>
    %dma_start3A_1208 = tpu.memref_slice %arg8[%dma_start3A_1200] : memref<6x!tpu.dma_semaphore, #tpu.memory_space<semaphore_mem>> -> memref<1x!tpu.dma_semaphore, #tpu.memory_space<semaphore_mem>>
    %dma_start3A_1209 = tpu.memref_squeeze %dma_start3A_1208 : memref<1x!tpu.dma_semaphore, #tpu.memory_space<semaphore_mem>> -> memref<!tpu.dma_semaphore, #tpu.memory_space<semaphore_mem>>
    %dma_start3A_1210 = arith.constant 0 : i32
    %dma_start3A_1211 = tpu.memref_slice %arg4[%dma_start3A_1199, %mul3A_2, %dma_start3A_1210] : memref<20x16384x32xf32, #tpu.memory_space<hbm>> -> memref<1x512x32xf32, #tpu.memory_space<hbm>>
    %dma_start3A_1212 = tpu.memref_squeeze %dma_start3A_1211 : memref<1x512x32xf32, #tpu.memory_space<hbm>> -> memref<512x32xf32, #tpu.memory_space<hbm>>
    %dma_start3A_1213 = arith.constant 0 : i32
    %dma_start3A_1214 = arith.constant 0 : i32
    %dma_start3A_1215 = tpu.memref_slice %arg6[%dma_start3A_1198, %dma_start3A_1213, %dma_start3A_1214] : memref<6x512x32xf32, #tpu.memory_space<vmem>> -> memref<1x512x32xf32, #tpu.memory_space<vmem>>
    %dma_start3A_1216 = tpu.memref_squeeze %dma_start3A_1215 : memref<1x512x32xf32, #tpu.memory_space<vmem>> -> memref<512x32xf32, #tpu.memory_space<vmem>>
    tpu.enqueue_dma source(%dma_start3A_1216 : memref<512x32xf32, #tpu.memory_space<vmem>>) target(%dma_start3A_1212 : memref<512x32xf32, #tpu.memory_space<hbm>>) target_semaphore(%dma_start3A_1209 : memref<!tpu.dma_semaphore, #tpu.memory_space<semaphore_mem>>)
    %dma_wait3A_1217 = arith.constant 3 : i32
    %dma_wait3A_1218 = arith.constant 9 : i32
    %dma_wait3A_1219 = arith.constant 3 : i32
    %dma_wait3A_1220 = arith.constant 0 : i32
    %dma_wait3A_1221 = arith.constant 0 : i32
    %dma_wait3A_1222 = tpu.memref_slice %arg6[%dma_wait3A_1217, %dma_wait3A_1220, %dma_wait3A_1221] : memref<6x512x32xf32, #tpu.memory_space<vmem>> -> memref<1x512x32xf32, #tpu.memory_space<vmem>>
    %dma_wait3A_1223 = tpu.memref_squeeze %dma_wait3A_1222 : memref<1x512x32xf32, #tpu.memory_space<vmem>> -> memref<512x32xf32, #tpu.memory_space<vmem>>
    %dma_wait3A_1224 = arith.constant 0 : i32
    %dma_wait3A_1225 = tpu.memref_slice %arg4[%dma_wait3A_1218, %mul3A_2, %dma_wait3A_1224] : memref<20x16384x32xf32, #tpu.memory_space<hbm>> -> memref<1x512x32xf32, #tpu.memory_space<hbm>>
    %dma_wait3A_1226 = tpu.memref_squeeze %dma_wait3A_1225 : memref<1x512x32xf32, #tpu.memory_space<hbm>> -> memref<512x32xf32, #tpu.memory_space<hbm>>
    %dma_wait3A_1227 = tpu.memref_slice %arg8[%dma_wait3A_1219] : memref<6x!tpu.dma_semaphore, #tpu.memory_space<semaphore_mem>> -> memref<1x!tpu.dma_semaphore, #tpu.memory_space<semaphore_mem>>
    %dma_wait3A_1228 = tpu.memref_squeeze %dma_wait3A_1227 : memref<1x!tpu.dma_semaphore, #tpu.memory_space<semaphore_mem>> -> memref<!tpu.dma_semaphore, #tpu.memory_space<semaphore_mem>>
    %dma_wait3A_1229 = arith.constant 0 : i32
    %dma_wait3A_1230 = tpu.memref_slice %arg4[%dma_wait3A_1218, %mul3A_2, %dma_wait3A_1229] : memref<20x16384x32xf32, #tpu.memory_space<hbm>> -> memref<1x512x32xf32, #tpu.memory_space<hbm>>
    %dma_wait3A_1231 = tpu.memref_squeeze %dma_wait3A_1230 : memref<1x512x32xf32, #tpu.memory_space<hbm>> -> memref<512x32xf32, #tpu.memory_space<hbm>>
    %dma_wait3A_1232 = arith.constant 0 : i32
    %dma_wait3A_1233 = arith.constant 0 : i32
    %dma_wait3A_1234 = tpu.memref_slice %arg6[%dma_wait3A_1217, %dma_wait3A_1232, %dma_wait3A_1233] : memref<6x512x32xf32, #tpu.memory_space<vmem>> -> memref<1x512x32xf32, #tpu.memory_space<vmem>>
    %dma_wait3A_1235 = tpu.memref_squeeze %dma_wait3A_1234 : memref<1x512x32xf32, #tpu.memory_space<vmem>> -> memref<512x32xf32, #tpu.memory_space<vmem>>
    tpu.wait_dma2 semaphore(%dma_wait3A_1228 : memref<!tpu.dma_semaphore, #tpu.memory_space<semaphore_mem>>) src(%dma_wait3A_1235 : memref<512x32xf32, #tpu.memory_space<vmem>>) dst(%dma_wait3A_1231 : memref<512x32xf32, #tpu.memory_space<hbm>>)
    %dma_start3A_1236 = arith.constant 15 : i32
    %dma_start3A_1237 = arith.constant 3 : i32
    %dma_start3A_1238 = arith.constant 3 : i32
    %dma_start3A_1239 = arith.constant 0 : i32
    %dma_start3A_1240 = arith.constant 0 : i32
    %dma_start3A_1241 = tpu.memref_slice %arg6[%dma_start3A_1237, %dma_start3A_1239, %dma_start3A_1240] : memref<6x512x32xf32, #tpu.memory_space<vmem>> -> memref<1x512x32xf32, #tpu.memory_space<vmem>>
    %dma_start3A_1242 = tpu.memref_squeeze %dma_start3A_1241 : memref<1x512x32xf32, #tpu.memory_space<vmem>> -> memref<512x32xf32, #tpu.memory_space<vmem>>
    %dma_start3A_1243 = arith.constant 0 : i32
    %dma_start3A_1244 = tpu.memref_slice %arg5[%dma_start3A_1236, %dma_start3A_1243] : memref<20x512xi32, #tpu.memory_space<vmem>> -> memref<1x512xi32, #tpu.memory_space<vmem>>
    %dma_start3A_1245 = tpu.memref_squeeze %dma_start3A_1244 : memref<1x512xi32, #tpu.memory_space<vmem>> -> memref<512xi32, #tpu.memory_space<vmem>>
    %dma_start3A_1246 = arith.constant 0 : i32
    %dma_start3A_1247 = arith.constant 0 : i32
    %dma_start3A_1248 = tpu.memref_slice %arg3[%dma_start3A_1246, %dma_start3A_1247] : memref<1000000x32xf32, #tpu.memory_space<hbm>> -> memref<1000000x32xf32, #tpu.memory_space<hbm>>
    %dma_start3A_1249 = tpu.memref_slice %arg7[%dma_start3A_1238] : memref<6x!tpu.dma_semaphore, #tpu.memory_space<semaphore_mem>> -> memref<1x!tpu.dma_semaphore, #tpu.memory_space<semaphore_mem>>
    %dma_start3A_1250 = tpu.memref_squeeze %dma_start3A_1249 : memref<1x!tpu.dma_semaphore, #tpu.memory_space<semaphore_mem>> -> memref<!tpu.dma_semaphore, #tpu.memory_space<semaphore_mem>>
    tpu.enqueue_indirect_dma source(%dma_start3A_1248 : memref<1000000x32xf32, #tpu.memory_space<hbm>>) target(%dma_start3A_1242 : memref<512x32xf32, #tpu.memory_space<vmem>>) offsets(%dma_start3A_1245 : memref<512xi32, #tpu.memory_space<vmem>>) semaphore(%dma_start3A_1250 : memref<!tpu.dma_semaphore, #tpu.memory_space<semaphore_mem>>)
    %dma_wait3A_1251 = arith.constant 10 : i32
    %dma_wait3A_1252 = arith.constant 4 : i32
    %dma_wait3A_1253 = arith.constant 4 : i32
    %dma_wait3A_1254 = arith.constant 0 : i32
    %dma_wait3A_1255 = arith.constant 0 : i32
    %dma_wait3A_1256 = tpu.memref_slice %arg6[%dma_wait3A_1252, %dma_wait3A_1254, %dma_wait3A_1255] : memref<6x512x32xf32, #tpu.memory_space<vmem>> -> memref<1x512x32xf32, #tpu.memory_space<vmem>>
    %dma_wait3A_1257 = tpu.memref_squeeze %dma_wait3A_1256 : memref<1x512x32xf32, #tpu.memory_space<vmem>> -> memref<512x32xf32, #tpu.memory_space<vmem>>
    %dma_wait3A_1258 = arith.constant 0 : i32
    %dma_wait3A_1259 = tpu.memref_slice %arg5[%dma_wait3A_1251, %dma_wait3A_1258] : memref<20x512xi32, #tpu.memory_space<vmem>> -> memref<1x512xi32, #tpu.memory_space<vmem>>
    %dma_wait3A_1260 = tpu.memref_squeeze %dma_wait3A_1259 : memref<1x512xi32, #tpu.memory_space<vmem>> -> memref<512xi32, #tpu.memory_space<vmem>>
    %dma_wait3A_1261 = arith.constant 0 : i32
    %dma_wait3A_1262 = arith.constant 0 : i32
    %dma_wait3A_1263 = tpu.memref_slice %arg3[%dma_wait3A_1261, %dma_wait3A_1262] : memref<1000000x32xf32, #tpu.memory_space<hbm>> -> memref<1000000x32xf32, #tpu.memory_space<hbm>>
    %dma_wait3A_1264 = tpu.memref_slice %arg7[%dma_wait3A_1253] : memref<6x!tpu.dma_semaphore, #tpu.memory_space<semaphore_mem>> -> memref<1x!tpu.dma_semaphore, #tpu.memory_space<semaphore_mem>>
    %dma_wait3A_1265 = tpu.memref_squeeze %dma_wait3A_1264 : memref<1x!tpu.dma_semaphore, #tpu.memory_space<semaphore_mem>> -> memref<!tpu.dma_semaphore, #tpu.memory_space<semaphore_mem>>
    tpu.wait_indirect_dma semaphore(%dma_wait3A_1265 : memref<!tpu.dma_semaphore, #tpu.memory_space<semaphore_mem>>) src(%dma_wait3A_1263 : memref<1000000x32xf32, #tpu.memory_space<hbm>>) dst(%dma_wait3A_1257 : memref<512x32xf32, #tpu.memory_space<vmem>>)
    %dma_start3A_1266 = arith.constant 4 : i32
    %dma_start3A_1267 = arith.constant 10 : i32
    %dma_start3A_1268 = arith.constant 4 : i32
    %dma_start3A_1269 = arith.constant 0 : i32
    %dma_start3A_1270 = arith.constant 0 : i32
    %dma_start3A_1271 = tpu.memref_slice %arg6[%dma_start3A_1266, %dma_start3A_1269, %dma_start3A_1270] : memref<6x512x32xf32, #tpu.memory_space<vmem>> -> memref<1x512x32xf32, #tpu.memory_space<vmem>>
    %dma_start3A_1272 = tpu.memref_squeeze %dma_start3A_1271 : memref<1x512x32xf32, #tpu.memory_space<vmem>> -> memref<512x32xf32, #tpu.memory_space<vmem>>
    %dma_start3A_1273 = arith.constant 0 : i32
    %dma_start3A_1274 = tpu.memref_slice %arg4[%dma_start3A_1267, %mul3A_2, %dma_start3A_1273] : memref<20x16384x32xf32, #tpu.memory_space<hbm>> -> memref<1x512x32xf32, #tpu.memory_space<hbm>>
    %dma_start3A_1275 = tpu.memref_squeeze %dma_start3A_1274 : memref<1x512x32xf32, #tpu.memory_space<hbm>> -> memref<512x32xf32, #tpu.memory_space<hbm>>
    %dma_start3A_1276 = tpu.memref_slice %arg8[%dma_start3A_1268] : memref<6x!tpu.dma_semaphore, #tpu.memory_space<semaphore_mem>> -> memref<1x!tpu.dma_semaphore, #tpu.memory_space<semaphore_mem>>
    %dma_start3A_1277 = tpu.memref_squeeze %dma_start3A_1276 : memref<1x!tpu.dma_semaphore, #tpu.memory_space<semaphore_mem>> -> memref<!tpu.dma_semaphore, #tpu.memory_space<semaphore_mem>>
    %dma_start3A_1278 = arith.constant 0 : i32
    %dma_start3A_1279 = tpu.memref_slice %arg4[%dma_start3A_1267, %mul3A_2, %dma_start3A_1278] : memref<20x16384x32xf32, #tpu.memory_space<hbm>> -> memref<1x512x32xf32, #tpu.memory_space<hbm>>
    %dma_start3A_1280 = tpu.memref_squeeze %dma_start3A_1279 : memref<1x512x32xf32, #tpu.memory_space<hbm>> -> memref<512x32xf32, #tpu.memory_space<hbm>>
    %dma_start3A_1281 = arith.constant 0 : i32
    %dma_start3A_1282 = arith.constant 0 : i32
    %dma_start3A_1283 = tpu.memref_slice %arg6[%dma_start3A_1266, %dma_start3A_1281, %dma_start3A_1282] : memref<6x512x32xf32, #tpu.memory_space<vmem>> -> memref<1x512x32xf32, #tpu.memory_space<vmem>>
    %dma_start3A_1284 = tpu.memref_squeeze %dma_start3A_1283 : memref<1x512x32xf32, #tpu.memory_space<vmem>> -> memref<512x32xf32, #tpu.memory_space<vmem>>
    tpu.enqueue_dma source(%dma_start3A_1284 : memref<512x32xf32, #tpu.memory_space<vmem>>) target(%dma_start3A_1280 : memref<512x32xf32, #tpu.memory_space<hbm>>) target_semaphore(%dma_start3A_1277 : memref<!tpu.dma_semaphore, #tpu.memory_space<semaphore_mem>>)
    %dma_wait3A_1285 = arith.constant 4 : i32
    %dma_wait3A_1286 = arith.constant 10 : i32
    %dma_wait3A_1287 = arith.constant 4 : i32
    %dma_wait3A_1288 = arith.constant 0 : i32
    %dma_wait3A_1289 = arith.constant 0 : i32
    %dma_wait3A_1290 = tpu.memref_slice %arg6[%dma_wait3A_1285, %dma_wait3A_1288, %dma_wait3A_1289] : memref<6x512x32xf32, #tpu.memory_space<vmem>> -> memref<1x512x32xf32, #tpu.memory_space<vmem>>
    %dma_wait3A_1291 = tpu.memref_squeeze %dma_wait3A_1290 : memref<1x512x32xf32, #tpu.memory_space<vmem>> -> memref<512x32xf32, #tpu.memory_space<vmem>>
    %dma_wait3A_1292 = arith.constant 0 : i32
    %dma_wait3A_1293 = tpu.memref_slice %arg4[%dma_wait3A_1286, %mul3A_2, %dma_wait3A_1292] : memref<20x16384x32xf32, #tpu.memory_space<hbm>> -> memref<1x512x32xf32, #tpu.memory_space<hbm>>
    %dma_wait3A_1294 = tpu.memref_squeeze %dma_wait3A_1293 : memref<1x512x32xf32, #tpu.memory_space<hbm>> -> memref<512x32xf32, #tpu.memory_space<hbm>>
    %dma_wait3A_1295 = tpu.memref_slice %arg8[%dma_wait3A_1287] : memref<6x!tpu.dma_semaphore, #tpu.memory_space<semaphore_mem>> -> memref<1x!tpu.dma_semaphore, #tpu.memory_space<semaphore_mem>>
    %dma_wait3A_1296 = tpu.memref_squeeze %dma_wait3A_1295 : memref<1x!tpu.dma_semaphore, #tpu.memory_space<semaphore_mem>> -> memref<!tpu.dma_semaphore, #tpu.memory_space<semaphore_mem>>
    %dma_wait3A_1297 = arith.constant 0 : i32
    %dma_wait3A_1298 = tpu.memref_slice %arg4[%dma_wait3A_1286, %mul3A_2, %dma_wait3A_1297] : memref<20x16384x32xf32, #tpu.memory_space<hbm>> -> memref<1x512x32xf32, #tpu.memory_space<hbm>>
    %dma_wait3A_1299 = tpu.memref_squeeze %dma_wait3A_1298 : memref<1x512x32xf32, #tpu.memory_space<hbm>> -> memref<512x32xf32, #tpu.memory_space<hbm>>
    %dma_wait3A_1300 = arith.constant 0 : i32
    %dma_wait3A_1301 = arith.constant 0 : i32
    %dma_wait3A_1302 = tpu.memref_slice %arg6[%dma_wait3A_1285, %dma_wait3A_1300, %dma_wait3A_1301] : memref<6x512x32xf32, #tpu.memory_space<vmem>> -> memref<1x512x32xf32, #tpu.memory_space<vmem>>
    %dma_wait3A_1303 = tpu.memref_squeeze %dma_wait3A_1302 : memref<1x512x32xf32, #tpu.memory_space<vmem>> -> memref<512x32xf32, #tpu.memory_space<vmem>>
    tpu.wait_dma2 semaphore(%dma_wait3A_1296 : memref<!tpu.dma_semaphore, #tpu.memory_space<semaphore_mem>>) src(%dma_wait3A_1303 : memref<512x32xf32, #tpu.memory_space<vmem>>) dst(%dma_wait3A_1299 : memref<512x32xf32, #tpu.memory_space<hbm>>)
    %dma_start3A_1304 = arith.constant 16 : i32
    %dma_start3A_1305 = arith.constant 4 : i32
    %dma_start3A_1306 = arith.constant 4 : i32
    %dma_start3A_1307 = arith.constant 0 : i32
    %dma_start3A_1308 = arith.constant 0 : i32
    %dma_start3A_1309 = tpu.memref_slice %arg6[%dma_start3A_1305, %dma_start3A_1307, %dma_start3A_1308] : memref<6x512x32xf32, #tpu.memory_space<vmem>> -> memref<1x512x32xf32, #tpu.memory_space<vmem>>
    %dma_start3A_1310 = tpu.memref_squeeze %dma_start3A_1309 : memref<1x512x32xf32, #tpu.memory_space<vmem>> -> memref<512x32xf32, #tpu.memory_space<vmem>>
    %dma_start3A_1311 = arith.constant 0 : i32
    %dma_start3A_1312 = tpu.memref_slice %arg5[%dma_start3A_1304, %dma_start3A_1311] : memref<20x512xi32, #tpu.memory_space<vmem>> -> memref<1x512xi32, #tpu.memory_space<vmem>>
    %dma_start3A_1313 = tpu.memref_squeeze %dma_start3A_1312 : memref<1x512xi32, #tpu.memory_space<vmem>> -> memref<512xi32, #tpu.memory_space<vmem>>
    %dma_start3A_1314 = arith.constant 0 : i32
    %dma_start3A_1315 = arith.constant 0 : i32
    %dma_start3A_1316 = tpu.memref_slice %arg3[%dma_start3A_1314, %dma_start3A_1315] : memref<1000000x32xf32, #tpu.memory_space<hbm>> -> memref<1000000x32xf32, #tpu.memory_space<hbm>>
    %dma_start3A_1317 = tpu.memref_slice %arg7[%dma_start3A_1306] : memref<6x!tpu.dma_semaphore, #tpu.memory_space<semaphore_mem>> -> memref<1x!tpu.dma_semaphore, #tpu.memory_space<semaphore_mem>>
    %dma_start3A_1318 = tpu.memref_squeeze %dma_start3A_1317 : memref<1x!tpu.dma_semaphore, #tpu.memory_space<semaphore_mem>> -> memref<!tpu.dma_semaphore, #tpu.memory_space<semaphore_mem>>
    tpu.enqueue_indirect_dma source(%dma_start3A_1316 : memref<1000000x32xf32, #tpu.memory_space<hbm>>) target(%dma_start3A_1310 : memref<512x32xf32, #tpu.memory_space<vmem>>) offsets(%dma_start3A_1313 : memref<512xi32, #tpu.memory_space<vmem>>) semaphore(%dma_start3A_1318 : memref<!tpu.dma_semaphore, #tpu.memory_space<semaphore_mem>>)
    %dma_wait3A_1319 = arith.constant 11 : i32
    %dma_wait3A_1320 = arith.constant 5 : i32
    %dma_wait3A_1321 = arith.constant 5 : i32
    %dma_wait3A_1322 = arith.constant 0 : i32
    %dma_wait3A_1323 = arith.constant 0 : i32
    %dma_wait3A_1324 = tpu.memref_slice %arg6[%dma_wait3A_1320, %dma_wait3A_1322, %dma_wait3A_1323] : memref<6x512x32xf32, #tpu.memory_space<vmem>> -> memref<1x512x32xf32, #tpu.memory_space<vmem>>
    %dma_wait3A_1325 = tpu.memref_squeeze %dma_wait3A_1324 : memref<1x512x32xf32, #tpu.memory_space<vmem>> -> memref<512x32xf32, #tpu.memory_space<vmem>>
    %dma_wait3A_1326 = arith.constant 0 : i32
    %dma_wait3A_1327 = tpu.memref_slice %arg5[%dma_wait3A_1319, %dma_wait3A_1326] : memref<20x512xi32, #tpu.memory_space<vmem>> -> memref<1x512xi32, #tpu.memory_space<vmem>>
    %dma_wait3A_1328 = tpu.memref_squeeze %dma_wait3A_1327 : memref<1x512xi32, #tpu.memory_space<vmem>> -> memref<512xi32, #tpu.memory_space<vmem>>
    %dma_wait3A_1329 = arith.constant 0 : i32
    %dma_wait3A_1330 = arith.constant 0 : i32
    %dma_wait3A_1331 = tpu.memref_slice %arg3[%dma_wait3A_1329, %dma_wait3A_1330] : memref<1000000x32xf32, #tpu.memory_space<hbm>> -> memref<1000000x32xf32, #tpu.memory_space<hbm>>
    %dma_wait3A_1332 = tpu.memref_slice %arg7[%dma_wait3A_1321] : memref<6x!tpu.dma_semaphore, #tpu.memory_space<semaphore_mem>> -> memref<1x!tpu.dma_semaphore, #tpu.memory_space<semaphore_mem>>
    %dma_wait3A_1333 = tpu.memref_squeeze %dma_wait3A_1332 : memref<1x!tpu.dma_semaphore, #tpu.memory_space<semaphore_mem>> -> memref<!tpu.dma_semaphore, #tpu.memory_space<semaphore_mem>>
    tpu.wait_indirect_dma semaphore(%dma_wait3A_1333 : memref<!tpu.dma_semaphore, #tpu.memory_space<semaphore_mem>>) src(%dma_wait3A_1331 : memref<1000000x32xf32, #tpu.memory_space<hbm>>) dst(%dma_wait3A_1325 : memref<512x32xf32, #tpu.memory_space<vmem>>)
    %dma_start3A_1334 = arith.constant 5 : i32
    %dma_start3A_1335 = arith.constant 11 : i32
    %dma_start3A_1336 = arith.constant 5 : i32
    %dma_start3A_1337 = arith.constant 0 : i32
    %dma_start3A_1338 = arith.constant 0 : i32
    %dma_start3A_1339 = tpu.memref_slice %arg6[%dma_start3A_1334, %dma_start3A_1337, %dma_start3A_1338] : memref<6x512x32xf32, #tpu.memory_space<vmem>> -> memref<1x512x32xf32, #tpu.memory_space<vmem>>
    %dma_start3A_1340 = tpu.memref_squeeze %dma_start3A_1339 : memref<1x512x32xf32, #tpu.memory_space<vmem>> -> memref<512x32xf32, #tpu.memory_space<vmem>>
    %dma_start3A_1341 = arith.constant 0 : i32
    %dma_start3A_1342 = tpu.memref_slice %arg4[%dma_start3A_1335, %mul3A_2, %dma_start3A_1341] : memref<20x16384x32xf32, #tpu.memory_space<hbm>> -> memref<1x512x32xf32, #tpu.memory_space<hbm>>
    %dma_start3A_1343 = tpu.memref_squeeze %dma_start3A_1342 : memref<1x512x32xf32, #tpu.memory_space<hbm>> -> memref<512x32xf32, #tpu.memory_space<hbm>>
    %dma_start3A_1344 = tpu.memref_slice %arg8[%dma_start3A_1336] : memref<6x!tpu.dma_semaphore, #tpu.memory_space<semaphore_mem>> -> memref<1x!tpu.dma_semaphore, #tpu.memory_space<semaphore_mem>>
    %dma_start3A_1345 = tpu.memref_squeeze %dma_start3A_1344 : memref<1x!tpu.dma_semaphore, #tpu.memory_space<semaphore_mem>> -> memref<!tpu.dma_semaphore, #tpu.memory_space<semaphore_mem>>
    %dma_start3A_1346 = arith.constant 0 : i32
    %dma_start3A_1347 = tpu.memref_slice %arg4[%dma_start3A_1335, %mul3A_2, %dma_start3A_1346] : memref<20x16384x32xf32, #tpu.memory_space<hbm>> -> memref<1x512x32xf32, #tpu.memory_space<hbm>>
    %dma_start3A_1348 = tpu.memref_squeeze %dma_start3A_1347 : memref<1x512x32xf32, #tpu.memory_space<hbm>> -> memref<512x32xf32, #tpu.memory_space<hbm>>
    %dma_start3A_1349 = arith.constant 0 : i32
    %dma_start3A_1350 = arith.constant 0 : i32
    %dma_start3A_1351 = tpu.memref_slice %arg6[%dma_start3A_1334, %dma_start3A_1349, %dma_start3A_1350] : memref<6x512x32xf32, #tpu.memory_space<vmem>> -> memref<1x512x32xf32, #tpu.memory_space<vmem>>
    %dma_start3A_1352 = tpu.memref_squeeze %dma_start3A_1351 : memref<1x512x32xf32, #tpu.memory_space<vmem>> -> memref<512x32xf32, #tpu.memory_space<vmem>>
    tpu.enqueue_dma source(%dma_start3A_1352 : memref<512x32xf32, #tpu.memory_space<vmem>>) target(%dma_start3A_1348 : memref<512x32xf32, #tpu.memory_space<hbm>>) target_semaphore(%dma_start3A_1345 : memref<!tpu.dma_semaphore, #tpu.memory_space<semaphore_mem>>)
    %dma_wait3A_1353 = arith.constant 5 : i32
    %dma_wait3A_1354 = arith.constant 11 : i32
    %dma_wait3A_1355 = arith.constant 5 : i32
    %dma_wait3A_1356 = arith.constant 0 : i32
    %dma_wait3A_1357 = arith.constant 0 : i32
    %dma_wait3A_1358 = tpu.memref_slice %arg6[%dma_wait3A_1353, %dma_wait3A_1356, %dma_wait3A_1357] : memref<6x512x32xf32, #tpu.memory_space<vmem>> -> memref<1x512x32xf32, #tpu.memory_space<vmem>>
    %dma_wait3A_1359 = tpu.memref_squeeze %dma_wait3A_1358 : memref<1x512x32xf32, #tpu.memory_space<vmem>> -> memref<512x32xf32, #tpu.memory_space<vmem>>
    %dma_wait3A_1360 = arith.constant 0 : i32
    %dma_wait3A_1361 = tpu.memref_slice %arg4[%dma_wait3A_1354, %mul3A_2, %dma_wait3A_1360] : memref<20x16384x32xf32, #tpu.memory_space<hbm>> -> memref<1x512x32xf32, #tpu.memory_space<hbm>>
    %dma_wait3A_1362 = tpu.memref_squeeze %dma_wait3A_1361 : memref<1x512x32xf32, #tpu.memory_space<hbm>> -> memref<512x32xf32, #tpu.memory_space<hbm>>
    %dma_wait3A_1363 = tpu.memref_slice %arg8[%dma_wait3A_1355] : memref<6x!tpu.dma_semaphore, #tpu.memory_space<semaphore_mem>> -> memref<1x!tpu.dma_semaphore, #tpu.memory_space<semaphore_mem>>
    %dma_wait3A_1364 = tpu.memref_squeeze %dma_wait3A_1363 : memref<1x!tpu.dma_semaphore, #tpu.memory_space<semaphore_mem>> -> memref<!tpu.dma_semaphore, #tpu.memory_space<semaphore_mem>>
    %dma_wait3A_1365 = arith.constant 0 : i32
    %dma_wait3A_1366 = tpu.memref_slice %arg4[%dma_wait3A_1354, %mul3A_2, %dma_wait3A_1365] : memref<20x16384x32xf32, #tpu.memory_space<hbm>> -> memref<1x512x32xf32, #tpu.memory_space<hbm>>
    %dma_wait3A_1367 = tpu.memref_squeeze %dma_wait3A_1366 : memref<1x512x32xf32, #tpu.memory_space<hbm>> -> memref<512x32xf32, #tpu.memory_space<hbm>>
    %dma_wait3A_1368 = arith.constant 0 : i32
    %dma_wait3A_1369 = arith.constant 0 : i32
    %dma_wait3A_1370 = tpu.memref_slice %arg6[%dma_wait3A_1353, %dma_wait3A_1368, %dma_wait3A_1369] : memref<6x512x32xf32, #tpu.memory_space<vmem>> -> memref<1x512x32xf32, #tpu.memory_space<vmem>>
    %dma_wait3A_1371 = tpu.memref_squeeze %dma_wait3A_1370 : memref<1x512x32xf32, #tpu.memory_space<vmem>> -> memref<512x32xf32, #tpu.memory_space<vmem>>
    tpu.wait_dma2 semaphore(%dma_wait3A_1364 : memref<!tpu.dma_semaphore, #tpu.memory_space<semaphore_mem>>) src(%dma_wait3A_1371 : memref<512x32xf32, #tpu.memory_space<vmem>>) dst(%dma_wait3A_1367 : memref<512x32xf32, #tpu.memory_space<hbm>>)
    %dma_start3A_1372 = arith.constant 17 : i32
    %dma_start3A_1373 = arith.constant 5 : i32
    %dma_start3A_1374 = arith.constant 5 : i32
    %dma_start3A_1375 = arith.constant 0 : i32
    %dma_start3A_1376 = arith.constant 0 : i32
    %dma_start3A_1377 = tpu.memref_slice %arg6[%dma_start3A_1373, %dma_start3A_1375, %dma_start3A_1376] : memref<6x512x32xf32, #tpu.memory_space<vmem>> -> memref<1x512x32xf32, #tpu.memory_space<vmem>>
    %dma_start3A_1378 = tpu.memref_squeeze %dma_start3A_1377 : memref<1x512x32xf32, #tpu.memory_space<vmem>> -> memref<512x32xf32, #tpu.memory_space<vmem>>
    %dma_start3A_1379 = arith.constant 0 : i32
    %dma_start3A_1380 = tpu.memref_slice %arg5[%dma_start3A_1372, %dma_start3A_1379] : memref<20x512xi32, #tpu.memory_space<vmem>> -> memref<1x512xi32, #tpu.memory_space<vmem>>
    %dma_start3A_1381 = tpu.memref_squeeze %dma_start3A_1380 : memref<1x512xi32, #tpu.memory_space<vmem>> -> memref<512xi32, #tpu.memory_space<vmem>>
    %dma_start3A_1382 = arith.constant 0 : i32
    %dma_start3A_1383 = arith.constant 0 : i32
    %dma_start3A_1384 = tpu.memref_slice %arg3[%dma_start3A_1382, %dma_start3A_1383] : memref<1000000x32xf32, #tpu.memory_space<hbm>> -> memref<1000000x32xf32, #tpu.memory_space<hbm>>
    %dma_start3A_1385 = tpu.memref_slice %arg7[%dma_start3A_1374] : memref<6x!tpu.dma_semaphore, #tpu.memory_space<semaphore_mem>> -> memref<1x!tpu.dma_semaphore, #tpu.memory_space<semaphore_mem>>
    %dma_start3A_1386 = tpu.memref_squeeze %dma_start3A_1385 : memref<1x!tpu.dma_semaphore, #tpu.memory_space<semaphore_mem>> -> memref<!tpu.dma_semaphore, #tpu.memory_space<semaphore_mem>>
    tpu.enqueue_indirect_dma source(%dma_start3A_1384 : memref<1000000x32xf32, #tpu.memory_space<hbm>>) target(%dma_start3A_1378 : memref<512x32xf32, #tpu.memory_space<vmem>>) offsets(%dma_start3A_1381 : memref<512xi32, #tpu.memory_space<vmem>>) semaphore(%dma_start3A_1386 : memref<!tpu.dma_semaphore, #tpu.memory_space<semaphore_mem>>)
    %dma_wait3A_1387 = arith.constant 12 : i32
    %dma_wait3A_1388 = arith.constant 0 : i32
    %dma_wait3A_1389 = arith.constant 0 : i32
    %dma_wait3A_1390 = arith.constant 0 : i32
    %dma_wait3A_1391 = arith.constant 0 : i32
    %dma_wait3A_1392 = tpu.memref_slice %arg6[%dma_wait3A_1388, %dma_wait3A_1390, %dma_wait3A_1391] : memref<6x512x32xf32, #tpu.memory_space<vmem>> -> memref<1x512x32xf32, #tpu.memory_space<vmem>>
    %dma_wait3A_1393 = tpu.memref_squeeze %dma_wait3A_1392 : memref<1x512x32xf32, #tpu.memory_space<vmem>> -> memref<512x32xf32, #tpu.memory_space<vmem>>
    %dma_wait3A_1394 = arith.constant 0 : i32
    %dma_wait3A_1395 = tpu.memref_slice %arg5[%dma_wait3A_1387, %dma_wait3A_1394] : memref<20x512xi32, #tpu.memory_space<vmem>> -> memref<1x512xi32, #tpu.memory_space<vmem>>
    %dma_wait3A_1396 = tpu.memref_squeeze %dma_wait3A_1395 : memref<1x512xi32, #tpu.memory_space<vmem>> -> memref<512xi32, #tpu.memory_space<vmem>>
    %dma_wait3A_1397 = arith.constant 0 : i32
    %dma_wait3A_1398 = arith.constant 0 : i32
    %dma_wait3A_1399 = tpu.memref_slice %arg3[%dma_wait3A_1397, %dma_wait3A_1398] : memref<1000000x32xf32, #tpu.memory_space<hbm>> -> memref<1000000x32xf32, #tpu.memory_space<hbm>>
    %dma_wait3A_1400 = tpu.memref_slice %arg7[%dma_wait3A_1389] : memref<6x!tpu.dma_semaphore, #tpu.memory_space<semaphore_mem>> -> memref<1x!tpu.dma_semaphore, #tpu.memory_space<semaphore_mem>>
    %dma_wait3A_1401 = tpu.memref_squeeze %dma_wait3A_1400 : memref<1x!tpu.dma_semaphore, #tpu.memory_space<semaphore_mem>> -> memref<!tpu.dma_semaphore, #tpu.memory_space<semaphore_mem>>
    tpu.wait_indirect_dma semaphore(%dma_wait3A_1401 : memref<!tpu.dma_semaphore, #tpu.memory_space<semaphore_mem>>) src(%dma_wait3A_1399 : memref<1000000x32xf32, #tpu.memory_space<hbm>>) dst(%dma_wait3A_1393 : memref<512x32xf32, #tpu.memory_space<vmem>>)
    %dma_start3A_1402 = arith.constant 0 : i32
    %dma_start3A_1403 = arith.constant 12 : i32
    %dma_start3A_1404 = arith.constant 0 : i32
    %dma_start3A_1405 = arith.constant 0 : i32
    %dma_start3A_1406 = arith.constant 0 : i32
    %dma_start3A_1407 = tpu.memref_slice %arg6[%dma_start3A_1402, %dma_start3A_1405, %dma_start3A_1406] : memref<6x512x32xf32, #tpu.memory_space<vmem>> -> memref<1x512x32xf32, #tpu.memory_space<vmem>>
    %dma_start3A_1408 = tpu.memref_squeeze %dma_start3A_1407 : memref<1x512x32xf32, #tpu.memory_space<vmem>> -> memref<512x32xf32, #tpu.memory_space<vmem>>
    %dma_start3A_1409 = arith.constant 0 : i32
    %dma_start3A_1410 = tpu.memref_slice %arg4[%dma_start3A_1403, %mul3A_2, %dma_start3A_1409] : memref<20x16384x32xf32, #tpu.memory_space<hbm>> -> memref<1x512x32xf32, #tpu.memory_space<hbm>>
    %dma_start3A_1411 = tpu.memref_squeeze %dma_start3A_1410 : memref<1x512x32xf32, #tpu.memory_space<hbm>> -> memref<512x32xf32, #tpu.memory_space<hbm>>
    %dma_start3A_1412 = tpu.memref_slice %arg8[%dma_start3A_1404] : memref<6x!tpu.dma_semaphore, #tpu.memory_space<semaphore_mem>> -> memref<1x!tpu.dma_semaphore, #tpu.memory_space<semaphore_mem>>
    %dma_start3A_1413 = tpu.memref_squeeze %dma_start3A_1412 : memref<1x!tpu.dma_semaphore, #tpu.memory_space<semaphore_mem>> -> memref<!tpu.dma_semaphore, #tpu.memory_space<semaphore_mem>>
    %dma_start3A_1414 = arith.constant 0 : i32
    %dma_start3A_1415 = tpu.memref_slice %arg4[%dma_start3A_1403, %mul3A_2, %dma_start3A_1414] : memref<20x16384x32xf32, #tpu.memory_space<hbm>> -> memref<1x512x32xf32, #tpu.memory_space<hbm>>
    %dma_start3A_1416 = tpu.memref_squeeze %dma_start3A_1415 : memref<1x512x32xf32, #tpu.memory_space<hbm>> -> memref<512x32xf32, #tpu.memory_space<hbm>>
    %dma_start3A_1417 = arith.constant 0 : i32
    %dma_start3A_1418 = arith.constant 0 : i32
    %dma_start3A_1419 = tpu.memref_slice %arg6[%dma_start3A_1402, %dma_start3A_1417, %dma_start3A_1418] : memref<6x512x32xf32, #tpu.memory_space<vmem>> -> memref<1x512x32xf32, #tpu.memory_space<vmem>>
    %dma_start3A_1420 = tpu.memref_squeeze %dma_start3A_1419 : memref<1x512x32xf32, #tpu.memory_space<vmem>> -> memref<512x32xf32, #tpu.memory_space<vmem>>
    tpu.enqueue_dma source(%dma_start3A_1420 : memref<512x32xf32, #tpu.memory_space<vmem>>) target(%dma_start3A_1416 : memref<512x32xf32, #tpu.memory_space<hbm>>) target_semaphore(%dma_start3A_1413 : memref<!tpu.dma_semaphore, #tpu.memory_space<semaphore_mem>>)
    %dma_wait3A_1421 = arith.constant 0 : i32
    %dma_wait3A_1422 = arith.constant 12 : i32
    %dma_wait3A_1423 = arith.constant 0 : i32
    %dma_wait3A_1424 = arith.constant 0 : i32
    %dma_wait3A_1425 = arith.constant 0 : i32
    %dma_wait3A_1426 = tpu.memref_slice %arg6[%dma_wait3A_1421, %dma_wait3A_1424, %dma_wait3A_1425] : memref<6x512x32xf32, #tpu.memory_space<vmem>> -> memref<1x512x32xf32, #tpu.memory_space<vmem>>
    %dma_wait3A_1427 = tpu.memref_squeeze %dma_wait3A_1426 : memref<1x512x32xf32, #tpu.memory_space<vmem>> -> memref<512x32xf32, #tpu.memory_space<vmem>>
    %dma_wait3A_1428 = arith.constant 0 : i32
    %dma_wait3A_1429 = tpu.memref_slice %arg4[%dma_wait3A_1422, %mul3A_2, %dma_wait3A_1428] : memref<20x16384x32xf32, #tpu.memory_space<hbm>> -> memref<1x512x32xf32, #tpu.memory_space<hbm>>
    %dma_wait3A_1430 = tpu.memref_squeeze %dma_wait3A_1429 : memref<1x512x32xf32, #tpu.memory_space<hbm>> -> memref<512x32xf32, #tpu.memory_space<hbm>>
    %dma_wait3A_1431 = tpu.memref_slice %arg8[%dma_wait3A_1423] : memref<6x!tpu.dma_semaphore, #tpu.memory_space<semaphore_mem>> -> memref<1x!tpu.dma_semaphore, #tpu.memory_space<semaphore_mem>>
    %dma_wait3A_1432 = tpu.memref_squeeze %dma_wait3A_1431 : memref<1x!tpu.dma_semaphore, #tpu.memory_space<semaphore_mem>> -> memref<!tpu.dma_semaphore, #tpu.memory_space<semaphore_mem>>
    %dma_wait3A_1433 = arith.constant 0 : i32
    %dma_wait3A_1434 = tpu.memref_slice %arg4[%dma_wait3A_1422, %mul3A_2, %dma_wait3A_1433] : memref<20x16384x32xf32, #tpu.memory_space<hbm>> -> memref<1x512x32xf32, #tpu.memory_space<hbm>>
    %dma_wait3A_1435 = tpu.memref_squeeze %dma_wait3A_1434 : memref<1x512x32xf32, #tpu.memory_space<hbm>> -> memref<512x32xf32, #tpu.memory_space<hbm>>
    %dma_wait3A_1436 = arith.constant 0 : i32
    %dma_wait3A_1437 = arith.constant 0 : i32
    %dma_wait3A_1438 = tpu.memref_slice %arg6[%dma_wait3A_1421, %dma_wait3A_1436, %dma_wait3A_1437] : memref<6x512x32xf32, #tpu.memory_space<vmem>> -> memref<1x512x32xf32, #tpu.memory_space<vmem>>
    %dma_wait3A_1439 = tpu.memref_squeeze %dma_wait3A_1438 : memref<1x512x32xf32, #tpu.memory_space<vmem>> -> memref<512x32xf32, #tpu.memory_space<vmem>>
    tpu.wait_dma2 semaphore(%dma_wait3A_1432 : memref<!tpu.dma_semaphore, #tpu.memory_space<semaphore_mem>>) src(%dma_wait3A_1439 : memref<512x32xf32, #tpu.memory_space<vmem>>) dst(%dma_wait3A_1435 : memref<512x32xf32, #tpu.memory_space<hbm>>)
    %dma_start3A_1440 = arith.constant 18 : i32
    %dma_start3A_1441 = arith.constant 0 : i32
    %dma_start3A_1442 = arith.constant 0 : i32
    %dma_start3A_1443 = arith.constant 0 : i32
    %dma_start3A_1444 = arith.constant 0 : i32
    %dma_start3A_1445 = tpu.memref_slice %arg6[%dma_start3A_1441, %dma_start3A_1443, %dma_start3A_1444] : memref<6x512x32xf32, #tpu.memory_space<vmem>> -> memref<1x512x32xf32, #tpu.memory_space<vmem>>
    %dma_start3A_1446 = tpu.memref_squeeze %dma_start3A_1445 : memref<1x512x32xf32, #tpu.memory_space<vmem>> -> memref<512x32xf32, #tpu.memory_space<vmem>>
    %dma_start3A_1447 = arith.constant 0 : i32
    %dma_start3A_1448 = tpu.memref_slice %arg5[%dma_start3A_1440, %dma_start3A_1447] : memref<20x512xi32, #tpu.memory_space<vmem>> -> memref<1x512xi32, #tpu.memory_space<vmem>>
    %dma_start3A_1449 = tpu.memref_squeeze %dma_start3A_1448 : memref<1x512xi32, #tpu.memory_space<vmem>> -> memref<512xi32, #tpu.memory_space<vmem>>
    %dma_start3A_1450 = arith.constant 0 : i32
    %dma_start3A_1451 = arith.constant 0 : i32
    %dma_start3A_1452 = tpu.memref_slice %arg3[%dma_start3A_1450, %dma_start3A_1451] : memref<1000000x32xf32, #tpu.memory_space<hbm>> -> memref<1000000x32xf32, #tpu.memory_space<hbm>>
    %dma_start3A_1453 = tpu.memref_slice %arg7[%dma_start3A_1442] : memref<6x!tpu.dma_semaphore, #tpu.memory_space<semaphore_mem>> -> memref<1x!tpu.dma_semaphore, #tpu.memory_space<semaphore_mem>>
    %dma_start3A_1454 = tpu.memref_squeeze %dma_start3A_1453 : memref<1x!tpu.dma_semaphore, #tpu.memory_space<semaphore_mem>> -> memref<!tpu.dma_semaphore, #tpu.memory_space<semaphore_mem>>
    tpu.enqueue_indirect_dma source(%dma_start3A_1452 : memref<1000000x32xf32, #tpu.memory_space<hbm>>) target(%dma_start3A_1446 : memref<512x32xf32, #tpu.memory_space<vmem>>) offsets(%dma_start3A_1449 : memref<512xi32, #tpu.memory_space<vmem>>) semaphore(%dma_start3A_1454 : memref<!tpu.dma_semaphore, #tpu.memory_space<semaphore_mem>>)
    %dma_wait3A_1455 = arith.constant 13 : i32
    %dma_wait3A_1456 = arith.constant 1 : i32
    %dma_wait3A_1457 = arith.constant 1 : i32
    %dma_wait3A_1458 = arith.constant 0 : i32
    %dma_wait3A_1459 = arith.constant 0 : i32
    %dma_wait3A_1460 = tpu.memref_slice %arg6[%dma_wait3A_1456, %dma_wait3A_1458, %dma_wait3A_1459] : memref<6x512x32xf32, #tpu.memory_space<vmem>> -> memref<1x512x32xf32, #tpu.memory_space<vmem>>
    %dma_wait3A_1461 = tpu.memref_squeeze %dma_wait3A_1460 : memref<1x512x32xf32, #tpu.memory_space<vmem>> -> memref<512x32xf32, #tpu.memory_space<vmem>>
    %dma_wait3A_1462 = arith.constant 0 : i32
    %dma_wait3A_1463 = tpu.memref_slice %arg5[%dma_wait3A_1455, %dma_wait3A_1462] : memref<20x512xi32, #tpu.memory_space<vmem>> -> memref<1x512xi32, #tpu.memory_space<vmem>>
    %dma_wait3A_1464 = tpu.memref_squeeze %dma_wait3A_1463 : memref<1x512xi32, #tpu.memory_space<vmem>> -> memref<512xi32, #tpu.memory_space<vmem>>
    %dma_wait3A_1465 = arith.constant 0 : i32
    %dma_wait3A_1466 = arith.constant 0 : i32
    %dma_wait3A_1467 = tpu.memref_slice %arg3[%dma_wait3A_1465, %dma_wait3A_1466] : memref<1000000x32xf32, #tpu.memory_space<hbm>> -> memref<1000000x32xf32, #tpu.memory_space<hbm>>
    %dma_wait3A_1468 = tpu.memref_slice %arg7[%dma_wait3A_1457] : memref<6x!tpu.dma_semaphore, #tpu.memory_space<semaphore_mem>> -> memref<1x!tpu.dma_semaphore, #tpu.memory_space<semaphore_mem>>
    %dma_wait3A_1469 = tpu.memref_squeeze %dma_wait3A_1468 : memref<1x!tpu.dma_semaphore, #tpu.memory_space<semaphore_mem>> -> memref<!tpu.dma_semaphore, #tpu.memory_space<semaphore_mem>>
    tpu.wait_indirect_dma semaphore(%dma_wait3A_1469 : memref<!tpu.dma_semaphore, #tpu.memory_space<semaphore_mem>>) src(%dma_wait3A_1467 : memref<1000000x32xf32, #tpu.memory_space<hbm>>) dst(%dma_wait3A_1461 : memref<512x32xf32, #tpu.memory_space<vmem>>)
    %dma_start3A_1470 = arith.constant 1 : i32
    %dma_start3A_1471 = arith.constant 13 : i32
    %dma_start3A_1472 = arith.constant 1 : i32
    %dma_start3A_1473 = arith.constant 0 : i32
    %dma_start3A_1474 = arith.constant 0 : i32
    %dma_start3A_1475 = tpu.memref_slice %arg6[%dma_start3A_1470, %dma_start3A_1473, %dma_start3A_1474] : memref<6x512x32xf32, #tpu.memory_space<vmem>> -> memref<1x512x32xf32, #tpu.memory_space<vmem>>
    %dma_start3A_1476 = tpu.memref_squeeze %dma_start3A_1475 : memref<1x512x32xf32, #tpu.memory_space<vmem>> -> memref<512x32xf32, #tpu.memory_space<vmem>>
    %dma_start3A_1477 = arith.constant 0 : i32
    %dma_start3A_1478 = tpu.memref_slice %arg4[%dma_start3A_1471, %mul3A_2, %dma_start3A_1477] : memref<20x16384x32xf32, #tpu.memory_space<hbm>> -> memref<1x512x32xf32, #tpu.memory_space<hbm>>
    %dma_start3A_1479 = tpu.memref_squeeze %dma_start3A_1478 : memref<1x512x32xf32, #tpu.memory_space<hbm>> -> memref<512x32xf32, #tpu.memory_space<hbm>>
    %dma_start3A_1480 = tpu.memref_slice %arg8[%dma_start3A_1472] : memref<6x!tpu.dma_semaphore, #tpu.memory_space<semaphore_mem>> -> memref<1x!tpu.dma_semaphore, #tpu.memory_space<semaphore_mem>>
    %dma_start3A_1481 = tpu.memref_squeeze %dma_start3A_1480 : memref<1x!tpu.dma_semaphore, #tpu.memory_space<semaphore_mem>> -> memref<!tpu.dma_semaphore, #tpu.memory_space<semaphore_mem>>
    %dma_start3A_1482 = arith.constant 0 : i32
    %dma_start3A_1483 = tpu.memref_slice %arg4[%dma_start3A_1471, %mul3A_2, %dma_start3A_1482] : memref<20x16384x32xf32, #tpu.memory_space<hbm>> -> memref<1x512x32xf32, #tpu.memory_space<hbm>>
    %dma_start3A_1484 = tpu.memref_squeeze %dma_start3A_1483 : memref<1x512x32xf32, #tpu.memory_space<hbm>> -> memref<512x32xf32, #tpu.memory_space<hbm>>
    %dma_start3A_1485 = arith.constant 0 : i32
    %dma_start3A_1486 = arith.constant 0 : i32
    %dma_start3A_1487 = tpu.memref_slice %arg6[%dma_start3A_1470, %dma_start3A_1485, %dma_start3A_1486] : memref<6x512x32xf32, #tpu.memory_space<vmem>> -> memref<1x512x32xf32, #tpu.memory_space<vmem>>
    %dma_start3A_1488 = tpu.memref_squeeze %dma_start3A_1487 : memref<1x512x32xf32, #tpu.memory_space<vmem>> -> memref<512x32xf32, #tpu.memory_space<vmem>>
    tpu.enqueue_dma source(%dma_start3A_1488 : memref<512x32xf32, #tpu.memory_space<vmem>>) target(%dma_start3A_1484 : memref<512x32xf32, #tpu.memory_space<hbm>>) target_semaphore(%dma_start3A_1481 : memref<!tpu.dma_semaphore, #tpu.memory_space<semaphore_mem>>)
    %dma_wait3A_1489 = arith.constant 1 : i32
    %dma_wait3A_1490 = arith.constant 13 : i32
    %dma_wait3A_1491 = arith.constant 1 : i32
    %dma_wait3A_1492 = arith.constant 0 : i32
    %dma_wait3A_1493 = arith.constant 0 : i32
    %dma_wait3A_1494 = tpu.memref_slice %arg6[%dma_wait3A_1489, %dma_wait3A_1492, %dma_wait3A_1493] : memref<6x512x32xf32, #tpu.memory_space<vmem>> -> memref<1x512x32xf32, #tpu.memory_space<vmem>>
    %dma_wait3A_1495 = tpu.memref_squeeze %dma_wait3A_1494 : memref<1x512x32xf32, #tpu.memory_space<vmem>> -> memref<512x32xf32, #tpu.memory_space<vmem>>
    %dma_wait3A_1496 = arith.constant 0 : i32
    %dma_wait3A_1497 = tpu.memref_slice %arg4[%dma_wait3A_1490, %mul3A_2, %dma_wait3A_1496] : memref<20x16384x32xf32, #tpu.memory_space<hbm>> -> memref<1x512x32xf32, #tpu.memory_space<hbm>>
    %dma_wait3A_1498 = tpu.memref_squeeze %dma_wait3A_1497 : memref<1x512x32xf32, #tpu.memory_space<hbm>> -> memref<512x32xf32, #tpu.memory_space<hbm>>
    %dma_wait3A_1499 = tpu.memref_slice %arg8[%dma_wait3A_1491] : memref<6x!tpu.dma_semaphore, #tpu.memory_space<semaphore_mem>> -> memref<1x!tpu.dma_semaphore, #tpu.memory_space<semaphore_mem>>
    %dma_wait3A_1500 = tpu.memref_squeeze %dma_wait3A_1499 : memref<1x!tpu.dma_semaphore, #tpu.memory_space<semaphore_mem>> -> memref<!tpu.dma_semaphore, #tpu.memory_space<semaphore_mem>>
    %dma_wait3A_1501 = arith.constant 0 : i32
    %dma_wait3A_1502 = tpu.memref_slice %arg4[%dma_wait3A_1490, %mul3A_2, %dma_wait3A_1501] : memref<20x16384x32xf32, #tpu.memory_space<hbm>> -> memref<1x512x32xf32, #tpu.memory_space<hbm>>
    %dma_wait3A_1503 = tpu.memref_squeeze %dma_wait3A_1502 : memref<1x512x32xf32, #tpu.memory_space<hbm>> -> memref<512x32xf32, #tpu.memory_space<hbm>>
    %dma_wait3A_1504 = arith.constant 0 : i32
    %dma_wait3A_1505 = arith.constant 0 : i32
    %dma_wait3A_1506 = tpu.memref_slice %arg6[%dma_wait3A_1489, %dma_wait3A_1504, %dma_wait3A_1505] : memref<6x512x32xf32, #tpu.memory_space<vmem>> -> memref<1x512x32xf32, #tpu.memory_space<vmem>>
    %dma_wait3A_1507 = tpu.memref_squeeze %dma_wait3A_1506 : memref<1x512x32xf32, #tpu.memory_space<vmem>> -> memref<512x32xf32, #tpu.memory_space<vmem>>
    tpu.wait_dma2 semaphore(%dma_wait3A_1500 : memref<!tpu.dma_semaphore, #tpu.memory_space<semaphore_mem>>) src(%dma_wait3A_1507 : memref<512x32xf32, #tpu.memory_space<vmem>>) dst(%dma_wait3A_1503 : memref<512x32xf32, #tpu.memory_space<hbm>>)
    %dma_start3A_1508 = arith.constant 19 : i32
    %dma_start3A_1509 = arith.constant 1 : i32
    %dma_start3A_1510 = arith.constant 1 : i32
    %dma_start3A_1511 = arith.constant 0 : i32
    %dma_start3A_1512 = arith.constant 0 : i32
    %dma_start3A_1513 = tpu.memref_slice %arg6[%dma_start3A_1509, %dma_start3A_1511, %dma_start3A_1512] : memref<6x512x32xf32, #tpu.memory_space<vmem>> -> memref<1x512x32xf32, #tpu.memory_space<vmem>>
    %dma_start3A_1514 = tpu.memref_squeeze %dma_start3A_1513 : memref<1x512x32xf32, #tpu.memory_space<vmem>> -> memref<512x32xf32, #tpu.memory_space<vmem>>
    %dma_start3A_1515 = arith.constant 0 : i32
    %dma_start3A_1516 = tpu.memref_slice %arg5[%dma_start3A_1508, %dma_start3A_1515] : memref<20x512xi32, #tpu.memory_space<vmem>> -> memref<1x512xi32, #tpu.memory_space<vmem>>
    %dma_start3A_1517 = tpu.memref_squeeze %dma_start3A_1516 : memref<1x512xi32, #tpu.memory_space<vmem>> -> memref<512xi32, #tpu.memory_space<vmem>>
    %dma_start3A_1518 = arith.constant 0 : i32
    %dma_start3A_1519 = arith.constant 0 : i32
    %dma_start3A_1520 = tpu.memref_slice %arg3[%dma_start3A_1518, %dma_start3A_1519] : memref<1000000x32xf32, #tpu.memory_space<hbm>> -> memref<1000000x32xf32, #tpu.memory_space<hbm>>
    %dma_start3A_1521 = tpu.memref_slice %arg7[%dma_start3A_1510] : memref<6x!tpu.dma_semaphore, #tpu.memory_space<semaphore_mem>> -> memref<1x!tpu.dma_semaphore, #tpu.memory_space<semaphore_mem>>
    %dma_start3A_1522 = tpu.memref_squeeze %dma_start3A_1521 : memref<1x!tpu.dma_semaphore, #tpu.memory_space<semaphore_mem>> -> memref<!tpu.dma_semaphore, #tpu.memory_space<semaphore_mem>>
    tpu.enqueue_indirect_dma source(%dma_start3A_1520 : memref<1000000x32xf32, #tpu.memory_space<hbm>>) target(%dma_start3A_1514 : memref<512x32xf32, #tpu.memory_space<vmem>>) offsets(%dma_start3A_1517 : memref<512xi32, #tpu.memory_space<vmem>>) semaphore(%dma_start3A_1522 : memref<!tpu.dma_semaphore, #tpu.memory_space<semaphore_mem>>)
    %dma_wait3A_1523 = arith.constant 14 : i32
    %dma_wait3A_1524 = arith.constant 2 : i32
    %dma_wait3A_1525 = arith.constant 2 : i32
    %dma_wait3A_1526 = arith.constant 0 : i32
    %dma_wait3A_1527 = arith.constant 0 : i32
    %dma_wait3A_1528 = tpu.memref_slice %arg6[%dma_wait3A_1524, %dma_wait3A_1526, %dma_wait3A_1527] : memref<6x512x32xf32, #tpu.memory_space<vmem>> -> memref<1x512x32xf32, #tpu.memory_space<vmem>>
    %dma_wait3A_1529 = tpu.memref_squeeze %dma_wait3A_1528 : memref<1x512x32xf32, #tpu.memory_space<vmem>> -> memref<512x32xf32, #tpu.memory_space<vmem>>
    %dma_wait3A_1530 = arith.constant 0 : i32
    %dma_wait3A_1531 = tpu.memref_slice %arg5[%dma_wait3A_1523, %dma_wait3A_1530] : memref<20x512xi32, #tpu.memory_space<vmem>> -> memref<1x512xi32, #tpu.memory_space<vmem>>
    %dma_wait3A_1532 = tpu.memref_squeeze %dma_wait3A_1531 : memref<1x512xi32, #tpu.memory_space<vmem>> -> memref<512xi32, #tpu.memory_space<vmem>>
    %dma_wait3A_1533 = arith.constant 0 : i32
    %dma_wait3A_1534 = arith.constant 0 : i32
    %dma_wait3A_1535 = tpu.memref_slice %arg3[%dma_wait3A_1533, %dma_wait3A_1534] : memref<1000000x32xf32, #tpu.memory_space<hbm>> -> memref<1000000x32xf32, #tpu.memory_space<hbm>>
    %dma_wait3A_1536 = tpu.memref_slice %arg7[%dma_wait3A_1525] : memref<6x!tpu.dma_semaphore, #tpu.memory_space<semaphore_mem>> -> memref<1x!tpu.dma_semaphore, #tpu.memory_space<semaphore_mem>>
    %dma_wait3A_1537 = tpu.memref_squeeze %dma_wait3A_1536 : memref<1x!tpu.dma_semaphore, #tpu.memory_space<semaphore_mem>> -> memref<!tpu.dma_semaphore, #tpu.memory_space<semaphore_mem>>
    tpu.wait_indirect_dma semaphore(%dma_wait3A_1537 : memref<!tpu.dma_semaphore, #tpu.memory_space<semaphore_mem>>) src(%dma_wait3A_1535 : memref<1000000x32xf32, #tpu.memory_space<hbm>>) dst(%dma_wait3A_1529 : memref<512x32xf32, #tpu.memory_space<vmem>>)
    %dma_start3A_1538 = arith.constant 2 : i32
    %dma_start3A_1539 = arith.constant 14 : i32
    %dma_start3A_1540 = arith.constant 2 : i32
    %dma_start3A_1541 = arith.constant 0 : i32
    %dma_start3A_1542 = arith.constant 0 : i32
    %dma_start3A_1543 = tpu.memref_slice %arg6[%dma_start3A_1538, %dma_start3A_1541, %dma_start3A_1542] : memref<6x512x32xf32, #tpu.memory_space<vmem>> -> memref<1x512x32xf32, #tpu.memory_space<vmem>>
    %dma_start3A_1544 = tpu.memref_squeeze %dma_start3A_1543 : memref<1x512x32xf32, #tpu.memory_space<vmem>> -> memref<512x32xf32, #tpu.memory_space<vmem>>
    %dma_start3A_1545 = arith.constant 0 : i32
    %dma_start3A_1546 = tpu.memref_slice %arg4[%dma_start3A_1539, %mul3A_2, %dma_start3A_1545] : memref<20x16384x32xf32, #tpu.memory_space<hbm>> -> memref<1x512x32xf32, #tpu.memory_space<hbm>>
    %dma_start3A_1547 = tpu.memref_squeeze %dma_start3A_1546 : memref<1x512x32xf32, #tpu.memory_space<hbm>> -> memref<512x32xf32, #tpu.memory_space<hbm>>
    %dma_start3A_1548 = tpu.memref_slice %arg8[%dma_start3A_1540] : memref<6x!tpu.dma_semaphore, #tpu.memory_space<semaphore_mem>> -> memref<1x!tpu.dma_semaphore, #tpu.memory_space<semaphore_mem>>
    %dma_start3A_1549 = tpu.memref_squeeze %dma_start3A_1548 : memref<1x!tpu.dma_semaphore, #tpu.memory_space<semaphore_mem>> -> memref<!tpu.dma_semaphore, #tpu.memory_space<semaphore_mem>>
    %dma_start3A_1550 = arith.constant 0 : i32
    %dma_start3A_1551 = tpu.memref_slice %arg4[%dma_start3A_1539, %mul3A_2, %dma_start3A_1550] : memref<20x16384x32xf32, #tpu.memory_space<hbm>> -> memref<1x512x32xf32, #tpu.memory_space<hbm>>
    %dma_start3A_1552 = tpu.memref_squeeze %dma_start3A_1551 : memref<1x512x32xf32, #tpu.memory_space<hbm>> -> memref<512x32xf32, #tpu.memory_space<hbm>>
    %dma_start3A_1553 = arith.constant 0 : i32
    %dma_start3A_1554 = arith.constant 0 : i32
    %dma_start3A_1555 = tpu.memref_slice %arg6[%dma_start3A_1538, %dma_start3A_1553, %dma_start3A_1554] : memref<6x512x32xf32, #tpu.memory_space<vmem>> -> memref<1x512x32xf32, #tpu.memory_space<vmem>>
    %dma_start3A_1556 = tpu.memref_squeeze %dma_start3A_1555 : memref<1x512x32xf32, #tpu.memory_space<vmem>> -> memref<512x32xf32, #tpu.memory_space<vmem>>
    tpu.enqueue_dma source(%dma_start3A_1556 : memref<512x32xf32, #tpu.memory_space<vmem>>) target(%dma_start3A_1552 : memref<512x32xf32, #tpu.memory_space<hbm>>) target_semaphore(%dma_start3A_1549 : memref<!tpu.dma_semaphore, #tpu.memory_space<semaphore_mem>>)
    %dma_wait3A_1557 = arith.constant 15 : i32
    %dma_wait3A_1558 = arith.constant 3 : i32
    %dma_wait3A_1559 = arith.constant 3 : i32
    %dma_wait3A_1560 = arith.constant 0 : i32
    %dma_wait3A_1561 = arith.constant 0 : i32
    %dma_wait3A_1562 = tpu.memref_slice %arg6[%dma_wait3A_1558, %dma_wait3A_1560, %dma_wait3A_1561] : memref<6x512x32xf32, #tpu.memory_space<vmem>> -> memref<1x512x32xf32, #tpu.memory_space<vmem>>
    %dma_wait3A_1563 = tpu.memref_squeeze %dma_wait3A_1562 : memref<1x512x32xf32, #tpu.memory_space<vmem>> -> memref<512x32xf32, #tpu.memory_space<vmem>>
    %dma_wait3A_1564 = arith.constant 0 : i32
    %dma_wait3A_1565 = tpu.memref_slice %arg5[%dma_wait3A_1557, %dma_wait3A_1564] : memref<20x512xi32, #tpu.memory_space<vmem>> -> memref<1x512xi32, #tpu.memory_space<vmem>>
    %dma_wait3A_1566 = tpu.memref_squeeze %dma_wait3A_1565 : memref<1x512xi32, #tpu.memory_space<vmem>> -> memref<512xi32, #tpu.memory_space<vmem>>
    %dma_wait3A_1567 = arith.constant 0 : i32
    %dma_wait3A_1568 = arith.constant 0 : i32
    %dma_wait3A_1569 = tpu.memref_slice %arg3[%dma_wait3A_1567, %dma_wait3A_1568] : memref<1000000x32xf32, #tpu.memory_space<hbm>> -> memref<1000000x32xf32, #tpu.memory_space<hbm>>
    %dma_wait3A_1570 = tpu.memref_slice %arg7[%dma_wait3A_1559] : memref<6x!tpu.dma_semaphore, #tpu.memory_space<semaphore_mem>> -> memref<1x!tpu.dma_semaphore, #tpu.memory_space<semaphore_mem>>
    %dma_wait3A_1571 = tpu.memref_squeeze %dma_wait3A_1570 : memref<1x!tpu.dma_semaphore, #tpu.memory_space<semaphore_mem>> -> memref<!tpu.dma_semaphore, #tpu.memory_space<semaphore_mem>>
    tpu.wait_indirect_dma semaphore(%dma_wait3A_1571 : memref<!tpu.dma_semaphore, #tpu.memory_space<semaphore_mem>>) src(%dma_wait3A_1569 : memref<1000000x32xf32, #tpu.memory_space<hbm>>) dst(%dma_wait3A_1563 : memref<512x32xf32, #tpu.memory_space<vmem>>)
    %dma_start3A_1572 = arith.constant 3 : i32
    %dma_start3A_1573 = arith.constant 15 : i32
    %dma_start3A_1574 = arith.constant 3 : i32
    %dma_start3A_1575 = arith.constant 0 : i32
    %dma_start3A_1576 = arith.constant 0 : i32
    %dma_start3A_1577 = tpu.memref_slice %arg6[%dma_start3A_1572, %dma_start3A_1575, %dma_start3A_1576] : memref<6x512x32xf32, #tpu.memory_space<vmem>> -> memref<1x512x32xf32, #tpu.memory_space<vmem>>
    %dma_start3A_1578 = tpu.memref_squeeze %dma_start3A_1577 : memref<1x512x32xf32, #tpu.memory_space<vmem>> -> memref<512x32xf32, #tpu.memory_space<vmem>>
    %dma_start3A_1579 = arith.constant 0 : i32
    %dma_start3A_1580 = tpu.memref_slice %arg4[%dma_start3A_1573, %mul3A_2, %dma_start3A_1579] : memref<20x16384x32xf32, #tpu.memory_space<hbm>> -> memref<1x512x32xf32, #tpu.memory_space<hbm>>
    %dma_start3A_1581 = tpu.memref_squeeze %dma_start3A_1580 : memref<1x512x32xf32, #tpu.memory_space<hbm>> -> memref<512x32xf32, #tpu.memory_space<hbm>>
    %dma_start3A_1582 = tpu.memref_slice %arg8[%dma_start3A_1574] : memref<6x!tpu.dma_semaphore, #tpu.memory_space<semaphore_mem>> -> memref<1x!tpu.dma_semaphore, #tpu.memory_space<semaphore_mem>>
    %dma_start3A_1583 = tpu.memref_squeeze %dma_start3A_1582 : memref<1x!tpu.dma_semaphore, #tpu.memory_space<semaphore_mem>> -> memref<!tpu.dma_semaphore, #tpu.memory_space<semaphore_mem>>
    %dma_start3A_1584 = arith.constant 0 : i32
    %dma_start3A_1585 = tpu.memref_slice %arg4[%dma_start3A_1573, %mul3A_2, %dma_start3A_1584] : memref<20x16384x32xf32, #tpu.memory_space<hbm>> -> memref<1x512x32xf32, #tpu.memory_space<hbm>>
    %dma_start3A_1586 = tpu.memref_squeeze %dma_start3A_1585 : memref<1x512x32xf32, #tpu.memory_space<hbm>> -> memref<512x32xf32, #tpu.memory_space<hbm>>
    %dma_start3A_1587 = arith.constant 0 : i32
    %dma_start3A_1588 = arith.constant 0 : i32
    %dma_start3A_1589 = tpu.memref_slice %arg6[%dma_start3A_1572, %dma_start3A_1587, %dma_start3A_1588] : memref<6x512x32xf32, #tpu.memory_space<vmem>> -> memref<1x512x32xf32, #tpu.memory_space<vmem>>
    %dma_start3A_1590 = tpu.memref_squeeze %dma_start3A_1589 : memref<1x512x32xf32, #tpu.memory_space<vmem>> -> memref<512x32xf32, #tpu.memory_space<vmem>>
    tpu.enqueue_dma source(%dma_start3A_1590 : memref<512x32xf32, #tpu.memory_space<vmem>>) target(%dma_start3A_1586 : memref<512x32xf32, #tpu.memory_space<hbm>>) target_semaphore(%dma_start3A_1583 : memref<!tpu.dma_semaphore, #tpu.memory_space<semaphore_mem>>)
    %dma_wait3A_1591 = arith.constant 16 : i32
    %dma_wait3A_1592 = arith.constant 4 : i32
    %dma_wait3A_1593 = arith.constant 4 : i32
    %dma_wait3A_1594 = arith.constant 0 : i32
    %dma_wait3A_1595 = arith.constant 0 : i32
    %dma_wait3A_1596 = tpu.memref_slice %arg6[%dma_wait3A_1592, %dma_wait3A_1594, %dma_wait3A_1595] : memref<6x512x32xf32, #tpu.memory_space<vmem>> -> memref<1x512x32xf32, #tpu.memory_space<vmem>>
    %dma_wait3A_1597 = tpu.memref_squeeze %dma_wait3A_1596 : memref<1x512x32xf32, #tpu.memory_space<vmem>> -> memref<512x32xf32, #tpu.memory_space<vmem>>
    %dma_wait3A_1598 = arith.constant 0 : i32
    %dma_wait3A_1599 = tpu.memref_slice %arg5[%dma_wait3A_1591, %dma_wait3A_1598] : memref<20x512xi32, #tpu.memory_space<vmem>> -> memref<1x512xi32, #tpu.memory_space<vmem>>
    %dma_wait3A_1600 = tpu.memref_squeeze %dma_wait3A_1599 : memref<1x512xi32, #tpu.memory_space<vmem>> -> memref<512xi32, #tpu.memory_space<vmem>>
    %dma_wait3A_1601 = arith.constant 0 : i32
    %dma_wait3A_1602 = arith.constant 0 : i32
    %dma_wait3A_1603 = tpu.memref_slice %arg3[%dma_wait3A_1601, %dma_wait3A_1602] : memref<1000000x32xf32, #tpu.memory_space<hbm>> -> memref<1000000x32xf32, #tpu.memory_space<hbm>>
    %dma_wait3A_1604 = tpu.memref_slice %arg7[%dma_wait3A_1593] : memref<6x!tpu.dma_semaphore, #tpu.memory_space<semaphore_mem>> -> memref<1x!tpu.dma_semaphore, #tpu.memory_space<semaphore_mem>>
    %dma_wait3A_1605 = tpu.memref_squeeze %dma_wait3A_1604 : memref<1x!tpu.dma_semaphore, #tpu.memory_space<semaphore_mem>> -> memref<!tpu.dma_semaphore, #tpu.memory_space<semaphore_mem>>
    tpu.wait_indirect_dma semaphore(%dma_wait3A_1605 : memref<!tpu.dma_semaphore, #tpu.memory_space<semaphore_mem>>) src(%dma_wait3A_1603 : memref<1000000x32xf32, #tpu.memory_space<hbm>>) dst(%dma_wait3A_1597 : memref<512x32xf32, #tpu.memory_space<vmem>>)
    %dma_start3A_1606 = arith.constant 4 : i32
    %dma_start3A_1607 = arith.constant 16 : i32
    %dma_start3A_1608 = arith.constant 4 : i32
    %dma_start3A_1609 = arith.constant 0 : i32
    %dma_start3A_1610 = arith.constant 0 : i32
    %dma_start3A_1611 = tpu.memref_slice %arg6[%dma_start3A_1606, %dma_start3A_1609, %dma_start3A_1610] : memref<6x512x32xf32, #tpu.memory_space<vmem>> -> memref<1x512x32xf32, #tpu.memory_space<vmem>>
    %dma_start3A_1612 = tpu.memref_squeeze %dma_start3A_1611 : memref<1x512x32xf32, #tpu.memory_space<vmem>> -> memref<512x32xf32, #tpu.memory_space<vmem>>
    %dma_start3A_1613 = arith.constant 0 : i32
    %dma_start3A_1614 = tpu.memref_slice %arg4[%dma_start3A_1607, %mul3A_2, %dma_start3A_1613] : memref<20x16384x32xf32, #tpu.memory_space<hbm>> -> memref<1x512x32xf32, #tpu.memory_space<hbm>>
    %dma_start3A_1615 = tpu.memref_squeeze %dma_start3A_1614 : memref<1x512x32xf32, #tpu.memory_space<hbm>> -> memref<512x32xf32, #tpu.memory_space<hbm>>
    %dma_start3A_1616 = tpu.memref_slice %arg8[%dma_start3A_1608] : memref<6x!tpu.dma_semaphore, #tpu.memory_space<semaphore_mem>> -> memref<1x!tpu.dma_semaphore, #tpu.memory_space<semaphore_mem>>
    %dma_start3A_1617 = tpu.memref_squeeze %dma_start3A_1616 : memref<1x!tpu.dma_semaphore, #tpu.memory_space<semaphore_mem>> -> memref<!tpu.dma_semaphore, #tpu.memory_space<semaphore_mem>>
    %dma_start3A_1618 = arith.constant 0 : i32
    %dma_start3A_1619 = tpu.memref_slice %arg4[%dma_start3A_1607, %mul3A_2, %dma_start3A_1618] : memref<20x16384x32xf32, #tpu.memory_space<hbm>> -> memref<1x512x32xf32, #tpu.memory_space<hbm>>
    %dma_start3A_1620 = tpu.memref_squeeze %dma_start3A_1619 : memref<1x512x32xf32, #tpu.memory_space<hbm>> -> memref<512x32xf32, #tpu.memory_space<hbm>>
    %dma_start3A_1621 = arith.constant 0 : i32
    %dma_start3A_1622 = arith.constant 0 : i32
    %dma_start3A_1623 = tpu.memref_slice %arg6[%dma_start3A_1606, %dma_start3A_1621, %dma_start3A_1622] : memref<6x512x32xf32, #tpu.memory_space<vmem>> -> memref<1x512x32xf32, #tpu.memory_space<vmem>>
    %dma_start3A_1624 = tpu.memref_squeeze %dma_start3A_1623 : memref<1x512x32xf32, #tpu.memory_space<vmem>> -> memref<512x32xf32, #tpu.memory_space<vmem>>
    tpu.enqueue_dma source(%dma_start3A_1624 : memref<512x32xf32, #tpu.memory_space<vmem>>) target(%dma_start3A_1620 : memref<512x32xf32, #tpu.memory_space<hbm>>) target_semaphore(%dma_start3A_1617 : memref<!tpu.dma_semaphore, #tpu.memory_space<semaphore_mem>>)
    %dma_wait3A_1625 = arith.constant 17 : i32
    %dma_wait3A_1626 = arith.constant 5 : i32
    %dma_wait3A_1627 = arith.constant 5 : i32
    %dma_wait3A_1628 = arith.constant 0 : i32
    %dma_wait3A_1629 = arith.constant 0 : i32
    %dma_wait3A_1630 = tpu.memref_slice %arg6[%dma_wait3A_1626, %dma_wait3A_1628, %dma_wait3A_1629] : memref<6x512x32xf32, #tpu.memory_space<vmem>> -> memref<1x512x32xf32, #tpu.memory_space<vmem>>
    %dma_wait3A_1631 = tpu.memref_squeeze %dma_wait3A_1630 : memref<1x512x32xf32, #tpu.memory_space<vmem>> -> memref<512x32xf32, #tpu.memory_space<vmem>>
    %dma_wait3A_1632 = arith.constant 0 : i32
    %dma_wait3A_1633 = tpu.memref_slice %arg5[%dma_wait3A_1625, %dma_wait3A_1632] : memref<20x512xi32, #tpu.memory_space<vmem>> -> memref<1x512xi32, #tpu.memory_space<vmem>>
    %dma_wait3A_1634 = tpu.memref_squeeze %dma_wait3A_1633 : memref<1x512xi32, #tpu.memory_space<vmem>> -> memref<512xi32, #tpu.memory_space<vmem>>
    %dma_wait3A_1635 = arith.constant 0 : i32
    %dma_wait3A_1636 = arith.constant 0 : i32
    %dma_wait3A_1637 = tpu.memref_slice %arg3[%dma_wait3A_1635, %dma_wait3A_1636] : memref<1000000x32xf32, #tpu.memory_space<hbm>> -> memref<1000000x32xf32, #tpu.memory_space<hbm>>
    %dma_wait3A_1638 = tpu.memref_slice %arg7[%dma_wait3A_1627] : memref<6x!tpu.dma_semaphore, #tpu.memory_space<semaphore_mem>> -> memref<1x!tpu.dma_semaphore, #tpu.memory_space<semaphore_mem>>
    %dma_wait3A_1639 = tpu.memref_squeeze %dma_wait3A_1638 : memref<1x!tpu.dma_semaphore, #tpu.memory_space<semaphore_mem>> -> memref<!tpu.dma_semaphore, #tpu.memory_space<semaphore_mem>>
    tpu.wait_indirect_dma semaphore(%dma_wait3A_1639 : memref<!tpu.dma_semaphore, #tpu.memory_space<semaphore_mem>>) src(%dma_wait3A_1637 : memref<1000000x32xf32, #tpu.memory_space<hbm>>) dst(%dma_wait3A_1631 : memref<512x32xf32, #tpu.memory_space<vmem>>)
    %dma_start3A_1640 = arith.constant 5 : i32
    %dma_start3A_1641 = arith.constant 17 : i32
    %dma_start3A_1642 = arith.constant 5 : i32
    %dma_start3A_1643 = arith.constant 0 : i32
    %dma_start3A_1644 = arith.constant 0 : i32
    %dma_start3A_1645 = tpu.memref_slice %arg6[%dma_start3A_1640, %dma_start3A_1643, %dma_start3A_1644] : memref<6x512x32xf32, #tpu.memory_space<vmem>> -> memref<1x512x32xf32, #tpu.memory_space<vmem>>
    %dma_start3A_1646 = tpu.memref_squeeze %dma_start3A_1645 : memref<1x512x32xf32, #tpu.memory_space<vmem>> -> memref<512x32xf32, #tpu.memory_space<vmem>>
    %dma_start3A_1647 = arith.constant 0 : i32
    %dma_start3A_1648 = tpu.memref_slice %arg4[%dma_start3A_1641, %mul3A_2, %dma_start3A_1647] : memref<20x16384x32xf32, #tpu.memory_space<hbm>> -> memref<1x512x32xf32, #tpu.memory_space<hbm>>
    %dma_start3A_1649 = tpu.memref_squeeze %dma_start3A_1648 : memref<1x512x32xf32, #tpu.memory_space<hbm>> -> memref<512x32xf32, #tpu.memory_space<hbm>>
    %dma_start3A_1650 = tpu.memref_slice %arg8[%dma_start3A_1642] : memref<6x!tpu.dma_semaphore, #tpu.memory_space<semaphore_mem>> -> memref<1x!tpu.dma_semaphore, #tpu.memory_space<semaphore_mem>>
    %dma_start3A_1651 = tpu.memref_squeeze %dma_start3A_1650 : memref<1x!tpu.dma_semaphore, #tpu.memory_space<semaphore_mem>> -> memref<!tpu.dma_semaphore, #tpu.memory_space<semaphore_mem>>
    %dma_start3A_1652 = arith.constant 0 : i32
    %dma_start3A_1653 = tpu.memref_slice %arg4[%dma_start3A_1641, %mul3A_2, %dma_start3A_1652] : memref<20x16384x32xf32, #tpu.memory_space<hbm>> -> memref<1x512x32xf32, #tpu.memory_space<hbm>>
    %dma_start3A_1654 = tpu.memref_squeeze %dma_start3A_1653 : memref<1x512x32xf32, #tpu.memory_space<hbm>> -> memref<512x32xf32, #tpu.memory_space<hbm>>
    %dma_start3A_1655 = arith.constant 0 : i32
    %dma_start3A_1656 = arith.constant 0 : i32
    %dma_start3A_1657 = tpu.memref_slice %arg6[%dma_start3A_1640, %dma_start3A_1655, %dma_start3A_1656] : memref<6x512x32xf32, #tpu.memory_space<vmem>> -> memref<1x512x32xf32, #tpu.memory_space<vmem>>
    %dma_start3A_1658 = tpu.memref_squeeze %dma_start3A_1657 : memref<1x512x32xf32, #tpu.memory_space<vmem>> -> memref<512x32xf32, #tpu.memory_space<vmem>>
    tpu.enqueue_dma source(%dma_start3A_1658 : memref<512x32xf32, #tpu.memory_space<vmem>>) target(%dma_start3A_1654 : memref<512x32xf32, #tpu.memory_space<hbm>>) target_semaphore(%dma_start3A_1651 : memref<!tpu.dma_semaphore, #tpu.memory_space<semaphore_mem>>)
    %dma_wait3A_1659 = arith.constant 18 : i32
    %dma_wait3A_1660 = arith.constant 0 : i32
    %dma_wait3A_1661 = arith.constant 0 : i32
    %dma_wait3A_1662 = arith.constant 0 : i32
    %dma_wait3A_1663 = arith.constant 0 : i32
    %dma_wait3A_1664 = tpu.memref_slice %arg6[%dma_wait3A_1660, %dma_wait3A_1662, %dma_wait3A_1663] : memref<6x512x32xf32, #tpu.memory_space<vmem>> -> memref<1x512x32xf32, #tpu.memory_space<vmem>>
    %dma_wait3A_1665 = tpu.memref_squeeze %dma_wait3A_1664 : memref<1x512x32xf32, #tpu.memory_space<vmem>> -> memref<512x32xf32, #tpu.memory_space<vmem>>
    %dma_wait3A_1666 = arith.constant 0 : i32
    %dma_wait3A_1667 = tpu.memref_slice %arg5[%dma_wait3A_1659, %dma_wait3A_1666] : memref<20x512xi32, #tpu.memory_space<vmem>> -> memref<1x512xi32, #tpu.memory_space<vmem>>
    %dma_wait3A_1668 = tpu.memref_squeeze %dma_wait3A_1667 : memref<1x512xi32, #tpu.memory_space<vmem>> -> memref<512xi32, #tpu.memory_space<vmem>>
    %dma_wait3A_1669 = arith.constant 0 : i32
    %dma_wait3A_1670 = arith.constant 0 : i32
    %dma_wait3A_1671 = tpu.memref_slice %arg3[%dma_wait3A_1669, %dma_wait3A_1670] : memref<1000000x32xf32, #tpu.memory_space<hbm>> -> memref<1000000x32xf32, #tpu.memory_space<hbm>>
    %dma_wait3A_1672 = tpu.memref_slice %arg7[%dma_wait3A_1661] : memref<6x!tpu.dma_semaphore, #tpu.memory_space<semaphore_mem>> -> memref<1x!tpu.dma_semaphore, #tpu.memory_space<semaphore_mem>>
    %dma_wait3A_1673 = tpu.memref_squeeze %dma_wait3A_1672 : memref<1x!tpu.dma_semaphore, #tpu.memory_space<semaphore_mem>> -> memref<!tpu.dma_semaphore, #tpu.memory_space<semaphore_mem>>
    tpu.wait_indirect_dma semaphore(%dma_wait3A_1673 : memref<!tpu.dma_semaphore, #tpu.memory_space<semaphore_mem>>) src(%dma_wait3A_1671 : memref<1000000x32xf32, #tpu.memory_space<hbm>>) dst(%dma_wait3A_1665 : memref<512x32xf32, #tpu.memory_space<vmem>>)
    %dma_start3A_1674 = arith.constant 0 : i32
    %dma_start3A_1675 = arith.constant 18 : i32
    %dma_start3A_1676 = arith.constant 0 : i32
    %dma_start3A_1677 = arith.constant 0 : i32
    %dma_start3A_1678 = arith.constant 0 : i32
    %dma_start3A_1679 = tpu.memref_slice %arg6[%dma_start3A_1674, %dma_start3A_1677, %dma_start3A_1678] : memref<6x512x32xf32, #tpu.memory_space<vmem>> -> memref<1x512x32xf32, #tpu.memory_space<vmem>>
    %dma_start3A_1680 = tpu.memref_squeeze %dma_start3A_1679 : memref<1x512x32xf32, #tpu.memory_space<vmem>> -> memref<512x32xf32, #tpu.memory_space<vmem>>
    %dma_start3A_1681 = arith.constant 0 : i32
    %dma_start3A_1682 = tpu.memref_slice %arg4[%dma_start3A_1675, %mul3A_2, %dma_start3A_1681] : memref<20x16384x32xf32, #tpu.memory_space<hbm>> -> memref<1x512x32xf32, #tpu.memory_space<hbm>>
    %dma_start3A_1683 = tpu.memref_squeeze %dma_start3A_1682 : memref<1x512x32xf32, #tpu.memory_space<hbm>> -> memref<512x32xf32, #tpu.memory_space<hbm>>
    %dma_start3A_1684 = tpu.memref_slice %arg8[%dma_start3A_1676] : memref<6x!tpu.dma_semaphore, #tpu.memory_space<semaphore_mem>> -> memref<1x!tpu.dma_semaphore, #tpu.memory_space<semaphore_mem>>
    %dma_start3A_1685 = tpu.memref_squeeze %dma_start3A_1684 : memref<1x!tpu.dma_semaphore, #tpu.memory_space<semaphore_mem>> -> memref<!tpu.dma_semaphore, #tpu.memory_space<semaphore_mem>>
    %dma_start3A_1686 = arith.constant 0 : i32
    %dma_start3A_1687 = tpu.memref_slice %arg4[%dma_start3A_1675, %mul3A_2, %dma_start3A_1686] : memref<20x16384x32xf32, #tpu.memory_space<hbm>> -> memref<1x512x32xf32, #tpu.memory_space<hbm>>
    %dma_start3A_1688 = tpu.memref_squeeze %dma_start3A_1687 : memref<1x512x32xf32, #tpu.memory_space<hbm>> -> memref<512x32xf32, #tpu.memory_space<hbm>>
    %dma_start3A_1689 = arith.constant 0 : i32
    %dma_start3A_1690 = arith.constant 0 : i32
    %dma_start3A_1691 = tpu.memref_slice %arg6[%dma_start3A_1674, %dma_start3A_1689, %dma_start3A_1690] : memref<6x512x32xf32, #tpu.memory_space<vmem>> -> memref<1x512x32xf32, #tpu.memory_space<vmem>>
    %dma_start3A_1692 = tpu.memref_squeeze %dma_start3A_1691 : memref<1x512x32xf32, #tpu.memory_space<vmem>> -> memref<512x32xf32, #tpu.memory_space<vmem>>
    tpu.enqueue_dma source(%dma_start3A_1692 : memref<512x32xf32, #tpu.memory_space<vmem>>) target(%dma_start3A_1688 : memref<512x32xf32, #tpu.memory_space<hbm>>) target_semaphore(%dma_start3A_1685 : memref<!tpu.dma_semaphore, #tpu.memory_space<semaphore_mem>>)
    %dma_wait3A_1693 = arith.constant 19 : i32
    %dma_wait3A_1694 = arith.constant 1 : i32
    %dma_wait3A_1695 = arith.constant 1 : i32
    %dma_wait3A_1696 = arith.constant 0 : i32
    %dma_wait3A_1697 = arith.constant 0 : i32
    %dma_wait3A_1698 = tpu.memref_slice %arg6[%dma_wait3A_1694, %dma_wait3A_1696, %dma_wait3A_1697] : memref<6x512x32xf32, #tpu.memory_space<vmem>> -> memref<1x512x32xf32, #tpu.memory_space<vmem>>
    %dma_wait3A_1699 = tpu.memref_squeeze %dma_wait3A_1698 : memref<1x512x32xf32, #tpu.memory_space<vmem>> -> memref<512x32xf32, #tpu.memory_space<vmem>>
    %dma_wait3A_1700 = arith.constant 0 : i32
    %dma_wait3A_1701 = tpu.memref_slice %arg5[%dma_wait3A_1693, %dma_wait3A_1700] : memref<20x512xi32, #tpu.memory_space<vmem>> -> memref<1x512xi32, #tpu.memory_space<vmem>>
    %dma_wait3A_1702 = tpu.memref_squeeze %dma_wait3A_1701 : memref<1x512xi32, #tpu.memory_space<vmem>> -> memref<512xi32, #tpu.memory_space<vmem>>
    %dma_wait3A_1703 = arith.constant 0 : i32
    %dma_wait3A_1704 = arith.constant 0 : i32
    %dma_wait3A_1705 = tpu.memref_slice %arg3[%dma_wait3A_1703, %dma_wait3A_1704] : memref<1000000x32xf32, #tpu.memory_space<hbm>> -> memref<1000000x32xf32, #tpu.memory_space<hbm>>
    %dma_wait3A_1706 = tpu.memref_slice %arg7[%dma_wait3A_1695] : memref<6x!tpu.dma_semaphore, #tpu.memory_space<semaphore_mem>> -> memref<1x!tpu.dma_semaphore, #tpu.memory_space<semaphore_mem>>
    %dma_wait3A_1707 = tpu.memref_squeeze %dma_wait3A_1706 : memref<1x!tpu.dma_semaphore, #tpu.memory_space<semaphore_mem>> -> memref<!tpu.dma_semaphore, #tpu.memory_space<semaphore_mem>>
    tpu.wait_indirect_dma semaphore(%dma_wait3A_1707 : memref<!tpu.dma_semaphore, #tpu.memory_space<semaphore_mem>>) src(%dma_wait3A_1705 : memref<1000000x32xf32, #tpu.memory_space<hbm>>) dst(%dma_wait3A_1699 : memref<512x32xf32, #tpu.memory_space<vmem>>)
    %dma_start3A_1708 = arith.constant 1 : i32
    %dma_start3A_1709 = arith.constant 19 : i32
    %dma_start3A_1710 = arith.constant 1 : i32
    %dma_start3A_1711 = arith.constant 0 : i32
    %dma_start3A_1712 = arith.constant 0 : i32
    %dma_start3A_1713 = tpu.memref_slice %arg6[%dma_start3A_1708, %dma_start3A_1711, %dma_start3A_1712] : memref<6x512x32xf32, #tpu.memory_space<vmem>> -> memref<1x512x32xf32, #tpu.memory_space<vmem>>
    %dma_start3A_1714 = tpu.memref_squeeze %dma_start3A_1713 : memref<1x512x32xf32, #tpu.memory_space<vmem>> -> memref<512x32xf32, #tpu.memory_space<vmem>>
    %dma_start3A_1715 = arith.constant 0 : i32
    %dma_start3A_1716 = tpu.memref_slice %arg4[%dma_start3A_1709, %mul3A_2, %dma_start3A_1715] : memref<20x16384x32xf32, #tpu.memory_space<hbm>> -> memref<1x512x32xf32, #tpu.memory_space<hbm>>
    %dma_start3A_1717 = tpu.memref_squeeze %dma_start3A_1716 : memref<1x512x32xf32, #tpu.memory_space<hbm>> -> memref<512x32xf32, #tpu.memory_space<hbm>>
    %dma_start3A_1718 = tpu.memref_slice %arg8[%dma_start3A_1710] : memref<6x!tpu.dma_semaphore, #tpu.memory_space<semaphore_mem>> -> memref<1x!tpu.dma_semaphore, #tpu.memory_space<semaphore_mem>>
    %dma_start3A_1719 = tpu.memref_squeeze %dma_start3A_1718 : memref<1x!tpu.dma_semaphore, #tpu.memory_space<semaphore_mem>> -> memref<!tpu.dma_semaphore, #tpu.memory_space<semaphore_mem>>
    %dma_start3A_1720 = arith.constant 0 : i32
    %dma_start3A_1721 = tpu.memref_slice %arg4[%dma_start3A_1709, %mul3A_2, %dma_start3A_1720] : memref<20x16384x32xf32, #tpu.memory_space<hbm>> -> memref<1x512x32xf32, #tpu.memory_space<hbm>>
    %dma_start3A_1722 = tpu.memref_squeeze %dma_start3A_1721 : memref<1x512x32xf32, #tpu.memory_space<hbm>> -> memref<512x32xf32, #tpu.memory_space<hbm>>
    %dma_start3A_1723 = arith.constant 0 : i32
    %dma_start3A_1724 = arith.constant 0 : i32
    %dma_start3A_1725 = tpu.memref_slice %arg6[%dma_start3A_1708, %dma_start3A_1723, %dma_start3A_1724] : memref<6x512x32xf32, #tpu.memory_space<vmem>> -> memref<1x512x32xf32, #tpu.memory_space<vmem>>
    %dma_start3A_1726 = tpu.memref_squeeze %dma_start3A_1725 : memref<1x512x32xf32, #tpu.memory_space<vmem>> -> memref<512x32xf32, #tpu.memory_space<vmem>>
    tpu.enqueue_dma source(%dma_start3A_1726 : memref<512x32xf32, #tpu.memory_space<vmem>>) target(%dma_start3A_1722 : memref<512x32xf32, #tpu.memory_space<hbm>>) target_semaphore(%dma_start3A_1719 : memref<!tpu.dma_semaphore, #tpu.memory_space<semaphore_mem>>)
    %dma_wait3A_1727 = arith.constant 2 : i32
    %dma_wait3A_1728 = arith.constant 14 : i32
    %dma_wait3A_1729 = arith.constant 2 : i32
    %dma_wait3A_1730 = arith.constant 0 : i32
    %dma_wait3A_1731 = arith.constant 0 : i32
    %dma_wait3A_1732 = tpu.memref_slice %arg6[%dma_wait3A_1727, %dma_wait3A_1730, %dma_wait3A_1731] : memref<6x512x32xf32, #tpu.memory_space<vmem>> -> memref<1x512x32xf32, #tpu.memory_space<vmem>>
    %dma_wait3A_1733 = tpu.memref_squeeze %dma_wait3A_1732 : memref<1x512x32xf32, #tpu.memory_space<vmem>> -> memref<512x32xf32, #tpu.memory_space<vmem>>
    %dma_wait3A_1734 = arith.constant 0 : i32
    %dma_wait3A_1735 = tpu.memref_slice %arg4[%dma_wait3A_1728, %mul3A_2, %dma_wait3A_1734] : memref<20x16384x32xf32, #tpu.memory_space<hbm>> -> memref<1x512x32xf32, #tpu.memory_space<hbm>>
    %dma_wait3A_1736 = tpu.memref_squeeze %dma_wait3A_1735 : memref<1x512x32xf32, #tpu.memory_space<hbm>> -> memref<512x32xf32, #tpu.memory_space<hbm>>
    %dma_wait3A_1737 = tpu.memref_slice %arg8[%dma_wait3A_1729] : memref<6x!tpu.dma_semaphore, #tpu.memory_space<semaphore_mem>> -> memref<1x!tpu.dma_semaphore, #tpu.memory_space<semaphore_mem>>
    %dma_wait3A_1738 = tpu.memref_squeeze %dma_wait3A_1737 : memref<1x!tpu.dma_semaphore, #tpu.memory_space<semaphore_mem>> -> memref<!tpu.dma_semaphore, #tpu.memory_space<semaphore_mem>>
    %dma_wait3A_1739 = arith.constant 0 : i32
    %dma_wait3A_1740 = tpu.memref_slice %arg4[%dma_wait3A_1728, %mul3A_2, %dma_wait3A_1739] : memref<20x16384x32xf32, #tpu.memory_space<hbm>> -> memref<1x512x32xf32, #tpu.memory_space<hbm>>
    %dma_wait3A_1741 = tpu.memref_squeeze %dma_wait3A_1740 : memref<1x512x32xf32, #tpu.memory_space<hbm>> -> memref<512x32xf32, #tpu.memory_space<hbm>>
    %dma_wait3A_1742 = arith.constant 0 : i32
    %dma_wait3A_1743 = arith.constant 0 : i32
    %dma_wait3A_1744 = tpu.memref_slice %arg6[%dma_wait3A_1727, %dma_wait3A_1742, %dma_wait3A_1743] : memref<6x512x32xf32, #tpu.memory_space<vmem>> -> memref<1x512x32xf32, #tpu.memory_space<vmem>>
    %dma_wait3A_1745 = tpu.memref_squeeze %dma_wait3A_1744 : memref<1x512x32xf32, #tpu.memory_space<vmem>> -> memref<512x32xf32, #tpu.memory_space<vmem>>
    tpu.wait_dma2 semaphore(%dma_wait3A_1738 : memref<!tpu.dma_semaphore, #tpu.memory_space<semaphore_mem>>) src(%dma_wait3A_1745 : memref<512x32xf32, #tpu.memory_space<vmem>>) dst(%dma_wait3A_1741 : memref<512x32xf32, #tpu.memory_space<hbm>>)
    %dma_wait3A_1746 = arith.constant 3 : i32
    %dma_wait3A_1747 = arith.constant 15 : i32
    %dma_wait3A_1748 = arith.constant 3 : i32
    %dma_wait3A_1749 = arith.constant 0 : i32
    %dma_wait3A_1750 = arith.constant 0 : i32
    %dma_wait3A_1751 = tpu.memref_slice %arg6[%dma_wait3A_1746, %dma_wait3A_1749, %dma_wait3A_1750] : memref<6x512x32xf32, #tpu.memory_space<vmem>> -> memref<1x512x32xf32, #tpu.memory_space<vmem>>
    %dma_wait3A_1752 = tpu.memref_squeeze %dma_wait3A_1751 : memref<1x512x32xf32, #tpu.memory_space<vmem>> -> memref<512x32xf32, #tpu.memory_space<vmem>>
    %dma_wait3A_1753 = arith.constant 0 : i32
    %dma_wait3A_1754 = tpu.memref_slice %arg4[%dma_wait3A_1747, %mul3A_2, %dma_wait3A_1753] : memref<20x16384x32xf32, #tpu.memory_space<hbm>> -> memref<1x512x32xf32, #tpu.memory_space<hbm>>
    %dma_wait3A_1755 = tpu.memref_squeeze %dma_wait3A_1754 : memref<1x512x32xf32, #tpu.memory_space<hbm>> -> memref<512x32xf32, #tpu.memory_space<hbm>>
    %dma_wait3A_1756 = tpu.memref_slice %arg8[%dma_wait3A_1748] : memref<6x!tpu.dma_semaphore, #tpu.memory_space<semaphore_mem>> -> memref<1x!tpu.dma_semaphore, #tpu.memory_space<semaphore_mem>>
    %dma_wait3A_1757 = tpu.memref_squeeze %dma_wait3A_1756 : memref<1x!tpu.dma_semaphore, #tpu.memory_space<semaphore_mem>> -> memref<!tpu.dma_semaphore, #tpu.memory_space<semaphore_mem>>
    %dma_wait3A_1758 = arith.constant 0 : i32
    %dma_wait3A_1759 = tpu.memref_slice %arg4[%dma_wait3A_1747, %mul3A_2, %dma_wait3A_1758] : memref<20x16384x32xf32, #tpu.memory_space<hbm>> -> memref<1x512x32xf32, #tpu.memory_space<hbm>>
    %dma_wait3A_1760 = tpu.memref_squeeze %dma_wait3A_1759 : memref<1x512x32xf32, #tpu.memory_space<hbm>> -> memref<512x32xf32, #tpu.memory_space<hbm>>
    %dma_wait3A_1761 = arith.constant 0 : i32
    %dma_wait3A_1762 = arith.constant 0 : i32
    %dma_wait3A_1763 = tpu.memref_slice %arg6[%dma_wait3A_1746, %dma_wait3A_1761, %dma_wait3A_1762] : memref<6x512x32xf32, #tpu.memory_space<vmem>> -> memref<1x512x32xf32, #tpu.memory_space<vmem>>
    %dma_wait3A_1764 = tpu.memref_squeeze %dma_wait3A_1763 : memref<1x512x32xf32, #tpu.memory_space<vmem>> -> memref<512x32xf32, #tpu.memory_space<vmem>>
    tpu.wait_dma2 semaphore(%dma_wait3A_1757 : memref<!tpu.dma_semaphore, #tpu.memory_space<semaphore_mem>>) src(%dma_wait3A_1764 : memref<512x32xf32, #tpu.memory_space<vmem>>) dst(%dma_wait3A_1760 : memref<512x32xf32, #tpu.memory_space<hbm>>)
    %dma_wait3A_1765 = arith.constant 4 : i32
    %dma_wait3A_1766 = arith.constant 16 : i32
    %dma_wait3A_1767 = arith.constant 4 : i32
    %dma_wait3A_1768 = arith.constant 0 : i32
    %dma_wait3A_1769 = arith.constant 0 : i32
    %dma_wait3A_1770 = tpu.memref_slice %arg6[%dma_wait3A_1765, %dma_wait3A_1768, %dma_wait3A_1769] : memref<6x512x32xf32, #tpu.memory_space<vmem>> -> memref<1x512x32xf32, #tpu.memory_space<vmem>>
    %dma_wait3A_1771 = tpu.memref_squeeze %dma_wait3A_1770 : memref<1x512x32xf32, #tpu.memory_space<vmem>> -> memref<512x32xf32, #tpu.memory_space<vmem>>
    %dma_wait3A_1772 = arith.constant 0 : i32
    %dma_wait3A_1773 = tpu.memref_slice %arg4[%dma_wait3A_1766, %mul3A_2, %dma_wait3A_1772] : memref<20x16384x32xf32, #tpu.memory_space<hbm>> -> memref<1x512x32xf32, #tpu.memory_space<hbm>>
    %dma_wait3A_1774 = tpu.memref_squeeze %dma_wait3A_1773 : memref<1x512x32xf32, #tpu.memory_space<hbm>> -> memref<512x32xf32, #tpu.memory_space<hbm>>
    %dma_wait3A_1775 = tpu.memref_slice %arg8[%dma_wait3A_1767] : memref<6x!tpu.dma_semaphore, #tpu.memory_space<semaphore_mem>> -> memref<1x!tpu.dma_semaphore, #tpu.memory_space<semaphore_mem>>
    %dma_wait3A_1776 = tpu.memref_squeeze %dma_wait3A_1775 : memref<1x!tpu.dma_semaphore, #tpu.memory_space<semaphore_mem>> -> memref<!tpu.dma_semaphore, #tpu.memory_space<semaphore_mem>>
    %dma_wait3A_1777 = arith.constant 0 : i32
    %dma_wait3A_1778 = tpu.memref_slice %arg4[%dma_wait3A_1766, %mul3A_2, %dma_wait3A_1777] : memref<20x16384x32xf32, #tpu.memory_space<hbm>> -> memref<1x512x32xf32, #tpu.memory_space<hbm>>
    %dma_wait3A_1779 = tpu.memref_squeeze %dma_wait3A_1778 : memref<1x512x32xf32, #tpu.memory_space<hbm>> -> memref<512x32xf32, #tpu.memory_space<hbm>>
    %dma_wait3A_1780 = arith.constant 0 : i32
    %dma_wait3A_1781 = arith.constant 0 : i32
    %dma_wait3A_1782 = tpu.memref_slice %arg6[%dma_wait3A_1765, %dma_wait3A_1780, %dma_wait3A_1781] : memref<6x512x32xf32, #tpu.memory_space<vmem>> -> memref<1x512x32xf32, #tpu.memory_space<vmem>>
    %dma_wait3A_1783 = tpu.memref_squeeze %dma_wait3A_1782 : memref<1x512x32xf32, #tpu.memory_space<vmem>> -> memref<512x32xf32, #tpu.memory_space<vmem>>
    tpu.wait_dma2 semaphore(%dma_wait3A_1776 : memref<!tpu.dma_semaphore, #tpu.memory_space<semaphore_mem>>) src(%dma_wait3A_1783 : memref<512x32xf32, #tpu.memory_space<vmem>>) dst(%dma_wait3A_1779 : memref<512x32xf32, #tpu.memory_space<hbm>>)
    %dma_wait3A_1784 = arith.constant 5 : i32
    %dma_wait3A_1785 = arith.constant 17 : i32
    %dma_wait3A_1786 = arith.constant 5 : i32
    %dma_wait3A_1787 = arith.constant 0 : i32
    %dma_wait3A_1788 = arith.constant 0 : i32
    %dma_wait3A_1789 = tpu.memref_slice %arg6[%dma_wait3A_1784, %dma_wait3A_1787, %dma_wait3A_1788] : memref<6x512x32xf32, #tpu.memory_space<vmem>> -> memref<1x512x32xf32, #tpu.memory_space<vmem>>
    %dma_wait3A_1790 = tpu.memref_squeeze %dma_wait3A_1789 : memref<1x512x32xf32, #tpu.memory_space<vmem>> -> memref<512x32xf32, #tpu.memory_space<vmem>>
    %dma_wait3A_1791 = arith.constant 0 : i32
    %dma_wait3A_1792 = tpu.memref_slice %arg4[%dma_wait3A_1785, %mul3A_2, %dma_wait3A_1791] : memref<20x16384x32xf32, #tpu.memory_space<hbm>> -> memref<1x512x32xf32, #tpu.memory_space<hbm>>
    %dma_wait3A_1793 = tpu.memref_squeeze %dma_wait3A_1792 : memref<1x512x32xf32, #tpu.memory_space<hbm>> -> memref<512x32xf32, #tpu.memory_space<hbm>>
    %dma_wait3A_1794 = tpu.memref_slice %arg8[%dma_wait3A_1786] : memref<6x!tpu.dma_semaphore, #tpu.memory_space<semaphore_mem>> -> memref<1x!tpu.dma_semaphore, #tpu.memory_space<semaphore_mem>>
    %dma_wait3A_1795 = tpu.memref_squeeze %dma_wait3A_1794 : memref<1x!tpu.dma_semaphore, #tpu.memory_space<semaphore_mem>> -> memref<!tpu.dma_semaphore, #tpu.memory_space<semaphore_mem>>
    %dma_wait3A_1796 = arith.constant 0 : i32
    %dma_wait3A_1797 = tpu.memref_slice %arg4[%dma_wait3A_1785, %mul3A_2, %dma_wait3A_1796] : memref<20x16384x32xf32, #tpu.memory_space<hbm>> -> memref<1x512x32xf32, #tpu.memory_space<hbm>>
    %dma_wait3A_1798 = tpu.memref_squeeze %dma_wait3A_1797 : memref<1x512x32xf32, #tpu.memory_space<hbm>> -> memref<512x32xf32, #tpu.memory_space<hbm>>
    %dma_wait3A_1799 = arith.constant 0 : i32
    %dma_wait3A_1800 = arith.constant 0 : i32
    %dma_wait3A_1801 = tpu.memref_slice %arg6[%dma_wait3A_1784, %dma_wait3A_1799, %dma_wait3A_1800] : memref<6x512x32xf32, #tpu.memory_space<vmem>> -> memref<1x512x32xf32, #tpu.memory_space<vmem>>
    %dma_wait3A_1802 = tpu.memref_squeeze %dma_wait3A_1801 : memref<1x512x32xf32, #tpu.memory_space<vmem>> -> memref<512x32xf32, #tpu.memory_space<vmem>>
    tpu.wait_dma2 semaphore(%dma_wait3A_1795 : memref<!tpu.dma_semaphore, #tpu.memory_space<semaphore_mem>>) src(%dma_wait3A_1802 : memref<512x32xf32, #tpu.memory_space<vmem>>) dst(%dma_wait3A_1798 : memref<512x32xf32, #tpu.memory_space<hbm>>)
    %dma_wait3A_1803 = arith.constant 0 : i32
    %dma_wait3A_1804 = arith.constant 18 : i32
    %dma_wait3A_1805 = arith.constant 0 : i32
    %dma_wait3A_1806 = arith.constant 0 : i32
    %dma_wait3A_1807 = arith.constant 0 : i32
    %dma_wait3A_1808 = tpu.memref_slice %arg6[%dma_wait3A_1803, %dma_wait3A_1806, %dma_wait3A_1807] : memref<6x512x32xf32, #tpu.memory_space<vmem>> -> memref<1x512x32xf32, #tpu.memory_space<vmem>>
    %dma_wait3A_1809 = tpu.memref_squeeze %dma_wait3A_1808 : memref<1x512x32xf32, #tpu.memory_space<vmem>> -> memref<512x32xf32, #tpu.memory_space<vmem>>
    %dma_wait3A_1810 = arith.constant 0 : i32
    %dma_wait3A_1811 = tpu.memref_slice %arg4[%dma_wait3A_1804, %mul3A_2, %dma_wait3A_1810] : memref<20x16384x32xf32, #tpu.memory_space<hbm>> -> memref<1x512x32xf32, #tpu.memory_space<hbm>>
    %dma_wait3A_1812 = tpu.memref_squeeze %dma_wait3A_1811 : memref<1x512x32xf32, #tpu.memory_space<hbm>> -> memref<512x32xf32, #tpu.memory_space<hbm>>
    %dma_wait3A_1813 = tpu.memref_slice %arg8[%dma_wait3A_1805] : memref<6x!tpu.dma_semaphore, #tpu.memory_space<semaphore_mem>> -> memref<1x!tpu.dma_semaphore, #tpu.memory_space<semaphore_mem>>
    %dma_wait3A_1814 = tpu.memref_squeeze %dma_wait3A_1813 : memref<1x!tpu.dma_semaphore, #tpu.memory_space<semaphore_mem>> -> memref<!tpu.dma_semaphore, #tpu.memory_space<semaphore_mem>>
    %dma_wait3A_1815 = arith.constant 0 : i32
    %dma_wait3A_1816 = tpu.memref_slice %arg4[%dma_wait3A_1804, %mul3A_2, %dma_wait3A_1815] : memref<20x16384x32xf32, #tpu.memory_space<hbm>> -> memref<1x512x32xf32, #tpu.memory_space<hbm>>
    %dma_wait3A_1817 = tpu.memref_squeeze %dma_wait3A_1816 : memref<1x512x32xf32, #tpu.memory_space<hbm>> -> memref<512x32xf32, #tpu.memory_space<hbm>>
    %dma_wait3A_1818 = arith.constant 0 : i32
    %dma_wait3A_1819 = arith.constant 0 : i32
    %dma_wait3A_1820 = tpu.memref_slice %arg6[%dma_wait3A_1803, %dma_wait3A_1818, %dma_wait3A_1819] : memref<6x512x32xf32, #tpu.memory_space<vmem>> -> memref<1x512x32xf32, #tpu.memory_space<vmem>>
    %dma_wait3A_1821 = tpu.memref_squeeze %dma_wait3A_1820 : memref<1x512x32xf32, #tpu.memory_space<vmem>> -> memref<512x32xf32, #tpu.memory_space<vmem>>
    tpu.wait_dma2 semaphore(%dma_wait3A_1814 : memref<!tpu.dma_semaphore, #tpu.memory_space<semaphore_mem>>) src(%dma_wait3A_1821 : memref<512x32xf32, #tpu.memory_space<vmem>>) dst(%dma_wait3A_1817 : memref<512x32xf32, #tpu.memory_space<hbm>>)
    %dma_wait3A_1822 = arith.constant 1 : i32
    %dma_wait3A_1823 = arith.constant 19 : i32
    %dma_wait3A_1824 = arith.constant 1 : i32
    %dma_wait3A_1825 = arith.constant 0 : i32
    %dma_wait3A_1826 = arith.constant 0 : i32
    %dma_wait3A_1827 = tpu.memref_slice %arg6[%dma_wait3A_1822, %dma_wait3A_1825, %dma_wait3A_1826] : memref<6x512x32xf32, #tpu.memory_space<vmem>> -> memref<1x512x32xf32, #tpu.memory_space<vmem>>
    %dma_wait3A_1828 = tpu.memref_squeeze %dma_wait3A_1827 : memref<1x512x32xf32, #tpu.memory_space<vmem>> -> memref<512x32xf32, #tpu.memory_space<vmem>>
    %dma_wait3A_1829 = arith.constant 0 : i32
    %dma_wait3A_1830 = tpu.memref_slice %arg4[%dma_wait3A_1823, %mul3A_2, %dma_wait3A_1829] : memref<20x16384x32xf32, #tpu.memory_space<hbm>> -> memref<1x512x32xf32, #tpu.memory_space<hbm>>
    %dma_wait3A_1831 = tpu.memref_squeeze %dma_wait3A_1830 : memref<1x512x32xf32, #tpu.memory_space<hbm>> -> memref<512x32xf32, #tpu.memory_space<hbm>>
    %dma_wait3A_1832 = tpu.memref_slice %arg8[%dma_wait3A_1824] : memref<6x!tpu.dma_semaphore, #tpu.memory_space<semaphore_mem>> -> memref<1x!tpu.dma_semaphore, #tpu.memory_space<semaphore_mem>>
    %dma_wait3A_1833 = tpu.memref_squeeze %dma_wait3A_1832 : memref<1x!tpu.dma_semaphore, #tpu.memory_space<semaphore_mem>> -> memref<!tpu.dma_semaphore, #tpu.memory_space<semaphore_mem>>
    %dma_wait3A_1834 = arith.constant 0 : i32
    %dma_wait3A_1835 = tpu.memref_slice %arg4[%dma_wait3A_1823, %mul3A_2, %dma_wait3A_1834] : memref<20x16384x32xf32, #tpu.memory_space<hbm>> -> memref<1x512x32xf32, #tpu.memory_space<hbm>>
    %dma_wait3A_1836 = tpu.memref_squeeze %dma_wait3A_1835 : memref<1x512x32xf32, #tpu.memory_space<hbm>> -> memref<512x32xf32, #tpu.memory_space<hbm>>
    %dma_wait3A_1837 = arith.constant 0 : i32
    %dma_wait3A_1838 = arith.constant 0 : i32
    %dma_wait3A_1839 = tpu.memref_slice %arg6[%dma_wait3A_1822, %dma_wait3A_1837, %dma_wait3A_1838] : memref<6x512x32xf32, #tpu.memory_space<vmem>> -> memref<1x512x32xf32, #tpu.memory_space<vmem>>
    %dma_wait3A_1840 = tpu.memref_squeeze %dma_wait3A_1839 : memref<1x512x32xf32, #tpu.memory_space<vmem>> -> memref<512x32xf32, #tpu.memory_space<vmem>>
    tpu.wait_dma2 semaphore(%dma_wait3A_1833 : memref<!tpu.dma_semaphore, #tpu.memory_space<semaphore_mem>>) src(%dma_wait3A_1840 : memref<512x32xf32, #tpu.memory_space<vmem>>) dst(%dma_wait3A_1836 : memref<512x32xf32, #tpu.memory_space<hbm>>)
    return
  }
}

</mosaic_0001>

<sc_bundles>
// kernel: kernel.3.cloned.1.call-start
scs
__scs_entry_jumppad:
0x0: {  	(pc) =	sbr.rel $0x88, $3  }
0x1: {  	(tag) =	ssettag $0x0;
	lr =	simm.s32 $0x1  }
0x2: {  	[smem:$0x3F9F] =	sst lr;
	_ =	strace $0xD0000000  }
0x3: {  	_ = 	snop  }
0x4: {  	_ = 	snop  }
0x5: {  	_ = 	snop  }
0x6: {  	_ = 	snop  }
0x7: {  	_ = 	snop  }
__scs_overlays_trampoline_lowered:
0x8: {  	[smem:$0x3FAE] =	sst s0  }
0x9: {  	[smem:$0x3FAF] =	sst s1  }
0xa: {  	[smem:$0x3FB0] =	sst s2  }
0xb: {  	[smem:$0x3FB1] =	sst s3  }
0xc: {  	[smem:$0x3FB2] =	sst s4  }
0xd: {  	[smem:$0x3FB3] =	sst s5  }
0xe: {  	[smem:$0x3FB4] =	sst s6  }
0xf: {  	[smem:$0x3FB5] =	sst s7  }
0x10: {  	[smem:$0x3FB6] =	sst s8  }
0x11: {  	[smem:$0x3FB7] =	sst s9;
	s0 =	simm.s32 @!p0 $0x0  }
0x12: {  	s1 =	sld [smem:$0x3F9D];
	s0 =	simm.s32 @p0 $0x1  }
0x13: {  	[smem:$0x3FB8] =	sst s0;
	s0 =	simm.s32 @!p1 $0x0  }
0x14: {  	s2 =	sld [smem:$0x3F9C];
	s0 =	simm.s32 @p1 $0x1  }
0x15: {  	[smem:$0x3FB9] =	sst s0;
	s0 =	simm.s32 @!p2 $0x0  }
0x16: {  	s3 =	sld [smem:$0x3FDB];
	s0 =	simm.s32 @p2 $0x1  }
0x17: {  	s4 =	simm.s32 $0x1BF5;
	[smem:$0x3FBB] =	sst s0  }
0x18: {  	s0 =	sld [smem:$0x3F9E];
	_ =	swait.ge [sflag:s4], $0x0  }
0x19: {  	s7 =	sld [smem:$0x3F9F]  }
0x1a: {  	s8 =	sadd.s32 $0xFFFFE003, lr  }
0x1b: {  	s9 =	sadd.s32 $0xFFFFFEF7, lr;
	s5 =	simm.s32 $0xFFFFFFFF;
	p2 =	slt.u32 s8, $0xFFFFF086  }
0x1c: {  	p1 =	slt.u32 s9, $0xF7A;
	s5 =	simm.s32 @!p2 $0x0  }
0x1d: {  	s5 =	simm.s32 @p1 $0x1;
	p0 =	seq.s32 s7, s2  }
0x1e: {  	s7 =	smul.u32 @!p0 $0xF7A, s2;
	p2 =	seq.s32 @!p0 s5, $0x0  }
0x1f: {  	s9 =	smul.u32 $0xF7A, s1;
	s8 =	simm.s32 @!p0 $0x1BF5;
	p2 =	por !p2, p0  }
0x20: {  	[sflag:s8] =	ssyncset.s32 @!p0 $0xFFFFF086;
	s6 =	sadd.s32 @!p0 s3, s7;
	s7 =	simm.s32 @!p0 $0x108  }
0x21: {  	s3 =	sadd.s32 s3, s9;
	s6 =	sadd.s32 @!p0 $0x88, s6;
	s7 =	simm.s32 @p2 $0x1082  }
0x22: {  	[simem:s7], [sflag:s8] =	dma.local @!p0 [hbm:s6], $0xF7A  }
0x23: {  	s9 =	sor.u32 $0xD0000000, s2;
	s6 =	simm.s32 $0x108;
	_ =	swait.ge @!p0 [sflag:s8], $0x0  }
0x24: {  	s3 =	sadd.s32 $0x88, s3;
	s6 =	simm.s32 @!p1 $0x1082;
	[sflag:s4] =	ssyncset.s32 $0xFFFFF086  }
0x25: {  	[simem:s6], [sflag:s4] =	dma.local [hbm:s3], $0xF7A  }
0x26: {  	[smem:$0x3F9F] =	sst s1;
	(tag) =	ssettag s2;
	_ =	strace s9  }
0x27: {  	s1 =	sld [smem:$0x3FAF]  }
0x28: {  	s2 =	sld [smem:$0x3FB0]  }
0x29: {  	s4 =	sld [smem:$0x3FB2]  }
0x2a: {  	p0 =	seq.s32 s5, $0x0;
	s5 =	sld [smem:$0x3FB3]  }
0x2b: {  	s6 =	sld [smem:$0x3FB4]  }
0x2c: {  	s7 =	sld [smem:$0x3FB5]  }
0x2d: {  	s3 =	simm.s32 $0x108;
	s8 =	sld [smem:$0x3FB6]  }
0x2e: {  	s3 =	simm.s32 @!p0 $0x1082;
	s9 =	sld [smem:$0x3FB7]  }
0x2f: {  	lr =	sadd.s32 s0, s3;
	s0 =	sld [smem:$0x3FAE]  }
0x30: {  	s3 =	sld [smem:$0x3FB1]  }
0x31: {  	[smem:$0x3FBA] =	sst s10  }
0x32: {  	s10 =	sld [smem:$0x3FB8];
	_ =	sdelay $0x3  }
0x33: {  	p0 =	seq.s32 s10, $0x1;
	s10 =	sld [smem:$0x3FBA];
	_ =	sdelay $0x3  }
0x34: {  	[smem:$0x3FBA] =	sst s10  }
0x35: {  	s10 =	sld [smem:$0x3FB9];
	_ =	sdelay $0x3  }
0x36: {  	p1 =	seq.s32 s10, $0x1;
	s10 =	sld [smem:$0x3FBA];
	_ =	sdelay $0x3  }
0x37: {  	[smem:$0x3FBA] =	sst s10  }
0x38: {  	s10 =	sld [smem:$0x3FBB]  }
0x39: {  	_ = 	snop;
	(pc) =	sbr.ind lr, $3  }
0x3a: {  	_ = 	snop  }
0x3b: {  	_ = 	snop  }
0x3c: {  	p2 =	seq.s32 s10, $0x1;
	s10 =	sld [smem:$0x3FBA]  }
0x3d: {  	_ =	shalt  }
0x3e: {  	_ =	shalt  }
0x3f: {  	_ =	shalt  }
0x40: {  	_ =	shalt  }
0x41: {  	_ =	shalt  }
0x42: {  	_ =	shalt  }
0x43: {  	_ =	shalt  }
0x44: {  	_ =	shalt  }
0x45: {  	_ =	shalt  }
0x46: {  	_ =	shalt  }
0x47: {  	_ =	shalt  }
0x48: {  	_ =	shalt  }
0x49: {  	_ =	shalt  }
0x4a: {  	_ =	shalt  }
0x4b: {  	_ =	shalt  }
0x4c: {  	_ =	shalt  }
0x4d: {  	_ =	shalt  }
0x4e: {  	_ =	shalt  }
0x4f: {  	_ =	shalt  }
0x50: {  	_ =	shalt  }
0x51: {  	_ =	shalt  }
0x52: {  	_ =	shalt  }
0x53: {  	_ =	shalt  }
0x54: {  	_ =	shalt  }
0x55: {  	_ =	shalt  }
0x56: {  	_ =	shalt  }
0x57: {  	_ =	shalt  }
0x58: {  	_ =	shalt  }
0x59: {  	_ =	shalt  }
0x5a: {  	_ =	shalt  }
0x5b: {  	_ =	shalt  }
0x5c: {  	_ =	shalt  }
0x5d: {  	_ =	shalt  }
0x5e: {  	_ =	shalt  }
0x5f: {  	_ =	shalt  }
0x60: {  	_ =	shalt  }
0x61: {  	_ =	shalt  }
0x62: {  	_ =	shalt  }
0x63: {  	_ =	shalt  }
0x64: {  	_ =	shalt  }
0x65: {  	_ =	shalt  }
0x66: {  	_ =	shalt  }
0x67: {  	_ =	shalt  }
0x68: {  	_ =	shalt  }
0x69: {  	_ =	shalt  }
0x6a: {  	_ =	shalt  }
0x6b: {  	_ =	shalt  }
0x6c: {  	_ =	shalt  }
0x6d: {  	_ =	shalt  }
0x6e: {  	_ =	shalt  }
0x6f: {  	_ =	shalt  }
0x70: {  	_ =	shalt  }
0x71: {  	_ =	shalt  }
0x72: {  	_ =	shalt  }
0x73: {  	_ =	shalt  }
0x74: {  	_ =	shalt  }
0x75: {  	_ =	shalt  }
0x76: {  	_ =	shalt  }
0x77: {  	_ =	shalt  }
0x78: {  	_ =	shalt  }
0x79: {  	_ =	shalt  }
0x7a: {  	_ =	shalt  }
0x7b: {  	_ =	shalt  }
0x7c: {  	_ =	shalt  }
0x7d: {  	_ =	shalt  }
0x7e: {  	_ =	shalt  }
0x7f: {  	_ =	shalt  }
0x80: {  	_ =	shalt  }
0x81: {  	_ =	shalt  }
0x82: {  	_ =	shalt  }
0x83: {  	_ =	shalt  }
0x84: {  	_ =	shalt  }
0x85: {  	_ =	shalt  }
0x86: {  	_ =	shalt  }
0x87: {  	_ =	shalt  }
.Lfunc_end0:
.L_simem_size_0:
called_computation.1_lowered:
.L_overlay_start_0:
0x88: {  	s2 =	sld [smem:$0x3FD9]  }
0x89: {  	s3 =	sld [smem:$0x3FFE];
	_ =	sdelay $0x1  }
0x8a: {  	s1 =	srdreg.scid  }
0x8b: {  	s0 =	sand.u32 $0x1, s1  }
0x8c: {  	s17 =	sshll.u32 s0, $0xA;
	s2 =	sadd.s32 s3, s2  }
0x8d: {  	s2 =	sadd.s32 s2, s17  }
0x8e: {  	[smem:$0x3FC6] =	sst s2  }
0x8f: {  	_ = 	snop  }
0x90: {  	s2 =	sld [smem:$0x3FD0];
	(tm) =	ssettm $0x1  }
0x91: {  	s18 =	sld [smem:$0x3FFB];
	_ =	sdelay $0x3  }
0x92: {  	_ =	strace s18  }
0x93: {  	s3 =	sld [smem:$0x3FFC];
	_ =	sdelay $0x3  }
0x94: {  	_ =	strace s3  }
0x95: {  	s3 =	sld [smem:$0x3FFD];
	_ =	sdelay $0x3  }
0x96: {  	_ =	strace s3  }
0x97: {  	_ =	strace $0x8FFFFFFF  }
0x98: {  	s19 =	sld [smem:$0x3FDB];
	_ =	sdelay $0x1  }
0x99: {  	s4 =	simm.s32 $_scs_section_size  }
0x9a: {  	s5 =	simm.s32 $_size__tile_overlayer_lowered;
	s6 =	simm.s32 $_tile_overlayer_lowered  }
0x9b: {  	s22 =	simm.s32 $0x1BFF;
	s21 =	sshll.u32 s6, $0x1;
	s3 =	sadd.s32 s4, s19  }
0x9c: {  	s7 =	simm.s32 $0x0;
	s20 =	sshll.u32 s5, $0x1;
	s5 =	sadd.s32 s21, s3  }
0x9d: {  	[timem:s7], [sflag:s22] =	dma.local [hbm:s5], s20  }
0x9e: {  	_ =	swait.ge [sflag:s22], s20  }
0x9f: {  	s4 =	ssub.s32 $0x0, s20;
	[sflag:s22] =	ssyncset.done $0x0  }
0xa0: {  	[sflag:s22] =	ssyncadd.s32 s4;
	_ =	sdelay $0x1  }
0xa1: {  	s23 =	simm.s32 $0x1B8B  }
0xa2: {  	_ =	swait.ge [sflag:s23], $0x1  }
0xa3: {  	[sflag:s23] =	ssyncset.done $0x0  }
0xa4: {  	s25 =	simm.s32 $0x1B8E;
	s24 =	sld [smem:$0x3FFE];
	[sflag:s23] =	ssyncadd.s32 $0xFFFFFFFF  }
0xa5: {  	s26 =	simm.s32 $execute0_lowered;
	[smem:$0x3FD2] =	sst s25  }
0xa6: {  	s5 =	sshll.u32 s26, $0x1;
	_ =	strace $0x80000046;
	[dreg:$0x1] =	wrdreg $0xFFFFFFFF  }
0xa7: {  	s28 =	simm.s32 $_size_execute0_lowered;
	s3 =	sadd.s32 s3, s5;
	[dreg:$0x0] =	wrdreg $0x0  }
0xa8: {  	s5 =	sshll.u32 s28, $0x1;
	[dreg:$0x2] =	wrdreg s3  }
0xa9: {  	[dreg:$0x3] =	wrdreg s5  }
0xaa: {  	[dreg:$0x4] =	wrdreg $0xC0  }
0xab: {  	_ =	task [dreg:s7], $0x5FFFF  }
0xac: {  	[dreg:$0x1] =	wrdreg $0xFFFFFFFF  }
0xad: {  	[dreg:$0x0] =	wrdreg $0x60  }
0xae: {  	[dreg:$0x2] =	wrdreg s24  }
0xaf: {  	[dreg:$0x3] =	wrdreg s2  }
0xb0: {  	[dreg:$0x4] =	wrdreg $0x9  }
0xb1: {  	_ =	task.clear_ibuf [dreg:s7], $0x5FFFF;
	_ =	strace $0x90000046  }
0xb2: {  	s29 =	simm.s32 $0x9;
	_ =	strace $0x80000048  }
0xb3: {  	_ =	swait.ge [sflag:s29], $0x1  }
0xb4: {  	[sflag:s29] =	ssyncadd.s32 $0xFFFFFFFF  }
0xb5: {  	_ =	strace $0x90000048  }
0xb6: {  	_ =	sfence  }
0xb7: {  	s30 =	sld [smem:$0x0];
	_ =	sdelay $0x2  }
0xb8: {  	s31 =	sshll.u32 s1, $0xD;
	s1 =	sshrl.u32 s1, $0x2  }
0xb9: {  	s3 =	sand.u32 $0x4000, s31;
	s1 =	sadd.s32 s1, s30  }
0xba: {  	s0 =	sor.u32 s3, s0;
	s1 =	sshll.u32 s1, $0x11  }
0xbb: {  	s0 =	sor.u32 s1, s0  }
0xbc: {  	s0 =	sadd.s32 $0x8F2B, s0  }
0xbd: {  	[sflag:s0] =	ssyncadd.remote.s32 $0x1  }
0xbe: {  	_ =	sfence.sel $0xFFFF  }
0xbf: {  	[dreg:$0x0] =	wrdreg $0xFFFFFFFF;
	(pc) =	sbr.abs _section_cstart, $3  }
0xc0: {  	[dreg:$0x1] =	wrdreg $0xFFFFFFFF  }
0xc1: {  	_ =	task.clear_ibuf [dreg:s7], $0x2FFFF;
	_ =	strace $0x9FFFFFFF  }
0xc2: {  	(tm) =	ssettm $0x7FFFFFFF  }
0xc3: {  	_ =	shalt  }
tec
execute0_lowered:
.L_overlay_start_1:
0x0: {  	(tag) =	ssettag $0x1  }
0x1: {  	s0 =	srdreg.scid  }
0x2: {  	s2 =	stileid.u32;
	s1 =	sand.u32 $0x1, s0  }
0x3: {  	s2 =	sshll.u32 s2, $0xA;
	s3 =	sshll.u32 s1, $0x9  }
0x4: {  	s3 =	sor.u32 s3, s2  }
0x5: {  	s0 =	rddreg [dreg:$0x0];
	s5 =	sshrl.u32 s3, $0x3  }
0x6: {  	s4 =	rddreg [dreg:$0x1];
	s2 =	simm.s32 $0x0;
	s5 =	sadd.s32 s5, s0  }
0x7: {  	[smem:$0x7FF] =	sst s2;
	s6 =	sadd.s32 $0xA00, s5  }
0x8: {  	_ =	strace $0x80000047;
	s9 =	sadd.s32 $0x1200, s5;
	[dreg:$0x3] =	wrdreg s6  }
0x9: {  	s10 =	sadd.s32 $0x1A00, s5;
	[dreg:$0x4] =	wrdreg s9  }
0xa: {  	s11 =	sadd.s32 $0x2200, s5;
	[dreg:$0x5] =	wrdreg s10  }
0xb: {  	s12 =	sadd.s32 $0x2A00, s5;
	[dreg:$0x6] =	wrdreg s11  }
0xc: {  	s13 =	sadd.s32 $0x3200, s5;
	[dreg:$0x7] =	wrdreg s12  }
0xd: {  	s14 =	sadd.s32 $0x3A00, s5;
	[dreg:$0x8] =	wrdreg s13  }
0xe: {  	s15 =	sadd.s32 $0x4200, s5;
	[dreg:$0x9] =	wrdreg s14  }
0xf: {  	s16 =	sadd.s32 $0x4A00, s5;
	[dreg:$0xa] =	wrdreg s15  }
0x10: {  	s17 =	sadd.s32 $0x5200, s5;
	[dreg:$0xb] =	wrdreg s16  }
0x11: {  	s18 =	sadd.s32 $0x5A00, s5;
	[dreg:$0xc] =	wrdreg s17  }
0x12: {  	s19 =	sadd.s32 $0x6200, s5;
	[dreg:$0xd] =	wrdreg s18  }
0x13: {  	s20 =	sadd.s32 $0x6A00, s5;
	[dreg:$0xe] =	wrdreg s19  }
0x14: {  	s21 =	sadd.s32 $0x7200, s5;
	[dreg:$0xf] =	wrdreg s20  }
0x15: {  	s22 =	sadd.s32 $0x7A00, s5;
	[dreg:$0x10] =	wrdreg s21  }
0x16: {  	s23 =	sadd.s32 $0x8200, s5;
	[dreg:$0x11] =	wrdreg s22  }
0x17: {  	s24 =	sadd.s32 $0x8A00, s5;
	[dreg:$0x12] =	wrdreg s23  }
0x18: {  	s25 =	sadd.s32 $0x9200, s5;
	[dreg:$0x13] =	wrdreg s24  }
0x19: {  	s3 =	sshll.u32 s3, $0x2;
	s26 =	sadd.s32 $0x9A00, s5;
	[dreg:$0x14] =	wrdreg s25  }
0x1a: {  	s5 =	sadd.s32 $0xA200, s5;
	[dreg:$0x15] =	wrdreg s26;
	s25 =	sadd.s32 s4, s3  }
0x1b: {  	[dreg:$0x16] =	wrdreg s5;
	s3 =	sadd.s32 $0x10000, s25  }
0x1c: {  	s7 =	sadd.s32 $0x20000, s25;
	[dreg:$0x17] =	wrdreg s3  }
0x1d: {  	s8 =	sadd.s32 $0x30000, s25;
	[dreg:$0x18] =	wrdreg s7  }
0x1e: {  	s9 =	sadd.s32 $0x40000, s25;
	[dreg:$0x19] =	wrdreg s8  }
0x1f: {  	s10 =	sadd.s32 $0x50000, s25;
	[dreg:$0x1a] =	wrdreg s9  }
0x20: {  	s11 =	sadd.s32 $0x60000, s25;
	[dreg:$0x1b] =	wrdreg s10  }
0x21: {  	s31 =	simm.s32 $0xC00;
	s12 =	sadd.s32 $0x70000, s25;
	[dreg:$0x1c] =	wrdreg s11  }
0x22: {  	s28 =	simm.s32 $0x1000;
	s13 =	sadd.s32 $0x80000, s25;
	[dreg:$0x1d] =	wrdreg s12  }
0x23: {  	s29 =	simm.s32 $0x1400;
	s14 =	sadd.s32 $0x90000, s25;
	[dreg:$0x1e] =	wrdreg s13  }
0x24: {  	p0 =	por $0x0, $0x0;
	s15 =	sadd.s32 $0xA0000, s25;
	[dreg:$0x1f] =	wrdreg s14  }
0x25: {  	s30 =	simm.s32 $0x8;
	s16 =	sadd.s32 $0xB0000, s25;
	[smem:$0x7F4] =	sst s15  }
0x26: {  	s1 =	ssub.s32 $0x2, s1;
	s17 =	sadd.s32 $0xC0000, s25;
	[smem:$0x7F5] =	sst s16  }
0x27: {  	s23 =	sshrl.u32 s1, $0x1;
	s18 =	sadd.s32 $0xD0000, s25;
	[smem:$0x7F6] =	sst s17  }
0x28: {  	s6 =	sadd.s32 $0xF42E00, s0;
	s19 =	sadd.s32 $0xE0000, s25;
	[smem:$0x7F7] =	sst s18  }
0x29: {  	s0 =	simm.s32 $0x1200;
	s20 =	sadd.s32 $0xF0000, s25;
	[smem:$0x7F8] =	sst s19  }
0x2a: {  	s5 =	simm.s32 $0x6800;
	s21 =	sadd.s32 $0x100000, s25;
	[smem:$0x7F9] =	sst s20  }
0x2b: {  	s4 =	simm.s32 $0x7;
	s22 =	sadd.s32 $0x110000, s25;
	[smem:$0x7FA] =	sst s21  }
0x2c: {  	s24 =	sadd.s32 $0x120000, s25;
	s1 =	ssub.s32 s1, s23;
	[smem:$0x7FB] =	sst s22  }
0x2d: {  	s26 =	sadd.s32 $0x130000, s25;
	s23 =	simm.s32 $0x4;
	[smem:$0x7FC] =	sst s24  }
0x2e: {  	[smem:$0x7FD] =	sst s26;
	s1 =	smax.u32 s1, $0x1;
	s10 =	simm.s32 $0x200  }
0x2f: {  	s3 =	simm.s32 $0xE00;
	s26 =	simm.s32 $0x1600;
	s18 =	simm.s32 $0xD  }
0x30: {  	s7 =	simm.s32 $0x2800;
	s19 =	simm.s32 $0xA800;
	p1 =	sne.s32 s1, $0x1  }
.Ltmp0:
0x31: {  	s17 =	simm.s32 $0xE800;
	s16 =	simm.s32 $0x12800;
	(pc) =	sbr.rel @!p1 .LBB2_1-.Ltmp0, $4  }
0x32: {  	s15 =	simm.s32 $0x16800;
	s14 =	simm.s32 $0x1;
	s13 =	simm.s32 $0x2  }
0x33: {  	s24 =	simm.s32 $0x3;
	s12 =	simm.s32 $0x9;
	s11 =	simm.s32 $0xA  }
0x34: {  	s21 =	simm.s32 $0x5;
	s9 =	simm.s32 $0xB;
	s20 =	simm.s32 $0x6  }
0x35: {  	s8 =	simm.s32 $0xC;
	s22 =	rddreg [dreg:$0x3];
	s1 =	sadd.s32 $0xFFFFFFFF, s1  }
0x36: {  	[smem:$0x7F3] =	sst s1  }
0x37: {  	[tilespmem:s2], [sflag:$0xD] =	stream.linear.gather [hbm4b:s22+s2], $0x200, $0x38;
	[tilespmem:$0x1A800] =	vst v63  }
0x38: {  	s15 =	rddreg [dreg:$0x4]  }
0x39: {  	[tilespmem:s10], [sflag:$0xD] =	stream.linear.gather [hbm4b:s15+s2], $0x200, $0x38;
	[tilespmem:$0x1A800] =	vst v63  }
0x3a: {  	s16 =	rddreg [dreg:$0x5];
	s5 =	simm.s32 $0x400  }
0x3b: {  	[tilespmem:s5], [sflag:$0xD] =	stream.linear.gather [hbm4b:s16+s2], $0x200, $0x38;
	[tilespmem:$0x1A800] =	vst v63  }
0x3c: {  	s17 =	rddreg [dreg:$0x6];
	s7 =	simm.s32 $0x600  }
0x3d: {  	[tilespmem:s7], [sflag:$0xD] =	stream.linear.gather [hbm4b:s17+s2], $0x200, $0x38;
	[tilespmem:$0x1A800] =	vst v63  }
0x3e: {  	s19 =	rddreg [dreg:$0x7];
	s21 =	simm.s32 $0x800  }
0x3f: {  	[tilespmem:s21], [sflag:$0xD] =	stream.linear.gather [hbm4b:s19+s2], $0x200, $0x38;
	[tilespmem:$0x1A800] =	vst v63  }
0x40: {  	s20 =	rddreg [dreg:$0x8];
	s15 =	simm.s32 $0xA00  }
0x41: {  	[tilespmem:s15], [sflag:$0xD] =	stream.linear.gather [hbm4b:s20+s2], $0x200, $0x38;
	[tilespmem:$0x1A800] =	vst v63  }
0x42: {  	s23 =	rddreg [dreg:$0x9]  }
0x43: {  	[tilespmem:s31], [sflag:$0xD] =	stream.linear.gather [hbm4b:s23+s2], $0x200, $0x38;
	[tilespmem:$0x1A800] =	vst v63  }
0x44: {  	s24 =	rddreg [dreg:$0xa]  }
0x45: {  	[tilespmem:s3], [sflag:$0xD] =	stream.linear.gather [hbm4b:s24+s2], $0x200, $0x38;
	[tilespmem:$0x1A800] =	vst v63  }
0x46: {  	s11 =	rddreg [dreg:$0xb]  }
0x47: {  	[tilespmem:s28], [sflag:$0xD] =	stream.linear.gather [hbm4b:s11+s2], $0x200, $0x38;
	[tilespmem:$0x1A800] =	vst v63  }
0x48: {  	s12 =	rddreg [dreg:$0xc]  }
0x49: {  	[tilespmem:s0], [sflag:$0xD] =	stream.linear.gather [hbm4b:s12+s2], $0x200, $0x38;
	[tilespmem:$0x1A800] =	vst v63  }
0x4a: {  	s20 =	rddreg [dreg:$0xd]  }
0x4b: {  	[tilespmem:s29], [sflag:$0xD] =	stream.linear.gather [hbm4b:s20+s2], $0x200, $0x38;
	[tilespmem:$0x1A800] =	vst v63  }
0x4c: {  	s21 =	rddreg [dreg:$0xe]  }
0x4d: {  	[tilespmem:s26], [sflag:$0xD] =	stream.linear.gather [hbm4b:s21+s2], $0x200, $0x38;
	[tilespmem:$0x1A800] =	vst v63  }
0x4e: {  	s23 =	rddreg [dreg:$0xf];
	s11 =	simm.s32 $0x1800  }
0x4f: {  	[tilespmem:s11], [sflag:$0xD] =	stream.linear.gather [hbm4b:s23+s2], $0x200, $0x38;
	[tilespmem:$0x1A800] =	vst v63  }
0x50: {  	s24 =	rddreg [dreg:$0x10];
	s12 =	simm.s32 $0x1A00  }
0x51: {  	[tilespmem:s12], [sflag:$0xD] =	stream.linear.gather [hbm4b:s24+s2], $0x200, $0x38;
	[tilespmem:$0x1A800] =	vst v63  }
0x52: {  	s26 =	rddreg [dreg:$0x11];
	s21 =	simm.s32 $0x1C00  }
0x53: {  	[tilespmem:s21], [sflag:$0xD] =	stream.linear.gather [hbm4b:s26+s2], $0x200, $0x38;
	[tilespmem:$0x1A800] =	vst v63  }
0x54: {  	s1 =	rddreg [dreg:$0x12];
	s21 =	simm.s32 $0x1E00  }
0x55: {  	[tilespmem:s21], [sflag:$0xD] =	stream.linear.gather [hbm4b:s1+s2], $0x200, $0x38;
	[tilespmem:$0x1A800] =	vst v63  }
0x56: {  	s22 =	rddreg [dreg:$0x13];
	s21 =	simm.s32 $0x2000  }
0x57: {  	[tilespmem:s21], [sflag:$0xD] =	stream.linear.gather [hbm4b:s22+s2], $0x200, $0x38;
	[tilespmem:$0x1A800] =	vst v63  }
0x58: {  	s1 =	rddreg [dreg:$0x14];
	s21 =	simm.s32 $0x2200  }
0x59: {  	[tilespmem:s21], [sflag:$0xD] =	stream.linear.gather [hbm4b:s1+s2], $0x200, $0x38;
	[tilespmem:$0x1A800] =	vst v63  }
0x5a: {  	s22 =	rddreg [dreg:$0x15];
	s21 =	simm.s32 $0x2400  }
0x5b: {  	[tilespmem:s21], [sflag:$0xD] =	stream.linear.gather [hbm4b:s22+s2], $0x200, $0x38;
	[tilespmem:$0x1A800] =	vst v63  }
0x5c: {  	s1 =	rddreg [dreg:$0x16];
	s22 =	simm.s32 $0x2600  }
0x5d: {  	[tilespmem:s22], [sflag:$0xD] =	stream.linear.gather [hbm4b:s1+s2], $0x200, $0x38;
	[tilespmem:$0x1A800] =	vst v63  }
0x5e: {  	_ =	swait.ge [sflag:s18], $0x200  }
0x5f: {  	[sflag:s18] =	ssyncset.done $0x0  }
0x60: {  	[sflag:s18] =	ssyncadd.s32 $0xFFFFFE00  }
0x61: {  	_ =	swait.ge [sflag:s18], $0x200  }
0x62: {  	[sflag:s18] =	ssyncset.done $0x0  }
0x63: {  	[sflag:s18] =	ssyncadd.s32 $0xFFFFFE00  }
0x64: {  	_ =	swait.ge [sflag:s18], $0x200  }
0x65: {  	[sflag:s18] =	ssyncset.done $0x0  }
0x66: {  	[sflag:s18] =	ssyncadd.s32 $0xFFFFFE00  }
0x67: {  	_ =	swait.ge [sflag:s18], $0x200  }
0x68: {  	[sflag:s18] =	ssyncset.done $0x0  }
0x69: {  	[sflag:s18] =	ssyncadd.s32 $0xFFFFFE00  }
0x6a: {  	_ =	swait.ge [sflag:s18], $0x200  }
0x6b: {  	[sflag:s18] =	ssyncset.done $0x0  }
0x6c: {  	[sflag:s18] =	ssyncadd.s32 $0xFFFFFE00  }
0x6d: {  	_ =	swait.ge [sflag:s18], $0x200  }
0x6e: {  	[sflag:s18] =	ssyncset.done $0x0  }
0x6f: {  	[sflag:s18] =	ssyncadd.s32 $0xFFFFFE00  }
0x70: {  	_ =	swait.ge [sflag:s18], $0x200  }
0x71: {  	[sflag:s18] =	ssyncset.done $0x0  }
0x72: {  	[sflag:s18] =	ssyncadd.s32 $0xFFFFFE00  }
0x73: {  	_ =	swait.ge [sflag:s18], $0x200  }
0x74: {  	[sflag:s18] =	ssyncset.done $0x0  }
0x75: {  	[sflag:s18] =	ssyncadd.s32 $0xFFFFFE00  }
0x76: {  	_ =	swait.ge [sflag:s18], $0x200  }
0x77: {  	[sflag:s18] =	ssyncset.done $0x0  }
0x78: {  	[sflag:s18] =	ssyncadd.s32 $0xFFFFFE00  }
0x79: {  	_ =	swait.ge [sflag:s18], $0x200  }
0x7a: {  	[sflag:s18] =	ssyncset.done $0x0  }
0x7b: {  	[sflag:s18] =	ssyncadd.s32 $0xFFFFFE00  }
0x7c: {  	_ =	swait.ge [sflag:s18], $0x200  }
0x7d: {  	[sflag:s18] =	ssyncset.done $0x0  }
0x7e: {  	[sflag:s18] =	ssyncadd.s32 $0xFFFFFE00  }
0x7f: {  	_ =	swait.ge [sflag:s18], $0x200  }
0x80: {  	[sflag:s18] =	ssyncset.done $0x0  }
0x81: {  	[sflag:s18] =	ssyncadd.s32 $0xFFFFFE00  }
0x82: {  	_ =	swait.ge [sflag:s18], $0x200  }
0x83: {  	[sflag:s18] =	ssyncset.done $0x0  }
0x84: {  	[sflag:s18] =	ssyncadd.s32 $0xFFFFFE00  }
0x85: {  	_ =	swait.ge [sflag:s18], $0x200  }
0x86: {  	[sflag:s18] =	ssyncset.done $0x0  }
0x87: {  	[sflag:s18] =	ssyncadd.s32 $0xFFFFFE00  }
0x88: {  	_ =	swait.ge [sflag:s18], $0x200  }
0x89: {  	[sflag:s18] =	ssyncset.done $0x0  }
0x8a: {  	[sflag:s18] =	ssyncadd.s32 $0xFFFFFE00  }
0x8b: {  	_ =	swait.ge [sflag:s18], $0x200  }
0x8c: {  	[sflag:s18] =	ssyncset.done $0x0  }
0x8d: {  	[sflag:s18] =	ssyncadd.s32 $0xFFFFFE00  }
0x8e: {  	_ =	swait.ge [sflag:s18], $0x200  }
0x8f: {  	[sflag:s18] =	ssyncset.done $0x0  }
0x90: {  	[sflag:s18] =	ssyncadd.s32 $0xFFFFFE00  }
0x91: {  	_ =	swait.ge [sflag:s18], $0x200  }
0x92: {  	[sflag:s18] =	ssyncset.done $0x0  }
0x93: {  	[sflag:s18] =	ssyncadd.s32 $0xFFFFFE00  }
0x94: {  	_ =	swait.ge [sflag:s18], $0x200  }
0x95: {  	[sflag:s18] =	ssyncset.done $0x0  }
0x96: {  	[sflag:s18] =	ssyncadd.s32 $0xFFFFFE00  }
0x97: {  	_ =	swait.ge [sflag:s18], $0x200  }
0x98: {  	[sflag:s18] =	ssyncset.done $0x0  }
0x99: {  	s8 =	simm.s32 $0x2800;
	[sflag:s18] =	ssyncadd.s32 $0xFFFFFE00  }
0x9a: {  	[tilespmem:s8], [sflag:$0x1] =	stream.indirect.gather [hbm4b:s6+s10], $0x20, s2, s10, $0xb8;
	[tilespmem:$0x1A800] =	vst v63  }
0x9b: {  	s7 =	simm.s32 $0x6800  }
0x9c: {  	[tilespmem:s7], [sflag:$0x2] =	stream.indirect.gather [hbm4b:s6+s10], $0x20, s10, s10, $0xb8;
	[tilespmem:$0x1A800] =	vst v63  }
0x9d: {  	s9 =	simm.s32 $0xA800  }
0x9e: {  	[tilespmem:s9], [sflag:$0x3] =	stream.indirect.gather [hbm4b:s6+s10], $0x20, s5, s10, $0xb8;
	[tilespmem:$0x1A800] =	vst v63  }
0x9f: {  	s16 =	simm.s32 $0x600;
	s19 =	simm.s32 $0xE800  }
0xa0: {  	[tilespmem:s19], [sflag:$0x4] =	stream.indirect.gather [hbm4b:s6+s10], $0x20, s16, s10, $0xb8;
	[tilespmem:$0x1A800] =	vst v63  }
0xa1: {  	s17 =	simm.s32 $0x12800;
	s16 =	simm.s32 $0x800  }
0xa2: {  	[tilespmem:s17], [sflag:$0x5] =	stream.indirect.gather [hbm4b:s6+s10], $0x20, s16, s10, $0xb8;
	[tilespmem:$0x1A800] =	vst v63  }
0xa3: {  	s21 =	simm.s32 $0x16800  }
0xa4: {  	[tilespmem:s21], [sflag:$0x6] =	stream.indirect.gather [hbm4b:s6+s10], $0x20, s15, s10, $0xb8;
	[tilespmem:$0x1A800] =	vst v63  }
0xa5: {  	_ =	swait.ge [sflag:s14], $0x4000  }
0xa6: {  	[sflag:s14] =	ssyncset.done $0x0  }
0xa7: {  	s7 =	simm.s32 $0x2800;
	[sflag:s14] =	ssyncadd.s32 $0xFFFFC000  }
0xa8: {  	[hbm4b:s25+s2] =	stream.linear.scatter [tilespmem:s7], [sflag:$0x7], $0x4000, $0x38;
	[tilespmem:$0x1A800] =	vst v63  }
0xa9: {  	_ =	swait.ge [sflag:s4], $0x4000  }
0xaa: {  	[sflag:s4] =	ssyncset.done $0x0  }
0xab: {  	[sflag:s4] =	ssyncadd.s32 $0xFFFFC000  }
0xac: {  	[tilespmem:s7], [sflag:$0x1] =	stream.indirect.gather [hbm4b:s6+s10], $0x20, s31, s10, $0xb8;
	[tilespmem:$0x1A800] =	vst v63  }
0xad: {  	_ =	swait.ge [sflag:s13], $0x4000  }
0xae: {  	[sflag:s13] =	ssyncset.done $0x0  }
0xaf: {  	s5 =	simm.s32 $0x6800;
	s9 =	rddreg [dreg:$0x17];
	[sflag:s13] =	ssyncadd.s32 $0xFFFFC000  }
0xb0: {  	[hbm4b:s9+s2] =	stream.linear.scatter [tilespmem:s5], [sflag:$0x8], $0x4000, $0x38;
	[tilespmem:$0x1A800] =	vst v63  }
0xb1: {  	_ =	swait.ge [sflag:s30], $0x4000  }
0xb2: {  	[sflag:s30] =	ssyncset.done $0x0  }
0xb3: {  	s26 =	simm.s32 $0x3;
	[sflag:s30] =	ssyncadd.s32 $0xFFFFC000  }
0xb4: {  	[tilespmem:s5], [sflag:$0x2] =	stream.indirect.gather [hbm4b:s6+s10], $0x20, s3, s10, $0xb8;
	[tilespmem:$0x1A800] =	vst v63  }
0xb5: {  	_ =	swait.ge [sflag:s26], $0x4000  }
0xb6: {  	s20 =	simm.s32 $0x9;
	[sflag:s26] =	ssyncset.done $0x0  }
0xb7: {  	s19 =	simm.s32 $0xA800;
	s21 =	rddreg [dreg:$0x18];
	[sflag:s26] =	ssyncadd.s32 $0xFFFFC000  }
0xb8: {  	[hbm4b:s21+s2] =	stream.linear.scatter [tilespmem:s19], [sflag:$0x9], $0x4000, $0x38;
	[tilespmem:$0x1A800] =	vst v63  }
0xb9: {  	_ =	swait.ge [sflag:s20], $0x4000  }
0xba: {  	[sflag:s20] =	ssyncset.done $0x0  }
0xbb: {  	s24 =	simm.s32 $0x4;
	[sflag:s20] =	ssyncadd.s32 $0xFFFFC000  }
0xbc: {  	[tilespmem:s19], [sflag:$0x3] =	stream.indirect.gather [hbm4b:s6+s10], $0x20, s28, s10, $0xb8;
	[tilespmem:$0x1A800] =	vst v63  }
0xbd: {  	_ =	swait.ge [sflag:s24], $0x4000  }
0xbe: {  	s12 =	simm.s32 $0xA;
	[sflag:s24] =	ssyncset.done $0x0  }
0xbf: {  	s17 =	simm.s32 $0xE800;
	s26 =	rddreg [dreg:$0x19];
	[sflag:s24] =	ssyncadd.s32 $0xFFFFC000  }
0xc0: {  	[hbm4b:s26+s2] =	stream.linear.scatter [tilespmem:s17], [sflag:$0xA], $0x4000, $0x38;
	[tilespmem:$0x1A800] =	vst v63  }
0xc1: {  	_ =	swait.ge [sflag:s12], $0x4000  }
0xc2: {  	[sflag:s12] =	ssyncset.done $0x0  }
0xc3: {  	s23 =	simm.s32 $0x5;
	[sflag:s12] =	ssyncadd.s32 $0xFFFFC000  }
0xc4: {  	[tilespmem:s17], [sflag:$0x4] =	stream.indirect.gather [hbm4b:s6+s10], $0x20, s0, s10, $0xb8;
	[tilespmem:$0x1A800] =	vst v63  }
0xc5: {  	_ =	swait.ge [sflag:s23], $0x4000  }
0xc6: {  	s11 =	simm.s32 $0xB;
	[sflag:s23] =	ssyncset.done $0x0  }
0xc7: {  	s16 =	simm.s32 $0x12800;
	s28 =	rddreg [dreg:$0x1a];
	[sflag:s23] =	ssyncadd.s32 $0xFFFFC000  }
0xc8: {  	[hbm4b:s28+s2] =	stream.linear.scatter [tilespmem:s16], [sflag:$0xB], $0x4000, $0x38;
	[tilespmem:$0x1A800] =	vst v63  }
0xc9: {  	_ =	swait.ge [sflag:s11], $0x4000  }
0xca: {  	[sflag:s11] =	ssyncset.done $0x0  }
0xcb: {  	s20 =	simm.s32 $0x6;
	[sflag:s11] =	ssyncadd.s32 $0xFFFFC000  }
0xcc: {  	[tilespmem:s16], [sflag:$0x5] =	stream.indirect.gather [hbm4b:s6+s10], $0x20, s29, s10, $0xb8;
	[tilespmem:$0x1A800] =	vst v63  }
0xcd: {  	_ =	swait.ge [sflag:s20], $0x4000  }
0xce: {  	s8 =	simm.s32 $0xC;
	[sflag:s20] =	ssyncset.done $0x0  }
0xcf: {  	s15 =	simm.s32 $0x16800;
	s29 =	rddreg [dreg:$0x1b];
	[sflag:s20] =	ssyncadd.s32 $0xFFFFC000  }
0xd0: {  	[hbm4b:s29+s2] =	stream.linear.scatter [tilespmem:s15], [sflag:$0xC], $0x4000, $0x38;
	[tilespmem:$0x1A800] =	vst v63  }
0xd1: {  	_ =	swait.ge [sflag:s8], $0x4000  }
0xd2: {  	[sflag:s8] =	ssyncset.done $0x0  }
0xd3: {  	s31 =	simm.s32 $0x1600;
	[sflag:s8] =	ssyncadd.s32 $0xFFFFC000  }
0xd4: {  	[tilespmem:s15], [sflag:$0x6] =	stream.indirect.gather [hbm4b:s6+s10], $0x20, s31, s10, $0xb8;
	[tilespmem:$0x1A800] =	vst v63  }
0xd5: {  	_ =	swait.ge [sflag:s14], $0x4000  }
0xd6: {  	[sflag:s14] =	ssyncset.done $0x0  }
0xd7: {  	s0 =	rddreg [dreg:$0x1c];
	[sflag:s14] =	ssyncadd.s32 $0xFFFFC000  }
0xd8: {  	[hbm4b:s0+s2] =	stream.linear.scatter [tilespmem:s7], [sflag:$0x7], $0x4000, $0x38;
	[tilespmem:$0x1A800] =	vst v63  }
0xd9: {  	_ =	swait.ge [sflag:s4], $0x4000  }
0xda: {  	[sflag:s4] =	ssyncset.done $0x0  }
0xdb: {  	s3 =	simm.s32 $0x1800;
	[sflag:s4] =	ssyncadd.s32 $0xFFFFC000  }
0xdc: {  	[tilespmem:s7], [sflag:$0x1] =	stream.indirect.gather [hbm4b:s6+s10], $0x20, s3, s10, $0xb8;
	[tilespmem:$0x1A800] =	vst v63  }
0xdd: {  	_ =	swait.ge [sflag:s13], $0x4000  }
0xde: {  	[sflag:s13] =	ssyncset.done $0x0  }
0xdf: {  	s9 =	rddreg [dreg:$0x1d];
	[sflag:s13] =	ssyncadd.s32 $0xFFFFC000  }
0xe0: {  	[hbm4b:s9+s2] =	stream.linear.scatter [tilespmem:s5], [sflag:$0x8], $0x4000, $0x38;
	[tilespmem:$0x1A800] =	vst v63  }
0xe1: {  	_ =	swait.ge [sflag:s30], $0x4000  }
0xe2: {  	[sflag:s30] =	ssyncset.done $0x0  }
0xe3: {  	s21 =	simm.s32 $0x1A00;
	s24 =	simm.s32 $0x3;
	[sflag:s30] =	ssyncadd.s32 $0xFFFFC000  }
0xe4: {  	[tilespmem:s5], [sflag:$0x2] =	stream.indirect.gather [hbm4b:s6+s10], $0x20, s21, s10, $0xb8;
	[tilespmem:$0x1A800] =	vst v63  }
0xe5: {  	_ =	swait.ge [sflag:s24], $0x4000  }
0xe6: {  	[sflag:s24] =	ssyncset.done $0x0  }
0xe7: {  	s12 =	simm.s32 $0x9;
	s26 =	rddreg [dreg:$0x1e];
	[sflag:s24] =	ssyncadd.s32 $0xFFFFC000  }
0xe8: {  	[hbm4b:s26+s2] =	stream.linear.scatter [tilespmem:s19], [sflag:$0x9], $0x4000, $0x38;
	[tilespmem:$0x1A800] =	vst v63  }
0xe9: {  	_ =	swait.ge [sflag:s12], $0x4000  }
0xea: {  	[sflag:s12] =	ssyncset.done $0x0  }
0xeb: {  	s23 =	simm.s32 $0x4;
	s28 =	simm.s32 $0x1C00;
	[sflag:s12] =	ssyncadd.s32 $0xFFFFC000  }
0xec: {  	[tilespmem:s19], [sflag:$0x3] =	stream.indirect.gather [hbm4b:s6+s10], $0x20, s28, s10, $0xb8;
	[tilespmem:$0x1A800] =	vst v63  }
0xed: {  	_ =	swait.ge [sflag:s23], $0x4000  }
0xee: {  	[sflag:s23] =	ssyncset.done $0x0  }
0xef: {  	s11 =	simm.s32 $0xA;
	s29 =	rddreg [dreg:$0x1f];
	[sflag:s23] =	ssyncadd.s32 $0xFFFFC000  }
0xf0: {  	[hbm4b:s29+s2] =	stream.linear.scatter [tilespmem:s17], [sflag:$0xA], $0x4000, $0x38;
	[tilespmem:$0x1A800] =	vst v63  }
0xf1: {  	_ =	swait.ge [sflag:s11], $0x4000  }
0xf2: {  	[sflag:s11] =	ssyncset.done $0x0  }
0xf3: {  	s31 =	simm.s32 $0x1E00;
	s21 =	simm.s32 $0x5;
	[sflag:s11] =	ssyncadd.s32 $0xFFFFC000  }
0xf4: {  	[tilespmem:s17], [sflag:$0x4] =	stream.indirect.gather [hbm4b:s6+s10], $0x20, s31, s10, $0xb8;
	[tilespmem:$0x1A800] =	vst v63  }
0xf5: {  	_ =	swait.ge [sflag:s21], $0x4000  }
0xf6: {  	s0 =	sld [smem:$0x7F4]  }
0xf7: {  	[sflag:s21] =	ssyncset.done $0x0  }
0xf8: {  	s9 =	simm.s32 $0xB;
	[sflag:s21] =	ssyncadd.s32 $0xFFFFC000  }
0xf9: {  	[hbm4b:s0+s2] =	stream.linear.scatter [tilespmem:s16], [sflag:$0xB], $0x4000, $0x38;
	[tilespmem:$0x1A800] =	vst v63  }
0xfa: {  	_ =	swait.ge [sflag:s9], $0x4000  }
0xfb: {  	[sflag:s9] =	ssyncset.done $0x0  }
0xfc: {  	s1 =	simm.s32 $0x2000;
	[sflag:s9] =	ssyncadd.s32 $0xFFFFC000  }
0xfd: {  	[tilespmem:s16], [sflag:$0x5] =	stream.indirect.gather [hbm4b:s6+s10], $0x20, s1, s10, $0xb8;
	[tilespmem:$0x1A800] =	vst v63  }
0xfe: {  	_ =	swait.ge [sflag:s20], $0x4000  }
0xff: {  	s3 =	sld [smem:$0x7F5]  }
0x100: {  	[sflag:s20] =	ssyncset.done $0x0  }
0x101: {  	[sflag:s20] =	ssyncadd.s32 $0xFFFFC000  }
0x102: {  	[hbm4b:s3+s2] =	stream.linear.scatter [tilespmem:s15], [sflag:$0xC], $0x4000, $0x38;
	[tilespmem:$0x1A800] =	vst v63  }
0x103: {  	_ =	swait.ge [sflag:s8], $0x4000  }
0x104: {  	[sflag:s8] =	ssyncset.done $0x0  }
0x105: {  	s26 =	simm.s32 $0x2200;
	[sflag:s8] =	ssyncadd.s32 $0xFFFFC000  }
0x106: {  	[tilespmem:s15], [sflag:$0x6] =	stream.indirect.gather [hbm4b:s6+s10], $0x20, s26, s10, $0xb8;
	[tilespmem:$0x1A800] =	vst v63  }
0x107: {  	_ =	swait.ge [sflag:s14], $0x4000  }
0x108: {  	s28 =	sld [smem:$0x7F6]  }
0x109: {  	[sflag:s14] =	ssyncset.done $0x0  }
0x10a: {  	[sflag:s14] =	ssyncadd.s32 $0xFFFFC000  }
0x10b: {  	[hbm4b:s28+s2] =	stream.linear.scatter [tilespmem:s7], [sflag:$0x7], $0x4000, $0x38;
	[tilespmem:$0x1A800] =	vst v63  }
0x10c: {  	_ =	swait.ge [sflag:s4], $0x4000  }
0x10d: {  	[sflag:s4] =	ssyncset.done $0x0  }
0x10e: {  	s29 =	simm.s32 $0x2400;
	[sflag:s4] =	ssyncadd.s32 $0xFFFFC000  }
0x10f: {  	[tilespmem:s7], [sflag:$0x1] =	stream.indirect.gather [hbm4b:s6+s10], $0x20, s29, s10, $0xb8;
	[tilespmem:$0x1A800] =	vst v63  }
0x110: {  	_ =	swait.ge [sflag:s13], $0x4000  }
0x111: {  	s31 =	sld [smem:$0x7F7]  }
0x112: {  	[sflag:s13] =	ssyncset.done $0x0  }
0x113: {  	[sflag:s13] =	ssyncadd.s32 $0xFFFFC000  }
0x114: {  	[hbm4b:s31+s2] =	stream.linear.scatter [tilespmem:s5], [sflag:$0x8], $0x4000, $0x38;
	[tilespmem:$0x1A800] =	vst v63  }
0x115: {  	_ =	swait.ge [sflag:s30], $0x4000  }
0x116: {  	[sflag:s30] =	ssyncset.done $0x0  }
0x117: {  	[sflag:s30] =	ssyncadd.s32 $0xFFFFC000  }
0x118: {  	[tilespmem:s5], [sflag:$0x2] =	stream.indirect.gather [hbm4b:s6+s10], $0x20, s22, s10, $0xb8;
	[tilespmem:$0x1A800] =	vst v63  }
0x119: {  	_ =	swait.ge [sflag:s24], $0x4000  }
0x11a: {  	s0 =	sld [smem:$0x7F8]  }
0x11b: {  	[sflag:s24] =	ssyncset.done $0x0  }
0x11c: {  	[sflag:s24] =	ssyncadd.s32 $0xFFFFC000  }
0x11d: {  	[hbm4b:s0+s2] =	stream.linear.scatter [tilespmem:s19], [sflag:$0x9], $0x4000, $0x38;
	[tilespmem:$0x1A800] =	vst v63  }
0x11e: {  	_ =	swait.ge [sflag:s23], $0x4000  }
0x11f: {  	s3 =	sld [smem:$0x7F9]  }
0x120: {  	[sflag:s23] =	ssyncset.done $0x0  }
0x121: {  	[sflag:s23] =	ssyncadd.s32 $0xFFFFC000  }
0x122: {  	[hbm4b:s3+s2] =	stream.linear.scatter [tilespmem:s17], [sflag:$0xA], $0x4000, $0x38;
	[tilespmem:$0x1A800] =	vst v63  }
0x123: {  	_ =	swait.ge [sflag:s21], $0x4000  }
0x124: {  	s22 =	sld [smem:$0x7FA]  }
0x125: {  	[sflag:s21] =	ssyncset.done $0x0  }
0x126: {  	[sflag:s21] =	ssyncadd.s32 $0xFFFFC000  }
0x127: {  	[hbm4b:s22+s2] =	stream.linear.scatter [tilespmem:s16], [sflag:$0xB], $0x4000, $0x38;
	[tilespmem:$0x1A800] =	vst v63  }
0x128: {  	_ =	swait.ge [sflag:s20], $0x4000  }
0x129: {  	s26 =	sld [smem:$0x7FB]  }
0x12a: {  	[sflag:s20] =	ssyncset.done $0x0  }
0x12b: {  	[sflag:s20] =	ssyncadd.s32 $0xFFFFC000  }
0x12c: {  	[hbm4b:s26+s2] =	stream.linear.scatter [tilespmem:s15], [sflag:$0xC], $0x4000, $0x38;
	[tilespmem:$0x1A800] =	vst v63  }
0x12d: {  	_ =	swait.ge [sflag:s14], $0x4000  }
0x12e: {  	s28 =	sld [smem:$0x7FC]  }
0x12f: {  	[sflag:s14] =	ssyncset.done $0x0  }
0x130: {  	[sflag:s14] =	ssyncadd.s32 $0xFFFFC000  }
0x131: {  	[hbm4b:s28+s2] =	stream.linear.scatter [tilespmem:s7], [sflag:$0x7], $0x4000, $0x38;
	[tilespmem:$0x1A800] =	vst v63  }
0x132: {  	_ =	swait.ge [sflag:s13], $0x4000  }
0x133: {  	s29 =	sld [smem:$0x7FD]  }
0x134: {  	[sflag:s13] =	ssyncset.done $0x0  }
0x135: {  	[sflag:s13] =	ssyncadd.s32 $0xFFFFC000  }
0x136: {  	[hbm4b:s29+s2] =	stream.linear.scatter [tilespmem:s5], [sflag:$0x8], $0x4000, $0x38;
	[tilespmem:$0x1A800] =	vst v63  }
0x137: {  	_ =	swait.ge [sflag:s12], $0x4000  }
0x138: {  	[sflag:s12] =	ssyncset.done $0x0  }
0x139: {  	[sflag:s12] =	ssyncadd.s32 $0xFFFFC000  }
0x13a: {  	_ =	swait.ge [sflag:s11], $0x4000  }
0x13b: {  	[sflag:s11] =	ssyncset.done $0x0  }
0x13c: {  	[sflag:s11] =	ssyncadd.s32 $0xFFFFC000  }
0x13d: {  	_ =	swait.ge [sflag:s9], $0x4000  }
0x13e: {  	[sflag:s9] =	ssyncset.done $0x0  }
0x13f: {  	[sflag:s9] =	ssyncadd.s32 $0xFFFFC000  }
0x140: {  	_ =	swait.ge [sflag:s8], $0x4000  }
0x141: {  	[sflag:s8] =	ssyncset.done $0x0  }
0x142: {  	[sflag:s8] =	ssyncadd.s32 $0xFFFFC000  }
0x143: {  	_ =	swait.ge [sflag:s4], $0x4000  }
0x144: {  	s31 =	sld [smem:$0x7F3];
	_ =	sdelay $0x2  }
0x145: {  	p1 =	sne.s32 s31, $0x1  }
.Ltmp1:
0x146: {  	_ = 	snop;
	(pc) =	sbr.rel @!p1 .LBB2_7-.Ltmp1, $4  }
0x147: {  	[sflag:s4] =	ssyncset.done $0x0  }
0x148: {  	[sflag:s4] =	ssyncadd.s32 $0xFFFFC000  }
0x149: {  	p0 =	por $0x1, $0x1;
	_ =	swait.ge [sflag:s30], $0x4000  }
0x14a: {  	s1 =	sadd.s32 $0xFFFFFFFF, s31;
	s22 =	rddreg [dreg:$0x3];
	[sflag:s30] =	ssyncset.done $0x0  }
0x14b: {  	s29 =	simm.s32 $0x400;
	s31 =	simm.s32 $0x600;
	s28 =	simm.s32 $0x800  }
.LBB2_4:
0x14c: {  	[sflag:s30] =	ssyncadd.s32 $0xFFFFC000  }
0x14d: {  	[tilespmem:s2], [sflag:$0xD] =	stream.linear.gather [hbm4b:s22+s2], $0x200, $0x38;
	[tilespmem:$0x1A800] =	vst v63  }
0x14e: {  	s20 =	rddreg [dreg:$0x4]  }
0x14f: {  	[tilespmem:s10], [sflag:$0xD] =	stream.linear.gather [hbm4b:s20+s2], $0x200, $0x38;
	[tilespmem:$0x1A800] =	vst v63  }
0x150: {  	s21 =	rddreg [dreg:$0x5]  }
0x151: {  	[tilespmem:s29], [sflag:$0xD] =	stream.linear.gather [hbm4b:s21+s2], $0x200, $0x38;
	[tilespmem:$0x1A800] =	vst v63  }
0x152: {  	s23 =	rddreg [dreg:$0x6]  }
0x153: {  	[tilespmem:s31], [sflag:$0xD] =	stream.linear.gather [hbm4b:s23+s2], $0x200, $0x38;
	[tilespmem:$0x1A800] =	vst v63  }
0x154: {  	s24 =	rddreg [dreg:$0x7]  }
0x155: {  	[tilespmem:s28], [sflag:$0xD] =	stream.linear.gather [hbm4b:s24+s2], $0x200, $0x38;
	[tilespmem:$0x1A800] =	vst v63  }
0x156: {  	s0 =	rddreg [dreg:$0x8];
	s15 =	simm.s32 $0xA00  }
0x157: {  	[tilespmem:s15], [sflag:$0xD] =	stream.linear.gather [hbm4b:s0+s2], $0x200, $0x38;
	[tilespmem:$0x1A800] =	vst v63  }
0x158: {  	s3 =	rddreg [dreg:$0x9];
	s9 =	simm.s32 $0xC00  }
0x159: {  	[tilespmem:s9], [sflag:$0xD] =	stream.linear.gather [hbm4b:s3+s2], $0x200, $0x38;
	[tilespmem:$0x1A800] =	vst v63  }
0x15a: {  	s4 =	rddreg [dreg:$0xa];
	s14 =	simm.s32 $0xE00  }
0x15b: {  	[tilespmem:s14], [sflag:$0xD] =	stream.linear.gather [hbm4b:s4+s2], $0x200, $0x38;
	[tilespmem:$0x1A800] =	vst v63  }
0x15c: {  	s11 =	rddreg [dreg:$0xb];
	s30 =	simm.s32 $0x1000  }
0x15d: {  	[tilespmem:s30], [sflag:$0xD] =	stream.linear.gather [hbm4b:s11+s2], $0x200, $0x38;
	[tilespmem:$0x1A800] =	vst v63  }
0x15e: {  	s12 =	rddreg [dreg:$0xc];
	s21 =	simm.s32 $0x1200  }
0x15f: {  	[tilespmem:s21], [sflag:$0xD] =	stream.linear.gather [hbm4b:s12+s2], $0x200, $0x38;
	[tilespmem:$0x1A800] =	vst v63  }
0x160: {  	s16 =	rddreg [dreg:$0xd];
	s3 =	simm.s32 $0x1400  }
0x161: {  	[tilespmem:s3], [sflag:$0xD] =	stream.linear.gather [hbm4b:s16+s2], $0x200, $0x38;
	[tilespmem:$0x1A800] =	vst v63  }
0x162: {  	s20 =	rddreg [dreg:$0xe];
	s24 =	simm.s32 $0x1600  }
0x163: {  	[tilespmem:s24], [sflag:$0xD] =	stream.linear.gather [hbm4b:s20+s2], $0x200, $0x38;
	[tilespmem:$0x1A800] =	vst v63  }
0x164: {  	s23 =	rddreg [dreg:$0xf];
	s12 =	simm.s32 $0x1800  }
0x165: {  	[tilespmem:s12], [sflag:$0xD] =	stream.linear.gather [hbm4b:s23+s2], $0x200, $0x38;
	[tilespmem:$0x1A800] =	vst v63  }
0x166: {  	s11 =	rddreg [dreg:$0x10];
	s23 =	simm.s32 $0x1A00  }
0x167: {  	[tilespmem:s23], [sflag:$0xD] =	stream.linear.gather [hbm4b:s11+s2], $0x200, $0x38;
	[tilespmem:$0x1A800] =	vst v63  }
0x168: {  	s16 =	rddreg [dreg:$0x11];
	s24 =	simm.s32 $0x1C00  }
0x169: {  	[tilespmem:s24], [sflag:$0xD] =	stream.linear.gather [hbm4b:s16+s2], $0x200, $0x38;
	[tilespmem:$0x1A800] =	vst v63  }
0x16a: {  	s26 =	smov.u32 s25;
	s25 =	rddreg [dreg:$0x12];
	s16 =	simm.s32 $0x1E00  }
0x16b: {  	[tilespmem:s16], [sflag:$0xD] =	stream.linear.gather [hbm4b:s25+s2], $0x200, $0x38;
	[tilespmem:$0x1A800] =	vst v63  }
0x16c: {  	s22 =	rddreg [dreg:$0x13];
	s16 =	simm.s32 $0x2000  }
0x16d: {  	[tilespmem:s16], [sflag:$0xD] =	stream.linear.gather [hbm4b:s22+s2], $0x200, $0x38;
	[tilespmem:$0x1A800] =	vst v63  }
0x16e: {  	s25 =	rddreg [dreg:$0x14];
	s16 =	simm.s32 $0x2200  }
0x16f: {  	[tilespmem:s16], [sflag:$0xD] =	stream.linear.gather [hbm4b:s25+s2], $0x200, $0x38;
	[tilespmem:$0x1A800] =	vst v63  }
0x170: {  	s22 =	rddreg [dreg:$0x15];
	s16 =	simm.s32 $0x2400  }
0x171: {  	[tilespmem:s16], [sflag:$0xD] =	stream.linear.gather [hbm4b:s22+s2], $0x200, $0x38;
	[tilespmem:$0x1A800] =	vst v63  }
0x172: {  	s25 =	rddreg [dreg:$0x16];
	s16 =	simm.s32 $0x2600  }
0x173: {  	[tilespmem:s16], [sflag:$0xD] =	stream.linear.gather [hbm4b:s25+s2], $0x200, $0x38;
	[tilespmem:$0x1A800] =	vst v63  }
0x174: {  	_ =	swait.ge [sflag:s18], $0x200  }
0x175: {  	[sflag:s18] =	ssyncset.done $0x0  }
0x176: {  	[sflag:s18] =	ssyncadd.s32 $0xFFFFFE00  }
0x177: {  	_ =	swait.ge [sflag:s18], $0x200  }
0x178: {  	[sflag:s18] =	ssyncset.done $0x0  }
0x179: {  	[sflag:s18] =	ssyncadd.s32 $0xFFFFFE00  }
0x17a: {  	_ =	swait.ge [sflag:s18], $0x200  }
0x17b: {  	[sflag:s18] =	ssyncset.done $0x0  }
0x17c: {  	[sflag:s18] =	ssyncadd.s32 $0xFFFFFE00  }
0x17d: {  	_ =	swait.ge [sflag:s18], $0x200  }
0x17e: {  	[sflag:s18] =	ssyncset.done $0x0  }
0x17f: {  	[sflag:s18] =	ssyncadd.s32 $0xFFFFFE00  }
0x180: {  	_ =	swait.ge [sflag:s18], $0x200  }
0x181: {  	[sflag:s18] =	ssyncset.done $0x0  }
0x182: {  	[sflag:s18] =	ssyncadd.s32 $0xFFFFFE00  }
0x183: {  	_ =	swait.ge [sflag:s18], $0x200  }
0x184: {  	[sflag:s18] =	ssyncset.done $0x0  }
0x185: {  	[sflag:s18] =	ssyncadd.s32 $0xFFFFFE00  }
0x186: {  	_ =	swait.ge [sflag:s18], $0x200  }
0x187: {  	[sflag:s18] =	ssyncset.done $0x0  }
0x188: {  	[sflag:s18] =	ssyncadd.s32 $0xFFFFFE00  }
0x189: {  	_ =	swait.ge [sflag:s18], $0x200  }
0x18a: {  	[sflag:s18] =	ssyncset.done $0x0  }
0x18b: {  	[sflag:s18] =	ssyncadd.s32 $0xFFFFFE00  }
0x18c: {  	_ =	swait.ge [sflag:s18], $0x200  }
0x18d: {  	[sflag:s18] =	ssyncset.done $0x0  }
0x18e: {  	[sflag:s18] =	ssyncadd.s32 $0xFFFFFE00  }
0x18f: {  	_ =	swait.ge [sflag:s18], $0x200  }
0x190: {  	[sflag:s18] =	ssyncset.done $0x0  }
0x191: {  	[sflag:s18] =	ssyncadd.s32 $0xFFFFFE00  }
0x192: {  	_ =	swait.ge [sflag:s18], $0x200  }
0x193: {  	[sflag:s18] =	ssyncset.done $0x0  }
0x194: {  	[sflag:s18] =	ssyncadd.s32 $0xFFFFFE00  }
0x195: {  	_ =	swait.ge [sflag:s18], $0x200  }
0x196: {  	[sflag:s18] =	ssyncset.done $0x0  }
0x197: {  	[sflag:s18] =	ssyncadd.s32 $0xFFFFFE00  }
0x198: {  	_ =	swait.ge [sflag:s18], $0x200  }
0x199: {  	[sflag:s18] =	ssyncset.done $0x0  }
0x19a: {  	[sflag:s18] =	ssyncadd.s32 $0xFFFFFE00  }
0x19b: {  	_ =	swait.ge [sflag:s18], $0x200  }
0x19c: {  	[sflag:s18] =	ssyncset.done $0x0  }
0x19d: {  	[sflag:s18] =	ssyncadd.s32 $0xFFFFFE00  }
0x19e: {  	_ =	swait.ge [sflag:s18], $0x200  }
0x19f: {  	[sflag:s18] =	ssyncset.done $0x0  }
0x1a0: {  	[sflag:s18] =	ssyncadd.s32 $0xFFFFFE00  }
0x1a1: {  	_ =	swait.ge [sflag:s18], $0x200  }
0x1a2: {  	[sflag:s18] =	ssyncset.done $0x0  }
0x1a3: {  	[sflag:s18] =	ssyncadd.s32 $0xFFFFFE00  }
0x1a4: {  	_ =	swait.ge [sflag:s18], $0x200  }
0x1a5: {  	[sflag:s18] =	ssyncset.done $0x0  }
0x1a6: {  	[sflag:s18] =	ssyncadd.s32 $0xFFFFFE00  }
0x1a7: {  	_ =	swait.ge [sflag:s18], $0x200  }
0x1a8: {  	[sflag:s18] =	ssyncset.done $0x0  }
0x1a9: {  	[sflag:s18] =	ssyncadd.s32 $0xFFFFFE00  }
0x1aa: {  	_ =	swait.ge [sflag:s18], $0x200  }
0x1ab: {  	[sflag:s18] =	ssyncset.done $0x0  }
0x1ac: {  	[sflag:s18] =	ssyncadd.s32 $0xFFFFFE00  }
0x1ad: {  	_ =	swait.ge [sflag:s18], $0x200  }
0x1ae: {  	[sflag:s18] =	ssyncset.done $0x0  }
0x1af: {  	s8 =	simm.s32 $0x2800;
	[sflag:s18] =	ssyncadd.s32 $0xFFFFFE00  }
0x1b0: {  	[tilespmem:s8], [sflag:$0x1] =	stream.indirect.gather [hbm4b:s6+s10], $0x20, s2, s10, $0xb8;
	[tilespmem:$0x1A800] =	vst v63  }
0x1b1: {  	s7 =	simm.s32 $0x6800  }
0x1b2: {  	[tilespmem:s7], [sflag:$0x2] =	stream.indirect.gather [hbm4b:s6+s10], $0x20, s10, s10, $0xb8;
	[tilespmem:$0x1A800] =	vst v63  }
0x1b3: {  	s5 =	simm.s32 $0xA800  }
0x1b4: {  	[tilespmem:s5], [sflag:$0x3] =	stream.indirect.gather [hbm4b:s6+s10], $0x20, s29, s10, $0xb8;
	[tilespmem:$0x1A800] =	vst v63  }
0x1b5: {  	s19 =	simm.s32 $0xE800  }
0x1b6: {  	[tilespmem:s19], [sflag:$0x4] =	stream.indirect.gather [hbm4b:s6+s10], $0x20, s31, s10, $0xb8;
	[tilespmem:$0x1A800] =	vst v63  }
0x1b7: {  	s17 =	simm.s32 $0x12800  }
0x1b8: {  	[tilespmem:s17], [sflag:$0x5] =	stream.indirect.gather [hbm4b:s6+s10], $0x20, s28, s10, $0xb8;
	[tilespmem:$0x1A800] =	vst v63  }
0x1b9: {  	s0 =	simm.s32 $0x1;
	s22 =	simm.s32 $0x16800  }
0x1ba: {  	[tilespmem:s22], [sflag:$0x6] =	stream.indirect.gather [hbm4b:s6+s10], $0x20, s15, s10, $0xb8;
	[tilespmem:$0x1A800] =	vst v63  }
0x1bb: {  	_ =	swait.ge [sflag:s0], $0x4000  }
0x1bc: {  	[sflag:s0] =	ssyncset.done $0x0  }
0x1bd: {  	s13 =	simm.s32 $0x7;
	s7 =	simm.s32 $0x2800;
	[sflag:s0] =	ssyncadd.s32 $0xFFFFC000  }
0x1be: {  	[hbm4b:s26+s2] =	stream.linear.scatter [tilespmem:s7], [sflag:$0x7], $0x4000, $0x38;
	[tilespmem:$0x1A800] =	vst v63  }
0x1bf: {  	_ =	swait.ge [sflag:s13], $0x4000  }
0x1c0: {  	[sflag:s13] =	ssyncset.done $0x0  }
0x1c1: {  	[sflag:s13] =	ssyncadd.s32 $0xFFFFC000;
	s13 =	simm.s32 $0x2  }
0x1c2: {  	[tilespmem:s7], [sflag:$0x1] =	stream.indirect.gather [hbm4b:s6+s10], $0x20, s9, s10, $0xb8;
	[tilespmem:$0x1A800] =	vst v63  }
0x1c3: {  	_ =	swait.ge [sflag:s13], $0x4000  }
0x1c4: {  	s4 =	simm.s32 $0x8;
	[sflag:s13] =	ssyncset.done $0x0  }
0x1c5: {  	s5 =	simm.s32 $0x6800;
	s0 =	rddreg [dreg:$0x17];
	[sflag:s13] =	ssyncadd.s32 $0xFFFFC000  }
0x1c6: {  	[hbm4b:s0+s2] =	stream.linear.scatter [tilespmem:s5], [sflag:$0x8], $0x4000, $0x38;
	[tilespmem:$0x1A800] =	vst v63  }
0x1c7: {  	_ =	swait.ge [sflag:s4], $0x4000  }
0x1c8: {  	[sflag:s4] =	ssyncset.done $0x0  }
0x1c9: {  	s3 =	simm.s32 $0x3;
	[sflag:s4] =	ssyncadd.s32 $0xFFFFC000  }
0x1ca: {  	[tilespmem:s5], [sflag:$0x2] =	stream.indirect.gather [hbm4b:s6+s10], $0x20, s14, s10, $0xb8;
	[tilespmem:$0x1A800] =	vst v63  }
0x1cb: {  	_ =	swait.ge [sflag:s3], $0x4000  }
0x1cc: {  	s20 =	simm.s32 $0x9;
	[sflag:s3] =	ssyncset.done $0x0  }
0x1cd: {  	s19 =	simm.s32 $0xA800;
	s9 =	rddreg [dreg:$0x18];
	[sflag:s3] =	ssyncadd.s32 $0xFFFFC000  }
0x1ce: {  	[hbm4b:s9+s2] =	stream.linear.scatter [tilespmem:s19], [sflag:$0x9], $0x4000, $0x38;
	[tilespmem:$0x1A800] =	vst v63  }
0x1cf: {  	_ =	swait.ge [sflag:s20], $0x4000  }
0x1d0: {  	[sflag:s20] =	ssyncset.done $0x0  }
0x1d1: {  	s24 =	simm.s32 $0x4;
	[sflag:s20] =	ssyncadd.s32 $0xFFFFC000  }
0x1d2: {  	[tilespmem:s19], [sflag:$0x3] =	stream.indirect.gather [hbm4b:s6+s10], $0x20, s30, s10, $0xb8;
	[tilespmem:$0x1A800] =	vst v63  }
0x1d3: {  	_ =	swait.ge [sflag:s24], $0x4000  }
0x1d4: {  	s12 =	simm.s32 $0xA;
	[sflag:s24] =	ssyncset.done $0x0  }
0x1d5: {  	s17 =	simm.s32 $0xE800;
	s0 =	rddreg [dreg:$0x19];
	[sflag:s24] =	ssyncadd.s32 $0xFFFFC000  }
0x1d6: {  	[hbm4b:s0+s2] =	stream.linear.scatter [tilespmem:s17], [sflag:$0xA], $0x4000, $0x38;
	[tilespmem:$0x1A800] =	vst v63  }
0x1d7: {  	_ =	swait.ge [sflag:s12], $0x4000  }
0x1d8: {  	[sflag:s12] =	ssyncset.done $0x0  }
0x1d9: {  	s23 =	simm.s32 $0x5;
	[sflag:s12] =	ssyncadd.s32 $0xFFFFC000  }
0x1da: {  	[tilespmem:s17], [sflag:$0x4] =	stream.indirect.gather [hbm4b:s6+s10], $0x20, s21, s10, $0xb8;
	[tilespmem:$0x1A800] =	vst v63  }
0x1db: {  	_ =	swait.ge [sflag:s23], $0x4000  }
0x1dc: {  	s11 =	simm.s32 $0xB;
	[sflag:s23] =	ssyncset.done $0x0  }
0x1dd: {  	s16 =	simm.s32 $0x12800;
	s3 =	rddreg [dreg:$0x1a];
	[sflag:s23] =	ssyncadd.s32 $0xFFFFC000  }
0x1de: {  	[hbm4b:s3+s2] =	stream.linear.scatter [tilespmem:s16], [sflag:$0xB], $0x4000, $0x38;
	[tilespmem:$0x1A800] =	vst v63  }
0x1df: {  	_ =	swait.ge [sflag:s11], $0x4000  }
0x1e0: {  	[sflag:s11] =	ssyncset.done $0x0  }
0x1e1: {  	s9 =	simm.s32 $0x1400;
	s20 =	simm.s32 $0x6;
	[sflag:s11] =	ssyncadd.s32 $0xFFFFC000  }
0x1e2: {  	[tilespmem:s16], [sflag:$0x5] =	stream.indirect.gather [hbm4b:s6+s10], $0x20, s9, s10, $0xb8;
	[tilespmem:$0x1A800] =	vst v63  }
0x1e3: {  	_ =	swait.ge [sflag:s20], $0x4000  }
0x1e4: {  	s8 =	simm.s32 $0xC;
	[sflag:s20] =	ssyncset.done $0x0  }
0x1e5: {  	s15 =	simm.s32 $0x16800;
	s21 =	rddreg [dreg:$0x1b];
	[sflag:s20] =	ssyncadd.s32 $0xFFFFC000  }
0x1e6: {  	[hbm4b:s21+s2] =	stream.linear.scatter [tilespmem:s15], [sflag:$0xC], $0x4000, $0x38;
	[tilespmem:$0x1A800] =	vst v63  }
0x1e7: {  	_ =	swait.ge [sflag:s8], $0x4000  }
0x1e8: {  	[sflag:s8] =	ssyncset.done $0x0  }
0x1e9: {  	s22 =	simm.s32 $0x1600;
	s14 =	simm.s32 $0x1;
	[sflag:s8] =	ssyncadd.s32 $0xFFFFC000  }
0x1ea: {  	[tilespmem:s15], [sflag:$0x6] =	stream.indirect.gather [hbm4b:s6+s10], $0x20, s22, s10, $0xb8;
	[tilespmem:$0x1A800] =	vst v63  }
0x1eb: {  	_ =	swait.ge [sflag:s14], $0x4000  }
0x1ec: {  	[sflag:s14] =	ssyncset.done $0x0  }
0x1ed: {  	s4 =	simm.s32 $0x7;
	s3 =	rddreg [dreg:$0x1c];
	[sflag:s14] =	ssyncadd.s32 $0xFFFFC000  }
0x1ee: {  	[hbm4b:s3+s2] =	stream.linear.scatter [tilespmem:s7], [sflag:$0x7], $0x4000, $0x38;
	[tilespmem:$0x1A800] =	vst v63  }
0x1ef: {  	_ =	swait.ge [sflag:s4], $0x4000  }
0x1f0: {  	[sflag:s4] =	ssyncset.done $0x0  }
0x1f1: {  	s9 =	simm.s32 $0x1800;
	[sflag:s4] =	ssyncadd.s32 $0xFFFFC000  }
0x1f2: {  	[tilespmem:s7], [sflag:$0x1] =	stream.indirect.gather [hbm4b:s6+s10], $0x20, s9, s10, $0xb8;
	[tilespmem:$0x1A800] =	vst v63  }
0x1f3: {  	_ =	swait.ge [sflag:s13], $0x4000  }
0x1f4: {  	[sflag:s13] =	ssyncset.done $0x0  }
0x1f5: {  	s30 =	simm.s32 $0x8;
	s21 =	rddreg [dreg:$0x1d];
	[sflag:s13] =	ssyncadd.s32 $0xFFFFC000  }
0x1f6: {  	[hbm4b:s21+s2] =	stream.linear.scatter [tilespmem:s5], [sflag:$0x8], $0x4000, $0x38;
	[tilespmem:$0x1A800] =	vst v63  }
0x1f7: {  	_ =	swait.ge [sflag:s30], $0x4000  }
0x1f8: {  	[sflag:s30] =	ssyncset.done $0x0  }
0x1f9: {  	s24 =	simm.s32 $0x3;
	s22 =	simm.s32 $0x1A00;
	[sflag:s30] =	ssyncadd.s32 $0xFFFFC000  }
0x1fa: {  	[tilespmem:s5], [sflag:$0x2] =	stream.indirect.gather [hbm4b:s6+s10], $0x20, s22, s10, $0xb8;
	[tilespmem:$0x1A800] =	vst v63  }
0x1fb: {  	_ =	swait.ge [sflag:s24], $0x4000  }
0x1fc: {  	[sflag:s24] =	ssyncset.done $0x0  }
0x1fd: {  	s12 =	simm.s32 $0x9;
	s3 =	rddreg [dreg:$0x1e];
	[sflag:s24] =	ssyncadd.s32 $0xFFFFC000  }
0x1fe: {  	[hbm4b:s3+s2] =	stream.linear.scatter [tilespmem:s19], [sflag:$0x9], $0x4000, $0x38;
	[tilespmem:$0x1A800] =	vst v63  }
0x1ff: {  	_ =	swait.ge [sflag:s12], $0x4000  }
0x200: {  	[sflag:s12] =	ssyncset.done $0x0  }
0x201: {  	s23 =	simm.s32 $0x4;
	s9 =	simm.s32 $0x1C00;
	[sflag:s12] =	ssyncadd.s32 $0xFFFFC000  }
0x202: {  	[tilespmem:s19], [sflag:$0x3] =	stream.indirect.gather [hbm4b:s6+s10], $0x20, s9, s10, $0xb8;
	[tilespmem:$0x1A800] =	vst v63  }
0x203: {  	_ =	swait.ge [sflag:s23], $0x4000  }
0x204: {  	[sflag:s23] =	ssyncset.done $0x0  }
0x205: {  	s11 =	simm.s32 $0xA;
	s21 =	rddreg [dreg:$0x1f];
	[sflag:s23] =	ssyncadd.s32 $0xFFFFC000  }
0x206: {  	[hbm4b:s21+s2] =	stream.linear.scatter [tilespmem:s17], [sflag:$0xA], $0x4000, $0x38;
	[tilespmem:$0x1A800] =	vst v63  }
0x207: {  	_ =	swait.ge [sflag:s11], $0x4000  }
0x208: {  	[sflag:s11] =	ssyncset.done $0x0  }
0x209: {  	s22 =	simm.s32 $0x1E00;
	s21 =	simm.s32 $0x5;
	[sflag:s11] =	ssyncadd.s32 $0xFFFFC000  }
0x20a: {  	[tilespmem:s17], [sflag:$0x4] =	stream.indirect.gather [hbm4b:s6+s10], $0x20, s22, s10, $0xb8;
	[tilespmem:$0x1A800] =	vst v63  }
0x20b: {  	_ =	swait.ge [sflag:s21], $0x4000  }
0x20c: {  	s3 =	sld [smem:$0x7F4]  }
0x20d: {  	[sflag:s21] =	ssyncset.done $0x0  }
0x20e: {  	s9 =	simm.s32 $0xB;
	[sflag:s21] =	ssyncadd.s32 $0xFFFFC000  }
0x20f: {  	[hbm4b:s3+s2] =	stream.linear.scatter [tilespmem:s16], [sflag:$0xB], $0x4000, $0x38;
	[tilespmem:$0x1A800] =	vst v63  }
0x210: {  	_ =	swait.ge [sflag:s9], $0x4000  }
0x211: {  	[sflag:s9] =	ssyncset.done $0x0  }
0x212: {  	s22 =	simm.s32 $0x2000;
	[sflag:s9] =	ssyncadd.s32 $0xFFFFC000  }
0x213: {  	[tilespmem:s16], [sflag:$0x5] =	stream.indirect.gather [hbm4b:s6+s10], $0x20, s22, s10, $0xb8;
	[tilespmem:$0x1A800] =	vst v63  }
0x214: {  	_ =	swait.ge [sflag:s20], $0x4000  }
0x215: {  	s3 =	sld [smem:$0x7F5]  }
0x216: {  	[sflag:s20] =	ssyncset.done $0x0  }
0x217: {  	[sflag:s20] =	ssyncadd.s32 $0xFFFFC000  }
0x218: {  	[hbm4b:s3+s2] =	stream.linear.scatter [tilespmem:s15], [sflag:$0xC], $0x4000, $0x38;
	[tilespmem:$0x1A800] =	vst v63  }
0x219: {  	_ =	swait.ge [sflag:s8], $0x4000  }
0x21a: {  	[sflag:s8] =	ssyncset.done $0x0  }
0x21b: {  	s22 =	simm.s32 $0x2200;
	[sflag:s8] =	ssyncadd.s32 $0xFFFFC000  }
0x21c: {  	[tilespmem:s15], [sflag:$0x6] =	stream.indirect.gather [hbm4b:s6+s10], $0x20, s22, s10, $0xb8;
	[tilespmem:$0x1A800] =	vst v63  }
0x21d: {  	_ =	swait.ge [sflag:s14], $0x4000  }
0x21e: {  	s3 =	sld [smem:$0x7F6]  }
0x21f: {  	[sflag:s14] =	ssyncset.done $0x0  }
0x220: {  	[sflag:s14] =	ssyncadd.s32 $0xFFFFC000  }
0x221: {  	[hbm4b:s3+s2] =	stream.linear.scatter [tilespmem:s7], [sflag:$0x7], $0x4000, $0x38;
	[tilespmem:$0x1A800] =	vst v63  }
0x222: {  	_ =	swait.ge [sflag:s4], $0x4000  }
0x223: {  	[sflag:s4] =	ssyncset.done $0x0  }
0x224: {  	s22 =	simm.s32 $0x2400;
	[sflag:s4] =	ssyncadd.s32 $0xFFFFC000  }
0x225: {  	[tilespmem:s7], [sflag:$0x1] =	stream.indirect.gather [hbm4b:s6+s10], $0x20, s22, s10, $0xb8;
	[tilespmem:$0x1A800] =	vst v63  }
0x226: {  	_ =	swait.ge [sflag:s13], $0x4000  }
0x227: {  	s3 =	sld [smem:$0x7F7]  }
0x228: {  	[sflag:s13] =	ssyncset.done $0x0  }
0x229: {  	[sflag:s13] =	ssyncadd.s32 $0xFFFFC000  }
0x22a: {  	[hbm4b:s3+s2] =	stream.linear.scatter [tilespmem:s5], [sflag:$0x8], $0x4000, $0x38;
	[tilespmem:$0x1A800] =	vst v63  }
0x22b: {  	_ =	swait.ge [sflag:s30], $0x4000  }
0x22c: {  	[sflag:s30] =	ssyncset.done $0x0  }
0x22d: {  	s22 =	simm.s32 $0x2600;
	[sflag:s30] =	ssyncadd.s32 $0xFFFFC000  }
0x22e: {  	[tilespmem:s5], [sflag:$0x2] =	stream.indirect.gather [hbm4b:s6+s10], $0x20, s22, s10, $0xb8;
	[tilespmem:$0x1A800] =	vst v63  }
0x22f: {  	_ =	swait.ge [sflag:s24], $0x4000  }
0x230: {  	s0 =	sld [smem:$0x7F8]  }
0x231: {  	[sflag:s24] =	ssyncset.done $0x0  }
0x232: {  	[sflag:s24] =	ssyncadd.s32 $0xFFFFC000  }
0x233: {  	[hbm4b:s0+s2] =	stream.linear.scatter [tilespmem:s19], [sflag:$0x9], $0x4000, $0x38;
	[tilespmem:$0x1A800] =	vst v63  }
0x234: {  	_ =	swait.ge [sflag:s23], $0x4000  }
0x235: {  	s3 =	sld [smem:$0x7F9]  }
0x236: {  	[sflag:s23] =	ssyncset.done $0x0  }
0x237: {  	[sflag:s23] =	ssyncadd.s32 $0xFFFFC000  }
0x238: {  	[hbm4b:s3+s2] =	stream.linear.scatter [tilespmem:s17], [sflag:$0xA], $0x4000, $0x38;
	[tilespmem:$0x1A800] =	vst v63  }
0x239: {  	_ =	swait.ge [sflag:s21], $0x4000  }
0x23a: {  	s0 =	sld [smem:$0x7FA]  }
0x23b: {  	[sflag:s21] =	ssyncset.done $0x0  }
0x23c: {  	[sflag:s21] =	ssyncadd.s32 $0xFFFFC000  }
0x23d: {  	[hbm4b:s0+s2] =	stream.linear.scatter [tilespmem:s16], [sflag:$0xB], $0x4000, $0x38;
	[tilespmem:$0x1A800] =	vst v63  }
0x23e: {  	_ =	swait.ge [sflag:s20], $0x4000  }
0x23f: {  	s3 =	sld [smem:$0x7FB]  }
0x240: {  	[sflag:s20] =	ssyncset.done $0x0  }
0x241: {  	[sflag:s20] =	ssyncadd.s32 $0xFFFFC000  }
0x242: {  	[hbm4b:s3+s2] =	stream.linear.scatter [tilespmem:s15], [sflag:$0xC], $0x4000, $0x38;
	[tilespmem:$0x1A800] =	vst v63  }
0x243: {  	_ =	swait.ge [sflag:s14], $0x4000  }
0x244: {  	s0 =	sld [smem:$0x7FC]  }
0x245: {  	[sflag:s14] =	ssyncset.done $0x0  }
0x246: {  	[sflag:s14] =	ssyncadd.s32 $0xFFFFC000  }
0x247: {  	[hbm4b:s0+s2] =	stream.linear.scatter [tilespmem:s7], [sflag:$0x7], $0x4000, $0x38;
	[tilespmem:$0x1A800] =	vst v63  }
0x248: {  	_ =	swait.ge [sflag:s13], $0x4000  }
0x249: {  	s3 =	sld [smem:$0x7FD]  }
0x24a: {  	[sflag:s13] =	ssyncset.done $0x0  }
0x24b: {  	[sflag:s13] =	ssyncadd.s32 $0xFFFFC000  }
0x24c: {  	[hbm4b:s3+s2] =	stream.linear.scatter [tilespmem:s5], [sflag:$0x8], $0x4000, $0x38;
	[tilespmem:$0x1A800] =	vst v63  }
0x24d: {  	_ =	swait.ge [sflag:s12], $0x4000  }
0x24e: {  	[sflag:s12] =	ssyncset.done $0x0  }
0x24f: {  	[sflag:s12] =	ssyncadd.s32 $0xFFFFC000  }
0x250: {  	_ =	swait.ge [sflag:s11], $0x4000  }
0x251: {  	[sflag:s11] =	ssyncset.done $0x0  }
0x252: {  	[sflag:s11] =	ssyncadd.s32 $0xFFFFC000  }
0x253: {  	_ =	swait.ge [sflag:s9], $0x4000  }
0x254: {  	[sflag:s9] =	ssyncset.done $0x0  }
0x255: {  	[sflag:s9] =	ssyncadd.s32 $0xFFFFC000  }
0x256: {  	_ =	swait.ge [sflag:s8], $0x4000  }
0x257: {  	[sflag:s8] =	ssyncset.done $0x0  }
0x258: {  	p1 =	sne.s32 s1, $0x1;
	[sflag:s8] =	ssyncadd.s32 $0xFFFFC000  }
.Ltmp2:
0x259: {  	_ =	swait.ge [sflag:s4], $0x4000;
	(pc) =	sbr.rel @p1 .LBB2_4-.Ltmp2, $4  }
0x25a: {  	[sflag:s4] =	ssyncset.done $0x0  }
0x25b: {  	[sflag:s4] =	ssyncadd.s32 $0xFFFFC000  }
0x25c: {  	s1 =	sadd.s32 $0xFFFFFFFF, s1;
	_ =	swait.ge [sflag:s30], $0x4000  }
0x25d: {  	s25 =	smov.u32 s26;
	s22 =	rddreg [dreg:$0x3];
	[sflag:s30] =	ssyncset.done $0x0  }
0x25e: {  	s29 =	simm.s32 $0x1400;
	s0 =	simm.s32 $0x1200  }
0x25f: {  	s28 =	simm.s32 $0x1000;
	s3 =	simm.s32 $0xE00;
	s31 =	simm.s32 $0xC00  }
.LBB2_6:
0x260: {  	[sflag:s30] =	ssyncadd.s32 @p0 $0xFFFFC000  }
0x261: {  	[tilespmem:s2], [sflag:$0xD] =	stream.linear.gather [hbm4b:s22+s2], $0x200, $0x38;
	[tilespmem:$0x1A800] =	vst v63  }
0x262: {  	s1 =	rddreg [dreg:$0x4]  }
0x263: {  	[tilespmem:s10], [sflag:$0xD] =	stream.linear.gather [hbm4b:s1+s2], $0x200, $0x38;
	[tilespmem:$0x1A800] =	vst v63  }
0x264: {  	s25 =	simm.s32 $0x400;
	s22 =	rddreg [dreg:$0x5]  }
0x265: {  	[tilespmem:s25], [sflag:$0xD] =	stream.linear.gather [hbm4b:s22+s2], $0x200, $0x38;
	[tilespmem:$0x1A800] =	vst v63  }
0x266: {  	s1 =	rddreg [dreg:$0x6];
	s25 =	simm.s32 $0x600  }
0x267: {  	[tilespmem:s25], [sflag:$0xD] =	stream.linear.gather [hbm4b:s1+s2], $0x200, $0x38;
	[tilespmem:$0x1A800] =	vst v63  }
0x268: {  	s22 =	rddreg [dreg:$0x7];
	s25 =	simm.s32 $0x800  }
0x269: {  	[tilespmem:s25], [sflag:$0xD] =	stream.linear.gather [hbm4b:s22+s2], $0x200, $0x38;
	[tilespmem:$0x1A800] =	vst v63  }
0x26a: {  	s1 =	rddreg [dreg:$0x8];
	s25 =	simm.s32 $0xA00  }
0x26b: {  	[tilespmem:s25], [sflag:$0xD] =	stream.linear.gather [hbm4b:s1+s2], $0x200, $0x38;
	[tilespmem:$0x1A800] =	vst v63  }
0x26c: {  	s22 =	rddreg [dreg:$0x9]  }
0x26d: {  	[tilespmem:s31], [sflag:$0xD] =	stream.linear.gather [hbm4b:s22+s2], $0x200, $0x38;
	[tilespmem:$0x1A800] =	vst v63  }
0x26e: {  	s1 =	rddreg [dreg:$0xa]  }
0x26f: {  	[tilespmem:s3], [sflag:$0xD] =	stream.linear.gather [hbm4b:s1+s2], $0x200, $0x38;
	[tilespmem:$0x1A800] =	vst v63  }
0x270: {  	s22 =	rddreg [dreg:$0xb]  }
0x271: {  	[tilespmem:s28], [sflag:$0xD] =	stream.linear.gather [hbm4b:s22+s2], $0x200, $0x38;
	[tilespmem:$0x1A800] =	vst v63  }
0x272: {  	s31 =	rddreg [dreg:$0xc]  }
0x273: {  	[tilespmem:s0], [sflag:$0xD] =	stream.linear.gather [hbm4b:s31+s2], $0x200, $0x38;
	[tilespmem:$0x1A800] =	vst v63  }
0x274: {  	s3 =	rddreg [dreg:$0xd]  }
0x275: {  	[tilespmem:s29], [sflag:$0xD] =	stream.linear.gather [hbm4b:s3+s2], $0x200, $0x38;
	[tilespmem:$0x1A800] =	vst v63  }
0x276: {  	s28 =	rddreg [dreg:$0xe];
	s3 =	simm.s32 $0x1600  }
0x277: {  	[tilespmem:s3], [sflag:$0xD] =	stream.linear.gather [hbm4b:s28+s2], $0x200, $0x38;
	[tilespmem:$0x1A800] =	vst v63  }
0x278: {  	s31 =	rddreg [dreg:$0xf];
	s29 =	simm.s32 $0x1800  }
0x279: {  	[tilespmem:s29], [sflag:$0xD] =	stream.linear.gather [hbm4b:s31+s2], $0x200, $0x38;
	[tilespmem:$0x1A800] =	vst v63  }
0x27a: {  	s0 =	rddreg [dreg:$0x10];
	s31 =	simm.s32 $0x1A00  }
0x27b: {  	[tilespmem:s31], [sflag:$0xD] =	stream.linear.gather [hbm4b:s0+s2], $0x200, $0x38;
	[tilespmem:$0x1A800] =	vst v63  }
0x27c: {  	s22 =	rddreg [dreg:$0x11];
	s0 =	simm.s32 $0x1C00  }
0x27d: {  	[tilespmem:s0], [sflag:$0xD] =	stream.linear.gather [hbm4b:s22+s2], $0x200, $0x38;
	[tilespmem:$0x1A800] =	vst v63  }
0x27e: {  	s1 =	rddreg [dreg:$0x12];
	s0 =	simm.s32 $0x1E00  }
0x27f: {  	[tilespmem:s0], [sflag:$0xD] =	stream.linear.gather [hbm4b:s1+s2], $0x200, $0x38;
	[tilespmem:$0x1A800] =	vst v63  }
0x280: {  	s22 =	rddreg [dreg:$0x13];
	s0 =	simm.s32 $0x2000  }
0x281: {  	[tilespmem:s0], [sflag:$0xD] =	stream.linear.gather [hbm4b:s22+s2], $0x200, $0x38;
	[tilespmem:$0x1A800] =	vst v63  }
0x282: {  	s1 =	rddreg [dreg:$0x14];
	s0 =	simm.s32 $0x2200  }
0x283: {  	[tilespmem:s0], [sflag:$0xD] =	stream.linear.gather [hbm4b:s1+s2], $0x200, $0x38;
	[tilespmem:$0x1A800] =	vst v63  }
0x284: {  	s22 =	rddreg [dreg:$0x15];
	s0 =	simm.s32 $0x2400  }
0x285: {  	[tilespmem:s0], [sflag:$0xD] =	stream.linear.gather [hbm4b:s22+s2], $0x200, $0x38;
	[tilespmem:$0x1A800] =	vst v63  }
0x286: {  	s1 =	rddreg [dreg:$0x16];
	s22 =	simm.s32 $0x2600  }
0x287: {  	[tilespmem:s22], [sflag:$0xD] =	stream.linear.gather [hbm4b:s1+s2], $0x200, $0x38;
	[tilespmem:$0x1A800] =	vst v63  }
0x288: {  	_ =	swait.ge [sflag:s18], $0x200  }
0x289: {  	[sflag:s18] =	ssyncset.done $0x0  }
0x28a: {  	[sflag:s18] =	ssyncadd.s32 $0xFFFFFE00  }
0x28b: {  	_ =	swait.ge [sflag:s18], $0x200  }
0x28c: {  	[sflag:s18] =	ssyncset.done $0x0  }
0x28d: {  	[sflag:s18] =	ssyncadd.s32 $0xFFFFFE00  }
0x28e: {  	_ =	swait.ge [sflag:s18], $0x200  }
0x28f: {  	[sflag:s18] =	ssyncset.done $0x0  }
0x290: {  	[sflag:s18] =	ssyncadd.s32 $0xFFFFFE00  }
0x291: {  	_ =	swait.ge [sflag:s18], $0x200  }
0x292: {  	[sflag:s18] =	ssyncset.done $0x0  }
0x293: {  	[sflag:s18] =	ssyncadd.s32 $0xFFFFFE00  }
0x294: {  	_ =	swait.ge [sflag:s18], $0x200  }
0x295: {  	[sflag:s18] =	ssyncset.done $0x0  }
0x296: {  	[sflag:s18] =	ssyncadd.s32 $0xFFFFFE00  }
0x297: {  	_ =	swait.ge [sflag:s18], $0x200  }
0x298: {  	[sflag:s18] =	ssyncset.done $0x0  }
0x299: {  	[sflag:s18] =	ssyncadd.s32 $0xFFFFFE00  }
0x29a: {  	_ =	swait.ge [sflag:s18], $0x200  }
0x29b: {  	[sflag:s18] =	ssyncset.done $0x0  }
0x29c: {  	[sflag:s18] =	ssyncadd.s32 $0xFFFFFE00  }
0x29d: {  	_ =	swait.ge [sflag:s18], $0x200  }
0x29e: {  	[sflag:s18] =	ssyncset.done $0x0  }
0x29f: {  	[sflag:s18] =	ssyncadd.s32 $0xFFFFFE00  }
0x2a0: {  	_ =	swait.ge [sflag:s18], $0x200  }
0x2a1: {  	[sflag:s18] =	ssyncset.done $0x0  }
0x2a2: {  	[sflag:s18] =	ssyncadd.s32 $0xFFFFFE00  }
0x2a3: {  	_ =	swait.ge [sflag:s18], $0x200  }
0x2a4: {  	[sflag:s18] =	ssyncset.done $0x0  }
0x2a5: {  	[sflag:s18] =	ssyncadd.s32 $0xFFFFFE00  }
0x2a6: {  	_ =	swait.ge [sflag:s18], $0x200  }
0x2a7: {  	[sflag:s18] =	ssyncset.done $0x0  }
0x2a8: {  	[sflag:s18] =	ssyncadd.s32 $0xFFFFFE00  }
0x2a9: {  	_ =	swait.ge [sflag:s18], $0x200  }
0x2aa: {  	[sflag:s18] =	ssyncset.done $0x0  }
0x2ab: {  	[sflag:s18] =	ssyncadd.s32 $0xFFFFFE00  }
0x2ac: {  	_ =	swait.ge [sflag:s18], $0x200  }
0x2ad: {  	[sflag:s18] =	ssyncset.done $0x0  }
0x2ae: {  	[sflag:s18] =	ssyncadd.s32 $0xFFFFFE00  }
0x2af: {  	_ =	swait.ge [sflag:s18], $0x200  }
0x2b0: {  	[sflag:s18] =	ssyncset.done $0x0  }
0x2b1: {  	[sflag:s18] =	ssyncadd.s32 $0xFFFFFE00  }
0x2b2: {  	_ =	swait.ge [sflag:s18], $0x200  }
0x2b3: {  	[sflag:s18] =	ssyncset.done $0x0  }
0x2b4: {  	[sflag:s18] =	ssyncadd.s32 $0xFFFFFE00  }
0x2b5: {  	_ =	swait.ge [sflag:s18], $0x200  }
0x2b6: {  	[sflag:s18] =	ssyncset.done $0x0  }
0x2b7: {  	[sflag:s18] =	ssyncadd.s32 $0xFFFFFE00  }
0x2b8: {  	_ =	swait.ge [sflag:s18], $0x200  }
0x2b9: {  	[sflag:s18] =	ssyncset.done $0x0  }
0x2ba: {  	[sflag:s18] =	ssyncadd.s32 $0xFFFFFE00  }
0x2bb: {  	_ =	swait.ge [sflag:s18], $0x200  }
0x2bc: {  	[sflag:s18] =	ssyncset.done $0x0  }
0x2bd: {  	[sflag:s18] =	ssyncadd.s32 $0xFFFFFE00  }
0x2be: {  	_ =	swait.ge [sflag:s18], $0x200  }
0x2bf: {  	[sflag:s18] =	ssyncset.done $0x0  }
0x2c0: {  	[sflag:s18] =	ssyncadd.s32 $0xFFFFFE00  }
0x2c1: {  	_ =	swait.ge [sflag:s18], $0x200  }
0x2c2: {  	[sflag:s18] =	ssyncset.done $0x0  }
0x2c3: {  	[sflag:s18] =	ssyncadd.s32 $0xFFFFFE00  }
0x2c4: {  	[tilespmem:s7], [sflag:$0x1] =	stream.indirect.gather [hbm4b:s6+s10], $0x20, s2, s10, $0xb8;
	[tilespmem:$0x1A800] =	vst v63  }
0x2c5: {  	_ = 	snop  }
0x2c6: {  	[tilespmem:s5], [sflag:$0x2] =	stream.indirect.gather [hbm4b:s6+s10], $0x20, s10, s10, $0xb8;
	[tilespmem:$0x1A800] =	vst v63  }
0x2c7: {  	s18 =	simm.s32 $0x400  }
0x2c8: {  	[tilespmem:s19], [sflag:$0x3] =	stream.indirect.gather [hbm4b:s6+s10], $0x20, s18, s10, $0xb8;
	[tilespmem:$0x1A800] =	vst v63  }
0x2c9: {  	s1 =	simm.s32 $0x600  }
0x2ca: {  	[tilespmem:s17], [sflag:$0x4] =	stream.indirect.gather [hbm4b:s6+s10], $0x20, s1, s10, $0xb8;
	[tilespmem:$0x1A800] =	vst v63  }
0x2cb: {  	s18 =	simm.s32 $0x800  }
0x2cc: {  	[tilespmem:s16], [sflag:$0x5] =	stream.indirect.gather [hbm4b:s6+s10], $0x20, s18, s10, $0xb8;
	[tilespmem:$0x1A800] =	vst v63  }
0x2cd: {  	_ = 	snop  }
0x2ce: {  	[tilespmem:s15], [sflag:$0x6] =	stream.indirect.gather [hbm4b:s6+s10], $0x20, s25, s10, $0xb8;
	[tilespmem:$0x1A800] =	vst v63  }
0x2cf: {  	_ =	swait.ge [sflag:s14], $0x4000  }
0x2d0: {  	[sflag:s14] =	ssyncset.done $0x0  }
0x2d1: {  	[sflag:s14] =	ssyncadd.s32 $0xFFFFC000  }
0x2d2: {  	[hbm4b:s26+s2] =	stream.linear.scatter [tilespmem:s7], [sflag:$0x7], $0x4000, $0x38;
	[tilespmem:$0x1A800] =	vst v63  }
0x2d3: {  	_ =	swait.ge [sflag:s4], $0x4000  }
0x2d4: {  	[sflag:s4] =	ssyncset.done $0x0  }
0x2d5: {  	s28 =	simm.s32 $0xC00;
	[sflag:s4] =	ssyncadd.s32 $0xFFFFC000  }
0x2d6: {  	[tilespmem:s7], [sflag:$0x1] =	stream.indirect.gather [hbm4b:s6+s10], $0x20, s28, s10, $0xb8;
	[tilespmem:$0x1A800] =	vst v63  }
0x2d7: {  	_ =	swait.ge [sflag:s13], $0x4000  }
0x2d8: {  	[sflag:s13] =	ssyncset.done $0x0  }
0x2d9: {  	s1 =	rddreg [dreg:$0x17];
	[sflag:s13] =	ssyncadd.s32 $0xFFFFC000  }
0x2da: {  	[hbm4b:s1+s2] =	stream.linear.scatter [tilespmem:s5], [sflag:$0x8], $0x4000, $0x38;
	[tilespmem:$0x1A800] =	vst v63  }
0x2db: {  	_ =	swait.ge [sflag:s30], $0x4000  }
0x2dc: {  	[sflag:s30] =	ssyncset.done $0x0  }
0x2dd: {  	s18 =	simm.s32 $0xE00;
	[sflag:s30] =	ssyncadd.s32 $0xFFFFC000  }
0x2de: {  	[tilespmem:s5], [sflag:$0x2] =	stream.indirect.gather [hbm4b:s6+s10], $0x20, s18, s10, $0xb8;
	[tilespmem:$0x1A800] =	vst v63  }
0x2df: {  	_ =	swait.ge [sflag:s24], $0x4000  }
0x2e0: {  	[sflag:s24] =	ssyncset.done $0x0  }
0x2e1: {  	s25 =	rddreg [dreg:$0x18];
	[sflag:s24] =	ssyncadd.s32 $0xFFFFC000  }
0x2e2: {  	[hbm4b:s25+s2] =	stream.linear.scatter [tilespmem:s19], [sflag:$0x9], $0x4000, $0x38;
	[tilespmem:$0x1A800] =	vst v63  }
0x2e3: {  	_ =	swait.ge [sflag:s12], $0x4000  }
0x2e4: {  	[sflag:s12] =	ssyncset.done $0x0  }
0x2e5: {  	s26 =	simm.s32 $0x1000;
	[sflag:s12] =	ssyncadd.s32 $0xFFFFC000  }
0x2e6: {  	[tilespmem:s19], [sflag:$0x3] =	stream.indirect.gather [hbm4b:s6+s10], $0x20, s26, s10, $0xb8;
	[tilespmem:$0x1A800] =	vst v63  }
0x2e7: {  	_ =	swait.ge [sflag:s23], $0x4000  }
0x2e8: {  	[sflag:s23] =	ssyncset.done $0x0  }
0x2e9: {  	s28 =	rddreg [dreg:$0x19];
	[sflag:s23] =	ssyncadd.s32 $0xFFFFC000  }
0x2ea: {  	[hbm4b:s28+s2] =	stream.linear.scatter [tilespmem:s17], [sflag:$0xA], $0x4000, $0x38;
	[tilespmem:$0x1A800] =	vst v63  }
0x2eb: {  	_ =	swait.ge [sflag:s11], $0x4000  }
0x2ec: {  	[sflag:s11] =	ssyncset.done $0x0  }
0x2ed: {  	s1 =	simm.s32 $0x1200;
	[sflag:s11] =	ssyncadd.s32 $0xFFFFC000  }
0x2ee: {  	[tilespmem:s17], [sflag:$0x4] =	stream.indirect.gather [hbm4b:s6+s10], $0x20, s1, s10, $0xb8;
	[tilespmem:$0x1A800] =	vst v63  }
0x2ef: {  	_ =	swait.ge [sflag:s21], $0x4000  }
0x2f0: {  	[sflag:s21] =	ssyncset.done $0x0  }
0x2f1: {  	s18 =	rddreg [dreg:$0x1a];
	[sflag:s21] =	ssyncadd.s32 $0xFFFFC000  }
0x2f2: {  	[hbm4b:s18+s2] =	stream.linear.scatter [tilespmem:s16], [sflag:$0xB], $0x4000, $0x38;
	[tilespmem:$0x1A800] =	vst v63  }
0x2f3: {  	_ =	swait.ge [sflag:s9], $0x4000  }
0x2f4: {  	[sflag:s9] =	ssyncset.done $0x0  }
0x2f5: {  	s25 =	simm.s32 $0x1400;
	[sflag:s9] =	ssyncadd.s32 $0xFFFFC000  }
0x2f6: {  	[tilespmem:s16], [sflag:$0x5] =	stream.indirect.gather [hbm4b:s6+s10], $0x20, s25, s10, $0xb8;
	[tilespmem:$0x1A800] =	vst v63  }
0x2f7: {  	_ =	swait.ge [sflag:s20], $0x4000  }
0x2f8: {  	[sflag:s20] =	ssyncset.done $0x0  }
0x2f9: {  	s26 =	rddreg [dreg:$0x1b];
	[sflag:s20] =	ssyncadd.s32 $0xFFFFC000  }
0x2fa: {  	[hbm4b:s26+s2] =	stream.linear.scatter [tilespmem:s15], [sflag:$0xC], $0x4000, $0x38;
	[tilespmem:$0x1A800] =	vst v63  }
0x2fb: {  	_ =	swait.ge [sflag:s8], $0x4000  }
0x2fc: {  	[sflag:s8] =	ssyncset.done $0x0  }
0x2fd: {  	[sflag:s8] =	ssyncadd.s32 $0xFFFFC000  }
0x2fe: {  	[tilespmem:s15], [sflag:$0x6] =	stream.indirect.gather [hbm4b:s6+s10], $0x20, s3, s10, $0xb8;
	[tilespmem:$0x1A800] =	vst v63  }
0x2ff: {  	_ =	swait.ge [sflag:s14], $0x4000  }
0x300: {  	[sflag:s14] =	ssyncset.done $0x0  }
0x301: {  	s28 =	rddreg [dreg:$0x1c];
	[sflag:s14] =	ssyncadd.s32 $0xFFFFC000  }
0x302: {  	[hbm4b:s28+s2] =	stream.linear.scatter [tilespmem:s7], [sflag:$0x7], $0x4000, $0x38;
	[tilespmem:$0x1A800] =	vst v63  }
0x303: {  	_ =	swait.ge [sflag:s4], $0x4000  }
0x304: {  	[sflag:s4] =	ssyncset.done $0x0  }
0x305: {  	[sflag:s4] =	ssyncadd.s32 $0xFFFFC000  }
0x306: {  	[tilespmem:s7], [sflag:$0x1] =	stream.indirect.gather [hbm4b:s6+s10], $0x20, s29, s10, $0xb8;
	[tilespmem:$0x1A800] =	vst v63  }
0x307: {  	_ =	swait.ge [sflag:s13], $0x4000  }
0x308: {  	[sflag:s13] =	ssyncset.done $0x0  }
0x309: {  	s29 =	rddreg [dreg:$0x1d];
	[sflag:s13] =	ssyncadd.s32 $0xFFFFC000  }
0x30a: {  	[hbm4b:s29+s2] =	stream.linear.scatter [tilespmem:s5], [sflag:$0x8], $0x4000, $0x38;
	[tilespmem:$0x1A800] =	vst v63  }
0x30b: {  	_ =	swait.ge [sflag:s30], $0x4000  }
0x30c: {  	[sflag:s30] =	ssyncset.done $0x0  }
0x30d: {  	[sflag:s30] =	ssyncadd.s32 $0xFFFFC000  }
0x30e: {  	[tilespmem:s5], [sflag:$0x2] =	stream.indirect.gather [hbm4b:s6+s10], $0x20, s31, s10, $0xb8;
	[tilespmem:$0x1A800] =	vst v63  }
0x30f: {  	_ =	swait.ge [sflag:s24], $0x4000  }
0x310: {  	[sflag:s24] =	ssyncset.done $0x0  }
0x311: {  	s1 =	rddreg [dreg:$0x1e];
	[sflag:s24] =	ssyncadd.s32 $0xFFFFC000  }
0x312: {  	[hbm4b:s1+s2] =	stream.linear.scatter [tilespmem:s19], [sflag:$0x9], $0x4000, $0x38;
	[tilespmem:$0x1A800] =	vst v63  }
0x313: {  	_ =	swait.ge [sflag:s12], $0x4000  }
0x314: {  	[sflag:s12] =	ssyncset.done $0x0  }
0x315: {  	s3 =	simm.s32 $0x1C00;
	[sflag:s12] =	ssyncadd.s32 $0xFFFFC000  }
0x316: {  	[tilespmem:s19], [sflag:$0x3] =	stream.indirect.gather [hbm4b:s6+s10], $0x20, s3, s10, $0xb8;
	[tilespmem:$0x1A800] =	vst v63  }
0x317: {  	_ =	swait.ge [sflag:s23], $0x4000  }
0x318: {  	[sflag:s23] =	ssyncset.done $0x0  }
0x319: {  	s18 =	rddreg [dreg:$0x1f];
	[sflag:s23] =	ssyncadd.s32 $0xFFFFC000  }
0x31a: {  	[hbm4b:s18+s2] =	stream.linear.scatter [tilespmem:s17], [sflag:$0xA], $0x4000, $0x38;
	[tilespmem:$0x1A800] =	vst v63  }
0x31b: {  	_ =	swait.ge [sflag:s11], $0x4000  }
0x31c: {  	[sflag:s11] =	ssyncset.done $0x0  }
0x31d: {  	s25 =	simm.s32 $0x1E00;
	[sflag:s11] =	ssyncadd.s32 $0xFFFFC000  }
0x31e: {  	[tilespmem:s17], [sflag:$0x4] =	stream.indirect.gather [hbm4b:s6+s10], $0x20, s25, s10, $0xb8;
	[tilespmem:$0x1A800] =	vst v63  }
0x31f: {  	_ =	swait.ge [sflag:s21], $0x4000  }
0x320: {  	s26 =	sld [smem:$0x7F4]  }
0x321: {  	[sflag:s21] =	ssyncset.done $0x0  }
0x322: {  	[sflag:s21] =	ssyncadd.s32 $0xFFFFC000  }
0x323: {  	[hbm4b:s26+s2] =	stream.linear.scatter [tilespmem:s16], [sflag:$0xB], $0x4000, $0x38;
	[tilespmem:$0x1A800] =	vst v63  }
0x324: {  	_ =	swait.ge [sflag:s9], $0x4000  }
0x325: {  	[sflag:s9] =	ssyncset.done $0x0  }
0x326: {  	s28 =	simm.s32 $0x2000;
	[sflag:s9] =	ssyncadd.s32 $0xFFFFC000  }
0x327: {  	[tilespmem:s16], [sflag:$0x5] =	stream.indirect.gather [hbm4b:s6+s10], $0x20, s28, s10, $0xb8;
	[tilespmem:$0x1A800] =	vst v63  }
0x328: {  	_ =	swait.ge [sflag:s20], $0x4000  }
0x329: {  	s29 =	sld [smem:$0x7F5]  }
0x32a: {  	[sflag:s20] =	ssyncset.done $0x0  }
0x32b: {  	[sflag:s20] =	ssyncadd.s32 $0xFFFFC000  }
0x32c: {  	[hbm4b:s29+s2] =	stream.linear.scatter [tilespmem:s15], [sflag:$0xC], $0x4000, $0x38;
	[tilespmem:$0x1A800] =	vst v63  }
0x32d: {  	_ =	swait.ge [sflag:s8], $0x4000  }
0x32e: {  	[sflag:s8] =	ssyncset.done $0x0  }
0x32f: {  	s31 =	simm.s32 $0x2200;
	[sflag:s8] =	ssyncadd.s32 $0xFFFFC000  }
0x330: {  	[tilespmem:s15], [sflag:$0x6] =	stream.indirect.gather [hbm4b:s6+s10], $0x20, s31, s10, $0xb8;
	[tilespmem:$0x1A800] =	vst v63  }
0x331: {  	_ =	swait.ge [sflag:s14], $0x4000  }
0x332: {  	s1 =	sld [smem:$0x7F6]  }
0x333: {  	[sflag:s14] =	ssyncset.done $0x0  }
0x334: {  	[sflag:s14] =	ssyncadd.s32 $0xFFFFC000  }
0x335: {  	[hbm4b:s1+s2] =	stream.linear.scatter [tilespmem:s7], [sflag:$0x7], $0x4000, $0x38;
	[tilespmem:$0x1A800] =	vst v63  }
0x336: {  	_ =	swait.ge [sflag:s4], $0x4000  }
0x337: {  	[sflag:s4] =	ssyncset.done $0x0  }
0x338: {  	s3 =	simm.s32 $0x2400;
	[sflag:s4] =	ssyncadd.s32 $0xFFFFC000  }
0x339: {  	[tilespmem:s7], [sflag:$0x1] =	stream.indirect.gather [hbm4b:s6+s10], $0x20, s3, s10, $0xb8;
	[tilespmem:$0x1A800] =	vst v63  }
0x33a: {  	_ =	swait.ge [sflag:s13], $0x4000  }
0x33b: {  	s18 =	sld [smem:$0x7F7]  }
0x33c: {  	[sflag:s13] =	ssyncset.done $0x0  }
0x33d: {  	[sflag:s13] =	ssyncadd.s32 $0xFFFFC000  }
0x33e: {  	[hbm4b:s18+s2] =	stream.linear.scatter [tilespmem:s5], [sflag:$0x8], $0x4000, $0x38;
	[tilespmem:$0x1A800] =	vst v63  }
0x33f: {  	_ =	swait.ge [sflag:s30], $0x4000  }
0x340: {  	[sflag:s30] =	ssyncset.done $0x0  }
0x341: {  	[sflag:s30] =	ssyncadd.s32 $0xFFFFC000  }
0x342: {  	[tilespmem:s5], [sflag:$0x2] =	stream.indirect.gather [hbm4b:s6+s10], $0x20, s22, s10, $0xb8;
	[tilespmem:$0x1A800] =	vst v63  }
0x343: {  	_ =	swait.ge [sflag:s24], $0x4000  }
0x344: {  	s22 =	sld [smem:$0x7F8]  }
0x345: {  	[sflag:s24] =	ssyncset.done $0x0  }
0x346: {  	[sflag:s24] =	ssyncadd.s32 $0xFFFFC000  }
0x347: {  	[hbm4b:s22+s2] =	stream.linear.scatter [tilespmem:s19], [sflag:$0x9], $0x4000, $0x38;
	[tilespmem:$0x1A800] =	vst v63  }
0x348: {  	_ =	swait.ge [sflag:s23], $0x4000  }
0x349: {  	s24 =	sld [smem:$0x7F9]  }
0x34a: {  	[sflag:s23] =	ssyncset.done $0x0  }
0x34b: {  	[sflag:s23] =	ssyncadd.s32 $0xFFFFC000  }
0x34c: {  	[hbm4b:s24+s2] =	stream.linear.scatter [tilespmem:s17], [sflag:$0xA], $0x4000, $0x38;
	[tilespmem:$0x1A800] =	vst v63  }
0x34d: {  	_ =	swait.ge [sflag:s21], $0x4000  }
0x34e: {  	s25 =	sld [smem:$0x7FA]  }
0x34f: {  	[sflag:s21] =	ssyncset.done $0x0  }
0x350: {  	[sflag:s21] =	ssyncadd.s32 $0xFFFFC000  }
0x351: {  	[hbm4b:s25+s2] =	stream.linear.scatter [tilespmem:s16], [sflag:$0xB], $0x4000, $0x38;
	[tilespmem:$0x1A800] =	vst v63  }
0x352: {  	_ =	swait.ge [sflag:s20], $0x4000  }
0x353: {  	s26 =	sld [smem:$0x7FB]  }
0x354: {  	[sflag:s20] =	ssyncset.done $0x0  }
0x355: {  	[sflag:s20] =	ssyncadd.s32 $0xFFFFC000  }
0x356: {  	[hbm4b:s26+s2] =	stream.linear.scatter [tilespmem:s15], [sflag:$0xC], $0x4000, $0x38;
	[tilespmem:$0x1A800] =	vst v63  }
0x357: {  	_ =	swait.ge [sflag:s14], $0x4000  }
0x358: {  	s28 =	sld [smem:$0x7FC]  }
0x359: {  	[sflag:s14] =	ssyncset.done $0x0  }
0x35a: {  	[sflag:s14] =	ssyncadd.s32 $0xFFFFC000  }
0x35b: {  	[hbm4b:s28+s2] =	stream.linear.scatter [tilespmem:s7], [sflag:$0x7], $0x4000, $0x38;
	[tilespmem:$0x1A800] =	vst v63  }
0x35c: {  	_ =	swait.ge [sflag:s13], $0x4000  }
0x35d: {  	s29 =	sld [smem:$0x7FD]  }
0x35e: {  	[sflag:s13] =	ssyncset.done $0x0  }
0x35f: {  	[sflag:s13] =	ssyncadd.s32 $0xFFFFC000  }
0x360: {  	[hbm4b:s29+s2] =	stream.linear.scatter [tilespmem:s5], [sflag:$0x8], $0x4000, $0x38;
	[tilespmem:$0x1A800] =	vst v63  }
0x361: {  	_ =	swait.ge [sflag:s12], $0x4000  }
0x362: {  	[sflag:s12] =	ssyncset.done $0x0  }
0x363: {  	[sflag:s12] =	ssyncadd.s32 $0xFFFFC000  }
0x364: {  	_ =	swait.ge [sflag:s11], $0x4000  }
0x365: {  	[sflag:s11] =	ssyncset.done $0x0  }
0x366: {  	[sflag:s11] =	ssyncadd.s32 $0xFFFFC000  }
0x367: {  	_ =	swait.ge [sflag:s9], $0x4000  }
0x368: {  	[sflag:s9] =	ssyncset.done $0x0  }
0x369: {  	[sflag:s9] =	ssyncadd.s32 $0xFFFFC000  }
0x36a: {  	_ =	swait.ge [sflag:s8], $0x4000  }
0x36b: {  	[sflag:s8] =	ssyncset.done $0x0  }
0x36c: {  	[sflag:s8] =	ssyncadd.s32 $0xFFFFC000  }
0x36d: {  	_ =	swait.ge [sflag:s4], $0x4000  }
0x36e: {  	[sflag:s4] =	ssyncset.done $0x0  }
0x36f: {  	[sflag:s4] =	ssyncadd.s32 $0xFFFFC000  }
0x370: {  	_ =	swait.ge [sflag:s30], $0x4000  }
0x371: {  	[sflag:s30] =	ssyncset.done $0x0  }
0x372: {  	[sflag:s30] =	ssyncadd.s32 $0xFFFFC000  }
0x373: {  	_ =	sfence.sel $0x180000  }
0x374: {  	[bflag:$0x0] =	sbarrier.arrive $0xFFFF  }
0x375: {  	_ =	strace $0x90000047  }
0x376: {  	s31 =	stileid.u32;
	[bflag:$0x2] =	sbarrier.arrive $0xFFFF  }
0x377: {  	p0 =	sne.s32 s31, $0x0;
	s0 =	rddreg [dreg:$0x2]  }
0x378: {  	s0 =	sadd.s32 @!p0 $0x100000, s0  }
0x379: {  	[sflag:s0] =	ssyncadd.tile.s32 @!p0 $0x1;
	_ =	shalt  }
.LBB2_1:
.Ltmp3:
0x37a: {  	(pc) =	sbr.rel .LBB2_6-.Ltmp3, $2  }
0x37b: {  	_ =	sdelay $0x2  }
0x37c: {  	s26 =	smov.u32 s25  }
.LBB2_7:
.Ltmp4:
0x37d: {  	(pc) =	sbr.rel .LBB2_6-.Ltmp4, $3  }
0x37e: {  	_ =	sdelay $0x1  }
0x37f: {  	s26 =	smov.u32 s25;
	s29 =	simm.s32 $0x1400;
	s0 =	simm.s32 $0x1200  }
0x380: {  	s28 =	simm.s32 $0x1000;
	s3 =	simm.s32 $0xE00;
	s31 =	simm.s32 $0xC00  }
.Lfunc_end2:
_tile_overlayer_lowered:
.L_overlay_start_2:
0x381: {  	(tag) =	ssettag $0x2  }
0x382: {  	s0 =	rddreg [dreg:$0x0];
	s2 =	stileid.u32  }
0x383: {  	s1 =	rddreg [dreg:$0x1];
	p0 =	sne.s32 s2, $0x0  }
0x384: {  	s3 =	rddreg [dreg:$0x2];
	[bflag:$0x3] =	sbarrier.arrive $0xFFFF;
	s2 =	simm.s32 @!p0 $0x1C0E  }
0x385: {  	[timem:s3], [sflag:s2] =	dma.local @!p0 [hbm:s0], s1  }
0x386: {  	s0 =	simm.s32 @!p0 $0xE  }
0x387: {  	_ =	swait.ge @!p0 [sflag:s0], s1  }
0x388: {  	s1 =	ssub.s32 @!p0 $0x0, s1;
	[sflag:s0] =	ssyncset.done @!p0 $0x0  }
0x389: {  	[sflag:s0] =	ssyncadd.s32 @!p0 s1  }
0x38a: {  	[bflag:$0x3] =	sbarrier.arrive $0xFFFF  }
0x38b: {  	_ =	shalt  }

// kernel: sparse-core-data-format-call.cloned.1.call-start
scs
called_computation_lowered:
.L_overlay_start_0:
0x0: {  	s2 =	sld [smem:$0x3FD9]  }
0x1: {  	s3 =	sld [smem:$0x3FFE];
	_ =	sdelay $0x1  }
0x2: {  	s1 =	srdreg.scid  }
0x3: {  	s0 =	sand.u32 $0x1, s1  }
0x4: {  	s18 =	sshll.u32 s0, $0xA;
	s2 =	sadd.s32 s3, s2  }
0x5: {  	s2 =	sadd.s32 s2, s18  }
0x6: {  	[smem:$0x3FC6] =	sst s2  }
0x7: {  	_ = 	snop  }
0x8: {  	s2 =	sld [smem:$0x3FD0];
	(tm) =	ssettm $0x1  }
0x9: {  	s19 =	sld [smem:$0x3FFB];
	_ =	sdelay $0x3  }
0xa: {  	_ =	strace s19  }
0xb: {  	s3 =	sld [smem:$0x3FFC];
	_ =	sdelay $0x3  }
0xc: {  	_ =	strace s3  }
0xd: {  	s3 =	sld [smem:$0x3FFD];
	_ =	sdelay $0x3  }
0xe: {  	_ =	strace s3  }
0xf: {  	_ =	strace $0x8FFFFFFF  }
0x10: {  	s20 =	sld [smem:$0x3FDB];
	_ =	sdelay $0x1  }
0x11: {  	s4 =	simm.s32 $_scs_section_size  }
0x12: {  	s5 =	simm.s32 $_size__tile_overlayer_lowered;
	s6 =	simm.s32 $_tile_overlayer_lowered  }
0x13: {  	s23 =	simm.s32 $0x1BFF;
	s22 =	sshll.u32 s6, $0x1;
	s3 =	sadd.s32 s4, s20  }
0x14: {  	s7 =	simm.s32 $0x0;
	s21 =	sshll.u32 s5, $0x1;
	s5 =	sadd.s32 s22, s3  }
0x15: {  	[timem:s7], [sflag:s23] =	dma.local [hbm:s5], s21  }
0x16: {  	_ =	swait.ge [sflag:s23], s21  }
0x17: {  	s4 =	ssub.s32 $0x0, s21;
	[sflag:s23] =	ssyncset.done $0x0  }
0x18: {  	[sflag:s23] =	ssyncadd.s32 s4;
	_ =	sdelay $0x1  }
0x19: {  	s24 =	simm.s32 $0x1B8B  }
0x1a: {  	_ =	swait.ge [sflag:s24], $0x1  }
0x1b: {  	[sflag:s24] =	ssyncset.done $0x0  }
0x1c: {  	s26 =	simm.s32 $0x1B8E;
	s25 =	sld [smem:$0x3FFE];
	[sflag:s24] =	ssyncadd.s32 $0xFFFFFFFF  }
0x1d: {  	s27 =	simm.s32 $execute0_lowered;
	[smem:$0x3FD2] =	sst s26  }
0x1e: {  	s5 =	sshll.u32 s27, $0x1;
	_ =	strace $0x80000049;
	[dreg:$0x1] =	wrdreg $0xFFFFFFFF  }
0x1f: {  	s28 =	simm.s32 $_size_execute0_lowered;
	s3 =	sadd.s32 s3, s5;
	[dreg:$0x0] =	wrdreg $0x0  }
0x20: {  	s5 =	sshll.u32 s28, $0x1;
	[dreg:$0x2] =	wrdreg s3  }
0x21: {  	[dreg:$0x3] =	wrdreg s5  }
0x22: {  	[dreg:$0x4] =	wrdreg $0xC0  }
0x23: {  	_ =	task [dreg:s7], $0x5FFFF  }
0x24: {  	[dreg:$0x1] =	wrdreg $0xFFFFFFFF  }
0x25: {  	[dreg:$0x0] =	wrdreg $0x60  }
0x26: {  	[dreg:$0x2] =	wrdreg s25  }
0x27: {  	[dreg:$0x3] =	wrdreg s2  }
0x28: {  	[dreg:$0x4] =	wrdreg $0x9  }
0x29: {  	_ =	task.clear_ibuf [dreg:s7], $0x5FFFF;
	_ =	strace $0x90000049  }
0x2a: {  	s29 =	simm.s32 $0x9;
	_ =	strace $0x8000004B  }
0x2b: {  	_ =	swait.ge [sflag:s29], $0x1  }
0x2c: {  	[sflag:s29] =	ssyncadd.s32 $0xFFFFFFFF  }
0x2d: {  	_ =	strace $0x9000004B  }
0x2e: {  	_ =	sfence  }
0x2f: {  	s30 =	sld [smem:$0x0];
	_ =	sdelay $0x2  }
0x30: {  	s31 =	sshll.u32 s1, $0xD;
	s1 =	sshrl.u32 s1, $0x2  }
0x31: {  	s3 =	sand.u32 $0x4000, s31;
	s1 =	sadd.s32 s1, s30  }
0x32: {  	s0 =	sor.u32 s3, s0;
	s1 =	sshll.u32 s1, $0x11  }
0x33: {  	s0 =	sor.u32 s1, s0  }
0x34: {  	s0 =	sadd.s32 $0x8F2B, s0  }
0x35: {  	[sflag:s0] =	ssyncadd.remote.s32 $0x1  }
0x36: {  	_ =	sfence.sel $0xFFFF  }
0x37: {  	[dreg:$0x0] =	wrdreg $0xFFFFFFFF;
	(pc) =	sbr.abs _section_cstart, $3  }
0x38: {  	[dreg:$0x1] =	wrdreg $0xFFFFFFFF  }
0x39: {  	_ =	task.clear_ibuf [dreg:s7], $0x2FFFF;
	_ =	strace $0x9FFFFFFF  }
0x3a: {  	(tm) =	ssettm $0x7FFFFFFF  }
0x3b: {  	_ =	shalt  }
tec
execute0_lowered:
.L_overlay_start_1:
0x0: {  	(tag) =	ssettag $0x1  }
0x1: {  	s0 =	srdreg.scid  }
0x2: {  	s1 =	sshll.u32 s0, $0x4  }
0x3: {  	s9 =	rddreg [dreg:$0x0];
	s0 =	stileid.u32;
	s1 =	sand.u32 $0x10, s1  }
0x4: {  	s3 =	rddreg [dreg:$0x1];
	s5 =	simm.s32 $0x1;
	s1 =	sor.u32 s0, s1  }
0x5: {  	s7 =	simm.s32 $0x2;
	s15 =	simm.s32 $0x0;
	s2 =	sshll.u32 s1, $0x7  }
0x6: {  	s11 =	simm.s32 $0x20000;
	s16 =	simm.s32 $0x0;
	s4 =	ssub.s32 $0x4000, s2  }
0x7: {  	s13 =	simm.s32 $0x0;
	s14 =	simm.s32 $0x0;
	s31 =	sand.u32 $0xF80, s4  }
0x8: {  	s8 =	sadd.s32 $0x80A00, s9;
	s1 =	rddreg [dreg:$0x2];
	p0 =	sne.s32 s31, $0x0  }
.Ltmp0:
0x9: {  	s6 =	sshrl.u32 s4, $0xC;
	s5 =	simm.s32 @!p0 $0x0;
	(pc) =	sbr.rel .LBB1_1-.Ltmp0, $4  }
0xa: {  	_ =	strace $0x8000004A;
	s4 =	simm.s32 $0x1;
	s5 =	sadd.s32 s5, s6  }
0xb: {  	s12 =	smov.u32 s2;
	[sflag:s4] =	ssyncpa.u1 $0x0;
	s5 =	smul.u32 $0x5, s5  }
0xc: {  	[sflag:s7] =	ssyncpa.u1 $0x0;
	s7 =	sadd.s32 $0x40A00, s9;
	p0 =	por $0x0, $0x0  }
0xd: {  	s6 =	sadd.s32 $0xA00, s9;
	s9 =	sadd.s32 $0xC0A00, s9;
	s10 =	sadd.s32 $0x1, s5  }
.LBB1_7:
0xe: {  	s17 =	sadd.s32 $0x1000, s12  }
0xf: {  	s15 =	sadd.s32 $0x4, s13;
	s19 =	smov.u32 s13;
	p2 =	sgt.s32 s17, $0x3FFF  }
0x10: {  	s19 =	smov.u32 @p2 s15  }
0x11: {  	s17 =	smov.u32 @p2 s2;
	p2 =	sgt.s32 s19, $0x13  }
0x12: {  	s19 =	simm.s32 @p2 $0x0;
	p2 =	sne.s32 s14, s10  }
.Ltmp1:
0x13: {  	p1 =	slt.u32 s14, $0x2;
	(pc) =	sbr.rel @!p2 .LBB1_8-.Ltmp1, $4  }
0x14: {  	s18 =	simm.s32 @!p1 $0x2  }
0x15: {  	s16 =	smov.u32 s13;
	p0 =	por !p0, !p0;
	_ =	swait.ge @!p1 [sflag:s18], $0x4000  }
0x16: {  	s15 =	smov.u32 s12;
	[sflag:s18] =	ssyncset.done @!p1 $0x0;
	s12 =	smov.u32 s17  }
0x17: {  	s14 =	sadd.s32 $0x1, s14;
	[sflag:s18] =	ssyncadd.s32 @!p1 $0xFFFFC000;
	s13 =	smov.u32 s19  }
.LBB1_1:
0x18: {  	p1 =	sge.u32 s14, s5  }
0x19: {  	s17 =	sxor.u32 @!p1 $0xFFFFFFFF, s14  }
0x1a: {  	s18 =	sshll.u32 @!p1 s13, $0x12;
	s19 =	sshll.u32 @!p1 s12, $0x4;
	s21 =	simm.s32 @!p1 $0x20  }
0x1b: {  	s17 =	sshll.u32 @!p1 s17, $0xE;
	s19 =	sand.u32 @!p1 $0x3FFF0, s19;
	s20 =	sadd.s32 @!p1 s6, s18  }
0x1c: {  	s22 =	simm.s32 @!p1 $0x80;
	s17 =	sand.u32 @!p1 $0x4000, s17;
	s20 =	sadd.s32 @!p1 s19, s20  }
0x1d: {  	[tilespmem:s17], [sflag:$0x1] =	stream.strided.gather @!p1 [hbm4b:s20+s21], $0x1000, s22, s21, $0x38;
	[tilespmem:$0x10100] =	vst v63  }
0x1e: {  	s20 =	sadd.s32 @!p1 s18, s7  }
0x1f: {  	s23 =	sor.u32 @!p1 $0x1000, s17;
	s20 =	sadd.s32 @!p1 s19, s20  }
0x20: {  	[tilespmem:s23], [sflag:$0x1] =	stream.strided.gather @!p1 [hbm4b:s20+s21], $0x1000, s22, s21, $0x38;
	[tilespmem:$0x10100] =	vst v63  }
0x21: {  	s20 =	sadd.s32 @!p1 s18, s8  }
0x22: {  	s23 =	sor.u32 @!p1 $0x2000, s17;
	s18 =	sadd.s32 @!p1 s18, s9;
	s20 =	sadd.s32 @!p1 s19, s20  }
0x23: {  	[tilespmem:s23], [sflag:$0x1] =	stream.strided.gather @!p1 [hbm4b:s20+s21], $0x1000, s22, s21, $0x38;
	[tilespmem:$0x10100] =	vst v63  }
0x24: {  	s31 =	sadd.s32 $0xFFFFFFFF, s14;
	s17 =	sor.u32 @!p1 $0x3000, s17;
	s18 =	sadd.s32 @!p1 s19, s18  }
0x25: {  	[tilespmem:s17], [sflag:$0x1] =	stream.strided.gather @!p1 [hbm4b:s18+s21], $0x1000, s22, s21, $0x38;
	[tilespmem:$0x10100] =	vst v63  }
0x26: {  	p1 =	sge.u32 s31, s5  }
.Ltmp2:
0x27: {  	_ = 	snop;
	(pc) =	sbr.rel @p1 .LBB1_7-.Ltmp2, $1  }
0x28: {  	_ =	sdelay $0x3  }
0x29: {  	s17 =	simm.s32 $0x1;
	s19 =	sand.u32 $0x1, s14  }
0x2a: {  	_ =	swait.ge [sflag:s4], $0x4000;
	s17 =	simm.s32 @!p0 $0x0;
	s20 =	smul.u32 $0x10200, s19  }
0x2b: {  	[sflag:s4] =	ssyncset.done $0x0;
	s18 =	smul.u32 $0x10200, s17  }
0x2c: {  	s17 =	sshll.u32 s17, $0xE;
	[sflag:s4] =	ssyncadd.s32 $0xFFFFC000  }
0x2d: {  	s19 =	sor.u32 $0x10, s17;
	s31 =	sshrl.u32 s20, $0x2;
	s18 =	sshrl.u32 s18, $0x2  }
0x2e: {  	s20 =	simm.s32 $0x0;
	s17 =	sor.u32 $0x8000, s31;
	s18 =	sor.u32 $0x8000, s18  }
.LBB1_3:
0x2f: {  	v1 =	vld [tilespmem:s19+$0x0]  }
0x30: {  	v0 =	vld [tilespmem:s19+$0xFFFFFFF0];
	_ =	sdelay $0x2  }
0x31: {  	s23 =	sadd.s32 $0x0, s18  }
0x32: {  	s21 =	simm.s32 $0x4;
	s22 =	sadd.s32 $0x20, s19;
	[tilespmem:s23+$0x810 ss:$0x81] =	vst.msk $0xffff, v1  }
.LBB1_4:
0x33: {  	v1 =	vld [tilespmem:s22+$0x0];
	p1 =	sne.s32 s21, $0x1FC;
	[tilespmem:s23+$0x0 ss:$0x81] =	vst.msk $0xffff, v0;
	s23 =	smov.u32 s21;
	s21 =	sadd.s32 $0x4, s21  }
.Ltmp3:
0x34: {  	v0 =	vld [tilespmem:s22+$0xFFFFFFF0];
	(pc) =	sbr.rel @p1 .LBB1_4-.Ltmp3, $4  }
0x35: {  	_ = 	snop  }
0x36: {  	s23 =	sshra.s32 s23, $0x2  }
0x37: {  	s23 =	sadd.s32 s23, s18  }
0x38: {  	s22 =	sadd.s32 $0x20, s22;
	[tilespmem:s23+$0x810 ss:$0x81] =	vst.msk $0xffff, v1  }
0x39: {  	s20 =	sadd.s32 $0x1, s20  }
0x3a: {  	p1 =	sne.s32 s20, $0x4  }
.Ltmp4:
0x3b: {  	_ = 	snop;
	(pc) =	sbr.rel @p1 .LBB1_3-.Ltmp4, $2  }
0x3c: {  	_ =	sdelay $0x2  }
0x3d: {  	[tilespmem:s23+$0x0 ss:$0x81] =	vst.msk $0xffff, v0;
	s18 =	sadd.s32 $0x1020, s18;
	s19 =	sadd.s32 $0x1000, s19  }
0x3e: {  	s18 =	sshll.u32 s15, $0x3;
	s19 =	sand.u32 $0x78, s15;
	s16 =	sshll.u32 s16, $0x10  }
.Ltmp5:
0x3f: {  	s30 =	sand.u32 $0xF800, s15;
	s18 =	sand.u32 $0x3C00, s18;
	(pc) =	sbr.rel .LBB1_7-.Ltmp5, $4  }
0x40: {  	s31 =	sand.u32 $0x7, s15;
	s16 =	sadd.s32 s3, s16;
	s18 =	sor.u32 s19, s18  }
0x41: {  	s15 =	sshll.u32 s31, $0x12;
	s16 =	sadd.s32 s30, s16;
	s18 =	sshrl.u32 s18, $0x3  }
0x42: {  	s15 =	sor.u32 $0x400, s15;
	s16 =	sadd.s32 s18, s16  }
0x43: {  	[hbm4b:s16+s15] =	stream.strided.scatter [tilespmem:s17], [sflag:$0x2], $0x4000, s11, s15, $0x20;
	[tilespmem:$0x10100] =	vst v63  }
.LBB1_8:
0x44: {  	_ =	sfence.sel $0x180000  }
0x45: {  	s2 =	simm.s32 $0x1;
	[bflag:$0x0] =	sbarrier.arrive $0xFFFF  }
0x46: {  	s31 =	simm.s32 $0x2;
	[sflag:s2] =	ssyncpa.u1 $0x1  }
0x47: {  	[sflag:s31] =	ssyncpa.u1 $0x1  }
0x48: {  	p0 =	sne.s32 s0, $0x0;
	_ =	strace $0x9000004A  }
0x49: {  	s0 =	sadd.s32 @!p0 $0x100000, s1;
	[bflag:$0x2] =	sbarrier.arrive $0xFFFF  }
0x4a: {  	[sflag:s0] =	ssyncadd.tile.s32 @!p0 $0x1;
	_ =	shalt  }
.Lfunc_end1:
_tile_overlayer_lowered:
.L_overlay_start_2:
0x4b: {  	(tag) =	ssettag $0x2  }
0x4c: {  	s0 =	rddreg [dreg:$0x0];
	s2 =	stileid.u32  }
0x4d: {  	s1 =	rddreg [dreg:$0x1];
	p0 =	sne.s32 s2, $0x0  }
0x4e: {  	s3 =	rddreg [dreg:$0x2];
	[bflag:$0x3] =	sbarrier.arrive $0xFFFF;
	s2 =	simm.s32 @!p0 $0x1C01  }
0x4f: {  	[timem:s3], [sflag:s2] =	dma.local @!p0 [hbm:s0], s1  }
0x50: {  	s0 =	simm.s32 @!p0 $0x1  }
0x51: {  	_ =	swait.ge @!p0 [sflag:s0], s1  }
0x52: {  	s1 =	ssub.s32 @!p0 $0x0, s1;
	[sflag:s0] =	ssyncset.done @!p0 $0x0  }
0x53: {  	[sflag:s0] =	ssyncadd.s32 @!p0 s1  }
0x54: {  	[bflag:$0x3] =	sbarrier.arrive $0xFFFF  }
0x55: {  	_ =	shalt  }

</sc_bundles>
